<compile_context>
chip_gen: v7x
topology: tpu7x:2x2x1
jax: 0.10.2.dev20260603
libtpu: 0.0.44.dev20260713+nightly
codegen_flags: <defaults>
</compile_context>

<pallas_src>
import functools

import jax
import jax.numpy as jnp
from jax import lax
from jax.experimental import pallas as pl
from jax.experimental.pallas import tpu as pltpu
from jax.experimental.pallas import tpu_sc as plsc

N = 10000
E = 320000
D = 128
NP = 10240
NC, NS = 2, 16
NW = NC * NS
EP = E // NW
CH = 40
NCHUNK = EP // CH
NBUF = 5
NROUND = NCHUNK // NBUF
RPT = NP // NS
BLK = 1024
GRID = NP // BLK

@functools.lru_cache(maxsize=None)
def _sc_kernels():
    mesh = plsc.VectorSubcoreMesh(
        core_axis_name="c", subcore_axis_name="s",
        num_cores=NC, num_subcores=NS)

    @functools.partial(
        pl.kernel,
        out_type=jax.ShapeDtypeStruct((NW, NP), jnp.float32),
        mesh=mesh,
        scratch_types=[
            pltpu.VMEM((EP,), jnp.int32),
            pltpu.VMEM((NP,), jnp.float32),
        ],
        compiler_params=pltpu.CompilerParams(needs_layout_passes=False),
    )
    def deg_kernel(dst_hbm, out_hbm, idx_ref, deg_ref):
        c = lax.axis_index("c")
        s = lax.axis_index("s")
        wid = s * NC + c
        zeros = jnp.zeros((16,), jnp.float32)

        def zbody(i, carry):
            for u in range(4):
                deg_ref[pl.ds(i * 64 + u * 16, 16)] = zeros
            return carry

        lax.fori_loop(0, NP // 64, zbody, 0)
        pltpu.sync_copy(dst_hbm.at[wid], idx_ref)
        ones = jnp.ones((16,), jnp.float32)

        def body(i, carry):
            for u in range(2):
                idx = idx_ref[pl.ds(i * 32 + u * 16, 16)]
                plsc.addupdate_scatter(deg_ref, [idx], ones)
            return carry

        lax.fori_loop(0, EP // 32, body, 0)
        for t in range((EP % 32) // 16):
            idx = idx_ref[pl.ds((EP // 32) * 32 + t * 16, 16)]
            plsc.addupdate_scatter(deg_ref, [idx], ones)
        pltpu.sync_copy(deg_ref, out_hbm.at[wid])

    @functools.partial(
        pl.kernel,
        out_type=jax.ShapeDtypeStruct((NC, NP, D), jnp.float32),
        mesh=mesh,
        scratch_types=[
            pltpu.VMEM((2, NBUF, CH), jnp.int32),
            pltpu.VMEM((2, NBUF, CH), jnp.int32),
            [pltpu.VMEM((CH, D), jnp.float32)] * NBUF,
            [pltpu.SemaphoreType.DMA] * NBUF,
            [pltpu.SemaphoreType.DMA] * NBUF,
            [pltpu.SemaphoreType.DMA] * 2,
            [pltpu.SemaphoreType.DMA] * 2,
            pltpu.VMEM_SHARED((NP, D), jnp.float32),
        ],
        compiler_params=pltpu.CompilerParams(needs_layout_passes=False),
    )
    def agg_kernel(g_hbm, src_hbm, dst_hbm, out_hbm, isrcr, idstr, rows, gsem,
                   ssem, isem_s, isem_d, acc):
        c = lax.axis_index("c")
        s = lax.axis_index("s")
        wid = s * NC + c
        zeros = jnp.zeros((16,), jnp.float32)

        def zrow(r, carry):
            for j in range(D // 16):
                rows[0][r, pl.ds(j * 16, 16)] = zeros
            return carry

        base_row = s * RPT

        def pf_idx(r, slot):
            pltpu.async_copy(src_hbm.at[wid, r], isrcr.at[slot], isem_s[slot])
            pltpu.async_copy(dst_hbm.at[wid, r], idstr.at[slot], isem_d[slot])

        def wait_idx(r, slot):
            pltpu.make_async_copy(src_hbm.at[wid, r], isrcr.at[slot],
                                  isem_s[slot]).wait()
            pltpu.make_async_copy(dst_hbm.at[wid, r], idstr.at[slot],
                                  isem_d[slot]).wait()

        def start_gather(slot, b):
            pltpu.async_copy(g_hbm.at[isrcr.at[slot, b]], rows[b], gsem[b])

        def wait_gather(slot, b):
            pltpu.make_async_copy(g_hbm.at[isrcr.at[slot, b]], rows[b],
                                  gsem[b]).wait()

        def start_scatter(slot, b):
            pltpu.async_copy(rows[b], acc.at[idstr.at[slot, b]], ssem[b],
                             add=True)

        def wait_scatter(slot, b):
            pltpu.make_async_copy(rows[b], acc.at[idstr.at[slot, b]],
                                  ssem[b]).wait()

        def scatter_round(slot):
            for b in range(NBUF):
                wait_gather(slot, b)
                start_scatter(slot, b)

        def refill_round(r_next, slot, nslot):
            wait_idx(r_next, nslot)
            for b in range(NBUF):
                wait_scatter(slot, b)
                start_gather(nslot, b)

        pf_idx(0, 0)
        lax.fori_loop(0, CH, zrow, 0)
        wait_idx(0, 0)
        for b in range(1, NBUF):
            start_gather(0, b)
        for k in range(RPT // CH):
            pltpu.async_copy(rows[0], acc.at[pl.ds(base_row + k * CH, CH)],
                             ssem[0])
        pf_idx(1, 1)
        for k in range(RPT // CH):
            pltpu.make_async_copy(rows[0],
                                  acc.at[pl.ds(base_row + k * CH, CH)],
                                  ssem[0]).wait()
        start_gather(0, 0)
        plsc.subcore_barrier()

        def body(i, carry):
            k = 2 * i
            scatter_round(0)
            refill_round(k + 1, 0, 1)
            pf_idx(k + 2, 0)
            scatter_round(1)
            refill_round(k + 2, 1, 0)
            pf_idx(k + 3, 1)
            return carry

        lax.fori_loop(0, NROUND // 2 - 1, body, 0)

        scatter_round(0)
        refill_round(NROUND - 1, 0, 1)
        scatter_round(1)
        for b in range(NBUF):
            wait_scatter(1, b)

        plsc.subcore_barrier()
        pltpu.sync_copy(acc.at[pl.ds(base_row, RPT)],
                        out_hbm.at[c, pl.ds(base_row, RPT)])

    return deg_kernel, agg_kernel


def _dinv_of(degp):
    return lax.rsqrt(1.0 + jnp.sum(degp, axis=0))[:, None]


def _lin1_body(x_ref, w_ref, degp_ref, g_ref):
    h = lax.dot_general(x_ref[...], w_ref[...], (((1,), (1,)), ((), ())),
                        preferred_element_type=jnp.float32)
    g_ref[...] = h * _dinv_of(degp_ref[...])


_lin1 = pl.pallas_call(
    _lin1_body,
    grid=(GRID,),
    in_specs=[
        pl.BlockSpec((BLK, D), lambda i: (i, 0)),
        pl.BlockSpec((D, D), lambda i: (0, 0)),
        pl.BlockSpec((NW, BLK), lambda i: (0, i)),
    ],
    out_specs=pl.BlockSpec((BLK, D), lambda i: (i, 0)),
    out_shape=jax.ShapeDtypeStruct((NP, D), jnp.float32),
)


def _mid_body(p_ref, g_ref, degp_ref, b_ref, w_ref, o_ref):
    dinv = _dinv_of(degp_ref[...])
    z = jnp.maximum(dinv * (p_ref[0] + p_ref[1] + g_ref[...]) + b_ref[...],
                    0.0)
    h = lax.dot_general(z, w_ref[...], (((1,), (1,)), ((), ())),
                        preferred_element_type=jnp.float32)
    o_ref[...] = h * dinv


_mid = pl.pallas_call(
    _mid_body,
    grid=(GRID,),
    in_specs=[
        pl.BlockSpec((NC, BLK, D), lambda i: (0, i, 0)),
        pl.BlockSpec((BLK, D), lambda i: (i, 0)),
        pl.BlockSpec((NW, BLK), lambda i: (0, i)),
        pl.BlockSpec((1, D), lambda i: (0, 0)),
        pl.BlockSpec((D, D), lambda i: (0, 0)),
    ],
    out_specs=pl.BlockSpec((BLK, D), lambda i: (i, 0)),
    out_shape=jax.ShapeDtypeStruct((NP, D), jnp.float32),
)


def _fin_body(p_ref, g_ref, degp_ref, b_ref, w_ref, bfc_ref, o_ref, acc_ref):
    i = pl.program_id(0)

    @pl.when(i == 0)
    def _():
        acc_ref[...] = jnp.zeros_like(acc_ref)

    dinv = _dinv_of(degp_ref[...])
    z = jnp.maximum(dinv * (p_ref[0] + p_ref[1] + g_ref[...]) + b_ref[...],
                    0.0)
    row = i * BLK + lax.broadcasted_iota(jnp.int32, (BLK, 1), 0)
    z = jnp.where(row < N, z, 0.0)
    acc_ref[...] += jnp.sum(z, axis=0, keepdims=True)

    @pl.when(i == GRID - 1)
    def _():
        pooled = acc_ref[...] * (1.0 / N)
        o_ref[...] = lax.dot_general(
            pooled, w_ref[...], (((1,), (1,)), ((), ())),
            preferred_element_type=jnp.float32) + bfc_ref[...]


_fin = pl.pallas_call(
    _fin_body,
    grid=(GRID,),
    in_specs=[
        pl.BlockSpec((NC, BLK, D), lambda i: (0, i, 0)),
        pl.BlockSpec((BLK, D), lambda i: (i, 0)),
        pl.BlockSpec((NW, BLK), lambda i: (0, i)),
        pl.BlockSpec((1, D), lambda i: (0, 0)),
        pl.BlockSpec((D, D), lambda i: (0, 0)),
        pl.BlockSpec((1, D), lambda i: (0, 0)),
    ],
    out_specs=pl.BlockSpec((1, D), lambda i: (0, 0)),
    out_shape=jax.ShapeDtypeStruct((1, D), jnp.float32),
    scratch_shapes=[pltpu.VMEM((1, D), jnp.float32)],
)


def kernel(x, edge_index, W1, b1, W2, b2, Wfc, bfc):
    deg_k, agg_k = _sc_kernels()
    src4 = edge_index[0].reshape(NW, NROUND, NBUF, CH)
    dst = edge_index[1].reshape(NW, EP)
    dst4 = dst.reshape(NW, NROUND, NBUF, CH)
    xp = jnp.pad(x, ((0, NP - N), (0, 0)))
    degp = deg_k(dst)
    g1 = _lin1(xp, W1, degp)
    p1 = agg_k(g1, src4, dst4)
    g2 = _mid(p1, g1, degp, b1.reshape(1, D), W2)
    p2 = agg_k(g2, src4, dst4)
    out = _fin(p2, g2, degp, b2.reshape(1, D), Wfc, bfc.reshape(1, D))
    return out.reshape(D)

# --- scband reference (transcript-rebuilt; emitter-appended) ---
"""Pipeline reference for scband-gcn-36661840838722 (READ-ONLY COPY).

The authoritative reference and input builder live on the scoring server;
editing this copy changes nothing except your own understanding.
"""

import jax, jax.numpy as jnp
import numpy as np

N = 10000
E = 320000
D = 128


def gcn_conv(x, edge_index, W, b):
    # Faithful PyG GCNConv: linear transform, add self-loops, symmetric normalization, scatter-add aggregate, bias
    n = x.shape[0]
    loop = jnp.arange(n, dtype=edge_index.dtype)
    src = jnp.concatenate([edge_index[0], loop])
    dst = jnp.concatenate([edge_index[1], loop])
    h = x @ W.T
    deg = jax.ops.segment_sum(jnp.ones(src.shape[0], dtype=x.dtype), dst, num_segments=n)
    dinv = jnp.where(deg > 0, deg ** -0.5, 0.0)
    norm = dinv[src] * dinv[dst]
    msgs = h[src] * norm[:, None]
    out = jax.ops.segment_sum(msgs, dst, num_segments=n)
    return out + b


def setup_inputs(seed: int = 0) -> dict:
    key = jax.random.key(seed)
    ks = jax.random.split(key, 8)
    x = jax.random.normal(ks[0], (N, D), dtype=jnp.float32)
    edge_index = jax.random.randint(ks[1], (2, E), 0, N, dtype=jnp.int32)
    s = 1.0 / np.sqrt(D)
    W1 = jax.random.uniform(ks[2], (D, D), dtype=jnp.float32, minval=-s, maxval=s)
    b1 = jnp.zeros((D,), dtype=jnp.float32)
    W2 = jax.random.uniform(ks[3], (D, D), dtype=jnp.float32, minval=-s, maxval=s)
    b2 = jnp.zeros((D,), dtype=jnp.float32)
    Wfc = jax.random.uniform(ks[4], (D, D), dtype=jnp.float32, minval=-s, maxval=s)
    bfc = jax.random.uniform(ks[5], (D,), dtype=jnp.float32, minval=-s, maxval=s)
    return {"x": x, "edge_index": edge_index, "W1": W1, "b1": b1, "W2": W2, "b2": b2, "Wfc": Wfc, "bfc": bfc}


def reference(x, edge_index, W1, b1, W2, b2, Wfc, bfc):
    h = gcn_conv(x, edge_index, W1, b1)
    h = jax.nn.relu(h)
    # dropout_rate=0.0 (eval) -> identity
    h = gcn_conv(h, edge_index, W2, b2)
    h = jax.nn.relu(h)
    pooled = jnp.mean(h, axis=0)
    return pooled @ Wfc.T + bfc

if __name__ == "__main__":
    import jax
    _d = setup_inputs()
    print(jax.jit(kernel)(*tuple(_d.values())))

</pallas_src>

<mosaic_0001>
#map = affine_map<(d0, d1) -> (0, 0)>
#map1 = affine_map<(d0, d1) -> (0, 0, 0, 0)>
#map2 = affine_map<(d0, d1) -> (0, 0, 0)>
module attributes {stable_mosaic.version = 14 : i64} {
  func.func @agg_kernel(%arg0: i32, %arg1: i32, %arg2: memref<10240x128xf32, #tpu.memory_space<hbm>>, %arg3: memref<32x50x5x40xi32, #tpu.memory_space<hbm>>, %arg4: memref<32x50x5x40xi32, #tpu.memory_space<hbm>>, %arg5: memref<2x10240x128xf32, #tpu.memory_space<hbm>>, %arg6: memref<2x5x40xi32, #tpu.memory_space<vmem>>, %arg7: memref<2x5x40xi32, #tpu.memory_space<vmem>>, %arg8: memref<40x128xf32, #tpu.memory_space<vmem>>, %arg9: memref<40x128xf32, #tpu.memory_space<vmem>>, %arg10: memref<40x128xf32, #tpu.memory_space<vmem>>, %arg11: memref<40x128xf32, #tpu.memory_space<vmem>>, %arg12: memref<40x128xf32, #tpu.memory_space<vmem>>, %arg13: memref<!tpu.dma_semaphore, #tpu.memory_space<semaphore_mem>>, %arg14: memref<!tpu.dma_semaphore, #tpu.memory_space<semaphore_mem>>, %arg15: memref<!tpu.dma_semaphore, #tpu.memory_space<semaphore_mem>>, %arg16: memref<!tpu.dma_semaphore, #tpu.memory_space<semaphore_mem>>, %arg17: memref<!tpu.dma_semaphore, #tpu.memory_space<semaphore_mem>>, %arg18: memref<!tpu.dma_semaphore, #tpu.memory_space<semaphore_mem>>, %arg19: memref<!tpu.dma_semaphore, #tpu.memory_space<semaphore_mem>>, %arg20: memref<!tpu.dma_semaphore, #tpu.memory_space<semaphore_mem>>, %arg21: memref<!tpu.dma_semaphore, #tpu.memory_space<semaphore_mem>>, %arg22: memref<!tpu.dma_semaphore, #tpu.memory_space<semaphore_mem>>, %arg23: memref<!tpu.dma_semaphore, #tpu.memory_space<semaphore_mem>>, %arg24: memref<!tpu.dma_semaphore, #tpu.memory_space<semaphore_mem>>, %arg25: memref<!tpu.dma_semaphore, #tpu.memory_space<semaphore_mem>>, %arg26: memref<!tpu.dma_semaphore, #tpu.memory_space<semaphore_mem>>, %arg27: memref<10240x128xf32, #tpu.memory_space<vmem_shared>>) attributes {dimension_semantics = [#tpu.dimension_semantics<core_parallel>, #tpu.dimension_semantics<subcore_parallel>], iteration_bounds = array<i64: 2, 16>, scalar_prefetch = 0 : i64, scratch_operands = 22 : i64, tpu.core_type = #tpu.core_type<sc_vector_subcore>, window_params = [{transform_indices = #map}, {transform_indices = #map1}, {transform_indices = #map1}, {transform_indices = #map2}]} {
    %mul3A = arith.constant 2 : i32
    %mul3A_0 = arith.muli %arg1, %mul3A : i32
    %add3A = arith.addi %mul3A_0, %arg0 : i32
    %broadcast_in_dim3A = arith.constant 0.000000e+00 : f32
    %broadcast_in_dim3A_1 = vector.broadcast %broadcast_in_dim3A : f32 to vector<16xf32>
    %mul3A_2 = arith.constant 640 : i32
    %mul3A_3 = arith.muli %arg1, %mul3A_2 : i32
    %dma_start3A = arith.constant 0 : i32
    %dma_start3A_4 = arith.constant 0 : i32
    %dma_start3A_5 = arith.constant 0 : i32
    %dma_start3A_6 = arith.constant 0 : i32
    %dma_start3A_7 = tpu.memref_slice %arg6[%dma_start3A_4, %dma_start3A_5, %dma_start3A_6] : memref<2x5x40xi32, #tpu.memory_space<vmem>> -> memref<1x5x40xi32, #tpu.memory_space<vmem>>
    %dma_start3A_8 = tpu.memref_squeeze %dma_start3A_7 : memref<1x5x40xi32, #tpu.memory_space<vmem>> -> memref<5x40xi32, #tpu.memory_space<vmem>>
    %dma_start3A_9 = arith.constant 0 : i32
    %dma_start3A_10 = arith.constant 0 : i32
    %dma_start3A_11 = tpu.memref_slice %arg3[%add3A, %dma_start3A, %dma_start3A_9, %dma_start3A_10] : memref<32x50x5x40xi32, #tpu.memory_space<hbm>> -> memref<1x1x5x40xi32, #tpu.memory_space<hbm>>
    %dma_start3A_12 = tpu.memref_squeeze %dma_start3A_11 : memref<1x1x5x40xi32, #tpu.memory_space<hbm>> -> memref<5x40xi32, #tpu.memory_space<hbm>>
    %dma_start3A_13 = arith.constant 0 : i32
    %dma_start3A_14 = arith.constant 0 : i32
    %dma_start3A_15 = tpu.memref_slice %arg6[%dma_start3A_4, %dma_start3A_13, %dma_start3A_14] : memref<2x5x40xi32, #tpu.memory_space<vmem>> -> memref<1x5x40xi32, #tpu.memory_space<vmem>>
    %dma_start3A_16 = tpu.memref_squeeze %dma_start3A_15 : memref<1x5x40xi32, #tpu.memory_space<vmem>> -> memref<5x40xi32, #tpu.memory_space<vmem>>
    %dma_start3A_17 = arith.constant 0 : i32
    %dma_start3A_18 = arith.constant 0 : i32
    %dma_start3A_19 = tpu.memref_slice %arg3[%add3A, %dma_start3A, %dma_start3A_17, %dma_start3A_18] : memref<32x50x5x40xi32, #tpu.memory_space<hbm>> -> memref<1x1x5x40xi32, #tpu.memory_space<hbm>>
    %dma_start3A_20 = tpu.memref_squeeze %dma_start3A_19 : memref<1x1x5x40xi32, #tpu.memory_space<hbm>> -> memref<5x40xi32, #tpu.memory_space<hbm>>
    tpu.enqueue_dma source(%dma_start3A_20 : memref<5x40xi32, #tpu.memory_space<hbm>>) target(%dma_start3A_16 : memref<5x40xi32, #tpu.memory_space<vmem>>) target_semaphore(%arg23 : memref<!tpu.dma_semaphore, #tpu.memory_space<semaphore_mem>>)
    %dma_start3A_21 = arith.constant 0 : i32
    %dma_start3A_22 = arith.constant 0 : i32
    %dma_start3A_23 = arith.constant 0 : i32
    %dma_start3A_24 = arith.constant 0 : i32
    %dma_start3A_25 = tpu.memref_slice %arg7[%dma_start3A_22, %dma_start3A_23, %dma_start3A_24] : memref<2x5x40xi32, #tpu.memory_space<vmem>> -> memref<1x5x40xi32, #tpu.memory_space<vmem>>
    %dma_start3A_26 = tpu.memref_squeeze %dma_start3A_25 : memref<1x5x40xi32, #tpu.memory_space<vmem>> -> memref<5x40xi32, #tpu.memory_space<vmem>>
    %dma_start3A_27 = arith.constant 0 : i32
    %dma_start3A_28 = arith.constant 0 : i32
    %dma_start3A_29 = tpu.memref_slice %arg4[%add3A, %dma_start3A_21, %dma_start3A_27, %dma_start3A_28] : memref<32x50x5x40xi32, #tpu.memory_space<hbm>> -> memref<1x1x5x40xi32, #tpu.memory_space<hbm>>
    %dma_start3A_30 = tpu.memref_squeeze %dma_start3A_29 : memref<1x1x5x40xi32, #tpu.memory_space<hbm>> -> memref<5x40xi32, #tpu.memory_space<hbm>>
    %dma_start3A_31 = arith.constant 0 : i32
    %dma_start3A_32 = arith.constant 0 : i32
    %dma_start3A_33 = tpu.memref_slice %arg7[%dma_start3A_22, %dma_start3A_31, %dma_start3A_32] : memref<2x5x40xi32, #tpu.memory_space<vmem>> -> memref<1x5x40xi32, #tpu.memory_space<vmem>>
    %dma_start3A_34 = tpu.memref_squeeze %dma_start3A_33 : memref<1x5x40xi32, #tpu.memory_space<vmem>> -> memref<5x40xi32, #tpu.memory_space<vmem>>
    %dma_start3A_35 = arith.constant 0 : i32
    %dma_start3A_36 = arith.constant 0 : i32
    %dma_start3A_37 = tpu.memref_slice %arg4[%add3A, %dma_start3A_21, %dma_start3A_35, %dma_start3A_36] : memref<32x50x5x40xi32, #tpu.memory_space<hbm>> -> memref<1x1x5x40xi32, #tpu.memory_space<hbm>>
    %dma_start3A_38 = tpu.memref_squeeze %dma_start3A_37 : memref<1x1x5x40xi32, #tpu.memory_space<hbm>> -> memref<5x40xi32, #tpu.memory_space<hbm>>
    tpu.enqueue_dma source(%dma_start3A_38 : memref<5x40xi32, #tpu.memory_space<hbm>>) target(%dma_start3A_34 : memref<5x40xi32, #tpu.memory_space<vmem>>) target_semaphore(%arg25 : memref<!tpu.dma_semaphore, #tpu.memory_space<semaphore_mem>>)
    %scan3A = arith.constant 0 : i32
    %scan3A_39 = arith.constant 0 : i32
    %scan3A_40 = arith.constant 40 : i32
    %scan3A_41 = arith.addi %scan3A_39, %scan3A_40 : i32
    %scan3A_42 = arith.constant 1 : i32
    scf.for %scan3A_670 = %scan3A_39 to %scan3A_41 step %scan3A_42  : i32 {
      %swap3A = arith.index_cast %scan3A_670 : i32 to index
      %swap3A_671 = arith.constant 0 : index
      %swap3A_672 = tpu.vector_load %arg8[%swap3A, %swap3A_671] {strides = array<i32>} : memref<40x128xf32, #tpu.memory_space<vmem>>, vector<16xf32>,
      tpu.vector_store %arg8[%swap3A, %swap3A_671], %broadcast_in_dim3A_1 {strides = array<i32>} : memref<40x128xf32, #tpu.memory_space<vmem>>, vector<16xf32>,
      %swap3A_673 = arith.index_cast %scan3A_670 : i32 to index
      %swap3A_674 = arith.constant 16 : index
      %swap3A_675 = tpu.vector_load %arg8[%swap3A_673, %swap3A_674] {strides = array<i32>} : memref<40x128xf32, #tpu.memory_space<vmem>>, vector<16xf32>,
      tpu.vector_store %arg8[%swap3A_673, %swap3A_674], %broadcast_in_dim3A_1 {strides = array<i32>} : memref<40x128xf32, #tpu.memory_space<vmem>>, vector<16xf32>,
      %swap3A_676 = arith.index_cast %scan3A_670 : i32 to index
      %swap3A_677 = arith.constant 32 : index
      %swap3A_678 = tpu.vector_load %arg8[%swap3A_676, %swap3A_677] {strides = array<i32>} : memref<40x128xf32, #tpu.memory_space<vmem>>, vector<16xf32>,
      tpu.vector_store %arg8[%swap3A_676, %swap3A_677], %broadcast_in_dim3A_1 {strides = array<i32>} : memref<40x128xf32, #tpu.memory_space<vmem>>, vector<16xf32>,
      %swap3A_679 = arith.index_cast %scan3A_670 : i32 to index
      %swap3A_680 = arith.constant 48 : index
      %swap3A_681 = tpu.vector_load %arg8[%swap3A_679, %swap3A_680] {strides = array<i32>} : memref<40x128xf32, #tpu.memory_space<vmem>>, vector<16xf32>,
      tpu.vector_store %arg8[%swap3A_679, %swap3A_680], %broadcast_in_dim3A_1 {strides = array<i32>} : memref<40x128xf32, #tpu.memory_space<vmem>>, vector<16xf32>,
      %swap3A_682 = arith.index_cast %scan3A_670 : i32 to index
      %swap3A_683 = arith.constant 64 : index
      %swap3A_684 = tpu.vector_load %arg8[%swap3A_682, %swap3A_683] {strides = array<i32>} : memref<40x128xf32, #tpu.memory_space<vmem>>, vector<16xf32>,
      tpu.vector_store %arg8[%swap3A_682, %swap3A_683], %broadcast_in_dim3A_1 {strides = array<i32>} : memref<40x128xf32, #tpu.memory_space<vmem>>, vector<16xf32>,
      %swap3A_685 = arith.index_cast %scan3A_670 : i32 to index
      %swap3A_686 = arith.constant 80 : index
      %swap3A_687 = tpu.vector_load %arg8[%swap3A_685, %swap3A_686] {strides = array<i32>} : memref<40x128xf32, #tpu.memory_space<vmem>>, vector<16xf32>,
      tpu.vector_store %arg8[%swap3A_685, %swap3A_686], %broadcast_in_dim3A_1 {strides = array<i32>} : memref<40x128xf32, #tpu.memory_space<vmem>>, vector<16xf32>,
      %swap3A_688 = arith.index_cast %scan3A_670 : i32 to index
      %swap3A_689 = arith.constant 96 : index
      %swap3A_690 = tpu.vector_load %arg8[%swap3A_688, %swap3A_689] {strides = array<i32>} : memref<40x128xf32, #tpu.memory_space<vmem>>, vector<16xf32>,
      tpu.vector_store %arg8[%swap3A_688, %swap3A_689], %broadcast_in_dim3A_1 {strides = array<i32>} : memref<40x128xf32, #tpu.memory_space<vmem>>, vector<16xf32>,
      %swap3A_691 = arith.index_cast %scan3A_670 : i32 to index
      %swap3A_692 = arith.constant 112 : index
      %swap3A_693 = tpu.vector_load %arg8[%swap3A_691, %swap3A_692] {strides = array<i32>} : memref<40x128xf32, #tpu.memory_space<vmem>>, vector<16xf32>,
      tpu.vector_store %arg8[%swap3A_691, %swap3A_692], %broadcast_in_dim3A_1 {strides = array<i32>} : memref<40x128xf32, #tpu.memory_space<vmem>>, vector<16xf32>,
    }
    %scan3A_43 = arith.constant 40 : i32
    %dma_wait3A = arith.constant 0 : i32
    %dma_wait3A_44 = arith.constant 0 : i32
    %dma_wait3A_45 = arith.constant 0 : i32
    %dma_wait3A_46 = arith.constant 0 : i32
    %dma_wait3A_47 = tpu.memref_slice %arg6[%dma_wait3A_44, %dma_wait3A_45, %dma_wait3A_46] : memref<2x5x40xi32, #tpu.memory_space<vmem>> -> memref<1x5x40xi32, #tpu.memory_space<vmem>>
    %dma_wait3A_48 = tpu.memref_squeeze %dma_wait3A_47 : memref<1x5x40xi32, #tpu.memory_space<vmem>> -> memref<5x40xi32, #tpu.memory_space<vmem>>
    %dma_wait3A_49 = arith.constant 0 : i32
    %dma_wait3A_50 = arith.constant 0 : i32
    %dma_wait3A_51 = tpu.memref_slice %arg3[%add3A, %dma_wait3A, %dma_wait3A_49, %dma_wait3A_50] : memref<32x50x5x40xi32, #tpu.memory_space<hbm>> -> memref<1x1x5x40xi32, #tpu.memory_space<hbm>>
    %dma_wait3A_52 = tpu.memref_squeeze %dma_wait3A_51 : memref<1x1x5x40xi32, #tpu.memory_space<hbm>> -> memref<5x40xi32, #tpu.memory_space<hbm>>
    %dma_wait3A_53 = arith.constant 0 : i32
    %dma_wait3A_54 = arith.constant 0 : i32
    %dma_wait3A_55 = tpu.memref_slice %arg6[%dma_wait3A_44, %dma_wait3A_53, %dma_wait3A_54] : memref<2x5x40xi32, #tpu.memory_space<vmem>> -> memref<1x5x40xi32, #tpu.memory_space<vmem>>
    %dma_wait3A_56 = tpu.memref_squeeze %dma_wait3A_55 : memref<1x5x40xi32, #tpu.memory_space<vmem>> -> memref<5x40xi32, #tpu.memory_space<vmem>>
    %dma_wait3A_57 = arith.constant 0 : i32
    %dma_wait3A_58 = arith.constant 0 : i32
    %dma_wait3A_59 = tpu.memref_slice %arg3[%add3A, %dma_wait3A, %dma_wait3A_57, %dma_wait3A_58] : memref<32x50x5x40xi32, #tpu.memory_space<hbm>> -> memref<1x1x5x40xi32, #tpu.memory_space<hbm>>
    %dma_wait3A_60 = tpu.memref_squeeze %dma_wait3A_59 : memref<1x1x5x40xi32, #tpu.memory_space<hbm>> -> memref<5x40xi32, #tpu.memory_space<hbm>>
    tpu.wait_dma2 semaphore(%arg23 : memref<!tpu.dma_semaphore, #tpu.memory_space<semaphore_mem>>) src(%dma_wait3A_60 : memref<5x40xi32, #tpu.memory_space<hbm>>) dst(%dma_wait3A_56 : memref<5x40xi32, #tpu.memory_space<vmem>>)
    %dma_wait3A_61 = arith.constant 0 : i32
    %dma_wait3A_62 = arith.constant 0 : i32
    %dma_wait3A_63 = arith.constant 0 : i32
    %dma_wait3A_64 = arith.constant 0 : i32
    %dma_wait3A_65 = tpu.memref_slice %arg7[%dma_wait3A_62, %dma_wait3A_63, %dma_wait3A_64] : memref<2x5x40xi32, #tpu.memory_space<vmem>> -> memref<1x5x40xi32, #tpu.memory_space<vmem>>
    %dma_wait3A_66 = tpu.memref_squeeze %dma_wait3A_65 : memref<1x5x40xi32, #tpu.memory_space<vmem>> -> memref<5x40xi32, #tpu.memory_space<vmem>>
    %dma_wait3A_67 = arith.constant 0 : i32
    %dma_wait3A_68 = arith.constant 0 : i32
    %dma_wait3A_69 = tpu.memref_slice %arg4[%add3A, %dma_wait3A_61, %dma_wait3A_67, %dma_wait3A_68] : memref<32x50x5x40xi32, #tpu.memory_space<hbm>> -> memref<1x1x5x40xi32, #tpu.memory_space<hbm>>
    %dma_wait3A_70 = tpu.memref_squeeze %dma_wait3A_69 : memref<1x1x5x40xi32, #tpu.memory_space<hbm>> -> memref<5x40xi32, #tpu.memory_space<hbm>>
    %dma_wait3A_71 = arith.constant 0 : i32
    %dma_wait3A_72 = arith.constant 0 : i32
    %dma_wait3A_73 = tpu.memref_slice %arg7[%dma_wait3A_62, %dma_wait3A_71, %dma_wait3A_72] : memref<2x5x40xi32, #tpu.memory_space<vmem>> -> memref<1x5x40xi32, #tpu.memory_space<vmem>>
    %dma_wait3A_74 = tpu.memref_squeeze %dma_wait3A_73 : memref<1x5x40xi32, #tpu.memory_space<vmem>> -> memref<5x40xi32, #tpu.memory_space<vmem>>
    %dma_wait3A_75 = arith.constant 0 : i32
    %dma_wait3A_76 = arith.constant 0 : i32
    %dma_wait3A_77 = tpu.memref_slice %arg4[%add3A, %dma_wait3A_61, %dma_wait3A_75, %dma_wait3A_76] : memref<32x50x5x40xi32, #tpu.memory_space<hbm>> -> memref<1x1x5x40xi32, #tpu.memory_space<hbm>>
    %dma_wait3A_78 = tpu.memref_squeeze %dma_wait3A_77 : memref<1x1x5x40xi32, #tpu.memory_space<hbm>> -> memref<5x40xi32, #tpu.memory_space<hbm>>
    tpu.wait_dma2 semaphore(%arg25 : memref<!tpu.dma_semaphore, #tpu.memory_space<semaphore_mem>>) src(%dma_wait3A_78 : memref<5x40xi32, #tpu.memory_space<hbm>>) dst(%dma_wait3A_74 : memref<5x40xi32, #tpu.memory_space<vmem>>)
    %dma_start3A_79 = arith.constant 0 : i32
    %dma_start3A_80 = arith.constant 1 : i32
    %dma_start3A_81 = arith.constant 0 : i32
    %dma_start3A_82 = tpu.memref_slice %arg6[%dma_start3A_79, %dma_start3A_80, %dma_start3A_81] : memref<2x5x40xi32, #tpu.memory_space<vmem>> -> memref<1x1x40xi32, #tpu.memory_space<vmem>>
    %dma_start3A_83 = tpu.memref_squeeze %dma_start3A_82 : memref<1x1x40xi32, #tpu.memory_space<vmem>> -> memref<40xi32, #tpu.memory_space<vmem>>
    %dma_start3A_84 = arith.constant 0 : i32
    %dma_start3A_85 = arith.constant 0 : i32
    %dma_start3A_86 = tpu.memref_slice %arg2[%dma_start3A_84, %dma_start3A_85] : memref<10240x128xf32, #tpu.memory_space<hbm>> -> memref<10240x128xf32, #tpu.memory_space<hbm>>
    tpu.enqueue_indirect_dma source(%dma_start3A_86 : memref<10240x128xf32, #tpu.memory_space<hbm>>) target(%arg9 : memref<40x128xf32, #tpu.memory_space<vmem>>) offsets(%dma_start3A_83 : memref<40xi32, #tpu.memory_space<vmem>>) semaphore(%arg14 : memref<!tpu.dma_semaphore, #tpu.memory_space<semaphore_mem>>)
    %dma_start3A_87 = arith.constant 0 : i32
    %dma_start3A_88 = arith.constant 2 : i32
    %dma_start3A_89 = arith.constant 0 : i32
    %dma_start3A_90 = tpu.memref_slice %arg6[%dma_start3A_87, %dma_start3A_88, %dma_start3A_89] : memref<2x5x40xi32, #tpu.memory_space<vmem>> -> memref<1x1x40xi32, #tpu.memory_space<vmem>>
    %dma_start3A_91 = tpu.memref_squeeze %dma_start3A_90 : memref<1x1x40xi32, #tpu.memory_space<vmem>> -> memref<40xi32, #tpu.memory_space<vmem>>
    %dma_start3A_92 = arith.constant 0 : i32
    %dma_start3A_93 = arith.constant 0 : i32
    %dma_start3A_94 = tpu.memref_slice %arg2[%dma_start3A_92, %dma_start3A_93] : memref<10240x128xf32, #tpu.memory_space<hbm>> -> memref<10240x128xf32, #tpu.memory_space<hbm>>
    tpu.enqueue_indirect_dma source(%dma_start3A_94 : memref<10240x128xf32, #tpu.memory_space<hbm>>) target(%arg10 : memref<40x128xf32, #tpu.memory_space<vmem>>) offsets(%dma_start3A_91 : memref<40xi32, #tpu.memory_space<vmem>>) semaphore(%arg15 : memref<!tpu.dma_semaphore, #tpu.memory_space<semaphore_mem>>)
    %dma_start3A_95 = arith.constant 0 : i32
    %dma_start3A_96 = arith.constant 3 : i32
    %dma_start3A_97 = arith.constant 0 : i32
    %dma_start3A_98 = tpu.memref_slice %arg6[%dma_start3A_95, %dma_start3A_96, %dma_start3A_97] : memref<2x5x40xi32, #tpu.memory_space<vmem>> -> memref<1x1x40xi32, #tpu.memory_space<vmem>>
    %dma_start3A_99 = tpu.memref_squeeze %dma_start3A_98 : memref<1x1x40xi32, #tpu.memory_space<vmem>> -> memref<40xi32, #tpu.memory_space<vmem>>
    %dma_start3A_100 = arith.constant 0 : i32
    %dma_start3A_101 = arith.constant 0 : i32
    %dma_start3A_102 = tpu.memref_slice %arg2[%dma_start3A_100, %dma_start3A_101] : memref<10240x128xf32, #tpu.memory_space<hbm>> -> memref<10240x128xf32, #tpu.memory_space<hbm>>
    tpu.enqueue_indirect_dma source(%dma_start3A_102 : memref<10240x128xf32, #tpu.memory_space<hbm>>) target(%arg11 : memref<40x128xf32, #tpu.memory_space<vmem>>) offsets(%dma_start3A_99 : memref<40xi32, #tpu.memory_space<vmem>>) semaphore(%arg16 : memref<!tpu.dma_semaphore, #tpu.memory_space<semaphore_mem>>)
    %dma_start3A_103 = arith.constant 0 : i32
    %dma_start3A_104 = arith.constant 4 : i32
    %dma_start3A_105 = arith.constant 0 : i32
    %dma_start3A_106 = tpu.memref_slice %arg6[%dma_start3A_103, %dma_start3A_104, %dma_start3A_105] : memref<2x5x40xi32, #tpu.memory_space<vmem>> -> memref<1x1x40xi32, #tpu.memory_space<vmem>>
    %dma_start3A_107 = tpu.memref_squeeze %dma_start3A_106 : memref<1x1x40xi32, #tpu.memory_space<vmem>> -> memref<40xi32, #tpu.memory_space<vmem>>
    %dma_start3A_108 = arith.constant 0 : i32
    %dma_start3A_109 = arith.constant 0 : i32
    %dma_start3A_110 = tpu.memref_slice %arg2[%dma_start3A_108, %dma_start3A_109] : memref<10240x128xf32, #tpu.memory_space<hbm>> -> memref<10240x128xf32, #tpu.memory_space<hbm>>
    tpu.enqueue_indirect_dma source(%dma_start3A_110 : memref<10240x128xf32, #tpu.memory_space<hbm>>) target(%arg12 : memref<40x128xf32, #tpu.memory_space<vmem>>) offsets(%dma_start3A_107 : memref<40xi32, #tpu.memory_space<vmem>>) semaphore(%arg17 : memref<!tpu.dma_semaphore, #tpu.memory_space<semaphore_mem>>)
    %add3A_111 = arith.constant 0 : i32
    %add3A_112 = arith.addi %mul3A_3, %add3A_111 : i32
    %dma_start3A_113 = arith.constant 0 : i32
    %dma_start3A_114 = tpu.memref_slice %arg27[%add3A_112, %dma_start3A_113] : memref<10240x128xf32, #tpu.memory_space<vmem_shared>> -> memref<40x128xf32, #tpu.memory_space<vmem_shared>>
    %dma_start3A_115 = arith.constant 0 : i32
    %dma_start3A_116 = tpu.memref_slice %arg27[%add3A_112, %dma_start3A_115] : memref<10240x128xf32, #tpu.memory_space<vmem_shared>> -> memref<40x128xf32, #tpu.memory_space<vmem_shared>>
    tpu.enqueue_dma source(%arg8 : memref<40x128xf32, #tpu.memory_space<vmem>>) target(%dma_start3A_116 : memref<40x128xf32, #tpu.memory_space<vmem_shared>>) target_semaphore(%arg18 : memref<!tpu.dma_semaphore, #tpu.memory_space<semaphore_mem>>)
    %add3A_117 = arith.constant 40 : i32
    %add3A_118 = arith.addi %mul3A_3, %add3A_117 : i32
    %dma_start3A_119 = arith.constant 0 : i32
    %dma_start3A_120 = tpu.memref_slice %arg27[%add3A_118, %dma_start3A_119] : memref<10240x128xf32, #tpu.memory_space<vmem_shared>> -> memref<40x128xf32, #tpu.memory_space<vmem_shared>>
    %dma_start3A_121 = arith.constant 0 : i32
    %dma_start3A_122 = tpu.memref_slice %arg27[%add3A_118, %dma_start3A_121] : memref<10240x128xf32, #tpu.memory_space<vmem_shared>> -> memref<40x128xf32, #tpu.memory_space<vmem_shared>>
    tpu.enqueue_dma source(%arg8 : memref<40x128xf32, #tpu.memory_space<vmem>>) target(%dma_start3A_122 : memref<40x128xf32, #tpu.memory_space<vmem_shared>>) target_semaphore(%arg18 : memref<!tpu.dma_semaphore, #tpu.memory_space<semaphore_mem>>)
    %add3A_123 = arith.constant 80 : i32
    %add3A_124 = arith.addi %mul3A_3, %add3A_123 : i32
    %dma_start3A_125 = arith.constant 0 : i32
    %dma_start3A_126 = tpu.memref_slice %arg27[%add3A_124, %dma_start3A_125] : memref<10240x128xf32, #tpu.memory_space<vmem_shared>> -> memref<40x128xf32, #tpu.memory_space<vmem_shared>>
    %dma_start3A_127 = arith.constant 0 : i32
    %dma_start3A_128 = tpu.memref_slice %arg27[%add3A_124, %dma_start3A_127] : memref<10240x128xf32, #tpu.memory_space<vmem_shared>> -> memref<40x128xf32, #tpu.memory_space<vmem_shared>>
    tpu.enqueue_dma source(%arg8 : memref<40x128xf32, #tpu.memory_space<vmem>>) target(%dma_start3A_128 : memref<40x128xf32, #tpu.memory_space<vmem_shared>>) target_semaphore(%arg18 : memref<!tpu.dma_semaphore, #tpu.memory_space<semaphore_mem>>)
    %add3A_129 = arith.constant 120 : i32
    %add3A_130 = arith.addi %mul3A_3, %add3A_129 : i32
    %dma_start3A_131 = arith.constant 0 : i32
    %dma_start3A_132 = tpu.memref_slice %arg27[%add3A_130, %dma_start3A_131] : memref<10240x128xf32, #tpu.memory_space<vmem_shared>> -> memref<40x128xf32, #tpu.memory_space<vmem_shared>>
    %dma_start3A_133 = arith.constant 0 : i32
    %dma_start3A_134 = tpu.memref_slice %arg27[%add3A_130, %dma_start3A_133] : memref<10240x128xf32, #tpu.memory_space<vmem_shared>> -> memref<40x128xf32, #tpu.memory_space<vmem_shared>>
    tpu.enqueue_dma source(%arg8 : memref<40x128xf32, #tpu.memory_space<vmem>>) target(%dma_start3A_134 : memref<40x128xf32, #tpu.memory_space<vmem_shared>>) target_semaphore(%arg18 : memref<!tpu.dma_semaphore, #tpu.memory_space<semaphore_mem>>)
    %add3A_135 = arith.constant 160 : i32
    %add3A_136 = arith.addi %mul3A_3, %add3A_135 : i32
    %dma_start3A_137 = arith.constant 0 : i32
    %dma_start3A_138 = tpu.memref_slice %arg27[%add3A_136, %dma_start3A_137] : memref<10240x128xf32, #tpu.memory_space<vmem_shared>> -> memref<40x128xf32, #tpu.memory_space<vmem_shared>>
    %dma_start3A_139 = arith.constant 0 : i32
    %dma_start3A_140 = tpu.memref_slice %arg27[%add3A_136, %dma_start3A_139] : memref<10240x128xf32, #tpu.memory_space<vmem_shared>> -> memref<40x128xf32, #tpu.memory_space<vmem_shared>>
    tpu.enqueue_dma source(%arg8 : memref<40x128xf32, #tpu.memory_space<vmem>>) target(%dma_start3A_140 : memref<40x128xf32, #tpu.memory_space<vmem_shared>>) target_semaphore(%arg18 : memref<!tpu.dma_semaphore, #tpu.memory_space<semaphore_mem>>)
    %add3A_141 = arith.constant 200 : i32
    %add3A_142 = arith.addi %mul3A_3, %add3A_141 : i32
    %dma_start3A_143 = arith.constant 0 : i32
    %dma_start3A_144 = tpu.memref_slice %arg27[%add3A_142, %dma_start3A_143] : memref<10240x128xf32, #tpu.memory_space<vmem_shared>> -> memref<40x128xf32, #tpu.memory_space<vmem_shared>>
    %dma_start3A_145 = arith.constant 0 : i32
    %dma_start3A_146 = tpu.memref_slice %arg27[%add3A_142, %dma_start3A_145] : memref<10240x128xf32, #tpu.memory_space<vmem_shared>> -> memref<40x128xf32, #tpu.memory_space<vmem_shared>>
    tpu.enqueue_dma source(%arg8 : memref<40x128xf32, #tpu.memory_space<vmem>>) target(%dma_start3A_146 : memref<40x128xf32, #tpu.memory_space<vmem_shared>>) target_semaphore(%arg18 : memref<!tpu.dma_semaphore, #tpu.memory_space<semaphore_mem>>)
    %add3A_147 = arith.constant 240 : i32
    %add3A_148 = arith.addi %mul3A_3, %add3A_147 : i32
    %dma_start3A_149 = arith.constant 0 : i32
    %dma_start3A_150 = tpu.memref_slice %arg27[%add3A_148, %dma_start3A_149] : memref<10240x128xf32, #tpu.memory_space<vmem_shared>> -> memref<40x128xf32, #tpu.memory_space<vmem_shared>>
    %dma_start3A_151 = arith.constant 0 : i32
    %dma_start3A_152 = tpu.memref_slice %arg27[%add3A_148, %dma_start3A_151] : memref<10240x128xf32, #tpu.memory_space<vmem_shared>> -> memref<40x128xf32, #tpu.memory_space<vmem_shared>>
    tpu.enqueue_dma source(%arg8 : memref<40x128xf32, #tpu.memory_space<vmem>>) target(%dma_start3A_152 : memref<40x128xf32, #tpu.memory_space<vmem_shared>>) target_semaphore(%arg18 : memref<!tpu.dma_semaphore, #tpu.memory_space<semaphore_mem>>)
    %add3A_153 = arith.constant 280 : i32
    %add3A_154 = arith.addi %mul3A_3, %add3A_153 : i32
    %dma_start3A_155 = arith.constant 0 : i32
    %dma_start3A_156 = tpu.memref_slice %arg27[%add3A_154, %dma_start3A_155] : memref<10240x128xf32, #tpu.memory_space<vmem_shared>> -> memref<40x128xf32, #tpu.memory_space<vmem_shared>>
    %dma_start3A_157 = arith.constant 0 : i32
    %dma_start3A_158 = tpu.memref_slice %arg27[%add3A_154, %dma_start3A_157] : memref<10240x128xf32, #tpu.memory_space<vmem_shared>> -> memref<40x128xf32, #tpu.memory_space<vmem_shared>>
    tpu.enqueue_dma source(%arg8 : memref<40x128xf32, #tpu.memory_space<vmem>>) target(%dma_start3A_158 : memref<40x128xf32, #tpu.memory_space<vmem_shared>>) target_semaphore(%arg18 : memref<!tpu.dma_semaphore, #tpu.memory_space<semaphore_mem>>)
    %add3A_159 = arith.constant 320 : i32
    %add3A_160 = arith.addi %mul3A_3, %add3A_159 : i32
    %dma_start3A_161 = arith.constant 0 : i32
    %dma_start3A_162 = tpu.memref_slice %arg27[%add3A_160, %dma_start3A_161] : memref<10240x128xf32, #tpu.memory_space<vmem_shared>> -> memref<40x128xf32, #tpu.memory_space<vmem_shared>>
    %dma_start3A_163 = arith.constant 0 : i32
    %dma_start3A_164 = tpu.memref_slice %arg27[%add3A_160, %dma_start3A_163] : memref<10240x128xf32, #tpu.memory_space<vmem_shared>> -> memref<40x128xf32, #tpu.memory_space<vmem_shared>>
    tpu.enqueue_dma source(%arg8 : memref<40x128xf32, #tpu.memory_space<vmem>>) target(%dma_start3A_164 : memref<40x128xf32, #tpu.memory_space<vmem_shared>>) target_semaphore(%arg18 : memref<!tpu.dma_semaphore, #tpu.memory_space<semaphore_mem>>)
    %add3A_165 = arith.constant 360 : i32
    %add3A_166 = arith.addi %mul3A_3, %add3A_165 : i32
    %dma_start3A_167 = arith.constant 0 : i32
    %dma_start3A_168 = tpu.memref_slice %arg27[%add3A_166, %dma_start3A_167] : memref<10240x128xf32, #tpu.memory_space<vmem_shared>> -> memref<40x128xf32, #tpu.memory_space<vmem_shared>>
    %dma_start3A_169 = arith.constant 0 : i32
    %dma_start3A_170 = tpu.memref_slice %arg27[%add3A_166, %dma_start3A_169] : memref<10240x128xf32, #tpu.memory_space<vmem_shared>> -> memref<40x128xf32, #tpu.memory_space<vmem_shared>>
    tpu.enqueue_dma source(%arg8 : memref<40x128xf32, #tpu.memory_space<vmem>>) target(%dma_start3A_170 : memref<40x128xf32, #tpu.memory_space<vmem_shared>>) target_semaphore(%arg18 : memref<!tpu.dma_semaphore, #tpu.memory_space<semaphore_mem>>)
    %add3A_171 = arith.constant 400 : i32
    %add3A_172 = arith.addi %mul3A_3, %add3A_171 : i32
    %dma_start3A_173 = arith.constant 0 : i32
    %dma_start3A_174 = tpu.memref_slice %arg27[%add3A_172, %dma_start3A_173] : memref<10240x128xf32, #tpu.memory_space<vmem_shared>> -> memref<40x128xf32, #tpu.memory_space<vmem_shared>>
    %dma_start3A_175 = arith.constant 0 : i32
    %dma_start3A_176 = tpu.memref_slice %arg27[%add3A_172, %dma_start3A_175] : memref<10240x128xf32, #tpu.memory_space<vmem_shared>> -> memref<40x128xf32, #tpu.memory_space<vmem_shared>>
    tpu.enqueue_dma source(%arg8 : memref<40x128xf32, #tpu.memory_space<vmem>>) target(%dma_start3A_176 : memref<40x128xf32, #tpu.memory_space<vmem_shared>>) target_semaphore(%arg18 : memref<!tpu.dma_semaphore, #tpu.memory_space<semaphore_mem>>)
    %add3A_177 = arith.constant 440 : i32
    %add3A_178 = arith.addi %mul3A_3, %add3A_177 : i32
    %dma_start3A_179 = arith.constant 0 : i32
    %dma_start3A_180 = tpu.memref_slice %arg27[%add3A_178, %dma_start3A_179] : memref<10240x128xf32, #tpu.memory_space<vmem_shared>> -> memref<40x128xf32, #tpu.memory_space<vmem_shared>>
    %dma_start3A_181 = arith.constant 0 : i32
    %dma_start3A_182 = tpu.memref_slice %arg27[%add3A_178, %dma_start3A_181] : memref<10240x128xf32, #tpu.memory_space<vmem_shared>> -> memref<40x128xf32, #tpu.memory_space<vmem_shared>>
    tpu.enqueue_dma source(%arg8 : memref<40x128xf32, #tpu.memory_space<vmem>>) target(%dma_start3A_182 : memref<40x128xf32, #tpu.memory_space<vmem_shared>>) target_semaphore(%arg18 : memref<!tpu.dma_semaphore, #tpu.memory_space<semaphore_mem>>)
    %add3A_183 = arith.constant 480 : i32
    %add3A_184 = arith.addi %mul3A_3, %add3A_183 : i32
    %dma_start3A_185 = arith.constant 0 : i32
    %dma_start3A_186 = tpu.memref_slice %arg27[%add3A_184, %dma_start3A_185] : memref<10240x128xf32, #tpu.memory_space<vmem_shared>> -> memref<40x128xf32, #tpu.memory_space<vmem_shared>>
    %dma_start3A_187 = arith.constant 0 : i32
    %dma_start3A_188 = tpu.memref_slice %arg27[%add3A_184, %dma_start3A_187] : memref<10240x128xf32, #tpu.memory_space<vmem_shared>> -> memref<40x128xf32, #tpu.memory_space<vmem_shared>>
    tpu.enqueue_dma source(%arg8 : memref<40x128xf32, #tpu.memory_space<vmem>>) target(%dma_start3A_188 : memref<40x128xf32, #tpu.memory_space<vmem_shared>>) target_semaphore(%arg18 : memref<!tpu.dma_semaphore, #tpu.memory_space<semaphore_mem>>)
    %add3A_189 = arith.constant 520 : i32
    %add3A_190 = arith.addi %mul3A_3, %add3A_189 : i32
    %dma_start3A_191 = arith.constant 0 : i32
    %dma_start3A_192 = tpu.memref_slice %arg27[%add3A_190, %dma_start3A_191] : memref<10240x128xf32, #tpu.memory_space<vmem_shared>> -> memref<40x128xf32, #tpu.memory_space<vmem_shared>>
    %dma_start3A_193 = arith.constant 0 : i32
    %dma_start3A_194 = tpu.memref_slice %arg27[%add3A_190, %dma_start3A_193] : memref<10240x128xf32, #tpu.memory_space<vmem_shared>> -> memref<40x128xf32, #tpu.memory_space<vmem_shared>>
    tpu.enqueue_dma source(%arg8 : memref<40x128xf32, #tpu.memory_space<vmem>>) target(%dma_start3A_194 : memref<40x128xf32, #tpu.memory_space<vmem_shared>>) target_semaphore(%arg18 : memref<!tpu.dma_semaphore, #tpu.memory_space<semaphore_mem>>)
    %add3A_195 = arith.constant 560 : i32
    %add3A_196 = arith.addi %mul3A_3, %add3A_195 : i32
    %dma_start3A_197 = arith.constant 0 : i32
    %dma_start3A_198 = tpu.memref_slice %arg27[%add3A_196, %dma_start3A_197] : memref<10240x128xf32, #tpu.memory_space<vmem_shared>> -> memref<40x128xf32, #tpu.memory_space<vmem_shared>>
    %dma_start3A_199 = arith.constant 0 : i32
    %dma_start3A_200 = tpu.memref_slice %arg27[%add3A_196, %dma_start3A_199] : memref<10240x128xf32, #tpu.memory_space<vmem_shared>> -> memref<40x128xf32, #tpu.memory_space<vmem_shared>>
    tpu.enqueue_dma source(%arg8 : memref<40x128xf32, #tpu.memory_space<vmem>>) target(%dma_start3A_200 : memref<40x128xf32, #tpu.memory_space<vmem_shared>>) target_semaphore(%arg18 : memref<!tpu.dma_semaphore, #tpu.memory_space<semaphore_mem>>)
    %add3A_201 = arith.constant 600 : i32
    %add3A_202 = arith.addi %mul3A_3, %add3A_201 : i32
    %dma_start3A_203 = arith.constant 0 : i32
    %dma_start3A_204 = tpu.memref_slice %arg27[%add3A_202, %dma_start3A_203] : memref<10240x128xf32, #tpu.memory_space<vmem_shared>> -> memref<40x128xf32, #tpu.memory_space<vmem_shared>>
    %dma_start3A_205 = arith.constant 0 : i32
    %dma_start3A_206 = tpu.memref_slice %arg27[%add3A_202, %dma_start3A_205] : memref<10240x128xf32, #tpu.memory_space<vmem_shared>> -> memref<40x128xf32, #tpu.memory_space<vmem_shared>>
    tpu.enqueue_dma source(%arg8 : memref<40x128xf32, #tpu.memory_space<vmem>>) target(%dma_start3A_206 : memref<40x128xf32, #tpu.memory_space<vmem_shared>>) target_semaphore(%arg18 : memref<!tpu.dma_semaphore, #tpu.memory_space<semaphore_mem>>)
    %dma_start3A_207 = arith.constant 1 : i32
    %dma_start3A_208 = arith.constant 1 : i32
    %dma_start3A_209 = arith.constant 0 : i32
    %dma_start3A_210 = arith.constant 0 : i32
    %dma_start3A_211 = tpu.memref_slice %arg6[%dma_start3A_208, %dma_start3A_209, %dma_start3A_210] : memref<2x5x40xi32, #tpu.memory_space<vmem>> -> memref<1x5x40xi32, #tpu.memory_space<vmem>>
    %dma_start3A_212 = tpu.memref_squeeze %dma_start3A_211 : memref<1x5x40xi32, #tpu.memory_space<vmem>> -> memref<5x40xi32, #tpu.memory_space<vmem>>
    %dma_start3A_213 = arith.constant 0 : i32
    %dma_start3A_214 = arith.constant 0 : i32
    %dma_start3A_215 = tpu.memref_slice %arg3[%add3A, %dma_start3A_207, %dma_start3A_213, %dma_start3A_214] : memref<32x50x5x40xi32, #tpu.memory_space<hbm>> -> memref<1x1x5x40xi32, #tpu.memory_space<hbm>>
    %dma_start3A_216 = tpu.memref_squeeze %dma_start3A_215 : memref<1x1x5x40xi32, #tpu.memory_space<hbm>> -> memref<5x40xi32, #tpu.memory_space<hbm>>
    %dma_start3A_217 = arith.constant 0 : i32
    %dma_start3A_218 = arith.constant 0 : i32
    %dma_start3A_219 = tpu.memref_slice %arg6[%dma_start3A_208, %dma_start3A_217, %dma_start3A_218] : memref<2x5x40xi32, #tpu.memory_space<vmem>> -> memref<1x5x40xi32, #tpu.memory_space<vmem>>
    %dma_start3A_220 = tpu.memref_squeeze %dma_start3A_219 : memref<1x5x40xi32, #tpu.memory_space<vmem>> -> memref<5x40xi32, #tpu.memory_space<vmem>>
    %dma_start3A_221 = arith.constant 0 : i32
    %dma_start3A_222 = arith.constant 0 : i32
    %dma_start3A_223 = tpu.memref_slice %arg3[%add3A, %dma_start3A_207, %dma_start3A_221, %dma_start3A_222] : memref<32x50x5x40xi32, #tpu.memory_space<hbm>> -> memref<1x1x5x40xi32, #tpu.memory_space<hbm>>
    %dma_start3A_224 = tpu.memref_squeeze %dma_start3A_223 : memref<1x1x5x40xi32, #tpu.memory_space<hbm>> -> memref<5x40xi32, #tpu.memory_space<hbm>>
    tpu.enqueue_dma source(%dma_start3A_224 : memref<5x40xi32, #tpu.memory_space<hbm>>) target(%dma_start3A_220 : memref<5x40xi32, #tpu.memory_space<vmem>>) target_semaphore(%arg24 : memref<!tpu.dma_semaphore, #tpu.memory_space<semaphore_mem>>)
    %dma_start3A_225 = arith.constant 1 : i32
    %dma_start3A_226 = arith.constant 1 : i32
    %dma_start3A_227 = arith.constant 0 : i32
    %dma_start3A_228 = arith.constant 0 : i32
    %dma_start3A_229 = tpu.memref_slice %arg7[%dma_start3A_226, %dma_start3A_227, %dma_start3A_228] : memref<2x5x40xi32, #tpu.memory_space<vmem>> -> memref<1x5x40xi32, #tpu.memory_space<vmem>>
    %dma_start3A_230 = tpu.memref_squeeze %dma_start3A_229 : memref<1x5x40xi32, #tpu.memory_space<vmem>> -> memref<5x40xi32, #tpu.memory_space<vmem>>
    %dma_start3A_231 = arith.constant 0 : i32
    %dma_start3A_232 = arith.constant 0 : i32
    %dma_start3A_233 = tpu.memref_slice %arg4[%add3A, %dma_start3A_225, %dma_start3A_231, %dma_start3A_232] : memref<32x50x5x40xi32, #tpu.memory_space<hbm>> -> memref<1x1x5x40xi32, #tpu.memory_space<hbm>>
    %dma_start3A_234 = tpu.memref_squeeze %dma_start3A_233 : memref<1x1x5x40xi32, #tpu.memory_space<hbm>> -> memref<5x40xi32, #tpu.memory_space<hbm>>
    %dma_start3A_235 = arith.constant 0 : i32
    %dma_start3A_236 = arith.constant 0 : i32
    %dma_start3A_237 = tpu.memref_slice %arg7[%dma_start3A_226, %dma_start3A_235, %dma_start3A_236] : memref<2x5x40xi32, #tpu.memory_space<vmem>> -> memref<1x5x40xi32, #tpu.memory_space<vmem>>
    %dma_start3A_238 = tpu.memref_squeeze %dma_start3A_237 : memref<1x5x40xi32, #tpu.memory_space<vmem>> -> memref<5x40xi32, #tpu.memory_space<vmem>>
    %dma_start3A_239 = arith.constant 0 : i32
    %dma_start3A_240 = arith.constant 0 : i32
    %dma_start3A_241 = tpu.memref_slice %arg4[%add3A, %dma_start3A_225, %dma_start3A_239, %dma_start3A_240] : memref<32x50x5x40xi32, #tpu.memory_space<hbm>> -> memref<1x1x5x40xi32, #tpu.memory_space<hbm>>
    %dma_start3A_242 = tpu.memref_squeeze %dma_start3A_241 : memref<1x1x5x40xi32, #tpu.memory_space<hbm>> -> memref<5x40xi32, #tpu.memory_space<hbm>>
    tpu.enqueue_dma source(%dma_start3A_242 : memref<5x40xi32, #tpu.memory_space<hbm>>) target(%dma_start3A_238 : memref<5x40xi32, #tpu.memory_space<vmem>>) target_semaphore(%arg26 : memref<!tpu.dma_semaphore, #tpu.memory_space<semaphore_mem>>)
    %add3A_243 = arith.constant 0 : i32
    %add3A_244 = arith.addi %mul3A_3, %add3A_243 : i32
    %dma_wait3A_245 = arith.constant 0 : i32
    %dma_wait3A_246 = tpu.memref_slice %arg27[%add3A_244, %dma_wait3A_245] : memref<10240x128xf32, #tpu.memory_space<vmem_shared>> -> memref<40x128xf32, #tpu.memory_space<vmem_shared>>
    %dma_wait3A_247 = arith.constant 0 : i32
    %dma_wait3A_248 = tpu.memref_slice %arg27[%add3A_244, %dma_wait3A_247] : memref<10240x128xf32, #tpu.memory_space<vmem_shared>> -> memref<40x128xf32, #tpu.memory_space<vmem_shared>>
    tpu.wait_dma2 semaphore(%arg18 : memref<!tpu.dma_semaphore, #tpu.memory_space<semaphore_mem>>) src(%arg8 : memref<40x128xf32, #tpu.memory_space<vmem>>) dst(%dma_wait3A_248 : memref<40x128xf32, #tpu.memory_space<vmem_shared>>)
    %add3A_249 = arith.constant 40 : i32
    %add3A_250 = arith.addi %mul3A_3, %add3A_249 : i32
    %dma_wait3A_251 = arith.constant 0 : i32
    %dma_wait3A_252 = tpu.memref_slice %arg27[%add3A_250, %dma_wait3A_251] : memref<10240x128xf32, #tpu.memory_space<vmem_shared>> -> memref<40x128xf32, #tpu.memory_space<vmem_shared>>
    %dma_wait3A_253 = arith.constant 0 : i32
    %dma_wait3A_254 = tpu.memref_slice %arg27[%add3A_250, %dma_wait3A_253] : memref<10240x128xf32, #tpu.memory_space<vmem_shared>> -> memref<40x128xf32, #tpu.memory_space<vmem_shared>>
    tpu.wait_dma2 semaphore(%arg18 : memref<!tpu.dma_semaphore, #tpu.memory_space<semaphore_mem>>) src(%arg8 : memref<40x128xf32, #tpu.memory_space<vmem>>) dst(%dma_wait3A_254 : memref<40x128xf32, #tpu.memory_space<vmem_shared>>)
    %add3A_255 = arith.constant 80 : i32
    %add3A_256 = arith.addi %mul3A_3, %add3A_255 : i32
    %dma_wait3A_257 = arith.constant 0 : i32
    %dma_wait3A_258 = tpu.memref_slice %arg27[%add3A_256, %dma_wait3A_257] : memref<10240x128xf32, #tpu.memory_space<vmem_shared>> -> memref<40x128xf32, #tpu.memory_space<vmem_shared>>
    %dma_wait3A_259 = arith.constant 0 : i32
    %dma_wait3A_260 = tpu.memref_slice %arg27[%add3A_256, %dma_wait3A_259] : memref<10240x128xf32, #tpu.memory_space<vmem_shared>> -> memref<40x128xf32, #tpu.memory_space<vmem_shared>>
    tpu.wait_dma2 semaphore(%arg18 : memref<!tpu.dma_semaphore, #tpu.memory_space<semaphore_mem>>) src(%arg8 : memref<40x128xf32, #tpu.memory_space<vmem>>) dst(%dma_wait3A_260 : memref<40x128xf32, #tpu.memory_space<vmem_shared>>)
    %add3A_261 = arith.constant 120 : i32
    %add3A_262 = arith.addi %mul3A_3, %add3A_261 : i32
    %dma_wait3A_263 = arith.constant 0 : i32
    %dma_wait3A_264 = tpu.memref_slice %arg27[%add3A_262, %dma_wait3A_263] : memref<10240x128xf32, #tpu.memory_space<vmem_shared>> -> memref<40x128xf32, #tpu.memory_space<vmem_shared>>
    %dma_wait3A_265 = arith.constant 0 : i32
    %dma_wait3A_266 = tpu.memref_slice %arg27[%add3A_262, %dma_wait3A_265] : memref<10240x128xf32, #tpu.memory_space<vmem_shared>> -> memref<40x128xf32, #tpu.memory_space<vmem_shared>>
    tpu.wait_dma2 semaphore(%arg18 : memref<!tpu.dma_semaphore, #tpu.memory_space<semaphore_mem>>) src(%arg8 : memref<40x128xf32, #tpu.memory_space<vmem>>) dst(%dma_wait3A_266 : memref<40x128xf32, #tpu.memory_space<vmem_shared>>)
    %add3A_267 = arith.constant 160 : i32
    %add3A_268 = arith.addi %mul3A_3, %add3A_267 : i32
    %dma_wait3A_269 = arith.constant 0 : i32
    %dma_wait3A_270 = tpu.memref_slice %arg27[%add3A_268, %dma_wait3A_269] : memref<10240x128xf32, #tpu.memory_space<vmem_shared>> -> memref<40x128xf32, #tpu.memory_space<vmem_shared>>
    %dma_wait3A_271 = arith.constant 0 : i32
    %dma_wait3A_272 = tpu.memref_slice %arg27[%add3A_268, %dma_wait3A_271] : memref<10240x128xf32, #tpu.memory_space<vmem_shared>> -> memref<40x128xf32, #tpu.memory_space<vmem_shared>>
    tpu.wait_dma2 semaphore(%arg18 : memref<!tpu.dma_semaphore, #tpu.memory_space<semaphore_mem>>) src(%arg8 : memref<40x128xf32, #tpu.memory_space<vmem>>) dst(%dma_wait3A_272 : memref<40x128xf32, #tpu.memory_space<vmem_shared>>)
    %add3A_273 = arith.constant 200 : i32
    %add3A_274 = arith.addi %mul3A_3, %add3A_273 : i32
    %dma_wait3A_275 = arith.constant 0 : i32
    %dma_wait3A_276 = tpu.memref_slice %arg27[%add3A_274, %dma_wait3A_275] : memref<10240x128xf32, #tpu.memory_space<vmem_shared>> -> memref<40x128xf32, #tpu.memory_space<vmem_shared>>
    %dma_wait3A_277 = arith.constant 0 : i32
    %dma_wait3A_278 = tpu.memref_slice %arg27[%add3A_274, %dma_wait3A_277] : memref<10240x128xf32, #tpu.memory_space<vmem_shared>> -> memref<40x128xf32, #tpu.memory_space<vmem_shared>>
    tpu.wait_dma2 semaphore(%arg18 : memref<!tpu.dma_semaphore, #tpu.memory_space<semaphore_mem>>) src(%arg8 : memref<40x128xf32, #tpu.memory_space<vmem>>) dst(%dma_wait3A_278 : memref<40x128xf32, #tpu.memory_space<vmem_shared>>)
    %add3A_279 = arith.constant 240 : i32
    %add3A_280 = arith.addi %mul3A_3, %add3A_279 : i32
    %dma_wait3A_281 = arith.constant 0 : i32
    %dma_wait3A_282 = tpu.memref_slice %arg27[%add3A_280, %dma_wait3A_281] : memref<10240x128xf32, #tpu.memory_space<vmem_shared>> -> memref<40x128xf32, #tpu.memory_space<vmem_shared>>
    %dma_wait3A_283 = arith.constant 0 : i32
    %dma_wait3A_284 = tpu.memref_slice %arg27[%add3A_280, %dma_wait3A_283] : memref<10240x128xf32, #tpu.memory_space<vmem_shared>> -> memref<40x128xf32, #tpu.memory_space<vmem_shared>>
    tpu.wait_dma2 semaphore(%arg18 : memref<!tpu.dma_semaphore, #tpu.memory_space<semaphore_mem>>) src(%arg8 : memref<40x128xf32, #tpu.memory_space<vmem>>) dst(%dma_wait3A_284 : memref<40x128xf32, #tpu.memory_space<vmem_shared>>)
    %add3A_285 = arith.constant 280 : i32
    %add3A_286 = arith.addi %mul3A_3, %add3A_285 : i32
    %dma_wait3A_287 = arith.constant 0 : i32
    %dma_wait3A_288 = tpu.memref_slice %arg27[%add3A_286, %dma_wait3A_287] : memref<10240x128xf32, #tpu.memory_space<vmem_shared>> -> memref<40x128xf32, #tpu.memory_space<vmem_shared>>
    %dma_wait3A_289 = arith.constant 0 : i32
    %dma_wait3A_290 = tpu.memref_slice %arg27[%add3A_286, %dma_wait3A_289] : memref<10240x128xf32, #tpu.memory_space<vmem_shared>> -> memref<40x128xf32, #tpu.memory_space<vmem_shared>>
    tpu.wait_dma2 semaphore(%arg18 : memref<!tpu.dma_semaphore, #tpu.memory_space<semaphore_mem>>) src(%arg8 : memref<40x128xf32, #tpu.memory_space<vmem>>) dst(%dma_wait3A_290 : memref<40x128xf32, #tpu.memory_space<vmem_shared>>)
    %add3A_291 = arith.constant 320 : i32
    %add3A_292 = arith.addi %mul3A_3, %add3A_291 : i32
    %dma_wait3A_293 = arith.constant 0 : i32
    %dma_wait3A_294 = tpu.memref_slice %arg27[%add3A_292, %dma_wait3A_293] : memref<10240x128xf32, #tpu.memory_space<vmem_shared>> -> memref<40x128xf32, #tpu.memory_space<vmem_shared>>
    %dma_wait3A_295 = arith.constant 0 : i32
    %dma_wait3A_296 = tpu.memref_slice %arg27[%add3A_292, %dma_wait3A_295] : memref<10240x128xf32, #tpu.memory_space<vmem_shared>> -> memref<40x128xf32, #tpu.memory_space<vmem_shared>>
    tpu.wait_dma2 semaphore(%arg18 : memref<!tpu.dma_semaphore, #tpu.memory_space<semaphore_mem>>) src(%arg8 : memref<40x128xf32, #tpu.memory_space<vmem>>) dst(%dma_wait3A_296 : memref<40x128xf32, #tpu.memory_space<vmem_shared>>)
    %add3A_297 = arith.constant 360 : i32
    %add3A_298 = arith.addi %mul3A_3, %add3A_297 : i32
    %dma_wait3A_299 = arith.constant 0 : i32
    %dma_wait3A_300 = tpu.memref_slice %arg27[%add3A_298, %dma_wait3A_299] : memref<10240x128xf32, #tpu.memory_space<vmem_shared>> -> memref<40x128xf32, #tpu.memory_space<vmem_shared>>
    %dma_wait3A_301 = arith.constant 0 : i32
    %dma_wait3A_302 = tpu.memref_slice %arg27[%add3A_298, %dma_wait3A_301] : memref<10240x128xf32, #tpu.memory_space<vmem_shared>> -> memref<40x128xf32, #tpu.memory_space<vmem_shared>>
    tpu.wait_dma2 semaphore(%arg18 : memref<!tpu.dma_semaphore, #tpu.memory_space<semaphore_mem>>) src(%arg8 : memref<40x128xf32, #tpu.memory_space<vmem>>) dst(%dma_wait3A_302 : memref<40x128xf32, #tpu.memory_space<vmem_shared>>)
    %add3A_303 = arith.constant 400 : i32
    %add3A_304 = arith.addi %mul3A_3, %add3A_303 : i32
    %dma_wait3A_305 = arith.constant 0 : i32
    %dma_wait3A_306 = tpu.memref_slice %arg27[%add3A_304, %dma_wait3A_305] : memref<10240x128xf32, #tpu.memory_space<vmem_shared>> -> memref<40x128xf32, #tpu.memory_space<vmem_shared>>
    %dma_wait3A_307 = arith.constant 0 : i32
    %dma_wait3A_308 = tpu.memref_slice %arg27[%add3A_304, %dma_wait3A_307] : memref<10240x128xf32, #tpu.memory_space<vmem_shared>> -> memref<40x128xf32, #tpu.memory_space<vmem_shared>>
    tpu.wait_dma2 semaphore(%arg18 : memref<!tpu.dma_semaphore, #tpu.memory_space<semaphore_mem>>) src(%arg8 : memref<40x128xf32, #tpu.memory_space<vmem>>) dst(%dma_wait3A_308 : memref<40x128xf32, #tpu.memory_space<vmem_shared>>)
    %add3A_309 = arith.constant 440 : i32
    %add3A_310 = arith.addi %mul3A_3, %add3A_309 : i32
    %dma_wait3A_311 = arith.constant 0 : i32
    %dma_wait3A_312 = tpu.memref_slice %arg27[%add3A_310, %dma_wait3A_311] : memref<10240x128xf32, #tpu.memory_space<vmem_shared>> -> memref<40x128xf32, #tpu.memory_space<vmem_shared>>
    %dma_wait3A_313 = arith.constant 0 : i32
    %dma_wait3A_314 = tpu.memref_slice %arg27[%add3A_310, %dma_wait3A_313] : memref<10240x128xf32, #tpu.memory_space<vmem_shared>> -> memref<40x128xf32, #tpu.memory_space<vmem_shared>>
    tpu.wait_dma2 semaphore(%arg18 : memref<!tpu.dma_semaphore, #tpu.memory_space<semaphore_mem>>) src(%arg8 : memref<40x128xf32, #tpu.memory_space<vmem>>) dst(%dma_wait3A_314 : memref<40x128xf32, #tpu.memory_space<vmem_shared>>)
    %add3A_315 = arith.constant 480 : i32
    %add3A_316 = arith.addi %mul3A_3, %add3A_315 : i32
    %dma_wait3A_317 = arith.constant 0 : i32
    %dma_wait3A_318 = tpu.memref_slice %arg27[%add3A_316, %dma_wait3A_317] : memref<10240x128xf32, #tpu.memory_space<vmem_shared>> -> memref<40x128xf32, #tpu.memory_space<vmem_shared>>
    %dma_wait3A_319 = arith.constant 0 : i32
    %dma_wait3A_320 = tpu.memref_slice %arg27[%add3A_316, %dma_wait3A_319] : memref<10240x128xf32, #tpu.memory_space<vmem_shared>> -> memref<40x128xf32, #tpu.memory_space<vmem_shared>>
    tpu.wait_dma2 semaphore(%arg18 : memref<!tpu.dma_semaphore, #tpu.memory_space<semaphore_mem>>) src(%arg8 : memref<40x128xf32, #tpu.memory_space<vmem>>) dst(%dma_wait3A_320 : memref<40x128xf32, #tpu.memory_space<vmem_shared>>)
    %add3A_321 = arith.constant 520 : i32
    %add3A_322 = arith.addi %mul3A_3, %add3A_321 : i32
    %dma_wait3A_323 = arith.constant 0 : i32
    %dma_wait3A_324 = tpu.memref_slice %arg27[%add3A_322, %dma_wait3A_323] : memref<10240x128xf32, #tpu.memory_space<vmem_shared>> -> memref<40x128xf32, #tpu.memory_space<vmem_shared>>
    %dma_wait3A_325 = arith.constant 0 : i32
    %dma_wait3A_326 = tpu.memref_slice %arg27[%add3A_322, %dma_wait3A_325] : memref<10240x128xf32, #tpu.memory_space<vmem_shared>> -> memref<40x128xf32, #tpu.memory_space<vmem_shared>>
    tpu.wait_dma2 semaphore(%arg18 : memref<!tpu.dma_semaphore, #tpu.memory_space<semaphore_mem>>) src(%arg8 : memref<40x128xf32, #tpu.memory_space<vmem>>) dst(%dma_wait3A_326 : memref<40x128xf32, #tpu.memory_space<vmem_shared>>)
    %add3A_327 = arith.constant 560 : i32
    %add3A_328 = arith.addi %mul3A_3, %add3A_327 : i32
    %dma_wait3A_329 = arith.constant 0 : i32
    %dma_wait3A_330 = tpu.memref_slice %arg27[%add3A_328, %dma_wait3A_329] : memref<10240x128xf32, #tpu.memory_space<vmem_shared>> -> memref<40x128xf32, #tpu.memory_space<vmem_shared>>
    %dma_wait3A_331 = arith.constant 0 : i32
    %dma_wait3A_332 = tpu.memref_slice %arg27[%add3A_328, %dma_wait3A_331] : memref<10240x128xf32, #tpu.memory_space<vmem_shared>> -> memref<40x128xf32, #tpu.memory_space<vmem_shared>>
    tpu.wait_dma2 semaphore(%arg18 : memref<!tpu.dma_semaphore, #tpu.memory_space<semaphore_mem>>) src(%arg8 : memref<40x128xf32, #tpu.memory_space<vmem>>) dst(%dma_wait3A_332 : memref<40x128xf32, #tpu.memory_space<vmem_shared>>)
    %add3A_333 = arith.constant 600 : i32
    %add3A_334 = arith.addi %mul3A_3, %add3A_333 : i32
    %dma_wait3A_335 = arith.constant 0 : i32
    %dma_wait3A_336 = tpu.memref_slice %arg27[%add3A_334, %dma_wait3A_335] : memref<10240x128xf32, #tpu.memory_space<vmem_shared>> -> memref<40x128xf32, #tpu.memory_space<vmem_shared>>
    %dma_wait3A_337 = arith.constant 0 : i32
    %dma_wait3A_338 = tpu.memref_slice %arg27[%add3A_334, %dma_wait3A_337] : memref<10240x128xf32, #tpu.memory_space<vmem_shared>> -> memref<40x128xf32, #tpu.memory_space<vmem_shared>>
    tpu.wait_dma2 semaphore(%arg18 : memref<!tpu.dma_semaphore, #tpu.memory_space<semaphore_mem>>) src(%arg8 : memref<40x128xf32, #tpu.memory_space<vmem>>) dst(%dma_wait3A_338 : memref<40x128xf32, #tpu.memory_space<vmem_shared>>)
    %dma_start3A_339 = arith.constant 0 : i32
    %dma_start3A_340 = arith.constant 0 : i32
    %dma_start3A_341 = arith.constant 0 : i32
    %dma_start3A_342 = tpu.memref_slice %arg6[%dma_start3A_339, %dma_start3A_340, %dma_start3A_341] : memref<2x5x40xi32, #tpu.memory_space<vmem>> -> memref<1x1x40xi32, #tpu.memory_space<vmem>>
    %dma_start3A_343 = tpu.memref_squeeze %dma_start3A_342 : memref<1x1x40xi32, #tpu.memory_space<vmem>> -> memref<40xi32, #tpu.memory_space<vmem>>
    %dma_start3A_344 = arith.constant 0 : i32
    %dma_start3A_345 = arith.constant 0 : i32
    %dma_start3A_346 = tpu.memref_slice %arg2[%dma_start3A_344, %dma_start3A_345] : memref<10240x128xf32, #tpu.memory_space<hbm>> -> memref<10240x128xf32, #tpu.memory_space<hbm>>
    tpu.enqueue_indirect_dma source(%dma_start3A_346 : memref<10240x128xf32, #tpu.memory_space<hbm>>) target(%arg8 : memref<40x128xf32, #tpu.memory_space<vmem>>) offsets(%dma_start3A_343 : memref<40xi32, #tpu.memory_space<vmem>>) semaphore(%arg13 : memref<!tpu.dma_semaphore, #tpu.memory_space<semaphore_mem>>)
    %barrier3A = arith.constant 0 : index
    tpu.barrier barrier_id(%barrier3A)
    %scan3A_347 = arith.constant 0 : i32
    %scan3A_348 = arith.constant 0 : i32
    %scan3A_349 = arith.constant 24 : i32
    %scan3A_350 = arith.addi %scan3A_348, %scan3A_349 : i32
    %scan3A_351 = arith.constant 1 : i32
    scf.for %scan3A_670 = %scan3A_348 to %scan3A_350 step %scan3A_351  : i32 {
      %mul3A_671 = arith.constant 2 : i32
      %mul3A_672 = arith.muli %mul3A_671, %scan3A_670 : i32
      %dma_wait3A_673 = arith.constant 0 : i32
      %dma_wait3A_674 = arith.constant 0 : i32
      %dma_wait3A_675 = arith.constant 0 : i32
      %dma_wait3A_676 = tpu.memref_slice %arg6[%dma_wait3A_673, %dma_wait3A_674, %dma_wait3A_675] : memref<2x5x40xi32, #tpu.memory_space<vmem>> -> memref<1x1x40xi32, #tpu.memory_space<vmem>>
      %dma_wait3A_677 = tpu.memref_squeeze %dma_wait3A_676 : memref<1x1x40xi32, #tpu.memory_space<vmem>> -> memref<40xi32, #tpu.memory_space<vmem>>
      %dma_wait3A_678 = arith.constant 0 : i32
      %dma_wait3A_679 = arith.constant 0 : i32
      %dma_wait3A_680 = tpu.memref_slice %arg2[%dma_wait3A_678, %dma_wait3A_679] : memref<10240x128xf32, #tpu.memory_space<hbm>> -> memref<10240x128xf32, #tpu.memory_space<hbm>>
      tpu.wait_indirect_dma semaphore(%arg13 : memref<!tpu.dma_semaphore, #tpu.memory_space<semaphore_mem>>) src(%dma_wait3A_680 : memref<10240x128xf32, #tpu.memory_space<hbm>>) dst(%arg8 : memref<40x128xf32, #tpu.memory_space<vmem>>)
      %dma_start3A_681 = arith.constant 0 : i32
      %dma_start3A_682 = arith.constant 0 : i32
      %dma_start3A_683 = arith.constant 0 : i32
      %dma_start3A_684 = tpu.memref_slice %arg7[%dma_start3A_681, %dma_start3A_682, %dma_start3A_683] : memref<2x5x40xi32, #tpu.memory_space<vmem>> -> memref<1x1x40xi32, #tpu.memory_space<vmem>>
      %dma_start3A_685 = tpu.memref_squeeze %dma_start3A_684 : memref<1x1x40xi32, #tpu.memory_space<vmem>> -> memref<40xi32, #tpu.memory_space<vmem>>
      %dma_start3A_686 = arith.constant 0 : i32
      %dma_start3A_687 = arith.constant 0 : i32
      %dma_start3A_688 = tpu.memref_slice %arg27[%dma_start3A_686, %dma_start3A_687] : memref<10240x128xf32, #tpu.memory_space<vmem_shared>> -> memref<10240x128xf32, #tpu.memory_space<vmem_shared>>
      tpu.enqueue_indirect_dma source(%arg8 : memref<40x128xf32, #tpu.memory_space<vmem>>) target(%dma_start3A_688 : memref<10240x128xf32, #tpu.memory_space<vmem_shared>>) offsets(%dma_start3A_685 : memref<40xi32, #tpu.memory_space<vmem>>) semaphore(%arg18 : memref<!tpu.dma_semaphore, #tpu.memory_space<semaphore_mem>>) {add = true}
      %dma_wait3A_689 = arith.constant 0 : i32
      %dma_wait3A_690 = arith.constant 1 : i32
      %dma_wait3A_691 = arith.constant 0 : i32
      %dma_wait3A_692 = tpu.memref_slice %arg6[%dma_wait3A_689, %dma_wait3A_690, %dma_wait3A_691] : memref<2x5x40xi32, #tpu.memory_space<vmem>> -> memref<1x1x40xi32, #tpu.memory_space<vmem>>
      %dma_wait3A_693 = tpu.memref_squeeze %dma_wait3A_692 : memref<1x1x40xi32, #tpu.memory_space<vmem>> -> memref<40xi32, #tpu.memory_space<vmem>>
      %dma_wait3A_694 = arith.constant 0 : i32
      %dma_wait3A_695 = arith.constant 0 : i32
      %dma_wait3A_696 = tpu.memref_slice %arg2[%dma_wait3A_694, %dma_wait3A_695] : memref<10240x128xf32, #tpu.memory_space<hbm>> -> memref<10240x128xf32, #tpu.memory_space<hbm>>
      tpu.wait_indirect_dma semaphore(%arg14 : memref<!tpu.dma_semaphore, #tpu.memory_space<semaphore_mem>>) src(%dma_wait3A_696 : memref<10240x128xf32, #tpu.memory_space<hbm>>) dst(%arg9 : memref<40x128xf32, #tpu.memory_space<vmem>>)
      %dma_start3A_697 = arith.constant 0 : i32
      %dma_start3A_698 = arith.constant 1 : i32
      %dma_start3A_699 = arith.constant 0 : i32
      %dma_start3A_700 = tpu.memref_slice %arg7[%dma_start3A_697, %dma_start3A_698, %dma_start3A_699] : memref<2x5x40xi32, #tpu.memory_space<vmem>> -> memref<1x1x40xi32, #tpu.memory_space<vmem>>
      %dma_start3A_701 = tpu.memref_squeeze %dma_start3A_700 : memref<1x1x40xi32, #tpu.memory_space<vmem>> -> memref<40xi32, #tpu.memory_space<vmem>>
      %dma_start3A_702 = arith.constant 0 : i32
      %dma_start3A_703 = arith.constant 0 : i32
      %dma_start3A_704 = tpu.memref_slice %arg27[%dma_start3A_702, %dma_start3A_703] : memref<10240x128xf32, #tpu.memory_space<vmem_shared>> -> memref<10240x128xf32, #tpu.memory_space<vmem_shared>>
      tpu.enqueue_indirect_dma source(%arg9 : memref<40x128xf32, #tpu.memory_space<vmem>>) target(%dma_start3A_704 : memref<10240x128xf32, #tpu.memory_space<vmem_shared>>) offsets(%dma_start3A_701 : memref<40xi32, #tpu.memory_space<vmem>>) semaphore(%arg19 : memref<!tpu.dma_semaphore, #tpu.memory_space<semaphore_mem>>) {add = true}
      %dma_wait3A_705 = arith.constant 0 : i32
      %dma_wait3A_706 = arith.constant 2 : i32
      %dma_wait3A_707 = arith.constant 0 : i32
      %dma_wait3A_708 = tpu.memref_slice %arg6[%dma_wait3A_705, %dma_wait3A_706, %dma_wait3A_707] : memref<2x5x40xi32, #tpu.memory_space<vmem>> -> memref<1x1x40xi32, #tpu.memory_space<vmem>>
      %dma_wait3A_709 = tpu.memref_squeeze %dma_wait3A_708 : memref<1x1x40xi32, #tpu.memory_space<vmem>> -> memref<40xi32, #tpu.memory_space<vmem>>
      %dma_wait3A_710 = arith.constant 0 : i32
      %dma_wait3A_711 = arith.constant 0 : i32
      %dma_wait3A_712 = tpu.memref_slice %arg2[%dma_wait3A_710, %dma_wait3A_711] : memref<10240x128xf32, #tpu.memory_space<hbm>> -> memref<10240x128xf32, #tpu.memory_space<hbm>>
      tpu.wait_indirect_dma semaphore(%arg15 : memref<!tpu.dma_semaphore, #tpu.memory_space<semaphore_mem>>) src(%dma_wait3A_712 : memref<10240x128xf32, #tpu.memory_space<hbm>>) dst(%arg10 : memref<40x128xf32, #tpu.memory_space<vmem>>)
      %dma_start3A_713 = arith.constant 0 : i32
      %dma_start3A_714 = arith.constant 2 : i32
      %dma_start3A_715 = arith.constant 0 : i32
      %dma_start3A_716 = tpu.memref_slice %arg7[%dma_start3A_713, %dma_start3A_714, %dma_start3A_715] : memref<2x5x40xi32, #tpu.memory_space<vmem>> -> memref<1x1x40xi32, #tpu.memory_space<vmem>>
      %dma_start3A_717 = tpu.memref_squeeze %dma_start3A_716 : memref<1x1x40xi32, #tpu.memory_space<vmem>> -> memref<40xi32, #tpu.memory_space<vmem>>
      %dma_start3A_718 = arith.constant 0 : i32
      %dma_start3A_719 = arith.constant 0 : i32
      %dma_start3A_720 = tpu.memref_slice %arg27[%dma_start3A_718, %dma_start3A_719] : memref<10240x128xf32, #tpu.memory_space<vmem_shared>> -> memref<10240x128xf32, #tpu.memory_space<vmem_shared>>
      tpu.enqueue_indirect_dma source(%arg10 : memref<40x128xf32, #tpu.memory_space<vmem>>) target(%dma_start3A_720 : memref<10240x128xf32, #tpu.memory_space<vmem_shared>>) offsets(%dma_start3A_717 : memref<40xi32, #tpu.memory_space<vmem>>) semaphore(%arg20 : memref<!tpu.dma_semaphore, #tpu.memory_space<semaphore_mem>>) {add = true}
      %dma_wait3A_721 = arith.constant 0 : i32
      %dma_wait3A_722 = arith.constant 3 : i32
      %dma_wait3A_723 = arith.constant 0 : i32
      %dma_wait3A_724 = tpu.memref_slice %arg6[%dma_wait3A_721, %dma_wait3A_722, %dma_wait3A_723] : memref<2x5x40xi32, #tpu.memory_space<vmem>> -> memref<1x1x40xi32, #tpu.memory_space<vmem>>
      %dma_wait3A_725 = tpu.memref_squeeze %dma_wait3A_724 : memref<1x1x40xi32, #tpu.memory_space<vmem>> -> memref<40xi32, #tpu.memory_space<vmem>>
      %dma_wait3A_726 = arith.constant 0 : i32
      %dma_wait3A_727 = arith.constant 0 : i32
      %dma_wait3A_728 = tpu.memref_slice %arg2[%dma_wait3A_726, %dma_wait3A_727] : memref<10240x128xf32, #tpu.memory_space<hbm>> -> memref<10240x128xf32, #tpu.memory_space<hbm>>
      tpu.wait_indirect_dma semaphore(%arg16 : memref<!tpu.dma_semaphore, #tpu.memory_space<semaphore_mem>>) src(%dma_wait3A_728 : memref<10240x128xf32, #tpu.memory_space<hbm>>) dst(%arg11 : memref<40x128xf32, #tpu.memory_space<vmem>>)
      %dma_start3A_729 = arith.constant 0 : i32
      %dma_start3A_730 = arith.constant 3 : i32
      %dma_start3A_731 = arith.constant 0 : i32
      %dma_start3A_732 = tpu.memref_slice %arg7[%dma_start3A_729, %dma_start3A_730, %dma_start3A_731] : memref<2x5x40xi32, #tpu.memory_space<vmem>> -> memref<1x1x40xi32, #tpu.memory_space<vmem>>
      %dma_start3A_733 = tpu.memref_squeeze %dma_start3A_732 : memref<1x1x40xi32, #tpu.memory_space<vmem>> -> memref<40xi32, #tpu.memory_space<vmem>>
      %dma_start3A_734 = arith.constant 0 : i32
      %dma_start3A_735 = arith.constant 0 : i32
      %dma_start3A_736 = tpu.memref_slice %arg27[%dma_start3A_734, %dma_start3A_735] : memref<10240x128xf32, #tpu.memory_space<vmem_shared>> -> memref<10240x128xf32, #tpu.memory_space<vmem_shared>>
      tpu.enqueue_indirect_dma source(%arg11 : memref<40x128xf32, #tpu.memory_space<vmem>>) target(%dma_start3A_736 : memref<10240x128xf32, #tpu.memory_space<vmem_shared>>) offsets(%dma_start3A_733 : memref<40xi32, #tpu.memory_space<vmem>>) semaphore(%arg21 : memref<!tpu.dma_semaphore, #tpu.memory_space<semaphore_mem>>) {add = true}
      %dma_wait3A_737 = arith.constant 0 : i32
      %dma_wait3A_738 = arith.constant 4 : i32
      %dma_wait3A_739 = arith.constant 0 : i32
      %dma_wait3A_740 = tpu.memref_slice %arg6[%dma_wait3A_737, %dma_wait3A_738, %dma_wait3A_739] : memref<2x5x40xi32, #tpu.memory_space<vmem>> -> memref<1x1x40xi32, #tpu.memory_space<vmem>>
      %dma_wait3A_741 = tpu.memref_squeeze %dma_wait3A_740 : memref<1x1x40xi32, #tpu.memory_space<vmem>> -> memref<40xi32, #tpu.memory_space<vmem>>
      %dma_wait3A_742 = arith.constant 0 : i32
      %dma_wait3A_743 = arith.constant 0 : i32
      %dma_wait3A_744 = tpu.memref_slice %arg2[%dma_wait3A_742, %dma_wait3A_743] : memref<10240x128xf32, #tpu.memory_space<hbm>> -> memref<10240x128xf32, #tpu.memory_space<hbm>>
      tpu.wait_indirect_dma semaphore(%arg17 : memref<!tpu.dma_semaphore, #tpu.memory_space<semaphore_mem>>) src(%dma_wait3A_744 : memref<10240x128xf32, #tpu.memory_space<hbm>>) dst(%arg12 : memref<40x128xf32, #tpu.memory_space<vmem>>)
      %dma_start3A_745 = arith.constant 0 : i32
      %dma_start3A_746 = arith.constant 4 : i32
      %dma_start3A_747 = arith.constant 0 : i32
      %dma_start3A_748 = tpu.memref_slice %arg7[%dma_start3A_745, %dma_start3A_746, %dma_start3A_747] : memref<2x5x40xi32, #tpu.memory_space<vmem>> -> memref<1x1x40xi32, #tpu.memory_space<vmem>>
      %dma_start3A_749 = tpu.memref_squeeze %dma_start3A_748 : memref<1x1x40xi32, #tpu.memory_space<vmem>> -> memref<40xi32, #tpu.memory_space<vmem>>
      %dma_start3A_750 = arith.constant 0 : i32
      %dma_start3A_751 = arith.constant 0 : i32
      %dma_start3A_752 = tpu.memref_slice %arg27[%dma_start3A_750, %dma_start3A_751] : memref<10240x128xf32, #tpu.memory_space<vmem_shared>> -> memref<10240x128xf32, #tpu.memory_space<vmem_shared>>
      tpu.enqueue_indirect_dma source(%arg12 : memref<40x128xf32, #tpu.memory_space<vmem>>) target(%dma_start3A_752 : memref<10240x128xf32, #tpu.memory_space<vmem_shared>>) offsets(%dma_start3A_749 : memref<40xi32, #tpu.memory_space<vmem>>) semaphore(%arg22 : memref<!tpu.dma_semaphore, #tpu.memory_space<semaphore_mem>>) {add = true}
      %add3A_753 = arith.constant 1 : i32
      %add3A_754 = arith.addi %mul3A_672, %add3A_753 : i32
      %dma_wait3A_755 = arith.constant 1 : i32
      %dma_wait3A_756 = arith.constant 0 : i32
      %dma_wait3A_757 = arith.constant 0 : i32
      %dma_wait3A_758 = tpu.memref_slice %arg6[%dma_wait3A_755, %dma_wait3A_756, %dma_wait3A_757] : memref<2x5x40xi32, #tpu.memory_space<vmem>> -> memref<1x5x40xi32, #tpu.memory_space<vmem>>
      %dma_wait3A_759 = tpu.memref_squeeze %dma_wait3A_758 : memref<1x5x40xi32, #tpu.memory_space<vmem>> -> memref<5x40xi32, #tpu.memory_space<vmem>>
      %dma_wait3A_760 = arith.constant 0 : i32
      %dma_wait3A_761 = arith.constant 0 : i32
      %dma_wait3A_762 = tpu.memref_slice %arg3[%add3A, %add3A_754, %dma_wait3A_760, %dma_wait3A_761] : memref<32x50x5x40xi32, #tpu.memory_space<hbm>> -> memref<1x1x5x40xi32, #tpu.memory_space<hbm>>
      %dma_wait3A_763 = tpu.memref_squeeze %dma_wait3A_762 : memref<1x1x5x40xi32, #tpu.memory_space<hbm>> -> memref<5x40xi32, #tpu.memory_space<hbm>>
      %dma_wait3A_764 = arith.constant 0 : i32
      %dma_wait3A_765 = arith.constant 0 : i32
      %dma_wait3A_766 = tpu.memref_slice %arg6[%dma_wait3A_755, %dma_wait3A_764, %dma_wait3A_765] : memref<2x5x40xi32, #tpu.memory_space<vmem>> -> memref<1x5x40xi32, #tpu.memory_space<vmem>>
      %dma_wait3A_767 = tpu.memref_squeeze %dma_wait3A_766 : memref<1x5x40xi32, #tpu.memory_space<vmem>> -> memref<5x40xi32, #tpu.memory_space<vmem>>
      %dma_wait3A_768 = arith.constant 0 : i32
      %dma_wait3A_769 = arith.constant 0 : i32
      %dma_wait3A_770 = tpu.memref_slice %arg3[%add3A, %add3A_754, %dma_wait3A_768, %dma_wait3A_769] : memref<32x50x5x40xi32, #tpu.memory_space<hbm>> -> memref<1x1x5x40xi32, #tpu.memory_space<hbm>>
      %dma_wait3A_771 = tpu.memref_squeeze %dma_wait3A_770 : memref<1x1x5x40xi32, #tpu.memory_space<hbm>> -> memref<5x40xi32, #tpu.memory_space<hbm>>
      tpu.wait_dma2 semaphore(%arg24 : memref<!tpu.dma_semaphore, #tpu.memory_space<semaphore_mem>>) src(%dma_wait3A_771 : memref<5x40xi32, #tpu.memory_space<hbm>>) dst(%dma_wait3A_767 : memref<5x40xi32, #tpu.memory_space<vmem>>)
      %dma_wait3A_772 = arith.constant 1 : i32
      %dma_wait3A_773 = arith.constant 0 : i32
      %dma_wait3A_774 = arith.constant 0 : i32
      %dma_wait3A_775 = tpu.memref_slice %arg7[%dma_wait3A_772, %dma_wait3A_773, %dma_wait3A_774] : memref<2x5x40xi32, #tpu.memory_space<vmem>> -> memref<1x5x40xi32, #tpu.memory_space<vmem>>
      %dma_wait3A_776 = tpu.memref_squeeze %dma_wait3A_775 : memref<1x5x40xi32, #tpu.memory_space<vmem>> -> memref<5x40xi32, #tpu.memory_space<vmem>>
      %dma_wait3A_777 = arith.constant 0 : i32
      %dma_wait3A_778 = arith.constant 0 : i32
      %dma_wait3A_779 = tpu.memref_slice %arg4[%add3A, %add3A_754, %dma_wait3A_777, %dma_wait3A_778] : memref<32x50x5x40xi32, #tpu.memory_space<hbm>> -> memref<1x1x5x40xi32, #tpu.memory_space<hbm>>
      %dma_wait3A_780 = tpu.memref_squeeze %dma_wait3A_779 : memref<1x1x5x40xi32, #tpu.memory_space<hbm>> -> memref<5x40xi32, #tpu.memory_space<hbm>>
      %dma_wait3A_781 = arith.constant 0 : i32
      %dma_wait3A_782 = arith.constant 0 : i32
      %dma_wait3A_783 = tpu.memref_slice %arg7[%dma_wait3A_772, %dma_wait3A_781, %dma_wait3A_782] : memref<2x5x40xi32, #tpu.memory_space<vmem>> -> memref<1x5x40xi32, #tpu.memory_space<vmem>>
      %dma_wait3A_784 = tpu.memref_squeeze %dma_wait3A_783 : memref<1x5x40xi32, #tpu.memory_space<vmem>> -> memref<5x40xi32, #tpu.memory_space<vmem>>
      %dma_wait3A_785 = arith.constant 0 : i32
      %dma_wait3A_786 = arith.constant 0 : i32
      %dma_wait3A_787 = tpu.memref_slice %arg4[%add3A, %add3A_754, %dma_wait3A_785, %dma_wait3A_786] : memref<32x50x5x40xi32, #tpu.memory_space<hbm>> -> memref<1x1x5x40xi32, #tpu.memory_space<hbm>>
      %dma_wait3A_788 = tpu.memref_squeeze %dma_wait3A_787 : memref<1x1x5x40xi32, #tpu.memory_space<hbm>> -> memref<5x40xi32, #tpu.memory_space<hbm>>
      tpu.wait_dma2 semaphore(%arg26 : memref<!tpu.dma_semaphore, #tpu.memory_space<semaphore_mem>>) src(%dma_wait3A_788 : memref<5x40xi32, #tpu.memory_space<hbm>>) dst(%dma_wait3A_784 : memref<5x40xi32, #tpu.memory_space<vmem>>)
      %dma_wait3A_789 = arith.constant 0 : i32
      %dma_wait3A_790 = arith.constant 0 : i32
      %dma_wait3A_791 = arith.constant 0 : i32
      %dma_wait3A_792 = tpu.memref_slice %arg7[%dma_wait3A_789, %dma_wait3A_790, %dma_wait3A_791] : memref<2x5x40xi32, #tpu.memory_space<vmem>> -> memref<1x1x40xi32, #tpu.memory_space<vmem>>
      %dma_wait3A_793 = tpu.memref_squeeze %dma_wait3A_792 : memref<1x1x40xi32, #tpu.memory_space<vmem>> -> memref<40xi32, #tpu.memory_space<vmem>>
      %dma_wait3A_794 = arith.constant 0 : i32
      %dma_wait3A_795 = arith.constant 0 : i32
      %dma_wait3A_796 = tpu.memref_slice %arg27[%dma_wait3A_794, %dma_wait3A_795] : memref<10240x128xf32, #tpu.memory_space<vmem_shared>> -> memref<10240x128xf32, #tpu.memory_space<vmem_shared>>
      tpu.wait_indirect_dma semaphore(%arg18 : memref<!tpu.dma_semaphore, #tpu.memory_space<semaphore_mem>>) src(%arg8 : memref<40x128xf32, #tpu.memory_space<vmem>>) dst(%dma_wait3A_796 : memref<10240x128xf32, #tpu.memory_space<vmem_shared>>)
      %dma_start3A_797 = arith.constant 1 : i32
      %dma_start3A_798 = arith.constant 0 : i32
      %dma_start3A_799 = arith.constant 0 : i32
      %dma_start3A_800 = tpu.memref_slice %arg6[%dma_start3A_797, %dma_start3A_798, %dma_start3A_799] : memref<2x5x40xi32, #tpu.memory_space<vmem>> -> memref<1x1x40xi32, #tpu.memory_space<vmem>>
      %dma_start3A_801 = tpu.memref_squeeze %dma_start3A_800 : memref<1x1x40xi32, #tpu.memory_space<vmem>> -> memref<40xi32, #tpu.memory_space<vmem>>
      %dma_start3A_802 = arith.constant 0 : i32
      %dma_start3A_803 = arith.constant 0 : i32
      %dma_start3A_804 = tpu.memref_slice %arg2[%dma_start3A_802, %dma_start3A_803] : memref<10240x128xf32, #tpu.memory_space<hbm>> -> memref<10240x128xf32, #tpu.memory_space<hbm>>
      tpu.enqueue_indirect_dma source(%dma_start3A_804 : memref<10240x128xf32, #tpu.memory_space<hbm>>) target(%arg8 : memref<40x128xf32, #tpu.memory_space<vmem>>) offsets(%dma_start3A_801 : memref<40xi32, #tpu.memory_space<vmem>>) semaphore(%arg13 : memref<!tpu.dma_semaphore, #tpu.memory_space<semaphore_mem>>)
      %dma_wait3A_805 = arith.constant 0 : i32
      %dma_wait3A_806 = arith.constant 1 : i32
      %dma_wait3A_807 = arith.constant 0 : i32
      %dma_wait3A_808 = tpu.memref_slice %arg7[%dma_wait3A_805, %dma_wait3A_806, %dma_wait3A_807] : memref<2x5x40xi32, #tpu.memory_space<vmem>> -> memref<1x1x40xi32, #tpu.memory_space<vmem>>
      %dma_wait3A_809 = tpu.memref_squeeze %dma_wait3A_808 : memref<1x1x40xi32, #tpu.memory_space<vmem>> -> memref<40xi32, #tpu.memory_space<vmem>>
      %dma_wait3A_810 = arith.constant 0 : i32
      %dma_wait3A_811 = arith.constant 0 : i32
      %dma_wait3A_812 = tpu.memref_slice %arg27[%dma_wait3A_810, %dma_wait3A_811] : memref<10240x128xf32, #tpu.memory_space<vmem_shared>> -> memref<10240x128xf32, #tpu.memory_space<vmem_shared>>
      tpu.wait_indirect_dma semaphore(%arg19 : memref<!tpu.dma_semaphore, #tpu.memory_space<semaphore_mem>>) src(%arg9 : memref<40x128xf32, #tpu.memory_space<vmem>>) dst(%dma_wait3A_812 : memref<10240x128xf32, #tpu.memory_space<vmem_shared>>)
      %dma_start3A_813 = arith.constant 1 : i32
      %dma_start3A_814 = arith.constant 1 : i32
      %dma_start3A_815 = arith.constant 0 : i32
      %dma_start3A_816 = tpu.memref_slice %arg6[%dma_start3A_813, %dma_start3A_814, %dma_start3A_815] : memref<2x5x40xi32, #tpu.memory_space<vmem>> -> memref<1x1x40xi32, #tpu.memory_space<vmem>>
      %dma_start3A_817 = tpu.memref_squeeze %dma_start3A_816 : memref<1x1x40xi32, #tpu.memory_space<vmem>> -> memref<40xi32, #tpu.memory_space<vmem>>
      %dma_start3A_818 = arith.constant 0 : i32
      %dma_start3A_819 = arith.constant 0 : i32
      %dma_start3A_820 = tpu.memref_slice %arg2[%dma_start3A_818, %dma_start3A_819] : memref<10240x128xf32, #tpu.memory_space<hbm>> -> memref<10240x128xf32, #tpu.memory_space<hbm>>
      tpu.enqueue_indirect_dma source(%dma_start3A_820 : memref<10240x128xf32, #tpu.memory_space<hbm>>) target(%arg9 : memref<40x128xf32, #tpu.memory_space<vmem>>) offsets(%dma_start3A_817 : memref<40xi32, #tpu.memory_space<vmem>>) semaphore(%arg14 : memref<!tpu.dma_semaphore, #tpu.memory_space<semaphore_mem>>)
      %dma_wait3A_821 = arith.constant 0 : i32
      %dma_wait3A_822 = arith.constant 2 : i32
      %dma_wait3A_823 = arith.constant 0 : i32
      %dma_wait3A_824 = tpu.memref_slice %arg7[%dma_wait3A_821, %dma_wait3A_822, %dma_wait3A_823] : memref<2x5x40xi32, #tpu.memory_space<vmem>> -> memref<1x1x40xi32, #tpu.memory_space<vmem>>
      %dma_wait3A_825 = tpu.memref_squeeze %dma_wait3A_824 : memref<1x1x40xi32, #tpu.memory_space<vmem>> -> memref<40xi32, #tpu.memory_space<vmem>>
      %dma_wait3A_826 = arith.constant 0 : i32
      %dma_wait3A_827 = arith.constant 0 : i32
      %dma_wait3A_828 = tpu.memref_slice %arg27[%dma_wait3A_826, %dma_wait3A_827] : memref<10240x128xf32, #tpu.memory_space<vmem_shared>> -> memref<10240x128xf32, #tpu.memory_space<vmem_shared>>
      tpu.wait_indirect_dma semaphore(%arg20 : memref<!tpu.dma_semaphore, #tpu.memory_space<semaphore_mem>>) src(%arg10 : memref<40x128xf32, #tpu.memory_space<vmem>>) dst(%dma_wait3A_828 : memref<10240x128xf32, #tpu.memory_space<vmem_shared>>)
      %dma_start3A_829 = arith.constant 1 : i32
      %dma_start3A_830 = arith.constant 2 : i32
      %dma_start3A_831 = arith.constant 0 : i32
      %dma_start3A_832 = tpu.memref_slice %arg6[%dma_start3A_829, %dma_start3A_830, %dma_start3A_831] : memref<2x5x40xi32, #tpu.memory_space<vmem>> -> memref<1x1x40xi32, #tpu.memory_space<vmem>>
      %dma_start3A_833 = tpu.memref_squeeze %dma_start3A_832 : memref<1x1x40xi32, #tpu.memory_space<vmem>> -> memref<40xi32, #tpu.memory_space<vmem>>
      %dma_start3A_834 = arith.constant 0 : i32
      %dma_start3A_835 = arith.constant 0 : i32
      %dma_start3A_836 = tpu.memref_slice %arg2[%dma_start3A_834, %dma_start3A_835] : memref<10240x128xf32, #tpu.memory_space<hbm>> -> memref<10240x128xf32, #tpu.memory_space<hbm>>
      tpu.enqueue_indirect_dma source(%dma_start3A_836 : memref<10240x128xf32, #tpu.memory_space<hbm>>) target(%arg10 : memref<40x128xf32, #tpu.memory_space<vmem>>) offsets(%dma_start3A_833 : memref<40xi32, #tpu.memory_space<vmem>>) semaphore(%arg15 : memref<!tpu.dma_semaphore, #tpu.memory_space<semaphore_mem>>)
      %dma_wait3A_837 = arith.constant 0 : i32
      %dma_wait3A_838 = arith.constant 3 : i32
      %dma_wait3A_839 = arith.constant 0 : i32
      %dma_wait3A_840 = tpu.memref_slice %arg7[%dma_wait3A_837, %dma_wait3A_838, %dma_wait3A_839] : memref<2x5x40xi32, #tpu.memory_space<vmem>> -> memref<1x1x40xi32, #tpu.memory_space<vmem>>
      %dma_wait3A_841 = tpu.memref_squeeze %dma_wait3A_840 : memref<1x1x40xi32, #tpu.memory_space<vmem>> -> memref<40xi32, #tpu.memory_space<vmem>>
      %dma_wait3A_842 = arith.constant 0 : i32
      %dma_wait3A_843 = arith.constant 0 : i32
      %dma_wait3A_844 = tpu.memref_slice %arg27[%dma_wait3A_842, %dma_wait3A_843] : memref<10240x128xf32, #tpu.memory_space<vmem_shared>> -> memref<10240x128xf32, #tpu.memory_space<vmem_shared>>
      tpu.wait_indirect_dma semaphore(%arg21 : memref<!tpu.dma_semaphore, #tpu.memory_space<semaphore_mem>>) src(%arg11 : memref<40x128xf32, #tpu.memory_space<vmem>>) dst(%dma_wait3A_844 : memref<10240x128xf32, #tpu.memory_space<vmem_shared>>)
      %dma_start3A_845 = arith.constant 1 : i32
      %dma_start3A_846 = arith.constant 3 : i32
      %dma_start3A_847 = arith.constant 0 : i32
      %dma_start3A_848 = tpu.memref_slice %arg6[%dma_start3A_845, %dma_start3A_846, %dma_start3A_847] : memref<2x5x40xi32, #tpu.memory_space<vmem>> -> memref<1x1x40xi32, #tpu.memory_space<vmem>>
      %dma_start3A_849 = tpu.memref_squeeze %dma_start3A_848 : memref<1x1x40xi32, #tpu.memory_space<vmem>> -> memref<40xi32, #tpu.memory_space<vmem>>
      %dma_start3A_850 = arith.constant 0 : i32
      %dma_start3A_851 = arith.constant 0 : i32
      %dma_start3A_852 = tpu.memref_slice %arg2[%dma_start3A_850, %dma_start3A_851] : memref<10240x128xf32, #tpu.memory_space<hbm>> -> memref<10240x128xf32, #tpu.memory_space<hbm>>
      tpu.enqueue_indirect_dma source(%dma_start3A_852 : memref<10240x128xf32, #tpu.memory_space<hbm>>) target(%arg11 : memref<40x128xf32, #tpu.memory_space<vmem>>) offsets(%dma_start3A_849 : memref<40xi32, #tpu.memory_space<vmem>>) semaphore(%arg16 : memref<!tpu.dma_semaphore, #tpu.memory_space<semaphore_mem>>)
      %dma_wait3A_853 = arith.constant 0 : i32
      %dma_wait3A_854 = arith.constant 4 : i32
      %dma_wait3A_855 = arith.constant 0 : i32
      %dma_wait3A_856 = tpu.memref_slice %arg7[%dma_wait3A_853, %dma_wait3A_854, %dma_wait3A_855] : memref<2x5x40xi32, #tpu.memory_space<vmem>> -> memref<1x1x40xi32, #tpu.memory_space<vmem>>
      %dma_wait3A_857 = tpu.memref_squeeze %dma_wait3A_856 : memref<1x1x40xi32, #tpu.memory_space<vmem>> -> memref<40xi32, #tpu.memory_space<vmem>>
      %dma_wait3A_858 = arith.constant 0 : i32
      %dma_wait3A_859 = arith.constant 0 : i32
      %dma_wait3A_860 = tpu.memref_slice %arg27[%dma_wait3A_858, %dma_wait3A_859] : memref<10240x128xf32, #tpu.memory_space<vmem_shared>> -> memref<10240x128xf32, #tpu.memory_space<vmem_shared>>
      tpu.wait_indirect_dma semaphore(%arg22 : memref<!tpu.dma_semaphore, #tpu.memory_space<semaphore_mem>>) src(%arg12 : memref<40x128xf32, #tpu.memory_space<vmem>>) dst(%dma_wait3A_860 : memref<10240x128xf32, #tpu.memory_space<vmem_shared>>)
      %dma_start3A_861 = arith.constant 1 : i32
      %dma_start3A_862 = arith.constant 4 : i32
      %dma_start3A_863 = arith.constant 0 : i32
      %dma_start3A_864 = tpu.memref_slice %arg6[%dma_start3A_861, %dma_start3A_862, %dma_start3A_863] : memref<2x5x40xi32, #tpu.memory_space<vmem>> -> memref<1x1x40xi32, #tpu.memory_space<vmem>>
      %dma_start3A_865 = tpu.memref_squeeze %dma_start3A_864 : memref<1x1x40xi32, #tpu.memory_space<vmem>> -> memref<40xi32, #tpu.memory_space<vmem>>
      %dma_start3A_866 = arith.constant 0 : i32
      %dma_start3A_867 = arith.constant 0 : i32
      %dma_start3A_868 = tpu.memref_slice %arg2[%dma_start3A_866, %dma_start3A_867] : memref<10240x128xf32, #tpu.memory_space<hbm>> -> memref<10240x128xf32, #tpu.memory_space<hbm>>
      tpu.enqueue_indirect_dma source(%dma_start3A_868 : memref<10240x128xf32, #tpu.memory_space<hbm>>) target(%arg12 : memref<40x128xf32, #tpu.memory_space<vmem>>) offsets(%dma_start3A_865 : memref<40xi32, #tpu.memory_space<vmem>>) semaphore(%arg17 : memref<!tpu.dma_semaphore, #tpu.memory_space<semaphore_mem>>)
      %add3A_869 = arith.constant 2 : i32
      %add3A_870 = arith.addi %mul3A_672, %add3A_869 : i32
      %dma_start3A_871 = arith.constant 0 : i32
      %dma_start3A_872 = arith.constant 0 : i32
      %dma_start3A_873 = arith.constant 0 : i32
      %dma_start3A_874 = tpu.memref_slice %arg6[%dma_start3A_871, %dma_start3A_872, %dma_start3A_873] : memref<2x5x40xi32, #tpu.memory_space<vmem>> -> memref<1x5x40xi32, #tpu.memory_space<vmem>>
      %dma_start3A_875 = tpu.memref_squeeze %dma_start3A_874 : memref<1x5x40xi32, #tpu.memory_space<vmem>> -> memref<5x40xi32, #tpu.memory_space<vmem>>
      %dma_start3A_876 = arith.constant 0 : i32
      %dma_start3A_877 = arith.constant 0 : i32
      %dma_start3A_878 = tpu.memref_slice %arg3[%add3A, %add3A_870, %dma_start3A_876, %dma_start3A_877] : memref<32x50x5x40xi32, #tpu.memory_space<hbm>> -> memref<1x1x5x40xi32, #tpu.memory_space<hbm>>
      %dma_start3A_879 = tpu.memref_squeeze %dma_start3A_878 : memref<1x1x5x40xi32, #tpu.memory_space<hbm>> -> memref<5x40xi32, #tpu.memory_space<hbm>>
      %dma_start3A_880 = arith.constant 0 : i32
      %dma_start3A_881 = arith.constant 0 : i32
      %dma_start3A_882 = tpu.memref_slice %arg6[%dma_start3A_871, %dma_start3A_880, %dma_start3A_881] : memref<2x5x40xi32, #tpu.memory_space<vmem>> -> memref<1x5x40xi32, #tpu.memory_space<vmem>>
      %dma_start3A_883 = tpu.memref_squeeze %dma_start3A_882 : memref<1x5x40xi32, #tpu.memory_space<vmem>> -> memref<5x40xi32, #tpu.memory_space<vmem>>
      %dma_start3A_884 = arith.constant 0 : i32
      %dma_start3A_885 = arith.constant 0 : i32
      %dma_start3A_886 = tpu.memref_slice %arg3[%add3A, %add3A_870, %dma_start3A_884, %dma_start3A_885] : memref<32x50x5x40xi32, #tpu.memory_space<hbm>> -> memref<1x1x5x40xi32, #tpu.memory_space<hbm>>
      %dma_start3A_887 = tpu.memref_squeeze %dma_start3A_886 : memref<1x1x5x40xi32, #tpu.memory_space<hbm>> -> memref<5x40xi32, #tpu.memory_space<hbm>>
      tpu.enqueue_dma source(%dma_start3A_887 : memref<5x40xi32, #tpu.memory_space<hbm>>) target(%dma_start3A_883 : memref<5x40xi32, #tpu.memory_space<vmem>>) target_semaphore(%arg23 : memref<!tpu.dma_semaphore, #tpu.memory_space<semaphore_mem>>)
      %dma_start3A_888 = arith.constant 0 : i32
      %dma_start3A_889 = arith.constant 0 : i32
      %dma_start3A_890 = arith.constant 0 : i32
      %dma_start3A_891 = tpu.memref_slice %arg7[%dma_start3A_888, %dma_start3A_889, %dma_start3A_890] : memref<2x5x40xi32, #tpu.memory_space<vmem>> -> memref<1x5x40xi32, #tpu.memory_space<vmem>>
      %dma_start3A_892 = tpu.memref_squeeze %dma_start3A_891 : memref<1x5x40xi32, #tpu.memory_space<vmem>> -> memref<5x40xi32, #tpu.memory_space<vmem>>
      %dma_start3A_893 = arith.constant 0 : i32
      %dma_start3A_894 = arith.constant 0 : i32
      %dma_start3A_895 = tpu.memref_slice %arg4[%add3A, %add3A_870, %dma_start3A_893, %dma_start3A_894] : memref<32x50x5x40xi32, #tpu.memory_space<hbm>> -> memref<1x1x5x40xi32, #tpu.memory_space<hbm>>
      %dma_start3A_896 = tpu.memref_squeeze %dma_start3A_895 : memref<1x1x5x40xi32, #tpu.memory_space<hbm>> -> memref<5x40xi32, #tpu.memory_space<hbm>>
      %dma_start3A_897 = arith.constant 0 : i32
      %dma_start3A_898 = arith.constant 0 : i32
      %dma_start3A_899 = tpu.memref_slice %arg7[%dma_start3A_888, %dma_start3A_897, %dma_start3A_898] : memref<2x5x40xi32, #tpu.memory_space<vmem>> -> memref<1x5x40xi32, #tpu.memory_space<vmem>>
      %dma_start3A_900 = tpu.memref_squeeze %dma_start3A_899 : memref<1x5x40xi32, #tpu.memory_space<vmem>> -> memref<5x40xi32, #tpu.memory_space<vmem>>
      %dma_start3A_901 = arith.constant 0 : i32
      %dma_start3A_902 = arith.constant 0 : i32
      %dma_start3A_903 = tpu.memref_slice %arg4[%add3A, %add3A_870, %dma_start3A_901, %dma_start3A_902] : memref<32x50x5x40xi32, #tpu.memory_space<hbm>> -> memref<1x1x5x40xi32, #tpu.memory_space<hbm>>
      %dma_start3A_904 = tpu.memref_squeeze %dma_start3A_903 : memref<1x1x5x40xi32, #tpu.memory_space<hbm>> -> memref<5x40xi32, #tpu.memory_space<hbm>>
      tpu.enqueue_dma source(%dma_start3A_904 : memref<5x40xi32, #tpu.memory_space<hbm>>) target(%dma_start3A_900 : memref<5x40xi32, #tpu.memory_space<vmem>>) target_semaphore(%arg25 : memref<!tpu.dma_semaphore, #tpu.memory_space<semaphore_mem>>)
      %dma_wait3A_905 = arith.constant 1 : i32
      %dma_wait3A_906 = arith.constant 0 : i32
      %dma_wait3A_907 = arith.constant 0 : i32
      %dma_wait3A_908 = tpu.memref_slice %arg6[%dma_wait3A_905, %dma_wait3A_906, %dma_wait3A_907] : memref<2x5x40xi32, #tpu.memory_space<vmem>> -> memref<1x1x40xi32, #tpu.memory_space<vmem>>
      %dma_wait3A_909 = tpu.memref_squeeze %dma_wait3A_908 : memref<1x1x40xi32, #tpu.memory_space<vmem>> -> memref<40xi32, #tpu.memory_space<vmem>>
      %dma_wait3A_910 = arith.constant 0 : i32
      %dma_wait3A_911 = arith.constant 0 : i32
      %dma_wait3A_912 = tpu.memref_slice %arg2[%dma_wait3A_910, %dma_wait3A_911] : memref<10240x128xf32, #tpu.memory_space<hbm>> -> memref<10240x128xf32, #tpu.memory_space<hbm>>
      tpu.wait_indirect_dma semaphore(%arg13 : memref<!tpu.dma_semaphore, #tpu.memory_space<semaphore_mem>>) src(%dma_wait3A_912 : memref<10240x128xf32, #tpu.memory_space<hbm>>) dst(%arg8 : memref<40x128xf32, #tpu.memory_space<vmem>>)
      %dma_start3A_913 = arith.constant 1 : i32
      %dma_start3A_914 = arith.constant 0 : i32
      %dma_start3A_915 = arith.constant 0 : i32
      %dma_start3A_916 = tpu.memref_slice %arg7[%dma_start3A_913, %dma_start3A_914, %dma_start3A_915] : memref<2x5x40xi32, #tpu.memory_space<vmem>> -> memref<1x1x40xi32, #tpu.memory_space<vmem>>
      %dma_start3A_917 = tpu.memref_squeeze %dma_start3A_916 : memref<1x1x40xi32, #tpu.memory_space<vmem>> -> memref<40xi32, #tpu.memory_space<vmem>>
      %dma_start3A_918 = arith.constant 0 : i32
      %dma_start3A_919 = arith.constant 0 : i32
      %dma_start3A_920 = tpu.memref_slice %arg27[%dma_start3A_918, %dma_start3A_919] : memref<10240x128xf32, #tpu.memory_space<vmem_shared>> -> memref<10240x128xf32, #tpu.memory_space<vmem_shared>>
      tpu.enqueue_indirect_dma source(%arg8 : memref<40x128xf32, #tpu.memory_space<vmem>>) target(%dma_start3A_920 : memref<10240x128xf32, #tpu.memory_space<vmem_shared>>) offsets(%dma_start3A_917 : memref<40xi32, #tpu.memory_space<vmem>>) semaphore(%arg18 : memref<!tpu.dma_semaphore, #tpu.memory_space<semaphore_mem>>) {add = true}
      %dma_wait3A_921 = arith.constant 1 : i32
      %dma_wait3A_922 = arith.constant 1 : i32
      %dma_wait3A_923 = arith.constant 0 : i32
      %dma_wait3A_924 = tpu.memref_slice %arg6[%dma_wait3A_921, %dma_wait3A_922, %dma_wait3A_923] : memref<2x5x40xi32, #tpu.memory_space<vmem>> -> memref<1x1x40xi32, #tpu.memory_space<vmem>>
      %dma_wait3A_925 = tpu.memref_squeeze %dma_wait3A_924 : memref<1x1x40xi32, #tpu.memory_space<vmem>> -> memref<40xi32, #tpu.memory_space<vmem>>
      %dma_wait3A_926 = arith.constant 0 : i32
      %dma_wait3A_927 = arith.constant 0 : i32
      %dma_wait3A_928 = tpu.memref_slice %arg2[%dma_wait3A_926, %dma_wait3A_927] : memref<10240x128xf32, #tpu.memory_space<hbm>> -> memref<10240x128xf32, #tpu.memory_space<hbm>>
      tpu.wait_indirect_dma semaphore(%arg14 : memref<!tpu.dma_semaphore, #tpu.memory_space<semaphore_mem>>) src(%dma_wait3A_928 : memref<10240x128xf32, #tpu.memory_space<hbm>>) dst(%arg9 : memref<40x128xf32, #tpu.memory_space<vmem>>)
      %dma_start3A_929 = arith.constant 1 : i32
      %dma_start3A_930 = arith.constant 1 : i32
      %dma_start3A_931 = arith.constant 0 : i32
      %dma_start3A_932 = tpu.memref_slice %arg7[%dma_start3A_929, %dma_start3A_930, %dma_start3A_931] : memref<2x5x40xi32, #tpu.memory_space<vmem>> -> memref<1x1x40xi32, #tpu.memory_space<vmem>>
      %dma_start3A_933 = tpu.memref_squeeze %dma_start3A_932 : memref<1x1x40xi32, #tpu.memory_space<vmem>> -> memref<40xi32, #tpu.memory_space<vmem>>
      %dma_start3A_934 = arith.constant 0 : i32
      %dma_start3A_935 = arith.constant 0 : i32
      %dma_start3A_936 = tpu.memref_slice %arg27[%dma_start3A_934, %dma_start3A_935] : memref<10240x128xf32, #tpu.memory_space<vmem_shared>> -> memref<10240x128xf32, #tpu.memory_space<vmem_shared>>
      tpu.enqueue_indirect_dma source(%arg9 : memref<40x128xf32, #tpu.memory_space<vmem>>) target(%dma_start3A_936 : memref<10240x128xf32, #tpu.memory_space<vmem_shared>>) offsets(%dma_start3A_933 : memref<40xi32, #tpu.memory_space<vmem>>) semaphore(%arg19 : memref<!tpu.dma_semaphore, #tpu.memory_space<semaphore_mem>>) {add = true}
      %dma_wait3A_937 = arith.constant 1 : i32
      %dma_wait3A_938 = arith.constant 2 : i32
      %dma_wait3A_939 = arith.constant 0 : i32
      %dma_wait3A_940 = tpu.memref_slice %arg6[%dma_wait3A_937, %dma_wait3A_938, %dma_wait3A_939] : memref<2x5x40xi32, #tpu.memory_space<vmem>> -> memref<1x1x40xi32, #tpu.memory_space<vmem>>
      %dma_wait3A_941 = tpu.memref_squeeze %dma_wait3A_940 : memref<1x1x40xi32, #tpu.memory_space<vmem>> -> memref<40xi32, #tpu.memory_space<vmem>>
      %dma_wait3A_942 = arith.constant 0 : i32
      %dma_wait3A_943 = arith.constant 0 : i32
      %dma_wait3A_944 = tpu.memref_slice %arg2[%dma_wait3A_942, %dma_wait3A_943] : memref<10240x128xf32, #tpu.memory_space<hbm>> -> memref<10240x128xf32, #tpu.memory_space<hbm>>
      tpu.wait_indirect_dma semaphore(%arg15 : memref<!tpu.dma_semaphore, #tpu.memory_space<semaphore_mem>>) src(%dma_wait3A_944 : memref<10240x128xf32, #tpu.memory_space<hbm>>) dst(%arg10 : memref<40x128xf32, #tpu.memory_space<vmem>>)
      %dma_start3A_945 = arith.constant 1 : i32
      %dma_start3A_946 = arith.constant 2 : i32
      %dma_start3A_947 = arith.constant 0 : i32
      %dma_start3A_948 = tpu.memref_slice %arg7[%dma_start3A_945, %dma_start3A_946, %dma_start3A_947] : memref<2x5x40xi32, #tpu.memory_space<vmem>> -> memref<1x1x40xi32, #tpu.memory_space<vmem>>
      %dma_start3A_949 = tpu.memref_squeeze %dma_start3A_948 : memref<1x1x40xi32, #tpu.memory_space<vmem>> -> memref<40xi32, #tpu.memory_space<vmem>>
      %dma_start3A_950 = arith.constant 0 : i32
      %dma_start3A_951 = arith.constant 0 : i32
      %dma_start3A_952 = tpu.memref_slice %arg27[%dma_start3A_950, %dma_start3A_951] : memref<10240x128xf32, #tpu.memory_space<vmem_shared>> -> memref<10240x128xf32, #tpu.memory_space<vmem_shared>>
      tpu.enqueue_indirect_dma source(%arg10 : memref<40x128xf32, #tpu.memory_space<vmem>>) target(%dma_start3A_952 : memref<10240x128xf32, #tpu.memory_space<vmem_shared>>) offsets(%dma_start3A_949 : memref<40xi32, #tpu.memory_space<vmem>>) semaphore(%arg20 : memref<!tpu.dma_semaphore, #tpu.memory_space<semaphore_mem>>) {add = true}
      %dma_wait3A_953 = arith.constant 1 : i32
      %dma_wait3A_954 = arith.constant 3 : i32
      %dma_wait3A_955 = arith.constant 0 : i32
      %dma_wait3A_956 = tpu.memref_slice %arg6[%dma_wait3A_953, %dma_wait3A_954, %dma_wait3A_955] : memref<2x5x40xi32, #tpu.memory_space<vmem>> -> memref<1x1x40xi32, #tpu.memory_space<vmem>>
      %dma_wait3A_957 = tpu.memref_squeeze %dma_wait3A_956 : memref<1x1x40xi32, #tpu.memory_space<vmem>> -> memref<40xi32, #tpu.memory_space<vmem>>
      %dma_wait3A_958 = arith.constant 0 : i32
      %dma_wait3A_959 = arith.constant 0 : i32
      %dma_wait3A_960 = tpu.memref_slice %arg2[%dma_wait3A_958, %dma_wait3A_959] : memref<10240x128xf32, #tpu.memory_space<hbm>> -> memref<10240x128xf32, #tpu.memory_space<hbm>>
      tpu.wait_indirect_dma semaphore(%arg16 : memref<!tpu.dma_semaphore, #tpu.memory_space<semaphore_mem>>) src(%dma_wait3A_960 : memref<10240x128xf32, #tpu.memory_space<hbm>>) dst(%arg11 : memref<40x128xf32, #tpu.memory_space<vmem>>)
      %dma_start3A_961 = arith.constant 1 : i32
      %dma_start3A_962 = arith.constant 3 : i32
      %dma_start3A_963 = arith.constant 0 : i32
      %dma_start3A_964 = tpu.memref_slice %arg7[%dma_start3A_961, %dma_start3A_962, %dma_start3A_963] : memref<2x5x40xi32, #tpu.memory_space<vmem>> -> memref<1x1x40xi32, #tpu.memory_space<vmem>>
      %dma_start3A_965 = tpu.memref_squeeze %dma_start3A_964 : memref<1x1x40xi32, #tpu.memory_space<vmem>> -> memref<40xi32, #tpu.memory_space<vmem>>
      %dma_start3A_966 = arith.constant 0 : i32
      %dma_start3A_967 = arith.constant 0 : i32
      %dma_start3A_968 = tpu.memref_slice %arg27[%dma_start3A_966, %dma_start3A_967] : memref<10240x128xf32, #tpu.memory_space<vmem_shared>> -> memref<10240x128xf32, #tpu.memory_space<vmem_shared>>
      tpu.enqueue_indirect_dma source(%arg11 : memref<40x128xf32, #tpu.memory_space<vmem>>) target(%dma_start3A_968 : memref<10240x128xf32, #tpu.memory_space<vmem_shared>>) offsets(%dma_start3A_965 : memref<40xi32, #tpu.memory_space<vmem>>) semaphore(%arg21 : memref<!tpu.dma_semaphore, #tpu.memory_space<semaphore_mem>>) {add = true}
      %dma_wait3A_969 = arith.constant 1 : i32
      %dma_wait3A_970 = arith.constant 4 : i32
      %dma_wait3A_971 = arith.constant 0 : i32
      %dma_wait3A_972 = tpu.memref_slice %arg6[%dma_wait3A_969, %dma_wait3A_970, %dma_wait3A_971] : memref<2x5x40xi32, #tpu.memory_space<vmem>> -> memref<1x1x40xi32, #tpu.memory_space<vmem>>
      %dma_wait3A_973 = tpu.memref_squeeze %dma_wait3A_972 : memref<1x1x40xi32, #tpu.memory_space<vmem>> -> memref<40xi32, #tpu.memory_space<vmem>>
      %dma_wait3A_974 = arith.constant 0 : i32
      %dma_wait3A_975 = arith.constant 0 : i32
      %dma_wait3A_976 = tpu.memref_slice %arg2[%dma_wait3A_974, %dma_wait3A_975] : memref<10240x128xf32, #tpu.memory_space<hbm>> -> memref<10240x128xf32, #tpu.memory_space<hbm>>
      tpu.wait_indirect_dma semaphore(%arg17 : memref<!tpu.dma_semaphore, #tpu.memory_space<semaphore_mem>>) src(%dma_wait3A_976 : memref<10240x128xf32, #tpu.memory_space<hbm>>) dst(%arg12 : memref<40x128xf32, #tpu.memory_space<vmem>>)
      %dma_start3A_977 = arith.constant 1 : i32
      %dma_start3A_978 = arith.constant 4 : i32
      %dma_start3A_979 = arith.constant 0 : i32
      %dma_start3A_980 = tpu.memref_slice %arg7[%dma_start3A_977, %dma_start3A_978, %dma_start3A_979] : memref<2x5x40xi32, #tpu.memory_space<vmem>> -> memref<1x1x40xi32, #tpu.memory_space<vmem>>
      %dma_start3A_981 = tpu.memref_squeeze %dma_start3A_980 : memref<1x1x40xi32, #tpu.memory_space<vmem>> -> memref<40xi32, #tpu.memory_space<vmem>>
      %dma_start3A_982 = arith.constant 0 : i32
      %dma_start3A_983 = arith.constant 0 : i32
      %dma_start3A_984 = tpu.memref_slice %arg27[%dma_start3A_982, %dma_start3A_983] : memref<10240x128xf32, #tpu.memory_space<vmem_shared>> -> memref<10240x128xf32, #tpu.memory_space<vmem_shared>>
      tpu.enqueue_indirect_dma source(%arg12 : memref<40x128xf32, #tpu.memory_space<vmem>>) target(%dma_start3A_984 : memref<10240x128xf32, #tpu.memory_space<vmem_shared>>) offsets(%dma_start3A_981 : memref<40xi32, #tpu.memory_space<vmem>>) semaphore(%arg22 : memref<!tpu.dma_semaphore, #tpu.memory_space<semaphore_mem>>) {add = true}
      %add3A_985 = arith.constant 2 : i32
      %add3A_986 = arith.addi %mul3A_672, %add3A_985 : i32
      %dma_wait3A_987 = arith.constant 0 : i32
      %dma_wait3A_988 = arith.constant 0 : i32
      %dma_wait3A_989 = arith.constant 0 : i32
      %dma_wait3A_990 = tpu.memref_slice %arg6[%dma_wait3A_987, %dma_wait3A_988, %dma_wait3A_989] : memref<2x5x40xi32, #tpu.memory_space<vmem>> -> memref<1x5x40xi32, #tpu.memory_space<vmem>>
      %dma_wait3A_991 = tpu.memref_squeeze %dma_wait3A_990 : memref<1x5x40xi32, #tpu.memory_space<vmem>> -> memref<5x40xi32, #tpu.memory_space<vmem>>
      %dma_wait3A_992 = arith.constant 0 : i32
      %dma_wait3A_993 = arith.constant 0 : i32
      %dma_wait3A_994 = tpu.memref_slice %arg3[%add3A, %add3A_986, %dma_wait3A_992, %dma_wait3A_993] : memref<32x50x5x40xi32, #tpu.memory_space<hbm>> -> memref<1x1x5x40xi32, #tpu.memory_space<hbm>>
      %dma_wait3A_995 = tpu.memref_squeeze %dma_wait3A_994 : memref<1x1x5x40xi32, #tpu.memory_space<hbm>> -> memref<5x40xi32, #tpu.memory_space<hbm>>
      %dma_wait3A_996 = arith.constant 0 : i32
      %dma_wait3A_997 = arith.constant 0 : i32
      %dma_wait3A_998 = tpu.memref_slice %arg6[%dma_wait3A_987, %dma_wait3A_996, %dma_wait3A_997] : memref<2x5x40xi32, #tpu.memory_space<vmem>> -> memref<1x5x40xi32, #tpu.memory_space<vmem>>
      %dma_wait3A_999 = tpu.memref_squeeze %dma_wait3A_998 : memref<1x5x40xi32, #tpu.memory_space<vmem>> -> memref<5x40xi32, #tpu.memory_space<vmem>>
      %dma_wait3A_1000 = arith.constant 0 : i32
      %dma_wait3A_1001 = arith.constant 0 : i32
      %dma_wait3A_1002 = tpu.memref_slice %arg3[%add3A, %add3A_986, %dma_wait3A_1000, %dma_wait3A_1001] : memref<32x50x5x40xi32, #tpu.memory_space<hbm>> -> memref<1x1x5x40xi32, #tpu.memory_space<hbm>>
      %dma_wait3A_1003 = tpu.memref_squeeze %dma_wait3A_1002 : memref<1x1x5x40xi32, #tpu.memory_space<hbm>> -> memref<5x40xi32, #tpu.memory_space<hbm>>
      tpu.wait_dma2 semaphore(%arg23 : memref<!tpu.dma_semaphore, #tpu.memory_space<semaphore_mem>>) src(%dma_wait3A_1003 : memref<5x40xi32, #tpu.memory_space<hbm>>) dst(%dma_wait3A_999 : memref<5x40xi32, #tpu.memory_space<vmem>>)
      %dma_wait3A_1004 = arith.constant 0 : i32
      %dma_wait3A_1005 = arith.constant 0 : i32
      %dma_wait3A_1006 = arith.constant 0 : i32
      %dma_wait3A_1007 = tpu.memref_slice %arg7[%dma_wait3A_1004, %dma_wait3A_1005, %dma_wait3A_1006] : memref<2x5x40xi32, #tpu.memory_space<vmem>> -> memref<1x5x40xi32, #tpu.memory_space<vmem>>
      %dma_wait3A_1008 = tpu.memref_squeeze %dma_wait3A_1007 : memref<1x5x40xi32, #tpu.memory_space<vmem>> -> memref<5x40xi32, #tpu.memory_space<vmem>>
      %dma_wait3A_1009 = arith.constant 0 : i32
      %dma_wait3A_1010 = arith.constant 0 : i32
      %dma_wait3A_1011 = tpu.memref_slice %arg4[%add3A, %add3A_986, %dma_wait3A_1009, %dma_wait3A_1010] : memref<32x50x5x40xi32, #tpu.memory_space<hbm>> -> memref<1x1x5x40xi32, #tpu.memory_space<hbm>>
      %dma_wait3A_1012 = tpu.memref_squeeze %dma_wait3A_1011 : memref<1x1x5x40xi32, #tpu.memory_space<hbm>> -> memref<5x40xi32, #tpu.memory_space<hbm>>
      %dma_wait3A_1013 = arith.constant 0 : i32
      %dma_wait3A_1014 = arith.constant 0 : i32
      %dma_wait3A_1015 = tpu.memref_slice %arg7[%dma_wait3A_1004, %dma_wait3A_1013, %dma_wait3A_1014] : memref<2x5x40xi32, #tpu.memory_space<vmem>> -> memref<1x5x40xi32, #tpu.memory_space<vmem>>
      %dma_wait3A_1016 = tpu.memref_squeeze %dma_wait3A_1015 : memref<1x5x40xi32, #tpu.memory_space<vmem>> -> memref<5x40xi32, #tpu.memory_space<vmem>>
      %dma_wait3A_1017 = arith.constant 0 : i32
      %dma_wait3A_1018 = arith.constant 0 : i32
      %dma_wait3A_1019 = tpu.memref_slice %arg4[%add3A, %add3A_986, %dma_wait3A_1017, %dma_wait3A_1018] : memref<32x50x5x40xi32, #tpu.memory_space<hbm>> -> memref<1x1x5x40xi32, #tpu.memory_space<hbm>>
      %dma_wait3A_1020 = tpu.memref_squeeze %dma_wait3A_1019 : memref<1x1x5x40xi32, #tpu.memory_space<hbm>> -> memref<5x40xi32, #tpu.memory_space<hbm>>
      tpu.wait_dma2 semaphore(%arg25 : memref<!tpu.dma_semaphore, #tpu.memory_space<semaphore_mem>>) src(%dma_wait3A_1020 : memref<5x40xi32, #tpu.memory_space<hbm>>) dst(%dma_wait3A_1016 : memref<5x40xi32, #tpu.memory_space<vmem>>)
      %dma_wait3A_1021 = arith.constant 1 : i32
      %dma_wait3A_1022 = arith.constant 0 : i32
      %dma_wait3A_1023 = arith.constant 0 : i32
      %dma_wait3A_1024 = tpu.memref_slice %arg7[%dma_wait3A_1021, %dma_wait3A_1022, %dma_wait3A_1023] : memref<2x5x40xi32, #tpu.memory_space<vmem>> -> memref<1x1x40xi32, #tpu.memory_space<vmem>>
      %dma_wait3A_1025 = tpu.memref_squeeze %dma_wait3A_1024 : memref<1x1x40xi32, #tpu.memory_space<vmem>> -> memref<40xi32, #tpu.memory_space<vmem>>
      %dma_wait3A_1026 = arith.constant 0 : i32
      %dma_wait3A_1027 = arith.constant 0 : i32
      %dma_wait3A_1028 = tpu.memref_slice %arg27[%dma_wait3A_1026, %dma_wait3A_1027] : memref<10240x128xf32, #tpu.memory_space<vmem_shared>> -> memref<10240x128xf32, #tpu.memory_space<vmem_shared>>
      tpu.wait_indirect_dma semaphore(%arg18 : memref<!tpu.dma_semaphore, #tpu.memory_space<semaphore_mem>>) src(%arg8 : memref<40x128xf32, #tpu.memory_space<vmem>>) dst(%dma_wait3A_1028 : memref<10240x128xf32, #tpu.memory_space<vmem_shared>>)
      %dma_start3A_1029 = arith.constant 0 : i32
      %dma_start3A_1030 = arith.constant 0 : i32
      %dma_start3A_1031 = arith.constant 0 : i32
      %dma_start3A_1032 = tpu.memref_slice %arg6[%dma_start3A_1029, %dma_start3A_1030, %dma_start3A_1031] : memref<2x5x40xi32, #tpu.memory_space<vmem>> -> memref<1x1x40xi32, #tpu.memory_space<vmem>>
      %dma_start3A_1033 = tpu.memref_squeeze %dma_start3A_1032 : memref<1x1x40xi32, #tpu.memory_space<vmem>> -> memref<40xi32, #tpu.memory_space<vmem>>
      %dma_start3A_1034 = arith.constant 0 : i32
      %dma_start3A_1035 = arith.constant 0 : i32
      %dma_start3A_1036 = tpu.memref_slice %arg2[%dma_start3A_1034, %dma_start3A_1035] : memref<10240x128xf32, #tpu.memory_space<hbm>> -> memref<10240x128xf32, #tpu.memory_space<hbm>>
      tpu.enqueue_indirect_dma source(%dma_start3A_1036 : memref<10240x128xf32, #tpu.memory_space<hbm>>) target(%arg8 : memref<40x128xf32, #tpu.memory_space<vmem>>) offsets(%dma_start3A_1033 : memref<40xi32, #tpu.memory_space<vmem>>) semaphore(%arg13 : memref<!tpu.dma_semaphore, #tpu.memory_space<semaphore_mem>>)
      %dma_wait3A_1037 = arith.constant 1 : i32
      %dma_wait3A_1038 = arith.constant 1 : i32
      %dma_wait3A_1039 = arith.constant 0 : i32
      %dma_wait3A_1040 = tpu.memref_slice %arg7[%dma_wait3A_1037, %dma_wait3A_1038, %dma_wait3A_1039] : memref<2x5x40xi32, #tpu.memory_space<vmem>> -> memref<1x1x40xi32, #tpu.memory_space<vmem>>
      %dma_wait3A_1041 = tpu.memref_squeeze %dma_wait3A_1040 : memref<1x1x40xi32, #tpu.memory_space<vmem>> -> memref<40xi32, #tpu.memory_space<vmem>>
      %dma_wait3A_1042 = arith.constant 0 : i32
      %dma_wait3A_1043 = arith.constant 0 : i32
      %dma_wait3A_1044 = tpu.memref_slice %arg27[%dma_wait3A_1042, %dma_wait3A_1043] : memref<10240x128xf32, #tpu.memory_space<vmem_shared>> -> memref<10240x128xf32, #tpu.memory_space<vmem_shared>>
      tpu.wait_indirect_dma semaphore(%arg19 : memref<!tpu.dma_semaphore, #tpu.memory_space<semaphore_mem>>) src(%arg9 : memref<40x128xf32, #tpu.memory_space<vmem>>) dst(%dma_wait3A_1044 : memref<10240x128xf32, #tpu.memory_space<vmem_shared>>)
      %dma_start3A_1045 = arith.constant 0 : i32
      %dma_start3A_1046 = arith.constant 1 : i32
      %dma_start3A_1047 = arith.constant 0 : i32
      %dma_start3A_1048 = tpu.memref_slice %arg6[%dma_start3A_1045, %dma_start3A_1046, %dma_start3A_1047] : memref<2x5x40xi32, #tpu.memory_space<vmem>> -> memref<1x1x40xi32, #tpu.memory_space<vmem>>
      %dma_start3A_1049 = tpu.memref_squeeze %dma_start3A_1048 : memref<1x1x40xi32, #tpu.memory_space<vmem>> -> memref<40xi32, #tpu.memory_space<vmem>>
      %dma_start3A_1050 = arith.constant 0 : i32
      %dma_start3A_1051 = arith.constant 0 : i32
      %dma_start3A_1052 = tpu.memref_slice %arg2[%dma_start3A_1050, %dma_start3A_1051] : memref<10240x128xf32, #tpu.memory_space<hbm>> -> memref<10240x128xf32, #tpu.memory_space<hbm>>
      tpu.enqueue_indirect_dma source(%dma_start3A_1052 : memref<10240x128xf32, #tpu.memory_space<hbm>>) target(%arg9 : memref<40x128xf32, #tpu.memory_space<vmem>>) offsets(%dma_start3A_1049 : memref<40xi32, #tpu.memory_space<vmem>>) semaphore(%arg14 : memref<!tpu.dma_semaphore, #tpu.memory_space<semaphore_mem>>)
      %dma_wait3A_1053 = arith.constant 1 : i32
      %dma_wait3A_1054 = arith.constant 2 : i32
      %dma_wait3A_1055 = arith.constant 0 : i32
      %dma_wait3A_1056 = tpu.memref_slice %arg7[%dma_wait3A_1053, %dma_wait3A_1054, %dma_wait3A_1055] : memref<2x5x40xi32, #tpu.memory_space<vmem>> -> memref<1x1x40xi32, #tpu.memory_space<vmem>>
      %dma_wait3A_1057 = tpu.memref_squeeze %dma_wait3A_1056 : memref<1x1x40xi32, #tpu.memory_space<vmem>> -> memref<40xi32, #tpu.memory_space<vmem>>
      %dma_wait3A_1058 = arith.constant 0 : i32
      %dma_wait3A_1059 = arith.constant 0 : i32
      %dma_wait3A_1060 = tpu.memref_slice %arg27[%dma_wait3A_1058, %dma_wait3A_1059] : memref<10240x128xf32, #tpu.memory_space<vmem_shared>> -> memref<10240x128xf32, #tpu.memory_space<vmem_shared>>
      tpu.wait_indirect_dma semaphore(%arg20 : memref<!tpu.dma_semaphore, #tpu.memory_space<semaphore_mem>>) src(%arg10 : memref<40x128xf32, #tpu.memory_space<vmem>>) dst(%dma_wait3A_1060 : memref<10240x128xf32, #tpu.memory_space<vmem_shared>>)
      %dma_start3A_1061 = arith.constant 0 : i32
      %dma_start3A_1062 = arith.constant 2 : i32
      %dma_start3A_1063 = arith.constant 0 : i32
      %dma_start3A_1064 = tpu.memref_slice %arg6[%dma_start3A_1061, %dma_start3A_1062, %dma_start3A_1063] : memref<2x5x40xi32, #tpu.memory_space<vmem>> -> memref<1x1x40xi32, #tpu.memory_space<vmem>>
      %dma_start3A_1065 = tpu.memref_squeeze %dma_start3A_1064 : memref<1x1x40xi32, #tpu.memory_space<vmem>> -> memref<40xi32, #tpu.memory_space<vmem>>
      %dma_start3A_1066 = arith.constant 0 : i32
      %dma_start3A_1067 = arith.constant 0 : i32
      %dma_start3A_1068 = tpu.memref_slice %arg2[%dma_start3A_1066, %dma_start3A_1067] : memref<10240x128xf32, #tpu.memory_space<hbm>> -> memref<10240x128xf32, #tpu.memory_space<hbm>>
      tpu.enqueue_indirect_dma source(%dma_start3A_1068 : memref<10240x128xf32, #tpu.memory_space<hbm>>) target(%arg10 : memref<40x128xf32, #tpu.memory_space<vmem>>) offsets(%dma_start3A_1065 : memref<40xi32, #tpu.memory_space<vmem>>) semaphore(%arg15 : memref<!tpu.dma_semaphore, #tpu.memory_space<semaphore_mem>>)
      %dma_wait3A_1069 = arith.constant 1 : i32
      %dma_wait3A_1070 = arith.constant 3 : i32
      %dma_wait3A_1071 = arith.constant 0 : i32
      %dma_wait3A_1072 = tpu.memref_slice %arg7[%dma_wait3A_1069, %dma_wait3A_1070, %dma_wait3A_1071] : memref<2x5x40xi32, #tpu.memory_space<vmem>> -> memref<1x1x40xi32, #tpu.memory_space<vmem>>
      %dma_wait3A_1073 = tpu.memref_squeeze %dma_wait3A_1072 : memref<1x1x40xi32, #tpu.memory_space<vmem>> -> memref<40xi32, #tpu.memory_space<vmem>>
      %dma_wait3A_1074 = arith.constant 0 : i32
      %dma_wait3A_1075 = arith.constant 0 : i32
      %dma_wait3A_1076 = tpu.memref_slice %arg27[%dma_wait3A_1074, %dma_wait3A_1075] : memref<10240x128xf32, #tpu.memory_space<vmem_shared>> -> memref<10240x128xf32, #tpu.memory_space<vmem_shared>>
      tpu.wait_indirect_dma semaphore(%arg21 : memref<!tpu.dma_semaphore, #tpu.memory_space<semaphore_mem>>) src(%arg11 : memref<40x128xf32, #tpu.memory_space<vmem>>) dst(%dma_wait3A_1076 : memref<10240x128xf32, #tpu.memory_space<vmem_shared>>)
      %dma_start3A_1077 = arith.constant 0 : i32
      %dma_start3A_1078 = arith.constant 3 : i32
      %dma_start3A_1079 = arith.constant 0 : i32
      %dma_start3A_1080 = tpu.memref_slice %arg6[%dma_start3A_1077, %dma_start3A_1078, %dma_start3A_1079] : memref<2x5x40xi32, #tpu.memory_space<vmem>> -> memref<1x1x40xi32, #tpu.memory_space<vmem>>
      %dma_start3A_1081 = tpu.memref_squeeze %dma_start3A_1080 : memref<1x1x40xi32, #tpu.memory_space<vmem>> -> memref<40xi32, #tpu.memory_space<vmem>>
      %dma_start3A_1082 = arith.constant 0 : i32
      %dma_start3A_1083 = arith.constant 0 : i32
      %dma_start3A_1084 = tpu.memref_slice %arg2[%dma_start3A_1082, %dma_start3A_1083] : memref<10240x128xf32, #tpu.memory_space<hbm>> -> memref<10240x128xf32, #tpu.memory_space<hbm>>
      tpu.enqueue_indirect_dma source(%dma_start3A_1084 : memref<10240x128xf32, #tpu.memory_space<hbm>>) target(%arg11 : memref<40x128xf32, #tpu.memory_space<vmem>>) offsets(%dma_start3A_1081 : memref<40xi32, #tpu.memory_space<vmem>>) semaphore(%arg16 : memref<!tpu.dma_semaphore, #tpu.memory_space<semaphore_mem>>)
      %dma_wait3A_1085 = arith.constant 1 : i32
      %dma_wait3A_1086 = arith.constant 4 : i32
      %dma_wait3A_1087 = arith.constant 0 : i32
      %dma_wait3A_1088 = tpu.memref_slice %arg7[%dma_wait3A_1085, %dma_wait3A_1086, %dma_wait3A_1087] : memref<2x5x40xi32, #tpu.memory_space<vmem>> -> memref<1x1x40xi32, #tpu.memory_space<vmem>>
      %dma_wait3A_1089 = tpu.memref_squeeze %dma_wait3A_1088 : memref<1x1x40xi32, #tpu.memory_space<vmem>> -> memref<40xi32, #tpu.memory_space<vmem>>
      %dma_wait3A_1090 = arith.constant 0 : i32
      %dma_wait3A_1091 = arith.constant 0 : i32
      %dma_wait3A_1092 = tpu.memref_slice %arg27[%dma_wait3A_1090, %dma_wait3A_1091] : memref<10240x128xf32, #tpu.memory_space<vmem_shared>> -> memref<10240x128xf32, #tpu.memory_space<vmem_shared>>
      tpu.wait_indirect_dma semaphore(%arg22 : memref<!tpu.dma_semaphore, #tpu.memory_space<semaphore_mem>>) src(%arg12 : memref<40x128xf32, #tpu.memory_space<vmem>>) dst(%dma_wait3A_1092 : memref<10240x128xf32, #tpu.memory_space<vmem_shared>>)
      %dma_start3A_1093 = arith.constant 0 : i32
      %dma_start3A_1094 = arith.constant 4 : i32
      %dma_start3A_1095 = arith.constant 0 : i32
      %dma_start3A_1096 = tpu.memref_slice %arg6[%dma_start3A_1093, %dma_start3A_1094, %dma_start3A_1095] : memref<2x5x40xi32, #tpu.memory_space<vmem>> -> memref<1x1x40xi32, #tpu.memory_space<vmem>>
      %dma_start3A_1097 = tpu.memref_squeeze %dma_start3A_1096 : memref<1x1x40xi32, #tpu.memory_space<vmem>> -> memref<40xi32, #tpu.memory_space<vmem>>
      %dma_start3A_1098 = arith.constant 0 : i32
      %dma_start3A_1099 = arith.constant 0 : i32
      %dma_start3A_1100 = tpu.memref_slice %arg2[%dma_start3A_1098, %dma_start3A_1099] : memref<10240x128xf32, #tpu.memory_space<hbm>> -> memref<10240x128xf32, #tpu.memory_space<hbm>>
      tpu.enqueue_indirect_dma source(%dma_start3A_1100 : memref<10240x128xf32, #tpu.memory_space<hbm>>) target(%arg12 : memref<40x128xf32, #tpu.memory_space<vmem>>) offsets(%dma_start3A_1097 : memref<40xi32, #tpu.memory_space<vmem>>) semaphore(%arg17 : memref<!tpu.dma_semaphore, #tpu.memory_space<semaphore_mem>>)
      %add3A_1101 = arith.constant 3 : i32
      %add3A_1102 = arith.addi %mul3A_672, %add3A_1101 : i32
      %dma_start3A_1103 = arith.constant 1 : i32
      %dma_start3A_1104 = arith.constant 0 : i32
      %dma_start3A_1105 = arith.constant 0 : i32
      %dma_start3A_1106 = tpu.memref_slice %arg6[%dma_start3A_1103, %dma_start3A_1104, %dma_start3A_1105] : memref<2x5x40xi32, #tpu.memory_space<vmem>> -> memref<1x5x40xi32, #tpu.memory_space<vmem>>
      %dma_start3A_1107 = tpu.memref_squeeze %dma_start3A_1106 : memref<1x5x40xi32, #tpu.memory_space<vmem>> -> memref<5x40xi32, #tpu.memory_space<vmem>>
      %dma_start3A_1108 = arith.constant 0 : i32
      %dma_start3A_1109 = arith.constant 0 : i32
      %dma_start3A_1110 = tpu.memref_slice %arg3[%add3A, %add3A_1102, %dma_start3A_1108, %dma_start3A_1109] : memref<32x50x5x40xi32, #tpu.memory_space<hbm>> -> memref<1x1x5x40xi32, #tpu.memory_space<hbm>>
      %dma_start3A_1111 = tpu.memref_squeeze %dma_start3A_1110 : memref<1x1x5x40xi32, #tpu.memory_space<hbm>> -> memref<5x40xi32, #tpu.memory_space<hbm>>
      %dma_start3A_1112 = arith.constant 0 : i32
      %dma_start3A_1113 = arith.constant 0 : i32
      %dma_start3A_1114 = tpu.memref_slice %arg6[%dma_start3A_1103, %dma_start3A_1112, %dma_start3A_1113] : memref<2x5x40xi32, #tpu.memory_space<vmem>> -> memref<1x5x40xi32, #tpu.memory_space<vmem>>
      %dma_start3A_1115 = tpu.memref_squeeze %dma_start3A_1114 : memref<1x5x40xi32, #tpu.memory_space<vmem>> -> memref<5x40xi32, #tpu.memory_space<vmem>>
      %dma_start3A_1116 = arith.constant 0 : i32
      %dma_start3A_1117 = arith.constant 0 : i32
      %dma_start3A_1118 = tpu.memref_slice %arg3[%add3A, %add3A_1102, %dma_start3A_1116, %dma_start3A_1117] : memref<32x50x5x40xi32, #tpu.memory_space<hbm>> -> memref<1x1x5x40xi32, #tpu.memory_space<hbm>>
      %dma_start3A_1119 = tpu.memref_squeeze %dma_start3A_1118 : memref<1x1x5x40xi32, #tpu.memory_space<hbm>> -> memref<5x40xi32, #tpu.memory_space<hbm>>
      tpu.enqueue_dma source(%dma_start3A_1119 : memref<5x40xi32, #tpu.memory_space<hbm>>) target(%dma_start3A_1115 : memref<5x40xi32, #tpu.memory_space<vmem>>) target_semaphore(%arg24 : memref<!tpu.dma_semaphore, #tpu.memory_space<semaphore_mem>>)
      %dma_start3A_1120 = arith.constant 1 : i32
      %dma_start3A_1121 = arith.constant 0 : i32
      %dma_start3A_1122 = arith.constant 0 : i32
      %dma_start3A_1123 = tpu.memref_slice %arg7[%dma_start3A_1120, %dma_start3A_1121, %dma_start3A_1122] : memref<2x5x40xi32, #tpu.memory_space<vmem>> -> memref<1x5x40xi32, #tpu.memory_space<vmem>>
      %dma_start3A_1124 = tpu.memref_squeeze %dma_start3A_1123 : memref<1x5x40xi32, #tpu.memory_space<vmem>> -> memref<5x40xi32, #tpu.memory_space<vmem>>
      %dma_start3A_1125 = arith.constant 0 : i32
      %dma_start3A_1126 = arith.constant 0 : i32
      %dma_start3A_1127 = tpu.memref_slice %arg4[%add3A, %add3A_1102, %dma_start3A_1125, %dma_start3A_1126] : memref<32x50x5x40xi32, #tpu.memory_space<hbm>> -> memref<1x1x5x40xi32, #tpu.memory_space<hbm>>
      %dma_start3A_1128 = tpu.memref_squeeze %dma_start3A_1127 : memref<1x1x5x40xi32, #tpu.memory_space<hbm>> -> memref<5x40xi32, #tpu.memory_space<hbm>>
      %dma_start3A_1129 = arith.constant 0 : i32
      %dma_start3A_1130 = arith.constant 0 : i32
      %dma_start3A_1131 = tpu.memref_slice %arg7[%dma_start3A_1120, %dma_start3A_1129, %dma_start3A_1130] : memref<2x5x40xi32, #tpu.memory_space<vmem>> -> memref<1x5x40xi32, #tpu.memory_space<vmem>>
      %dma_start3A_1132 = tpu.memref_squeeze %dma_start3A_1131 : memref<1x5x40xi32, #tpu.memory_space<vmem>> -> memref<5x40xi32, #tpu.memory_space<vmem>>
      %dma_start3A_1133 = arith.constant 0 : i32
      %dma_start3A_1134 = arith.constant 0 : i32
      %dma_start3A_1135 = tpu.memref_slice %arg4[%add3A, %add3A_1102, %dma_start3A_1133, %dma_start3A_1134] : memref<32x50x5x40xi32, #tpu.memory_space<hbm>> -> memref<1x1x5x40xi32, #tpu.memory_space<hbm>>
      %dma_start3A_1136 = tpu.memref_squeeze %dma_start3A_1135 : memref<1x1x5x40xi32, #tpu.memory_space<hbm>> -> memref<5x40xi32, #tpu.memory_space<hbm>>
      tpu.enqueue_dma source(%dma_start3A_1136 : memref<5x40xi32, #tpu.memory_space<hbm>>) target(%dma_start3A_1132 : memref<5x40xi32, #tpu.memory_space<vmem>>) target_semaphore(%arg26 : memref<!tpu.dma_semaphore, #tpu.memory_space<semaphore_mem>>)
    }
    %scan3A_352 = arith.constant 24 : i32
    %dma_wait3A_353 = arith.constant 0 : i32
    %dma_wait3A_354 = arith.constant 0 : i32
    %dma_wait3A_355 = arith.constant 0 : i32
    %dma_wait3A_356 = tpu.memref_slice %arg6[%dma_wait3A_353, %dma_wait3A_354, %dma_wait3A_355] : memref<2x5x40xi32, #tpu.memory_space<vmem>> -> memref<1x1x40xi32, #tpu.memory_space<vmem>>
    %dma_wait3A_357 = tpu.memref_squeeze %dma_wait3A_356 : memref<1x1x40xi32, #tpu.memory_space<vmem>> -> memref<40xi32, #tpu.memory_space<vmem>>
    %dma_wait3A_358 = arith.constant 0 : i32
    %dma_wait3A_359 = arith.constant 0 : i32
    %dma_wait3A_360 = tpu.memref_slice %arg2[%dma_wait3A_358, %dma_wait3A_359] : memref<10240x128xf32, #tpu.memory_space<hbm>> -> memref<10240x128xf32, #tpu.memory_space<hbm>>
    tpu.wait_indirect_dma semaphore(%arg13 : memref<!tpu.dma_semaphore, #tpu.memory_space<semaphore_mem>>) src(%dma_wait3A_360 : memref<10240x128xf32, #tpu.memory_space<hbm>>) dst(%arg8 : memref<40x128xf32, #tpu.memory_space<vmem>>)
    %dma_start3A_361 = arith.constant 0 : i32
    %dma_start3A_362 = arith.constant 0 : i32
    %dma_start3A_363 = arith.constant 0 : i32
    %dma_start3A_364 = tpu.memref_slice %arg7[%dma_start3A_361, %dma_start3A_362, %dma_start3A_363] : memref<2x5x40xi32, #tpu.memory_space<vmem>> -> memref<1x1x40xi32, #tpu.memory_space<vmem>>
    %dma_start3A_365 = tpu.memref_squeeze %dma_start3A_364 : memref<1x1x40xi32, #tpu.memory_space<vmem>> -> memref<40xi32, #tpu.memory_space<vmem>>
    %dma_start3A_366 = arith.constant 0 : i32
    %dma_start3A_367 = arith.constant 0 : i32
    %dma_start3A_368 = tpu.memref_slice %arg27[%dma_start3A_366, %dma_start3A_367] : memref<10240x128xf32, #tpu.memory_space<vmem_shared>> -> memref<10240x128xf32, #tpu.memory_space<vmem_shared>>
    tpu.enqueue_indirect_dma source(%arg8 : memref<40x128xf32, #tpu.memory_space<vmem>>) target(%dma_start3A_368 : memref<10240x128xf32, #tpu.memory_space<vmem_shared>>) offsets(%dma_start3A_365 : memref<40xi32, #tpu.memory_space<vmem>>) semaphore(%arg18 : memref<!tpu.dma_semaphore, #tpu.memory_space<semaphore_mem>>) {add = true}
    %dma_wait3A_369 = arith.constant 0 : i32
    %dma_wait3A_370 = arith.constant 1 : i32
    %dma_wait3A_371 = arith.constant 0 : i32
    %dma_wait3A_372 = tpu.memref_slice %arg6[%dma_wait3A_369, %dma_wait3A_370, %dma_wait3A_371] : memref<2x5x40xi32, #tpu.memory_space<vmem>> -> memref<1x1x40xi32, #tpu.memory_space<vmem>>
    %dma_wait3A_373 = tpu.memref_squeeze %dma_wait3A_372 : memref<1x1x40xi32, #tpu.memory_space<vmem>> -> memref<40xi32, #tpu.memory_space<vmem>>
    %dma_wait3A_374 = arith.constant 0 : i32
    %dma_wait3A_375 = arith.constant 0 : i32
    %dma_wait3A_376 = tpu.memref_slice %arg2[%dma_wait3A_374, %dma_wait3A_375] : memref<10240x128xf32, #tpu.memory_space<hbm>> -> memref<10240x128xf32, #tpu.memory_space<hbm>>
    tpu.wait_indirect_dma semaphore(%arg14 : memref<!tpu.dma_semaphore, #tpu.memory_space<semaphore_mem>>) src(%dma_wait3A_376 : memref<10240x128xf32, #tpu.memory_space<hbm>>) dst(%arg9 : memref<40x128xf32, #tpu.memory_space<vmem>>)
    %dma_start3A_377 = arith.constant 0 : i32
    %dma_start3A_378 = arith.constant 1 : i32
    %dma_start3A_379 = arith.constant 0 : i32
    %dma_start3A_380 = tpu.memref_slice %arg7[%dma_start3A_377, %dma_start3A_378, %dma_start3A_379] : memref<2x5x40xi32, #tpu.memory_space<vmem>> -> memref<1x1x40xi32, #tpu.memory_space<vmem>>
    %dma_start3A_381 = tpu.memref_squeeze %dma_start3A_380 : memref<1x1x40xi32, #tpu.memory_space<vmem>> -> memref<40xi32, #tpu.memory_space<vmem>>
    %dma_start3A_382 = arith.constant 0 : i32
    %dma_start3A_383 = arith.constant 0 : i32
    %dma_start3A_384 = tpu.memref_slice %arg27[%dma_start3A_382, %dma_start3A_383] : memref<10240x128xf32, #tpu.memory_space<vmem_shared>> -> memref<10240x128xf32, #tpu.memory_space<vmem_shared>>
    tpu.enqueue_indirect_dma source(%arg9 : memref<40x128xf32, #tpu.memory_space<vmem>>) target(%dma_start3A_384 : memref<10240x128xf32, #tpu.memory_space<vmem_shared>>) offsets(%dma_start3A_381 : memref<40xi32, #tpu.memory_space<vmem>>) semaphore(%arg19 : memref<!tpu.dma_semaphore, #tpu.memory_space<semaphore_mem>>) {add = true}
    %dma_wait3A_385 = arith.constant 0 : i32
    %dma_wait3A_386 = arith.constant 2 : i32
    %dma_wait3A_387 = arith.constant 0 : i32
    %dma_wait3A_388 = tpu.memref_slice %arg6[%dma_wait3A_385, %dma_wait3A_386, %dma_wait3A_387] : memref<2x5x40xi32, #tpu.memory_space<vmem>> -> memref<1x1x40xi32, #tpu.memory_space<vmem>>
    %dma_wait3A_389 = tpu.memref_squeeze %dma_wait3A_388 : memref<1x1x40xi32, #tpu.memory_space<vmem>> -> memref<40xi32, #tpu.memory_space<vmem>>
    %dma_wait3A_390 = arith.constant 0 : i32
    %dma_wait3A_391 = arith.constant 0 : i32
    %dma_wait3A_392 = tpu.memref_slice %arg2[%dma_wait3A_390, %dma_wait3A_391] : memref<10240x128xf32, #tpu.memory_space<hbm>> -> memref<10240x128xf32, #tpu.memory_space<hbm>>
    tpu.wait_indirect_dma semaphore(%arg15 : memref<!tpu.dma_semaphore, #tpu.memory_space<semaphore_mem>>) src(%dma_wait3A_392 : memref<10240x128xf32, #tpu.memory_space<hbm>>) dst(%arg10 : memref<40x128xf32, #tpu.memory_space<vmem>>)
    %dma_start3A_393 = arith.constant 0 : i32
    %dma_start3A_394 = arith.constant 2 : i32
    %dma_start3A_395 = arith.constant 0 : i32
    %dma_start3A_396 = tpu.memref_slice %arg7[%dma_start3A_393, %dma_start3A_394, %dma_start3A_395] : memref<2x5x40xi32, #tpu.memory_space<vmem>> -> memref<1x1x40xi32, #tpu.memory_space<vmem>>
    %dma_start3A_397 = tpu.memref_squeeze %dma_start3A_396 : memref<1x1x40xi32, #tpu.memory_space<vmem>> -> memref<40xi32, #tpu.memory_space<vmem>>
    %dma_start3A_398 = arith.constant 0 : i32
    %dma_start3A_399 = arith.constant 0 : i32
    %dma_start3A_400 = tpu.memref_slice %arg27[%dma_start3A_398, %dma_start3A_399] : memref<10240x128xf32, #tpu.memory_space<vmem_shared>> -> memref<10240x128xf32, #tpu.memory_space<vmem_shared>>
    tpu.enqueue_indirect_dma source(%arg10 : memref<40x128xf32, #tpu.memory_space<vmem>>) target(%dma_start3A_400 : memref<10240x128xf32, #tpu.memory_space<vmem_shared>>) offsets(%dma_start3A_397 : memref<40xi32, #tpu.memory_space<vmem>>) semaphore(%arg20 : memref<!tpu.dma_semaphore, #tpu.memory_space<semaphore_mem>>) {add = true}
    %dma_wait3A_401 = arith.constant 0 : i32
    %dma_wait3A_402 = arith.constant 3 : i32
    %dma_wait3A_403 = arith.constant 0 : i32
    %dma_wait3A_404 = tpu.memref_slice %arg6[%dma_wait3A_401, %dma_wait3A_402, %dma_wait3A_403] : memref<2x5x40xi32, #tpu.memory_space<vmem>> -> memref<1x1x40xi32, #tpu.memory_space<vmem>>
    %dma_wait3A_405 = tpu.memref_squeeze %dma_wait3A_404 : memref<1x1x40xi32, #tpu.memory_space<vmem>> -> memref<40xi32, #tpu.memory_space<vmem>>
    %dma_wait3A_406 = arith.constant 0 : i32
    %dma_wait3A_407 = arith.constant 0 : i32
    %dma_wait3A_408 = tpu.memref_slice %arg2[%dma_wait3A_406, %dma_wait3A_407] : memref<10240x128xf32, #tpu.memory_space<hbm>> -> memref<10240x128xf32, #tpu.memory_space<hbm>>
    tpu.wait_indirect_dma semaphore(%arg16 : memref<!tpu.dma_semaphore, #tpu.memory_space<semaphore_mem>>) src(%dma_wait3A_408 : memref<10240x128xf32, #tpu.memory_space<hbm>>) dst(%arg11 : memref<40x128xf32, #tpu.memory_space<vmem>>)
    %dma_start3A_409 = arith.constant 0 : i32
    %dma_start3A_410 = arith.constant 3 : i32
    %dma_start3A_411 = arith.constant 0 : i32
    %dma_start3A_412 = tpu.memref_slice %arg7[%dma_start3A_409, %dma_start3A_410, %dma_start3A_411] : memref<2x5x40xi32, #tpu.memory_space<vmem>> -> memref<1x1x40xi32, #tpu.memory_space<vmem>>
    %dma_start3A_413 = tpu.memref_squeeze %dma_start3A_412 : memref<1x1x40xi32, #tpu.memory_space<vmem>> -> memref<40xi32, #tpu.memory_space<vmem>>
    %dma_start3A_414 = arith.constant 0 : i32
    %dma_start3A_415 = arith.constant 0 : i32
    %dma_start3A_416 = tpu.memref_slice %arg27[%dma_start3A_414, %dma_start3A_415] : memref<10240x128xf32, #tpu.memory_space<vmem_shared>> -> memref<10240x128xf32, #tpu.memory_space<vmem_shared>>
    tpu.enqueue_indirect_dma source(%arg11 : memref<40x128xf32, #tpu.memory_space<vmem>>) target(%dma_start3A_416 : memref<10240x128xf32, #tpu.memory_space<vmem_shared>>) offsets(%dma_start3A_413 : memref<40xi32, #tpu.memory_space<vmem>>) semaphore(%arg21 : memref<!tpu.dma_semaphore, #tpu.memory_space<semaphore_mem>>) {add = true}
    %dma_wait3A_417 = arith.constant 0 : i32
    %dma_wait3A_418 = arith.constant 4 : i32
    %dma_wait3A_419 = arith.constant 0 : i32
    %dma_wait3A_420 = tpu.memref_slice %arg6[%dma_wait3A_417, %dma_wait3A_418, %dma_wait3A_419] : memref<2x5x40xi32, #tpu.memory_space<vmem>> -> memref<1x1x40xi32, #tpu.memory_space<vmem>>
    %dma_wait3A_421 = tpu.memref_squeeze %dma_wait3A_420 : memref<1x1x40xi32, #tpu.memory_space<vmem>> -> memref<40xi32, #tpu.memory_space<vmem>>
    %dma_wait3A_422 = arith.constant 0 : i32
    %dma_wait3A_423 = arith.constant 0 : i32
    %dma_wait3A_424 = tpu.memref_slice %arg2[%dma_wait3A_422, %dma_wait3A_423] : memref<10240x128xf32, #tpu.memory_space<hbm>> -> memref<10240x128xf32, #tpu.memory_space<hbm>>
    tpu.wait_indirect_dma semaphore(%arg17 : memref<!tpu.dma_semaphore, #tpu.memory_space<semaphore_mem>>) src(%dma_wait3A_424 : memref<10240x128xf32, #tpu.memory_space<hbm>>) dst(%arg12 : memref<40x128xf32, #tpu.memory_space<vmem>>)
    %dma_start3A_425 = arith.constant 0 : i32
    %dma_start3A_426 = arith.constant 4 : i32
    %dma_start3A_427 = arith.constant 0 : i32
    %dma_start3A_428 = tpu.memref_slice %arg7[%dma_start3A_425, %dma_start3A_426, %dma_start3A_427] : memref<2x5x40xi32, #tpu.memory_space<vmem>> -> memref<1x1x40xi32, #tpu.memory_space<vmem>>
    %dma_start3A_429 = tpu.memref_squeeze %dma_start3A_428 : memref<1x1x40xi32, #tpu.memory_space<vmem>> -> memref<40xi32, #tpu.memory_space<vmem>>
    %dma_start3A_430 = arith.constant 0 : i32
    %dma_start3A_431 = arith.constant 0 : i32
    %dma_start3A_432 = tpu.memref_slice %arg27[%dma_start3A_430, %dma_start3A_431] : memref<10240x128xf32, #tpu.memory_space<vmem_shared>> -> memref<10240x128xf32, #tpu.memory_space<vmem_shared>>
    tpu.enqueue_indirect_dma source(%arg12 : memref<40x128xf32, #tpu.memory_space<vmem>>) target(%dma_start3A_432 : memref<10240x128xf32, #tpu.memory_space<vmem_shared>>) offsets(%dma_start3A_429 : memref<40xi32, #tpu.memory_space<vmem>>) semaphore(%arg22 : memref<!tpu.dma_semaphore, #tpu.memory_space<semaphore_mem>>) {add = true}
    %dma_wait3A_433 = arith.constant 49 : i32
    %dma_wait3A_434 = arith.constant 1 : i32
    %dma_wait3A_435 = arith.constant 0 : i32
    %dma_wait3A_436 = arith.constant 0 : i32
    %dma_wait3A_437 = tpu.memref_slice %arg6[%dma_wait3A_434, %dma_wait3A_435, %dma_wait3A_436] : memref<2x5x40xi32, #tpu.memory_space<vmem>> -> memref<1x5x40xi32, #tpu.memory_space<vmem>>
    %dma_wait3A_438 = tpu.memref_squeeze %dma_wait3A_437 : memref<1x5x40xi32, #tpu.memory_space<vmem>> -> memref<5x40xi32, #tpu.memory_space<vmem>>
    %dma_wait3A_439 = arith.constant 0 : i32
    %dma_wait3A_440 = arith.constant 0 : i32
    %dma_wait3A_441 = tpu.memref_slice %arg3[%add3A, %dma_wait3A_433, %dma_wait3A_439, %dma_wait3A_440] : memref<32x50x5x40xi32, #tpu.memory_space<hbm>> -> memref<1x1x5x40xi32, #tpu.memory_space<hbm>>
    %dma_wait3A_442 = tpu.memref_squeeze %dma_wait3A_441 : memref<1x1x5x40xi32, #tpu.memory_space<hbm>> -> memref<5x40xi32, #tpu.memory_space<hbm>>
    %dma_wait3A_443 = arith.constant 0 : i32
    %dma_wait3A_444 = arith.constant 0 : i32
    %dma_wait3A_445 = tpu.memref_slice %arg6[%dma_wait3A_434, %dma_wait3A_443, %dma_wait3A_444] : memref<2x5x40xi32, #tpu.memory_space<vmem>> -> memref<1x5x40xi32, #tpu.memory_space<vmem>>
    %dma_wait3A_446 = tpu.memref_squeeze %dma_wait3A_445 : memref<1x5x40xi32, #tpu.memory_space<vmem>> -> memref<5x40xi32, #tpu.memory_space<vmem>>
    %dma_wait3A_447 = arith.constant 0 : i32
    %dma_wait3A_448 = arith.constant 0 : i32
    %dma_wait3A_449 = tpu.memref_slice %arg3[%add3A, %dma_wait3A_433, %dma_wait3A_447, %dma_wait3A_448] : memref<32x50x5x40xi32, #tpu.memory_space<hbm>> -> memref<1x1x5x40xi32, #tpu.memory_space<hbm>>
    %dma_wait3A_450 = tpu.memref_squeeze %dma_wait3A_449 : memref<1x1x5x40xi32, #tpu.memory_space<hbm>> -> memref<5x40xi32, #tpu.memory_space<hbm>>
    tpu.wait_dma2 semaphore(%arg24 : memref<!tpu.dma_semaphore, #tpu.memory_space<semaphore_mem>>) src(%dma_wait3A_450 : memref<5x40xi32, #tpu.memory_space<hbm>>) dst(%dma_wait3A_446 : memref<5x40xi32, #tpu.memory_space<vmem>>)
    %dma_wait3A_451 = arith.constant 49 : i32
    %dma_wait3A_452 = arith.constant 1 : i32
    %dma_wait3A_453 = arith.constant 0 : i32
    %dma_wait3A_454 = arith.constant 0 : i32
    %dma_wait3A_455 = tpu.memref_slice %arg7[%dma_wait3A_452, %dma_wait3A_453, %dma_wait3A_454] : memref<2x5x40xi32, #tpu.memory_space<vmem>> -> memref<1x5x40xi32, #tpu.memory_space<vmem>>
    %dma_wait3A_456 = tpu.memref_squeeze %dma_wait3A_455 : memref<1x5x40xi32, #tpu.memory_space<vmem>> -> memref<5x40xi32, #tpu.memory_space<vmem>>
    %dma_wait3A_457 = arith.constant 0 : i32
    %dma_wait3A_458 = arith.constant 0 : i32
    %dma_wait3A_459 = tpu.memref_slice %arg4[%add3A, %dma_wait3A_451, %dma_wait3A_457, %dma_wait3A_458] : memref<32x50x5x40xi32, #tpu.memory_space<hbm>> -> memref<1x1x5x40xi32, #tpu.memory_space<hbm>>
    %dma_wait3A_460 = tpu.memref_squeeze %dma_wait3A_459 : memref<1x1x5x40xi32, #tpu.memory_space<hbm>> -> memref<5x40xi32, #tpu.memory_space<hbm>>
    %dma_wait3A_461 = arith.constant 0 : i32
    %dma_wait3A_462 = arith.constant 0 : i32
    %dma_wait3A_463 = tpu.memref_slice %arg7[%dma_wait3A_452, %dma_wait3A_461, %dma_wait3A_462] : memref<2x5x40xi32, #tpu.memory_space<vmem>> -> memref<1x5x40xi32, #tpu.memory_space<vmem>>
    %dma_wait3A_464 = tpu.memref_squeeze %dma_wait3A_463 : memref<1x5x40xi32, #tpu.memory_space<vmem>> -> memref<5x40xi32, #tpu.memory_space<vmem>>
    %dma_wait3A_465 = arith.constant 0 : i32
    %dma_wait3A_466 = arith.constant 0 : i32
    %dma_wait3A_467 = tpu.memref_slice %arg4[%add3A, %dma_wait3A_451, %dma_wait3A_465, %dma_wait3A_466] : memref<32x50x5x40xi32, #tpu.memory_space<hbm>> -> memref<1x1x5x40xi32, #tpu.memory_space<hbm>>
    %dma_wait3A_468 = tpu.memref_squeeze %dma_wait3A_467 : memref<1x1x5x40xi32, #tpu.memory_space<hbm>> -> memref<5x40xi32, #tpu.memory_space<hbm>>
    tpu.wait_dma2 semaphore(%arg26 : memref<!tpu.dma_semaphore, #tpu.memory_space<semaphore_mem>>) src(%dma_wait3A_468 : memref<5x40xi32, #tpu.memory_space<hbm>>) dst(%dma_wait3A_464 : memref<5x40xi32, #tpu.memory_space<vmem>>)
    %dma_wait3A_469 = arith.constant 0 : i32
    %dma_wait3A_470 = arith.constant 0 : i32
    %dma_wait3A_471 = arith.constant 0 : i32
    %dma_wait3A_472 = tpu.memref_slice %arg7[%dma_wait3A_469, %dma_wait3A_470, %dma_wait3A_471] : memref<2x5x40xi32, #tpu.memory_space<vmem>> -> memref<1x1x40xi32, #tpu.memory_space<vmem>>
    %dma_wait3A_473 = tpu.memref_squeeze %dma_wait3A_472 : memref<1x1x40xi32, #tpu.memory_space<vmem>> -> memref<40xi32, #tpu.memory_space<vmem>>
    %dma_wait3A_474 = arith.constant 0 : i32
    %dma_wait3A_475 = arith.constant 0 : i32
    %dma_wait3A_476 = tpu.memref_slice %arg27[%dma_wait3A_474, %dma_wait3A_475] : memref<10240x128xf32, #tpu.memory_space<vmem_shared>> -> memref<10240x128xf32, #tpu.memory_space<vmem_shared>>
    tpu.wait_indirect_dma semaphore(%arg18 : memref<!tpu.dma_semaphore, #tpu.memory_space<semaphore_mem>>) src(%arg8 : memref<40x128xf32, #tpu.memory_space<vmem>>) dst(%dma_wait3A_476 : memref<10240x128xf32, #tpu.memory_space<vmem_shared>>)
    %dma_start3A_477 = arith.constant 1 : i32
    %dma_start3A_478 = arith.constant 0 : i32
    %dma_start3A_479 = arith.constant 0 : i32
    %dma_start3A_480 = tpu.memref_slice %arg6[%dma_start3A_477, %dma_start3A_478, %dma_start3A_479] : memref<2x5x40xi32, #tpu.memory_space<vmem>> -> memref<1x1x40xi32, #tpu.memory_space<vmem>>
    %dma_start3A_481 = tpu.memref_squeeze %dma_start3A_480 : memref<1x1x40xi32, #tpu.memory_space<vmem>> -> memref<40xi32, #tpu.memory_space<vmem>>
    %dma_start3A_482 = arith.constant 0 : i32
    %dma_start3A_483 = arith.constant 0 : i32
    %dma_start3A_484 = tpu.memref_slice %arg2[%dma_start3A_482, %dma_start3A_483] : memref<10240x128xf32, #tpu.memory_space<hbm>> -> memref<10240x128xf32, #tpu.memory_space<hbm>>
    tpu.enqueue_indirect_dma source(%dma_start3A_484 : memref<10240x128xf32, #tpu.memory_space<hbm>>) target(%arg8 : memref<40x128xf32, #tpu.memory_space<vmem>>) offsets(%dma_start3A_481 : memref<40xi32, #tpu.memory_space<vmem>>) semaphore(%arg13 : memref<!tpu.dma_semaphore, #tpu.memory_space<semaphore_mem>>)
    %dma_wait3A_485 = arith.constant 0 : i32
    %dma_wait3A_486 = arith.constant 1 : i32
    %dma_wait3A_487 = arith.constant 0 : i32
    %dma_wait3A_488 = tpu.memref_slice %arg7[%dma_wait3A_485, %dma_wait3A_486, %dma_wait3A_487] : memref<2x5x40xi32, #tpu.memory_space<vmem>> -> memref<1x1x40xi32, #tpu.memory_space<vmem>>
    %dma_wait3A_489 = tpu.memref_squeeze %dma_wait3A_488 : memref<1x1x40xi32, #tpu.memory_space<vmem>> -> memref<40xi32, #tpu.memory_space<vmem>>
    %dma_wait3A_490 = arith.constant 0 : i32
    %dma_wait3A_491 = arith.constant 0 : i32
    %dma_wait3A_492 = tpu.memref_slice %arg27[%dma_wait3A_490, %dma_wait3A_491] : memref<10240x128xf32, #tpu.memory_space<vmem_shared>> -> memref<10240x128xf32, #tpu.memory_space<vmem_shared>>
    tpu.wait_indirect_dma semaphore(%arg19 : memref<!tpu.dma_semaphore, #tpu.memory_space<semaphore_mem>>) src(%arg9 : memref<40x128xf32, #tpu.memory_space<vmem>>) dst(%dma_wait3A_492 : memref<10240x128xf32, #tpu.memory_space<vmem_shared>>)
    %dma_start3A_493 = arith.constant 1 : i32
    %dma_start3A_494 = arith.constant 1 : i32
    %dma_start3A_495 = arith.constant 0 : i32
    %dma_start3A_496 = tpu.memref_slice %arg6[%dma_start3A_493, %dma_start3A_494, %dma_start3A_495] : memref<2x5x40xi32, #tpu.memory_space<vmem>> -> memref<1x1x40xi32, #tpu.memory_space<vmem>>
    %dma_start3A_497 = tpu.memref_squeeze %dma_start3A_496 : memref<1x1x40xi32, #tpu.memory_space<vmem>> -> memref<40xi32, #tpu.memory_space<vmem>>
    %dma_start3A_498 = arith.constant 0 : i32
    %dma_start3A_499 = arith.constant 0 : i32
    %dma_start3A_500 = tpu.memref_slice %arg2[%dma_start3A_498, %dma_start3A_499] : memref<10240x128xf32, #tpu.memory_space<hbm>> -> memref<10240x128xf32, #tpu.memory_space<hbm>>
    tpu.enqueue_indirect_dma source(%dma_start3A_500 : memref<10240x128xf32, #tpu.memory_space<hbm>>) target(%arg9 : memref<40x128xf32, #tpu.memory_space<vmem>>) offsets(%dma_start3A_497 : memref<40xi32, #tpu.memory_space<vmem>>) semaphore(%arg14 : memref<!tpu.dma_semaphore, #tpu.memory_space<semaphore_mem>>)
    %dma_wait3A_501 = arith.constant 0 : i32
    %dma_wait3A_502 = arith.constant 2 : i32
    %dma_wait3A_503 = arith.constant 0 : i32
    %dma_wait3A_504 = tpu.memref_slice %arg7[%dma_wait3A_501, %dma_wait3A_502, %dma_wait3A_503] : memref<2x5x40xi32, #tpu.memory_space<vmem>> -> memref<1x1x40xi32, #tpu.memory_space<vmem>>
    %dma_wait3A_505 = tpu.memref_squeeze %dma_wait3A_504 : memref<1x1x40xi32, #tpu.memory_space<vmem>> -> memref<40xi32, #tpu.memory_space<vmem>>
    %dma_wait3A_506 = arith.constant 0 : i32
    %dma_wait3A_507 = arith.constant 0 : i32
    %dma_wait3A_508 = tpu.memref_slice %arg27[%dma_wait3A_506, %dma_wait3A_507] : memref<10240x128xf32, #tpu.memory_space<vmem_shared>> -> memref<10240x128xf32, #tpu.memory_space<vmem_shared>>
    tpu.wait_indirect_dma semaphore(%arg20 : memref<!tpu.dma_semaphore, #tpu.memory_space<semaphore_mem>>) src(%arg10 : memref<40x128xf32, #tpu.memory_space<vmem>>) dst(%dma_wait3A_508 : memref<10240x128xf32, #tpu.memory_space<vmem_shared>>)
    %dma_start3A_509 = arith.constant 1 : i32
    %dma_start3A_510 = arith.constant 2 : i32
    %dma_start3A_511 = arith.constant 0 : i32
    %dma_start3A_512 = tpu.memref_slice %arg6[%dma_start3A_509, %dma_start3A_510, %dma_start3A_511] : memref<2x5x40xi32, #tpu.memory_space<vmem>> -> memref<1x1x40xi32, #tpu.memory_space<vmem>>
    %dma_start3A_513 = tpu.memref_squeeze %dma_start3A_512 : memref<1x1x40xi32, #tpu.memory_space<vmem>> -> memref<40xi32, #tpu.memory_space<vmem>>
    %dma_start3A_514 = arith.constant 0 : i32
    %dma_start3A_515 = arith.constant 0 : i32
    %dma_start3A_516 = tpu.memref_slice %arg2[%dma_start3A_514, %dma_start3A_515] : memref<10240x128xf32, #tpu.memory_space<hbm>> -> memref<10240x128xf32, #tpu.memory_space<hbm>>
    tpu.enqueue_indirect_dma source(%dma_start3A_516 : memref<10240x128xf32, #tpu.memory_space<hbm>>) target(%arg10 : memref<40x128xf32, #tpu.memory_space<vmem>>) offsets(%dma_start3A_513 : memref<40xi32, #tpu.memory_space<vmem>>) semaphore(%arg15 : memref<!tpu.dma_semaphore, #tpu.memory_space<semaphore_mem>>)
    %dma_wait3A_517 = arith.constant 0 : i32
    %dma_wait3A_518 = arith.constant 3 : i32
    %dma_wait3A_519 = arith.constant 0 : i32
    %dma_wait3A_520 = tpu.memref_slice %arg7[%dma_wait3A_517, %dma_wait3A_518, %dma_wait3A_519] : memref<2x5x40xi32, #tpu.memory_space<vmem>> -> memref<1x1x40xi32, #tpu.memory_space<vmem>>
    %dma_wait3A_521 = tpu.memref_squeeze %dma_wait3A_520 : memref<1x1x40xi32, #tpu.memory_space<vmem>> -> memref<40xi32, #tpu.memory_space<vmem>>
    %dma_wait3A_522 = arith.constant 0 : i32
    %dma_wait3A_523 = arith.constant 0 : i32
    %dma_wait3A_524 = tpu.memref_slice %arg27[%dma_wait3A_522, %dma_wait3A_523] : memref<10240x128xf32, #tpu.memory_space<vmem_shared>> -> memref<10240x128xf32, #tpu.memory_space<vmem_shared>>
    tpu.wait_indirect_dma semaphore(%arg21 : memref<!tpu.dma_semaphore, #tpu.memory_space<semaphore_mem>>) src(%arg11 : memref<40x128xf32, #tpu.memory_space<vmem>>) dst(%dma_wait3A_524 : memref<10240x128xf32, #tpu.memory_space<vmem_shared>>)
    %dma_start3A_525 = arith.constant 1 : i32
    %dma_start3A_526 = arith.constant 3 : i32
    %dma_start3A_527 = arith.constant 0 : i32
    %dma_start3A_528 = tpu.memref_slice %arg6[%dma_start3A_525, %dma_start3A_526, %dma_start3A_527] : memref<2x5x40xi32, #tpu.memory_space<vmem>> -> memref<1x1x40xi32, #tpu.memory_space<vmem>>
    %dma_start3A_529 = tpu.memref_squeeze %dma_start3A_528 : memref<1x1x40xi32, #tpu.memory_space<vmem>> -> memref<40xi32, #tpu.memory_space<vmem>>
    %dma_start3A_530 = arith.constant 0 : i32
    %dma_start3A_531 = arith.constant 0 : i32
    %dma_start3A_532 = tpu.memref_slice %arg2[%dma_start3A_530, %dma_start3A_531] : memref<10240x128xf32, #tpu.memory_space<hbm>> -> memref<10240x128xf32, #tpu.memory_space<hbm>>
    tpu.enqueue_indirect_dma source(%dma_start3A_532 : memref<10240x128xf32, #tpu.memory_space<hbm>>) target(%arg11 : memref<40x128xf32, #tpu.memory_space<vmem>>) offsets(%dma_start3A_529 : memref<40xi32, #tpu.memory_space<vmem>>) semaphore(%arg16 : memref<!tpu.dma_semaphore, #tpu.memory_space<semaphore_mem>>)
    %dma_wait3A_533 = arith.constant 0 : i32
    %dma_wait3A_534 = arith.constant 4 : i32
    %dma_wait3A_535 = arith.constant 0 : i32
    %dma_wait3A_536 = tpu.memref_slice %arg7[%dma_wait3A_533, %dma_wait3A_534, %dma_wait3A_535] : memref<2x5x40xi32, #tpu.memory_space<vmem>> -> memref<1x1x40xi32, #tpu.memory_space<vmem>>
    %dma_wait3A_537 = tpu.memref_squeeze %dma_wait3A_536 : memref<1x1x40xi32, #tpu.memory_space<vmem>> -> memref<40xi32, #tpu.memory_space<vmem>>
    %dma_wait3A_538 = arith.constant 0 : i32
    %dma_wait3A_539 = arith.constant 0 : i32
    %dma_wait3A_540 = tpu.memref_slice %arg27[%dma_wait3A_538, %dma_wait3A_539] : memref<10240x128xf32, #tpu.memory_space<vmem_shared>> -> memref<10240x128xf32, #tpu.memory_space<vmem_shared>>
    tpu.wait_indirect_dma semaphore(%arg22 : memref<!tpu.dma_semaphore, #tpu.memory_space<semaphore_mem>>) src(%arg12 : memref<40x128xf32, #tpu.memory_space<vmem>>) dst(%dma_wait3A_540 : memref<10240x128xf32, #tpu.memory_space<vmem_shared>>)
    %dma_start3A_541 = arith.constant 1 : i32
    %dma_start3A_542 = arith.constant 4 : i32
    %dma_start3A_543 = arith.constant 0 : i32
    %dma_start3A_544 = tpu.memref_slice %arg6[%dma_start3A_541, %dma_start3A_542, %dma_start3A_543] : memref<2x5x40xi32, #tpu.memory_space<vmem>> -> memref<1x1x40xi32, #tpu.memory_space<vmem>>
    %dma_start3A_545 = tpu.memref_squeeze %dma_start3A_544 : memref<1x1x40xi32, #tpu.memory_space<vmem>> -> memref<40xi32, #tpu.memory_space<vmem>>
    %dma_start3A_546 = arith.constant 0 : i32
    %dma_start3A_547 = arith.constant 0 : i32
    %dma_start3A_548 = tpu.memref_slice %arg2[%dma_start3A_546, %dma_start3A_547] : memref<10240x128xf32, #tpu.memory_space<hbm>> -> memref<10240x128xf32, #tpu.memory_space<hbm>>
    tpu.enqueue_indirect_dma source(%dma_start3A_548 : memref<10240x128xf32, #tpu.memory_space<hbm>>) target(%arg12 : memref<40x128xf32, #tpu.memory_space<vmem>>) offsets(%dma_start3A_545 : memref<40xi32, #tpu.memory_space<vmem>>) semaphore(%arg17 : memref<!tpu.dma_semaphore, #tpu.memory_space<semaphore_mem>>)
    %dma_wait3A_549 = arith.constant 1 : i32
    %dma_wait3A_550 = arith.constant 0 : i32
    %dma_wait3A_551 = arith.constant 0 : i32
    %dma_wait3A_552 = tpu.memref_slice %arg6[%dma_wait3A_549, %dma_wait3A_550, %dma_wait3A_551] : memref<2x5x40xi32, #tpu.memory_space<vmem>> -> memref<1x1x40xi32, #tpu.memory_space<vmem>>
    %dma_wait3A_553 = tpu.memref_squeeze %dma_wait3A_552 : memref<1x1x40xi32, #tpu.memory_space<vmem>> -> memref<40xi32, #tpu.memory_space<vmem>>
    %dma_wait3A_554 = arith.constant 0 : i32
    %dma_wait3A_555 = arith.constant 0 : i32
    %dma_wait3A_556 = tpu.memref_slice %arg2[%dma_wait3A_554, %dma_wait3A_555] : memref<10240x128xf32, #tpu.memory_space<hbm>> -> memref<10240x128xf32, #tpu.memory_space<hbm>>
    tpu.wait_indirect_dma semaphore(%arg13 : memref<!tpu.dma_semaphore, #tpu.memory_space<semaphore_mem>>) src(%dma_wait3A_556 : memref<10240x128xf32, #tpu.memory_space<hbm>>) dst(%arg8 : memref<40x128xf32, #tpu.memory_space<vmem>>)
    %dma_start3A_557 = arith.constant 1 : i32
    %dma_start3A_558 = arith.constant 0 : i32
    %dma_start3A_559 = arith.constant 0 : i32
    %dma_start3A_560 = tpu.memref_slice %arg7[%dma_start3A_557, %dma_start3A_558, %dma_start3A_559] : memref<2x5x40xi32, #tpu.memory_space<vmem>> -> memref<1x1x40xi32, #tpu.memory_space<vmem>>
    %dma_start3A_561 = tpu.memref_squeeze %dma_start3A_560 : memref<1x1x40xi32, #tpu.memory_space<vmem>> -> memref<40xi32, #tpu.memory_space<vmem>>
    %dma_start3A_562 = arith.constant 0 : i32
    %dma_start3A_563 = arith.constant 0 : i32
    %dma_start3A_564 = tpu.memref_slice %arg27[%dma_start3A_562, %dma_start3A_563] : memref<10240x128xf32, #tpu.memory_space<vmem_shared>> -> memref<10240x128xf32, #tpu.memory_space<vmem_shared>>
    tpu.enqueue_indirect_dma source(%arg8 : memref<40x128xf32, #tpu.memory_space<vmem>>) target(%dma_start3A_564 : memref<10240x128xf32, #tpu.memory_space<vmem_shared>>) offsets(%dma_start3A_561 : memref<40xi32, #tpu.memory_space<vmem>>) semaphore(%arg18 : memref<!tpu.dma_semaphore, #tpu.memory_space<semaphore_mem>>) {add = true}
    %dma_wait3A_565 = arith.constant 1 : i32
    %dma_wait3A_566 = arith.constant 1 : i32
    %dma_wait3A_567 = arith.constant 0 : i32
    %dma_wait3A_568 = tpu.memref_slice %arg6[%dma_wait3A_565, %dma_wait3A_566, %dma_wait3A_567] : memref<2x5x40xi32, #tpu.memory_space<vmem>> -> memref<1x1x40xi32, #tpu.memory_space<vmem>>
    %dma_wait3A_569 = tpu.memref_squeeze %dma_wait3A_568 : memref<1x1x40xi32, #tpu.memory_space<vmem>> -> memref<40xi32, #tpu.memory_space<vmem>>
    %dma_wait3A_570 = arith.constant 0 : i32
    %dma_wait3A_571 = arith.constant 0 : i32
    %dma_wait3A_572 = tpu.memref_slice %arg2[%dma_wait3A_570, %dma_wait3A_571] : memref<10240x128xf32, #tpu.memory_space<hbm>> -> memref<10240x128xf32, #tpu.memory_space<hbm>>
    tpu.wait_indirect_dma semaphore(%arg14 : memref<!tpu.dma_semaphore, #tpu.memory_space<semaphore_mem>>) src(%dma_wait3A_572 : memref<10240x128xf32, #tpu.memory_space<hbm>>) dst(%arg9 : memref<40x128xf32, #tpu.memory_space<vmem>>)
    %dma_start3A_573 = arith.constant 1 : i32
    %dma_start3A_574 = arith.constant 1 : i32
    %dma_start3A_575 = arith.constant 0 : i32
    %dma_start3A_576 = tpu.memref_slice %arg7[%dma_start3A_573, %dma_start3A_574, %dma_start3A_575] : memref<2x5x40xi32, #tpu.memory_space<vmem>> -> memref<1x1x40xi32, #tpu.memory_space<vmem>>
    %dma_start3A_577 = tpu.memref_squeeze %dma_start3A_576 : memref<1x1x40xi32, #tpu.memory_space<vmem>> -> memref<40xi32, #tpu.memory_space<vmem>>
    %dma_start3A_578 = arith.constant 0 : i32
    %dma_start3A_579 = arith.constant 0 : i32
    %dma_start3A_580 = tpu.memref_slice %arg27[%dma_start3A_578, %dma_start3A_579] : memref<10240x128xf32, #tpu.memory_space<vmem_shared>> -> memref<10240x128xf32, #tpu.memory_space<vmem_shared>>
    tpu.enqueue_indirect_dma source(%arg9 : memref<40x128xf32, #tpu.memory_space<vmem>>) target(%dma_start3A_580 : memref<10240x128xf32, #tpu.memory_space<vmem_shared>>) offsets(%dma_start3A_577 : memref<40xi32, #tpu.memory_space<vmem>>) semaphore(%arg19 : memref<!tpu.dma_semaphore, #tpu.memory_space<semaphore_mem>>) {add = true}
    %dma_wait3A_581 = arith.constant 1 : i32
    %dma_wait3A_582 = arith.constant 2 : i32
    %dma_wait3A_583 = arith.constant 0 : i32
    %dma_wait3A_584 = tpu.memref_slice %arg6[%dma_wait3A_581, %dma_wait3A_582, %dma_wait3A_583] : memref<2x5x40xi32, #tpu.memory_space<vmem>> -> memref<1x1x40xi32, #tpu.memory_space<vmem>>
    %dma_wait3A_585 = tpu.memref_squeeze %dma_wait3A_584 : memref<1x1x40xi32, #tpu.memory_space<vmem>> -> memref<40xi32, #tpu.memory_space<vmem>>
    %dma_wait3A_586 = arith.constant 0 : i32
    %dma_wait3A_587 = arith.constant 0 : i32
    %dma_wait3A_588 = tpu.memref_slice %arg2[%dma_wait3A_586, %dma_wait3A_587] : memref<10240x128xf32, #tpu.memory_space<hbm>> -> memref<10240x128xf32, #tpu.memory_space<hbm>>
    tpu.wait_indirect_dma semaphore(%arg15 : memref<!tpu.dma_semaphore, #tpu.memory_space<semaphore_mem>>) src(%dma_wait3A_588 : memref<10240x128xf32, #tpu.memory_space<hbm>>) dst(%arg10 : memref<40x128xf32, #tpu.memory_space<vmem>>)
    %dma_start3A_589 = arith.constant 1 : i32
    %dma_start3A_590 = arith.constant 2 : i32
    %dma_start3A_591 = arith.constant 0 : i32
    %dma_start3A_592 = tpu.memref_slice %arg7[%dma_start3A_589, %dma_start3A_590, %dma_start3A_591] : memref<2x5x40xi32, #tpu.memory_space<vmem>> -> memref<1x1x40xi32, #tpu.memory_space<vmem>>
    %dma_start3A_593 = tpu.memref_squeeze %dma_start3A_592 : memref<1x1x40xi32, #tpu.memory_space<vmem>> -> memref<40xi32, #tpu.memory_space<vmem>>
    %dma_start3A_594 = arith.constant 0 : i32
    %dma_start3A_595 = arith.constant 0 : i32
    %dma_start3A_596 = tpu.memref_slice %arg27[%dma_start3A_594, %dma_start3A_595] : memref<10240x128xf32, #tpu.memory_space<vmem_shared>> -> memref<10240x128xf32, #tpu.memory_space<vmem_shared>>
    tpu.enqueue_indirect_dma source(%arg10 : memref<40x128xf32, #tpu.memory_space<vmem>>) target(%dma_start3A_596 : memref<10240x128xf32, #tpu.memory_space<vmem_shared>>) offsets(%dma_start3A_593 : memref<40xi32, #tpu.memory_space<vmem>>) semaphore(%arg20 : memref<!tpu.dma_semaphore, #tpu.memory_space<semaphore_mem>>) {add = true}
    %dma_wait3A_597 = arith.constant 1 : i32
    %dma_wait3A_598 = arith.constant 3 : i32
    %dma_wait3A_599 = arith.constant 0 : i32
    %dma_wait3A_600 = tpu.memref_slice %arg6[%dma_wait3A_597, %dma_wait3A_598, %dma_wait3A_599] : memref<2x5x40xi32, #tpu.memory_space<vmem>> -> memref<1x1x40xi32, #tpu.memory_space<vmem>>
    %dma_wait3A_601 = tpu.memref_squeeze %dma_wait3A_600 : memref<1x1x40xi32, #tpu.memory_space<vmem>> -> memref<40xi32, #tpu.memory_space<vmem>>
    %dma_wait3A_602 = arith.constant 0 : i32
    %dma_wait3A_603 = arith.constant 0 : i32
    %dma_wait3A_604 = tpu.memref_slice %arg2[%dma_wait3A_602, %dma_wait3A_603] : memref<10240x128xf32, #tpu.memory_space<hbm>> -> memref<10240x128xf32, #tpu.memory_space<hbm>>
    tpu.wait_indirect_dma semaphore(%arg16 : memref<!tpu.dma_semaphore, #tpu.memory_space<semaphore_mem>>) src(%dma_wait3A_604 : memref<10240x128xf32, #tpu.memory_space<hbm>>) dst(%arg11 : memref<40x128xf32, #tpu.memory_space<vmem>>)
    %dma_start3A_605 = arith.constant 1 : i32
    %dma_start3A_606 = arith.constant 3 : i32
    %dma_start3A_607 = arith.constant 0 : i32
    %dma_start3A_608 = tpu.memref_slice %arg7[%dma_start3A_605, %dma_start3A_606, %dma_start3A_607] : memref<2x5x40xi32, #tpu.memory_space<vmem>> -> memref<1x1x40xi32, #tpu.memory_space<vmem>>
    %dma_start3A_609 = tpu.memref_squeeze %dma_start3A_608 : memref<1x1x40xi32, #tpu.memory_space<vmem>> -> memref<40xi32, #tpu.memory_space<vmem>>
    %dma_start3A_610 = arith.constant 0 : i32
    %dma_start3A_611 = arith.constant 0 : i32
    %dma_start3A_612 = tpu.memref_slice %arg27[%dma_start3A_610, %dma_start3A_611] : memref<10240x128xf32, #tpu.memory_space<vmem_shared>> -> memref<10240x128xf32, #tpu.memory_space<vmem_shared>>
    tpu.enqueue_indirect_dma source(%arg11 : memref<40x128xf32, #tpu.memory_space<vmem>>) target(%dma_start3A_612 : memref<10240x128xf32, #tpu.memory_space<vmem_shared>>) offsets(%dma_start3A_609 : memref<40xi32, #tpu.memory_space<vmem>>) semaphore(%arg21 : memref<!tpu.dma_semaphore, #tpu.memory_space<semaphore_mem>>) {add = true}
    %dma_wait3A_613 = arith.constant 1 : i32
    %dma_wait3A_614 = arith.constant 4 : i32
    %dma_wait3A_615 = arith.constant 0 : i32
    %dma_wait3A_616 = tpu.memref_slice %arg6[%dma_wait3A_613, %dma_wait3A_614, %dma_wait3A_615] : memref<2x5x40xi32, #tpu.memory_space<vmem>> -> memref<1x1x40xi32, #tpu.memory_space<vmem>>
    %dma_wait3A_617 = tpu.memref_squeeze %dma_wait3A_616 : memref<1x1x40xi32, #tpu.memory_space<vmem>> -> memref<40xi32, #tpu.memory_space<vmem>>
    %dma_wait3A_618 = arith.constant 0 : i32
    %dma_wait3A_619 = arith.constant 0 : i32
    %dma_wait3A_620 = tpu.memref_slice %arg2[%dma_wait3A_618, %dma_wait3A_619] : memref<10240x128xf32, #tpu.memory_space<hbm>> -> memref<10240x128xf32, #tpu.memory_space<hbm>>
    tpu.wait_indirect_dma semaphore(%arg17 : memref<!tpu.dma_semaphore, #tpu.memory_space<semaphore_mem>>) src(%dma_wait3A_620 : memref<10240x128xf32, #tpu.memory_space<hbm>>) dst(%arg12 : memref<40x128xf32, #tpu.memory_space<vmem>>)
    %dma_start3A_621 = arith.constant 1 : i32
    %dma_start3A_622 = arith.constant 4 : i32
    %dma_start3A_623 = arith.constant 0 : i32
    %dma_start3A_624 = tpu.memref_slice %arg7[%dma_start3A_621, %dma_start3A_622, %dma_start3A_623] : memref<2x5x40xi32, #tpu.memory_space<vmem>> -> memref<1x1x40xi32, #tpu.memory_space<vmem>>
    %dma_start3A_625 = tpu.memref_squeeze %dma_start3A_624 : memref<1x1x40xi32, #tpu.memory_space<vmem>> -> memref<40xi32, #tpu.memory_space<vmem>>
    %dma_start3A_626 = arith.constant 0 : i32
    %dma_start3A_627 = arith.constant 0 : i32
    %dma_start3A_628 = tpu.memref_slice %arg27[%dma_start3A_626, %dma_start3A_627] : memref<10240x128xf32, #tpu.memory_space<vmem_shared>> -> memref<10240x128xf32, #tpu.memory_space<vmem_shared>>
    tpu.enqueue_indirect_dma source(%arg12 : memref<40x128xf32, #tpu.memory_space<vmem>>) target(%dma_start3A_628 : memref<10240x128xf32, #tpu.memory_space<vmem_shared>>) offsets(%dma_start3A_625 : memref<40xi32, #tpu.memory_space<vmem>>) semaphore(%arg22 : memref<!tpu.dma_semaphore, #tpu.memory_space<semaphore_mem>>) {add = true}
    %dma_wait3A_629 = arith.constant 1 : i32
    %dma_wait3A_630 = arith.constant 0 : i32
    %dma_wait3A_631 = arith.constant 0 : i32
    %dma_wait3A_632 = tpu.memref_slice %arg7[%dma_wait3A_629, %dma_wait3A_630, %dma_wait3A_631] : memref<2x5x40xi32, #tpu.memory_space<vmem>> -> memref<1x1x40xi32, #tpu.memory_space<vmem>>
    %dma_wait3A_633 = tpu.memref_squeeze %dma_wait3A_632 : memref<1x1x40xi32, #tpu.memory_space<vmem>> -> memref<40xi32, #tpu.memory_space<vmem>>
    %dma_wait3A_634 = arith.constant 0 : i32
    %dma_wait3A_635 = arith.constant 0 : i32
    %dma_wait3A_636 = tpu.memref_slice %arg27[%dma_wait3A_634, %dma_wait3A_635] : memref<10240x128xf32, #tpu.memory_space<vmem_shared>> -> memref<10240x128xf32, #tpu.memory_space<vmem_shared>>
    tpu.wait_indirect_dma semaphore(%arg18 : memref<!tpu.dma_semaphore, #tpu.memory_space<semaphore_mem>>) src(%arg8 : memref<40x128xf32, #tpu.memory_space<vmem>>) dst(%dma_wait3A_636 : memref<10240x128xf32, #tpu.memory_space<vmem_shared>>)
    %dma_wait3A_637 = arith.constant 1 : i32
    %dma_wait3A_638 = arith.constant 1 : i32
    %dma_wait3A_639 = arith.constant 0 : i32
    %dma_wait3A_640 = tpu.memref_slice %arg7[%dma_wait3A_637, %dma_wait3A_638, %dma_wait3A_639] : memref<2x5x40xi32, #tpu.memory_space<vmem>> -> memref<1x1x40xi32, #tpu.memory_space<vmem>>
    %dma_wait3A_641 = tpu.memref_squeeze %dma_wait3A_640 : memref<1x1x40xi32, #tpu.memory_space<vmem>> -> memref<40xi32, #tpu.memory_space<vmem>>
    %dma_wait3A_642 = arith.constant 0 : i32
    %dma_wait3A_643 = arith.constant 0 : i32
    %dma_wait3A_644 = tpu.memref_slice %arg27[%dma_wait3A_642, %dma_wait3A_643] : memref<10240x128xf32, #tpu.memory_space<vmem_shared>> -> memref<10240x128xf32, #tpu.memory_space<vmem_shared>>
    tpu.wait_indirect_dma semaphore(%arg19 : memref<!tpu.dma_semaphore, #tpu.memory_space<semaphore_mem>>) src(%arg9 : memref<40x128xf32, #tpu.memory_space<vmem>>) dst(%dma_wait3A_644 : memref<10240x128xf32, #tpu.memory_space<vmem_shared>>)
    %dma_wait3A_645 = arith.constant 1 : i32
    %dma_wait3A_646 = arith.constant 2 : i32
    %dma_wait3A_647 = arith.constant 0 : i32
    %dma_wait3A_648 = tpu.memref_slice %arg7[%dma_wait3A_645, %dma_wait3A_646, %dma_wait3A_647] : memref<2x5x40xi32, #tpu.memory_space<vmem>> -> memref<1x1x40xi32, #tpu.memory_space<vmem>>
    %dma_wait3A_649 = tpu.memref_squeeze %dma_wait3A_648 : memref<1x1x40xi32, #tpu.memory_space<vmem>> -> memref<40xi32, #tpu.memory_space<vmem>>
    %dma_wait3A_650 = arith.constant 0 : i32
    %dma_wait3A_651 = arith.constant 0 : i32
    %dma_wait3A_652 = tpu.memref_slice %arg27[%dma_wait3A_650, %dma_wait3A_651] : memref<10240x128xf32, #tpu.memory_space<vmem_shared>> -> memref<10240x128xf32, #tpu.memory_space<vmem_shared>>
    tpu.wait_indirect_dma semaphore(%arg20 : memref<!tpu.dma_semaphore, #tpu.memory_space<semaphore_mem>>) src(%arg10 : memref<40x128xf32, #tpu.memory_space<vmem>>) dst(%dma_wait3A_652 : memref<10240x128xf32, #tpu.memory_space<vmem_shared>>)
    %dma_wait3A_653 = arith.constant 1 : i32
    %dma_wait3A_654 = arith.constant 3 : i32
    %dma_wait3A_655 = arith.constant 0 : i32
    %dma_wait3A_656 = tpu.memref_slice %arg7[%dma_wait3A_653, %dma_wait3A_654, %dma_wait3A_655] : memref<2x5x40xi32, #tpu.memory_space<vmem>> -> memref<1x1x40xi32, #tpu.memory_space<vmem>>
    %dma_wait3A_657 = tpu.memref_squeeze %dma_wait3A_656 : memref<1x1x40xi32, #tpu.memory_space<vmem>> -> memref<40xi32, #tpu.memory_space<vmem>>
    %dma_wait3A_658 = arith.constant 0 : i32
    %dma_wait3A_659 = arith.constant 0 : i32
    %dma_wait3A_660 = tpu.memref_slice %arg27[%dma_wait3A_658, %dma_wait3A_659] : memref<10240x128xf32, #tpu.memory_space<vmem_shared>> -> memref<10240x128xf32, #tpu.memory_space<vmem_shared>>
    tpu.wait_indirect_dma semaphore(%arg21 : memref<!tpu.dma_semaphore, #tpu.memory_space<semaphore_mem>>) src(%arg11 : memref<40x128xf32, #tpu.memory_space<vmem>>) dst(%dma_wait3A_660 : memref<10240x128xf32, #tpu.memory_space<vmem_shared>>)
    %dma_wait3A_661 = arith.constant 1 : i32
    %dma_wait3A_662 = arith.constant 4 : i32
    %dma_wait3A_663 = arith.constant 0 : i32
    %dma_wait3A_664 = tpu.memref_slice %arg7[%dma_wait3A_661, %dma_wait3A_662, %dma_wait3A_663] : memref<2x5x40xi32, #tpu.memory_space<vmem>> -> memref<1x1x40xi32, #tpu.memory_space<vmem>>
    %dma_wait3A_665 = tpu.memref_squeeze %dma_wait3A_664 : memref<1x1x40xi32, #tpu.memory_space<vmem>> -> memref<40xi32, #tpu.memory_space<vmem>>
    %dma_wait3A_666 = arith.constant 0 : i32
    %dma_wait3A_667 = arith.constant 0 : i32
    %dma_wait3A_668 = tpu.memref_slice %arg27[%dma_wait3A_666, %dma_wait3A_667] : memref<10240x128xf32, #tpu.memory_space<vmem_shared>> -> memref<10240x128xf32, #tpu.memory_space<vmem_shared>>
    tpu.wait_indirect_dma semaphore(%arg22 : memref<!tpu.dma_semaphore, #tpu.memory_space<semaphore_mem>>) src(%arg12 : memref<40x128xf32, #tpu.memory_space<vmem>>) dst(%dma_wait3A_668 : memref<10240x128xf32, #tpu.memory_space<vmem_shared>>)
    %barrier3A_669 = arith.constant 0 : index
    tpu.barrier barrier_id(%barrier3A_669)
    "tpu.region"() ({
      %run_scoped3A = tpu.sem_alloc : memref<!tpu.dma_semaphore, #tpu.memory_space<semaphore_mem>>
      %dma_start3A_670 = arith.constant 0 : i32
      %dma_start3A_671 = tpu.memref_slice %arg5[%arg0, %mul3A_3, %dma_start3A_670] : memref<2x10240x128xf32, #tpu.memory_space<hbm>> -> memref<1x640x128xf32, #tpu.memory_space<hbm>>
      %dma_start3A_672 = tpu.memref_squeeze %dma_start3A_671 : memref<1x640x128xf32, #tpu.memory_space<hbm>> -> memref<640x128xf32, #tpu.memory_space<hbm>>
      %dma_start3A_673 = arith.constant 0 : i32
      %dma_start3A_674 = tpu.memref_slice %arg27[%mul3A_3, %dma_start3A_673] : memref<10240x128xf32, #tpu.memory_space<vmem_shared>> -> memref<640x128xf32, #tpu.memory_space<vmem_shared>>
      tpu.enqueue_dma source(%dma_start3A_674 : memref<640x128xf32, #tpu.memory_space<vmem_shared>>) target(%dma_start3A_672 : memref<640x128xf32, #tpu.memory_space<hbm>>) target_semaphore(%run_scoped3A : memref<!tpu.dma_semaphore, #tpu.memory_space<semaphore_mem>>)
      %dma_wait3A_675 = arith.constant 0 : i32
      %dma_wait3A_676 = tpu.memref_slice %arg5[%arg0, %mul3A_3, %dma_wait3A_675] : memref<2x10240x128xf32, #tpu.memory_space<hbm>> -> memref<1x640x128xf32, #tpu.memory_space<hbm>>
      %dma_wait3A_677 = tpu.memref_squeeze %dma_wait3A_676 : memref<1x640x128xf32, #tpu.memory_space<hbm>> -> memref<640x128xf32, #tpu.memory_space<hbm>>
      %dma_wait3A_678 = arith.constant 0 : i32
      %dma_wait3A_679 = tpu.memref_slice %arg27[%mul3A_3, %dma_wait3A_678] : memref<10240x128xf32, #tpu.memory_space<vmem_shared>> -> memref<640x128xf32, #tpu.memory_space<vmem_shared>>
      tpu.wait_dma2 semaphore(%run_scoped3A : memref<!tpu.dma_semaphore, #tpu.memory_space<semaphore_mem>>) src(%dma_wait3A_679 : memref<640x128xf32, #tpu.memory_space<vmem_shared>>) dst(%dma_wait3A_677 : memref<640x128xf32, #tpu.memory_space<hbm>>)
      tpu.yield
    }) : () -> ()
    return
  }
}

#map = affine_map<(d0, d1) -> (0, 0)>
module attributes {stable_mosaic.version = 14 : i64} {
  func.func @deg_kernel(%arg0: i32, %arg1: i32, %arg2: memref<32x10000xi32, #tpu.memory_space<hbm>>, %arg3: memref<32x10240xf32, #tpu.memory_space<hbm>>, %arg4: memref<10000xi32, #tpu.memory_space<vmem>>, %arg5: memref<10240xf32, #tpu.memory_space<vmem>>) attributes {dimension_semantics = [#tpu.dimension_semantics<core_parallel>, #tpu.dimension_semantics<subcore_parallel>], iteration_bounds = array<i64: 2, 16>, scalar_prefetch = 0 : i64, scratch_operands = 2 : i64, tpu.core_type = #tpu.core_type<sc_vector_subcore>, window_params = [{transform_indices = #map}, {transform_indices = #map}]} {
    %mul3A = arith.constant 2 : i32
    %mul3A_0 = arith.muli %arg1, %mul3A : i32
    %add3A = arith.addi %mul3A_0, %arg0 : i32
    %broadcast_in_dim3A = arith.constant 0.000000e+00 : f32
    %broadcast_in_dim3A_1 = vector.broadcast %broadcast_in_dim3A : f32 to vector<16xf32>
    %scan3A = arith.constant 0 : i32
    %scan3A_2 = arith.constant 0 : i32
    %scan3A_3 = arith.constant 160 : i32
    %scan3A_4 = arith.addi %scan3A_2, %scan3A_3 : i32
    %scan3A_5 = arith.constant 1 : i32
    scf.for %scan3A_16 = %scan3A_2 to %scan3A_4 step %scan3A_5  : i32 {
      %mul3A_17 = arith.constant 64 : i32
      %mul3A_18 = arith.muli %scan3A_16, %mul3A_17 : i32
      %add3A_19 = arith.constant 0 : i32
      %add3A_20 = arith.addi %mul3A_18, %add3A_19 : i32
      %swap3A = arith.index_cast %add3A_20 : i32 to index
      %swap3A_21 = tpu.vector_load %arg5[%swap3A] {strides = array<i32>} : memref<10240xf32, #tpu.memory_space<vmem>>, vector<16xf32>,
      tpu.vector_store %arg5[%swap3A], %broadcast_in_dim3A_1 {strides = array<i32>} : memref<10240xf32, #tpu.memory_space<vmem>>, vector<16xf32>,
      %mul3A_22 = arith.constant 64 : i32
      %mul3A_23 = arith.muli %scan3A_16, %mul3A_22 : i32
      %add3A_24 = arith.constant 16 : i32
      %add3A_25 = arith.addi %mul3A_23, %add3A_24 : i32
      %swap3A_26 = arith.index_cast %add3A_25 : i32 to index
      %swap3A_27 = tpu.vector_load %arg5[%swap3A_26] {strides = array<i32>} : memref<10240xf32, #tpu.memory_space<vmem>>, vector<16xf32>,
      tpu.vector_store %arg5[%swap3A_26], %broadcast_in_dim3A_1 {strides = array<i32>} : memref<10240xf32, #tpu.memory_space<vmem>>, vector<16xf32>,
      %mul3A_28 = arith.constant 64 : i32
      %mul3A_29 = arith.muli %scan3A_16, %mul3A_28 : i32
      %add3A_30 = arith.constant 32 : i32
      %add3A_31 = arith.addi %mul3A_29, %add3A_30 : i32
      %swap3A_32 = arith.index_cast %add3A_31 : i32 to index
      %swap3A_33 = tpu.vector_load %arg5[%swap3A_32] {strides = array<i32>} : memref<10240xf32, #tpu.memory_space<vmem>>, vector<16xf32>,
      tpu.vector_store %arg5[%swap3A_32], %broadcast_in_dim3A_1 {strides = array<i32>} : memref<10240xf32, #tpu.memory_space<vmem>>, vector<16xf32>,
      %mul3A_34 = arith.constant 64 : i32
      %mul3A_35 = arith.muli %scan3A_16, %mul3A_34 : i32
      %add3A_36 = arith.constant 48 : i32
      %add3A_37 = arith.addi %mul3A_35, %add3A_36 : i32
      %swap3A_38 = arith.index_cast %add3A_37 : i32 to index
      %swap3A_39 = tpu.vector_load %arg5[%swap3A_38] {strides = array<i32>} : memref<10240xf32, #tpu.memory_space<vmem>>, vector<16xf32>,
      tpu.vector_store %arg5[%swap3A_38], %broadcast_in_dim3A_1 {strides = array<i32>} : memref<10240xf32, #tpu.memory_space<vmem>>, vector<16xf32>,
    }
    %scan3A_6 = arith.constant 160 : i32
    "tpu.region"() ({
      %run_scoped3A = tpu.sem_alloc : memref<!tpu.dma_semaphore, #tpu.memory_space<semaphore_mem>>
      %dma_start3A = arith.constant 0 : i32
      %dma_start3A_16 = tpu.memref_slice %arg2[%add3A, %dma_start3A] : memref<32x10000xi32, #tpu.memory_space<hbm>> -> memref<1x10000xi32, #tpu.memory_space<hbm>>
      %dma_start3A_17 = tpu.memref_squeeze %dma_start3A_16 : memref<1x10000xi32, #tpu.memory_space<hbm>> -> memref<10000xi32, #tpu.memory_space<hbm>>
      %dma_start3A_18 = arith.constant 0 : i32
      %dma_start3A_19 = tpu.memref_slice %arg2[%add3A, %dma_start3A_18] : memref<32x10000xi32, #tpu.memory_space<hbm>> -> memref<1x10000xi32, #tpu.memory_space<hbm>>
      %dma_start3A_20 = tpu.memref_squeeze %dma_start3A_19 : memref<1x10000xi32, #tpu.memory_space<hbm>> -> memref<10000xi32, #tpu.memory_space<hbm>>
      tpu.enqueue_dma source(%dma_start3A_20 : memref<10000xi32, #tpu.memory_space<hbm>>) target(%arg4 : memref<10000xi32, #tpu.memory_space<vmem>>) target_semaphore(%run_scoped3A : memref<!tpu.dma_semaphore, #tpu.memory_space<semaphore_mem>>)
      %dma_wait3A = arith.constant 0 : i32
      %dma_wait3A_21 = tpu.memref_slice %arg2[%add3A, %dma_wait3A] : memref<32x10000xi32, #tpu.memory_space<hbm>> -> memref<1x10000xi32, #tpu.memory_space<hbm>>
      %dma_wait3A_22 = tpu.memref_squeeze %dma_wait3A_21 : memref<1x10000xi32, #tpu.memory_space<hbm>> -> memref<10000xi32, #tpu.memory_space<hbm>>
      %dma_wait3A_23 = arith.constant 0 : i32
      %dma_wait3A_24 = tpu.memref_slice %arg2[%add3A, %dma_wait3A_23] : memref<32x10000xi32, #tpu.memory_space<hbm>> -> memref<1x10000xi32, #tpu.memory_space<hbm>>
      %dma_wait3A_25 = tpu.memref_squeeze %dma_wait3A_24 : memref<1x10000xi32, #tpu.memory_space<hbm>> -> memref<10000xi32, #tpu.memory_space<hbm>>
      tpu.wait_dma2 semaphore(%run_scoped3A : memref<!tpu.dma_semaphore, #tpu.memory_space<semaphore_mem>>) src(%dma_wait3A_25 : memref<10000xi32, #tpu.memory_space<hbm>>) dst(%arg4 : memref<10000xi32, #tpu.memory_space<vmem>>)
      tpu.yield
    }) : () -> ()
    %broadcast_in_dim3A_7 = arith.constant 1.000000e+00 : f32
    %broadcast_in_dim3A_8 = vector.broadcast %broadcast_in_dim3A_7 : f32 to vector<16xf32>
    %scan3A_9 = arith.constant 0 : i32
    %scan3A_10 = arith.constant 0 : i32
    %scan3A_11 = arith.constant 312 : i32
    %scan3A_12 = arith.addi %scan3A_10, %scan3A_11 : i32
    %scan3A_13 = arith.constant 1 : i32
    scf.for %scan3A_16 = %scan3A_10 to %scan3A_12 step %scan3A_13  : i32 {
      %mul3A_17 = arith.constant 32 : i32
      %mul3A_18 = arith.muli %scan3A_16, %mul3A_17 : i32
      %add3A_19 = arith.constant 0 : i32
      %add3A_20 = arith.addi %mul3A_18, %add3A_19 : i32
      %get3A_21 = arith.index_cast %add3A_20 : i32 to index
      %get3A_22 = tpu.vector_load %arg4[%get3A_21] {strides = array<i32>} : memref<10000xi32, #tpu.memory_space<vmem>>, vector<16xi32>,
      tpu.vector_store_idx %arg5[%get3A_22], %broadcast_in_dim3A_8 {add = true} : memref<10240xf32, #tpu.memory_space<vmem>>[vector<16xi32>], vector<16xf32>,
      %mul3A_23 = arith.constant 32 : i32
      %mul3A_24 = arith.muli %scan3A_16, %mul3A_23 : i32
      %add3A_25 = arith.constant 16 : i32
      %add3A_26 = arith.addi %mul3A_24, %add3A_25 : i32
      %get3A_27 = arith.index_cast %add3A_26 : i32 to index
      %get3A_28 = tpu.vector_load %arg4[%get3A_27] {strides = array<i32>} : memref<10000xi32, #tpu.memory_space<vmem>>, vector<16xi32>,
      tpu.vector_store_idx %arg5[%get3A_28], %broadcast_in_dim3A_8 {add = true} : memref<10240xf32, #tpu.memory_space<vmem>>[vector<16xi32>], vector<16xf32>,
    }
    %scan3A_14 = arith.constant 312 : i32
    %get3A = arith.constant 9984 : index
    %get3A_15 = tpu.vector_load %arg4[%get3A] {strides = array<i32>} : memref<10000xi32, #tpu.memory_space<vmem>>, vector<16xi32>,
    tpu.vector_store_idx %arg5[%get3A_15], %broadcast_in_dim3A_8 {add = true} : memref<10240xf32, #tpu.memory_space<vmem>>[vector<16xi32>], vector<16xf32>,
    "tpu.region"() ({
      %run_scoped3A = tpu.sem_alloc : memref<!tpu.dma_semaphore, #tpu.memory_space<semaphore_mem>>
      %dma_start3A = arith.constant 0 : i32
      %dma_start3A_16 = tpu.memref_slice %arg3[%add3A, %dma_start3A] : memref<32x10240xf32, #tpu.memory_space<hbm>> -> memref<1x10240xf32, #tpu.memory_space<hbm>>
      %dma_start3A_17 = tpu.memref_squeeze %dma_start3A_16 : memref<1x10240xf32, #tpu.memory_space<hbm>> -> memref<10240xf32, #tpu.memory_space<hbm>>
      %dma_start3A_18 = arith.constant 0 : i32
      %dma_start3A_19 = tpu.memref_slice %arg3[%add3A, %dma_start3A_18] : memref<32x10240xf32, #tpu.memory_space<hbm>> -> memref<1x10240xf32, #tpu.memory_space<hbm>>
      %dma_start3A_20 = tpu.memref_squeeze %dma_start3A_19 : memref<1x10240xf32, #tpu.memory_space<hbm>> -> memref<10240xf32, #tpu.memory_space<hbm>>
      tpu.enqueue_dma source(%arg5 : memref<10240xf32, #tpu.memory_space<vmem>>) target(%dma_start3A_20 : memref<10240xf32, #tpu.memory_space<hbm>>) target_semaphore(%run_scoped3A : memref<!tpu.dma_semaphore, #tpu.memory_space<semaphore_mem>>)
      %dma_wait3A = arith.constant 0 : i32
      %dma_wait3A_21 = tpu.memref_slice %arg3[%add3A, %dma_wait3A] : memref<32x10240xf32, #tpu.memory_space<hbm>> -> memref<1x10240xf32, #tpu.memory_space<hbm>>
      %dma_wait3A_22 = tpu.memref_squeeze %dma_wait3A_21 : memref<1x10240xf32, #tpu.memory_space<hbm>> -> memref<10240xf32, #tpu.memory_space<hbm>>
      %dma_wait3A_23 = arith.constant 0 : i32
      %dma_wait3A_24 = tpu.memref_slice %arg3[%add3A, %dma_wait3A_23] : memref<32x10240xf32, #tpu.memory_space<hbm>> -> memref<1x10240xf32, #tpu.memory_space<hbm>>
      %dma_wait3A_25 = tpu.memref_squeeze %dma_wait3A_24 : memref<1x10240xf32, #tpu.memory_space<hbm>> -> memref<10240xf32, #tpu.memory_space<hbm>>
      tpu.wait_dma2 semaphore(%run_scoped3A : memref<!tpu.dma_semaphore, #tpu.memory_space<semaphore_mem>>) src(%arg5 : memref<10240xf32, #tpu.memory_space<vmem>>) dst(%dma_wait3A_25 : memref<10240xf32, #tpu.memory_space<hbm>>)
      tpu.yield
    }) : () -> ()
    return
  }
}

#map = affine_map<(d0, d1) -> (0, 0)>
#map1 = affine_map<(d0, d1) -> (0, 0, 0, 0)>
#map2 = affine_map<(d0, d1) -> (0, 0, 0)>
module attributes {stable_mosaic.version = 14 : i64} {
  func.func @agg_kernel(%arg0: i32, %arg1: i32, %arg2: memref<10240x128xf32, #tpu.memory_space<hbm>>, %arg3: memref<32x50x5x40xi32, #tpu.memory_space<hbm>>, %arg4: memref<32x50x5x40xi32, #tpu.memory_space<hbm>>, %arg5: memref<2x10240x128xf32, #tpu.memory_space<hbm>>, %arg6: memref<2x5x40xi32, #tpu.memory_space<vmem>>, %arg7: memref<2x5x40xi32, #tpu.memory_space<vmem>>, %arg8: memref<40x128xf32, #tpu.memory_space<vmem>>, %arg9: memref<40x128xf32, #tpu.memory_space<vmem>>, %arg10: memref<40x128xf32, #tpu.memory_space<vmem>>, %arg11: memref<40x128xf32, #tpu.memory_space<vmem>>, %arg12: memref<40x128xf32, #tpu.memory_space<vmem>>, %arg13: memref<!tpu.dma_semaphore, #tpu.memory_space<semaphore_mem>>, %arg14: memref<!tpu.dma_semaphore, #tpu.memory_space<semaphore_mem>>, %arg15: memref<!tpu.dma_semaphore, #tpu.memory_space<semaphore_mem>>, %arg16: memref<!tpu.dma_semaphore, #tpu.memory_space<semaphore_mem>>, %arg17: memref<!tpu.dma_semaphore, #tpu.memory_space<semaphore_mem>>, %arg18: memref<!tpu.dma_semaphore, #tpu.memory_space<semaphore_mem>>, %arg19: memref<!tpu.dma_semaphore, #tpu.memory_space<semaphore_mem>>, %arg20: memref<!tpu.dma_semaphore, #tpu.memory_space<semaphore_mem>>, %arg21: memref<!tpu.dma_semaphore, #tpu.memory_space<semaphore_mem>>, %arg22: memref<!tpu.dma_semaphore, #tpu.memory_space<semaphore_mem>>, %arg23: memref<!tpu.dma_semaphore, #tpu.memory_space<semaphore_mem>>, %arg24: memref<!tpu.dma_semaphore, #tpu.memory_space<semaphore_mem>>, %arg25: memref<!tpu.dma_semaphore, #tpu.memory_space<semaphore_mem>>, %arg26: memref<!tpu.dma_semaphore, #tpu.memory_space<semaphore_mem>>, %arg27: memref<10240x128xf32, #tpu.memory_space<vmem_shared>>) attributes {dimension_semantics = [#tpu.dimension_semantics<core_parallel>, #tpu.dimension_semantics<subcore_parallel>], iteration_bounds = array<i64: 2, 16>, scalar_prefetch = 0 : i64, scratch_operands = 22 : i64, tpu.core_type = #tpu.core_type<sc_vector_subcore>, window_params = [{transform_indices = #map}, {transform_indices = #map1}, {transform_indices = #map1}, {transform_indices = #map2}]} {
    %mul3A = arith.constant 2 : i32
    %mul3A_0 = arith.muli %arg1, %mul3A : i32
    %add3A = arith.addi %mul3A_0, %arg0 : i32
    %broadcast_in_dim3A = arith.constant 0.000000e+00 : f32
    %broadcast_in_dim3A_1 = vector.broadcast %broadcast_in_dim3A : f32 to vector<16xf32>
    %mul3A_2 = arith.constant 640 : i32
    %mul3A_3 = arith.muli %arg1, %mul3A_2 : i32
    %dma_start3A = arith.constant 0 : i32
    %dma_start3A_4 = arith.constant 0 : i32
    %dma_start3A_5 = arith.constant 0 : i32
    %dma_start3A_6 = arith.constant 0 : i32
    %dma_start3A_7 = tpu.memref_slice %arg6[%dma_start3A_4, %dma_start3A_5, %dma_start3A_6] : memref<2x5x40xi32, #tpu.memory_space<vmem>> -> memref<1x5x40xi32, #tpu.memory_space<vmem>>
    %dma_start3A_8 = tpu.memref_squeeze %dma_start3A_7 : memref<1x5x40xi32, #tpu.memory_space<vmem>> -> memref<5x40xi32, #tpu.memory_space<vmem>>
    %dma_start3A_9 = arith.constant 0 : i32
    %dma_start3A_10 = arith.constant 0 : i32
    %dma_start3A_11 = tpu.memref_slice %arg3[%add3A, %dma_start3A, %dma_start3A_9, %dma_start3A_10] : memref<32x50x5x40xi32, #tpu.memory_space<hbm>> -> memref<1x1x5x40xi32, #tpu.memory_space<hbm>>
    %dma_start3A_12 = tpu.memref_squeeze %dma_start3A_11 : memref<1x1x5x40xi32, #tpu.memory_space<hbm>> -> memref<5x40xi32, #tpu.memory_space<hbm>>
    %dma_start3A_13 = arith.constant 0 : i32
    %dma_start3A_14 = arith.constant 0 : i32
    %dma_start3A_15 = tpu.memref_slice %arg6[%dma_start3A_4, %dma_start3A_13, %dma_start3A_14] : memref<2x5x40xi32, #tpu.memory_space<vmem>> -> memref<1x5x40xi32, #tpu.memory_space<vmem>>
    %dma_start3A_16 = tpu.memref_squeeze %dma_start3A_15 : memref<1x5x40xi32, #tpu.memory_space<vmem>> -> memref<5x40xi32, #tpu.memory_space<vmem>>
    %dma_start3A_17 = arith.constant 0 : i32
    %dma_start3A_18 = arith.constant 0 : i32
    %dma_start3A_19 = tpu.memref_slice %arg3[%add3A, %dma_start3A, %dma_start3A_17, %dma_start3A_18] : memref<32x50x5x40xi32, #tpu.memory_space<hbm>> -> memref<1x1x5x40xi32, #tpu.memory_space<hbm>>
    %dma_start3A_20 = tpu.memref_squeeze %dma_start3A_19 : memref<1x1x5x40xi32, #tpu.memory_space<hbm>> -> memref<5x40xi32, #tpu.memory_space<hbm>>
    tpu.enqueue_dma source(%dma_start3A_20 : memref<5x40xi32, #tpu.memory_space<hbm>>) target(%dma_start3A_16 : memref<5x40xi32, #tpu.memory_space<vmem>>) target_semaphore(%arg23 : memref<!tpu.dma_semaphore, #tpu.memory_space<semaphore_mem>>)
    %dma_start3A_21 = arith.constant 0 : i32
    %dma_start3A_22 = arith.constant 0 : i32
    %dma_start3A_23 = arith.constant 0 : i32
    %dma_start3A_24 = arith.constant 0 : i32
    %dma_start3A_25 = tpu.memref_slice %arg7[%dma_start3A_22, %dma_start3A_23, %dma_start3A_24] : memref<2x5x40xi32, #tpu.memory_space<vmem>> -> memref<1x5x40xi32, #tpu.memory_space<vmem>>
    %dma_start3A_26 = tpu.memref_squeeze %dma_start3A_25 : memref<1x5x40xi32, #tpu.memory_space<vmem>> -> memref<5x40xi32, #tpu.memory_space<vmem>>
    %dma_start3A_27 = arith.constant 0 : i32
    %dma_start3A_28 = arith.constant 0 : i32
    %dma_start3A_29 = tpu.memref_slice %arg4[%add3A, %dma_start3A_21, %dma_start3A_27, %dma_start3A_28] : memref<32x50x5x40xi32, #tpu.memory_space<hbm>> -> memref<1x1x5x40xi32, #tpu.memory_space<hbm>>
    %dma_start3A_30 = tpu.memref_squeeze %dma_start3A_29 : memref<1x1x5x40xi32, #tpu.memory_space<hbm>> -> memref<5x40xi32, #tpu.memory_space<hbm>>
    %dma_start3A_31 = arith.constant 0 : i32
    %dma_start3A_32 = arith.constant 0 : i32
    %dma_start3A_33 = tpu.memref_slice %arg7[%dma_start3A_22, %dma_start3A_31, %dma_start3A_32] : memref<2x5x40xi32, #tpu.memory_space<vmem>> -> memref<1x5x40xi32, #tpu.memory_space<vmem>>
    %dma_start3A_34 = tpu.memref_squeeze %dma_start3A_33 : memref<1x5x40xi32, #tpu.memory_space<vmem>> -> memref<5x40xi32, #tpu.memory_space<vmem>>
    %dma_start3A_35 = arith.constant 0 : i32
    %dma_start3A_36 = arith.constant 0 : i32
    %dma_start3A_37 = tpu.memref_slice %arg4[%add3A, %dma_start3A_21, %dma_start3A_35, %dma_start3A_36] : memref<32x50x5x40xi32, #tpu.memory_space<hbm>> -> memref<1x1x5x40xi32, #tpu.memory_space<hbm>>
    %dma_start3A_38 = tpu.memref_squeeze %dma_start3A_37 : memref<1x1x5x40xi32, #tpu.memory_space<hbm>> -> memref<5x40xi32, #tpu.memory_space<hbm>>
    tpu.enqueue_dma source(%dma_start3A_38 : memref<5x40xi32, #tpu.memory_space<hbm>>) target(%dma_start3A_34 : memref<5x40xi32, #tpu.memory_space<vmem>>) target_semaphore(%arg25 : memref<!tpu.dma_semaphore, #tpu.memory_space<semaphore_mem>>)
    %scan3A = arith.constant 0 : i32
    %scan3A_39 = arith.constant 0 : i32
    %scan3A_40 = arith.constant 40 : i32
    %scan3A_41 = arith.addi %scan3A_39, %scan3A_40 : i32
    %scan3A_42 = arith.constant 1 : i32
    scf.for %scan3A_670 = %scan3A_39 to %scan3A_41 step %scan3A_42  : i32 {
      %swap3A = arith.index_cast %scan3A_670 : i32 to index
      %swap3A_671 = arith.constant 0 : index
      %swap3A_672 = tpu.vector_load %arg8[%swap3A, %swap3A_671] {strides = array<i32>} : memref<40x128xf32, #tpu.memory_space<vmem>>, vector<16xf32>,
      tpu.vector_store %arg8[%swap3A, %swap3A_671], %broadcast_in_dim3A_1 {strides = array<i32>} : memref<40x128xf32, #tpu.memory_space<vmem>>, vector<16xf32>,
      %swap3A_673 = arith.index_cast %scan3A_670 : i32 to index
      %swap3A_674 = arith.constant 16 : index
      %swap3A_675 = tpu.vector_load %arg8[%swap3A_673, %swap3A_674] {strides = array<i32>} : memref<40x128xf32, #tpu.memory_space<vmem>>, vector<16xf32>,
      tpu.vector_store %arg8[%swap3A_673, %swap3A_674], %broadcast_in_dim3A_1 {strides = array<i32>} : memref<40x128xf32, #tpu.memory_space<vmem>>, vector<16xf32>,
      %swap3A_676 = arith.index_cast %scan3A_670 : i32 to index
      %swap3A_677 = arith.constant 32 : index
      %swap3A_678 = tpu.vector_load %arg8[%swap3A_676, %swap3A_677] {strides = array<i32>} : memref<40x128xf32, #tpu.memory_space<vmem>>, vector<16xf32>,
      tpu.vector_store %arg8[%swap3A_676, %swap3A_677], %broadcast_in_dim3A_1 {strides = array<i32>} : memref<40x128xf32, #tpu.memory_space<vmem>>, vector<16xf32>,
      %swap3A_679 = arith.index_cast %scan3A_670 : i32 to index
      %swap3A_680 = arith.constant 48 : index
      %swap3A_681 = tpu.vector_load %arg8[%swap3A_679, %swap3A_680] {strides = array<i32>} : memref<40x128xf32, #tpu.memory_space<vmem>>, vector<16xf32>,
      tpu.vector_store %arg8[%swap3A_679, %swap3A_680], %broadcast_in_dim3A_1 {strides = array<i32>} : memref<40x128xf32, #tpu.memory_space<vmem>>, vector<16xf32>,
      %swap3A_682 = arith.index_cast %scan3A_670 : i32 to index
      %swap3A_683 = arith.constant 64 : index
      %swap3A_684 = tpu.vector_load %arg8[%swap3A_682, %swap3A_683] {strides = array<i32>} : memref<40x128xf32, #tpu.memory_space<vmem>>, vector<16xf32>,
      tpu.vector_store %arg8[%swap3A_682, %swap3A_683], %broadcast_in_dim3A_1 {strides = array<i32>} : memref<40x128xf32, #tpu.memory_space<vmem>>, vector<16xf32>,
      %swap3A_685 = arith.index_cast %scan3A_670 : i32 to index
      %swap3A_686 = arith.constant 80 : index
      %swap3A_687 = tpu.vector_load %arg8[%swap3A_685, %swap3A_686] {strides = array<i32>} : memref<40x128xf32, #tpu.memory_space<vmem>>, vector<16xf32>,
      tpu.vector_store %arg8[%swap3A_685, %swap3A_686], %broadcast_in_dim3A_1 {strides = array<i32>} : memref<40x128xf32, #tpu.memory_space<vmem>>, vector<16xf32>,
      %swap3A_688 = arith.index_cast %scan3A_670 : i32 to index
      %swap3A_689 = arith.constant 96 : index
      %swap3A_690 = tpu.vector_load %arg8[%swap3A_688, %swap3A_689] {strides = array<i32>} : memref<40x128xf32, #tpu.memory_space<vmem>>, vector<16xf32>,
      tpu.vector_store %arg8[%swap3A_688, %swap3A_689], %broadcast_in_dim3A_1 {strides = array<i32>} : memref<40x128xf32, #tpu.memory_space<vmem>>, vector<16xf32>,
      %swap3A_691 = arith.index_cast %scan3A_670 : i32 to index
      %swap3A_692 = arith.constant 112 : index
      %swap3A_693 = tpu.vector_load %arg8[%swap3A_691, %swap3A_692] {strides = array<i32>} : memref<40x128xf32, #tpu.memory_space<vmem>>, vector<16xf32>,
      tpu.vector_store %arg8[%swap3A_691, %swap3A_692], %broadcast_in_dim3A_1 {strides = array<i32>} : memref<40x128xf32, #tpu.memory_space<vmem>>, vector<16xf32>,
    }
    %scan3A_43 = arith.constant 40 : i32
    %dma_wait3A = arith.constant 0 : i32
    %dma_wait3A_44 = arith.constant 0 : i32
    %dma_wait3A_45 = arith.constant 0 : i32
    %dma_wait3A_46 = arith.constant 0 : i32
    %dma_wait3A_47 = tpu.memref_slice %arg6[%dma_wait3A_44, %dma_wait3A_45, %dma_wait3A_46] : memref<2x5x40xi32, #tpu.memory_space<vmem>> -> memref<1x5x40xi32, #tpu.memory_space<vmem>>
    %dma_wait3A_48 = tpu.memref_squeeze %dma_wait3A_47 : memref<1x5x40xi32, #tpu.memory_space<vmem>> -> memref<5x40xi32, #tpu.memory_space<vmem>>
    %dma_wait3A_49 = arith.constant 0 : i32
    %dma_wait3A_50 = arith.constant 0 : i32
    %dma_wait3A_51 = tpu.memref_slice %arg3[%add3A, %dma_wait3A, %dma_wait3A_49, %dma_wait3A_50] : memref<32x50x5x40xi32, #tpu.memory_space<hbm>> -> memref<1x1x5x40xi32, #tpu.memory_space<hbm>>
    %dma_wait3A_52 = tpu.memref_squeeze %dma_wait3A_51 : memref<1x1x5x40xi32, #tpu.memory_space<hbm>> -> memref<5x40xi32, #tpu.memory_space<hbm>>
    %dma_wait3A_53 = arith.constant 0 : i32
    %dma_wait3A_54 = arith.constant 0 : i32
    %dma_wait3A_55 = tpu.memref_slice %arg6[%dma_wait3A_44, %dma_wait3A_53, %dma_wait3A_54] : memref<2x5x40xi32, #tpu.memory_space<vmem>> -> memref<1x5x40xi32, #tpu.memory_space<vmem>>
    %dma_wait3A_56 = tpu.memref_squeeze %dma_wait3A_55 : memref<1x5x40xi32, #tpu.memory_space<vmem>> -> memref<5x40xi32, #tpu.memory_space<vmem>>
    %dma_wait3A_57 = arith.constant 0 : i32
    %dma_wait3A_58 = arith.constant 0 : i32
    %dma_wait3A_59 = tpu.memref_slice %arg3[%add3A, %dma_wait3A, %dma_wait3A_57, %dma_wait3A_58] : memref<32x50x5x40xi32, #tpu.memory_space<hbm>> -> memref<1x1x5x40xi32, #tpu.memory_space<hbm>>
    %dma_wait3A_60 = tpu.memref_squeeze %dma_wait3A_59 : memref<1x1x5x40xi32, #tpu.memory_space<hbm>> -> memref<5x40xi32, #tpu.memory_space<hbm>>
    tpu.wait_dma2 semaphore(%arg23 : memref<!tpu.dma_semaphore, #tpu.memory_space<semaphore_mem>>) src(%dma_wait3A_60 : memref<5x40xi32, #tpu.memory_space<hbm>>) dst(%dma_wait3A_56 : memref<5x40xi32, #tpu.memory_space<vmem>>)
    %dma_wait3A_61 = arith.constant 0 : i32
    %dma_wait3A_62 = arith.constant 0 : i32
    %dma_wait3A_63 = arith.constant 0 : i32
    %dma_wait3A_64 = arith.constant 0 : i32
    %dma_wait3A_65 = tpu.memref_slice %arg7[%dma_wait3A_62, %dma_wait3A_63, %dma_wait3A_64] : memref<2x5x40xi32, #tpu.memory_space<vmem>> -> memref<1x5x40xi32, #tpu.memory_space<vmem>>
    %dma_wait3A_66 = tpu.memref_squeeze %dma_wait3A_65 : memref<1x5x40xi32, #tpu.memory_space<vmem>> -> memref<5x40xi32, #tpu.memory_space<vmem>>
    %dma_wait3A_67 = arith.constant 0 : i32
    %dma_wait3A_68 = arith.constant 0 : i32
    %dma_wait3A_69 = tpu.memref_slice %arg4[%add3A, %dma_wait3A_61, %dma_wait3A_67, %dma_wait3A_68] : memref<32x50x5x40xi32, #tpu.memory_space<hbm>> -> memref<1x1x5x40xi32, #tpu.memory_space<hbm>>
    %dma_wait3A_70 = tpu.memref_squeeze %dma_wait3A_69 : memref<1x1x5x40xi32, #tpu.memory_space<hbm>> -> memref<5x40xi32, #tpu.memory_space<hbm>>
    %dma_wait3A_71 = arith.constant 0 : i32
    %dma_wait3A_72 = arith.constant 0 : i32
    %dma_wait3A_73 = tpu.memref_slice %arg7[%dma_wait3A_62, %dma_wait3A_71, %dma_wait3A_72] : memref<2x5x40xi32, #tpu.memory_space<vmem>> -> memref<1x5x40xi32, #tpu.memory_space<vmem>>
    %dma_wait3A_74 = tpu.memref_squeeze %dma_wait3A_73 : memref<1x5x40xi32, #tpu.memory_space<vmem>> -> memref<5x40xi32, #tpu.memory_space<vmem>>
    %dma_wait3A_75 = arith.constant 0 : i32
    %dma_wait3A_76 = arith.constant 0 : i32
    %dma_wait3A_77 = tpu.memref_slice %arg4[%add3A, %dma_wait3A_61, %dma_wait3A_75, %dma_wait3A_76] : memref<32x50x5x40xi32, #tpu.memory_space<hbm>> -> memref<1x1x5x40xi32, #tpu.memory_space<hbm>>
    %dma_wait3A_78 = tpu.memref_squeeze %dma_wait3A_77 : memref<1x1x5x40xi32, #tpu.memory_space<hbm>> -> memref<5x40xi32, #tpu.memory_space<hbm>>
    tpu.wait_dma2 semaphore(%arg25 : memref<!tpu.dma_semaphore, #tpu.memory_space<semaphore_mem>>) src(%dma_wait3A_78 : memref<5x40xi32, #tpu.memory_space<hbm>>) dst(%dma_wait3A_74 : memref<5x40xi32, #tpu.memory_space<vmem>>)
    %dma_start3A_79 = arith.constant 0 : i32
    %dma_start3A_80 = arith.constant 1 : i32
    %dma_start3A_81 = arith.constant 0 : i32
    %dma_start3A_82 = tpu.memref_slice %arg6[%dma_start3A_79, %dma_start3A_80, %dma_start3A_81] : memref<2x5x40xi32, #tpu.memory_space<vmem>> -> memref<1x1x40xi32, #tpu.memory_space<vmem>>
    %dma_start3A_83 = tpu.memref_squeeze %dma_start3A_82 : memref<1x1x40xi32, #tpu.memory_space<vmem>> -> memref<40xi32, #tpu.memory_space<vmem>>
    %dma_start3A_84 = arith.constant 0 : i32
    %dma_start3A_85 = arith.constant 0 : i32
    %dma_start3A_86 = tpu.memref_slice %arg2[%dma_start3A_84, %dma_start3A_85] : memref<10240x128xf32, #tpu.memory_space<hbm>> -> memref<10240x128xf32, #tpu.memory_space<hbm>>
    tpu.enqueue_indirect_dma source(%dma_start3A_86 : memref<10240x128xf32, #tpu.memory_space<hbm>>) target(%arg9 : memref<40x128xf32, #tpu.memory_space<vmem>>) offsets(%dma_start3A_83 : memref<40xi32, #tpu.memory_space<vmem>>) semaphore(%arg14 : memref<!tpu.dma_semaphore, #tpu.memory_space<semaphore_mem>>)
    %dma_start3A_87 = arith.constant 0 : i32
    %dma_start3A_88 = arith.constant 2 : i32
    %dma_start3A_89 = arith.constant 0 : i32
    %dma_start3A_90 = tpu.memref_slice %arg6[%dma_start3A_87, %dma_start3A_88, %dma_start3A_89] : memref<2x5x40xi32, #tpu.memory_space<vmem>> -> memref<1x1x40xi32, #tpu.memory_space<vmem>>
    %dma_start3A_91 = tpu.memref_squeeze %dma_start3A_90 : memref<1x1x40xi32, #tpu.memory_space<vmem>> -> memref<40xi32, #tpu.memory_space<vmem>>
    %dma_start3A_92 = arith.constant 0 : i32
    %dma_start3A_93 = arith.constant 0 : i32
    %dma_start3A_94 = tpu.memref_slice %arg2[%dma_start3A_92, %dma_start3A_93] : memref<10240x128xf32, #tpu.memory_space<hbm>> -> memref<10240x128xf32, #tpu.memory_space<hbm>>
    tpu.enqueue_indirect_dma source(%dma_start3A_94 : memref<10240x128xf32, #tpu.memory_space<hbm>>) target(%arg10 : memref<40x128xf32, #tpu.memory_space<vmem>>) offsets(%dma_start3A_91 : memref<40xi32, #tpu.memory_space<vmem>>) semaphore(%arg15 : memref<!tpu.dma_semaphore, #tpu.memory_space<semaphore_mem>>)
    %dma_start3A_95 = arith.constant 0 : i32
    %dma_start3A_96 = arith.constant 3 : i32
    %dma_start3A_97 = arith.constant 0 : i32
    %dma_start3A_98 = tpu.memref_slice %arg6[%dma_start3A_95, %dma_start3A_96, %dma_start3A_97] : memref<2x5x40xi32, #tpu.memory_space<vmem>> -> memref<1x1x40xi32, #tpu.memory_space<vmem>>
    %dma_start3A_99 = tpu.memref_squeeze %dma_start3A_98 : memref<1x1x40xi32, #tpu.memory_space<vmem>> -> memref<40xi32, #tpu.memory_space<vmem>>
    %dma_start3A_100 = arith.constant 0 : i32
    %dma_start3A_101 = arith.constant 0 : i32
    %dma_start3A_102 = tpu.memref_slice %arg2[%dma_start3A_100, %dma_start3A_101] : memref<10240x128xf32, #tpu.memory_space<hbm>> -> memref<10240x128xf32, #tpu.memory_space<hbm>>
    tpu.enqueue_indirect_dma source(%dma_start3A_102 : memref<10240x128xf32, #tpu.memory_space<hbm>>) target(%arg11 : memref<40x128xf32, #tpu.memory_space<vmem>>) offsets(%dma_start3A_99 : memref<40xi32, #tpu.memory_space<vmem>>) semaphore(%arg16 : memref<!tpu.dma_semaphore, #tpu.memory_space<semaphore_mem>>)
    %dma_start3A_103 = arith.constant 0 : i32
    %dma_start3A_104 = arith.constant 4 : i32
    %dma_start3A_105 = arith.constant 0 : i32
    %dma_start3A_106 = tpu.memref_slice %arg6[%dma_start3A_103, %dma_start3A_104, %dma_start3A_105] : memref<2x5x40xi32, #tpu.memory_space<vmem>> -> memref<1x1x40xi32, #tpu.memory_space<vmem>>
    %dma_start3A_107 = tpu.memref_squeeze %dma_start3A_106 : memref<1x1x40xi32, #tpu.memory_space<vmem>> -> memref<40xi32, #tpu.memory_space<vmem>>
    %dma_start3A_108 = arith.constant 0 : i32
    %dma_start3A_109 = arith.constant 0 : i32
    %dma_start3A_110 = tpu.memref_slice %arg2[%dma_start3A_108, %dma_start3A_109] : memref<10240x128xf32, #tpu.memory_space<hbm>> -> memref<10240x128xf32, #tpu.memory_space<hbm>>
    tpu.enqueue_indirect_dma source(%dma_start3A_110 : memref<10240x128xf32, #tpu.memory_space<hbm>>) target(%arg12 : memref<40x128xf32, #tpu.memory_space<vmem>>) offsets(%dma_start3A_107 : memref<40xi32, #tpu.memory_space<vmem>>) semaphore(%arg17 : memref<!tpu.dma_semaphore, #tpu.memory_space<semaphore_mem>>)
    %add3A_111 = arith.constant 0 : i32
    %add3A_112 = arith.addi %mul3A_3, %add3A_111 : i32
    %dma_start3A_113 = arith.constant 0 : i32
    %dma_start3A_114 = tpu.memref_slice %arg27[%add3A_112, %dma_start3A_113] : memref<10240x128xf32, #tpu.memory_space<vmem_shared>> -> memref<40x128xf32, #tpu.memory_space<vmem_shared>>
    %dma_start3A_115 = arith.constant 0 : i32
    %dma_start3A_116 = tpu.memref_slice %arg27[%add3A_112, %dma_start3A_115] : memref<10240x128xf32, #tpu.memory_space<vmem_shared>> -> memref<40x128xf32, #tpu.memory_space<vmem_shared>>
    tpu.enqueue_dma source(%arg8 : memref<40x128xf32, #tpu.memory_space<vmem>>) target(%dma_start3A_116 : memref<40x128xf32, #tpu.memory_space<vmem_shared>>) target_semaphore(%arg18 : memref<!tpu.dma_semaphore, #tpu.memory_space<semaphore_mem>>)
    %add3A_117 = arith.constant 40 : i32
    %add3A_118 = arith.addi %mul3A_3, %add3A_117 : i32
    %dma_start3A_119 = arith.constant 0 : i32
    %dma_start3A_120 = tpu.memref_slice %arg27[%add3A_118, %dma_start3A_119] : memref<10240x128xf32, #tpu.memory_space<vmem_shared>> -> memref<40x128xf32, #tpu.memory_space<vmem_shared>>
    %dma_start3A_121 = arith.constant 0 : i32
    %dma_start3A_122 = tpu.memref_slice %arg27[%add3A_118, %dma_start3A_121] : memref<10240x128xf32, #tpu.memory_space<vmem_shared>> -> memref<40x128xf32, #tpu.memory_space<vmem_shared>>
    tpu.enqueue_dma source(%arg8 : memref<40x128xf32, #tpu.memory_space<vmem>>) target(%dma_start3A_122 : memref<40x128xf32, #tpu.memory_space<vmem_shared>>) target_semaphore(%arg18 : memref<!tpu.dma_semaphore, #tpu.memory_space<semaphore_mem>>)
    %add3A_123 = arith.constant 80 : i32
    %add3A_124 = arith.addi %mul3A_3, %add3A_123 : i32
    %dma_start3A_125 = arith.constant 0 : i32
    %dma_start3A_126 = tpu.memref_slice %arg27[%add3A_124, %dma_start3A_125] : memref<10240x128xf32, #tpu.memory_space<vmem_shared>> -> memref<40x128xf32, #tpu.memory_space<vmem_shared>>
    %dma_start3A_127 = arith.constant 0 : i32
    %dma_start3A_128 = tpu.memref_slice %arg27[%add3A_124, %dma_start3A_127] : memref<10240x128xf32, #tpu.memory_space<vmem_shared>> -> memref<40x128xf32, #tpu.memory_space<vmem_shared>>
    tpu.enqueue_dma source(%arg8 : memref<40x128xf32, #tpu.memory_space<vmem>>) target(%dma_start3A_128 : memref<40x128xf32, #tpu.memory_space<vmem_shared>>) target_semaphore(%arg18 : memref<!tpu.dma_semaphore, #tpu.memory_space<semaphore_mem>>)
    %add3A_129 = arith.constant 120 : i32
    %add3A_130 = arith.addi %mul3A_3, %add3A_129 : i32
    %dma_start3A_131 = arith.constant 0 : i32
    %dma_start3A_132 = tpu.memref_slice %arg27[%add3A_130, %dma_start3A_131] : memref<10240x128xf32, #tpu.memory_space<vmem_shared>> -> memref<40x128xf32, #tpu.memory_space<vmem_shared>>
    %dma_start3A_133 = arith.constant 0 : i32
    %dma_start3A_134 = tpu.memref_slice %arg27[%add3A_130, %dma_start3A_133] : memref<10240x128xf32, #tpu.memory_space<vmem_shared>> -> memref<40x128xf32, #tpu.memory_space<vmem_shared>>
    tpu.enqueue_dma source(%arg8 : memref<40x128xf32, #tpu.memory_space<vmem>>) target(%dma_start3A_134 : memref<40x128xf32, #tpu.memory_space<vmem_shared>>) target_semaphore(%arg18 : memref<!tpu.dma_semaphore, #tpu.memory_space<semaphore_mem>>)
    %add3A_135 = arith.constant 160 : i32
    %add3A_136 = arith.addi %mul3A_3, %add3A_135 : i32
    %dma_start3A_137 = arith.constant 0 : i32
    %dma_start3A_138 = tpu.memref_slice %arg27[%add3A_136, %dma_start3A_137] : memref<10240x128xf32, #tpu.memory_space<vmem_shared>> -> memref<40x128xf32, #tpu.memory_space<vmem_shared>>
    %dma_start3A_139 = arith.constant 0 : i32
    %dma_start3A_140 = tpu.memref_slice %arg27[%add3A_136, %dma_start3A_139] : memref<10240x128xf32, #tpu.memory_space<vmem_shared>> -> memref<40x128xf32, #tpu.memory_space<vmem_shared>>
    tpu.enqueue_dma source(%arg8 : memref<40x128xf32, #tpu.memory_space<vmem>>) target(%dma_start3A_140 : memref<40x128xf32, #tpu.memory_space<vmem_shared>>) target_semaphore(%arg18 : memref<!tpu.dma_semaphore, #tpu.memory_space<semaphore_mem>>)
    %add3A_141 = arith.constant 200 : i32
    %add3A_142 = arith.addi %mul3A_3, %add3A_141 : i32
    %dma_start3A_143 = arith.constant 0 : i32
    %dma_start3A_144 = tpu.memref_slice %arg27[%add3A_142, %dma_start3A_143] : memref<10240x128xf32, #tpu.memory_space<vmem_shared>> -> memref<40x128xf32, #tpu.memory_space<vmem_shared>>
    %dma_start3A_145 = arith.constant 0 : i32
    %dma_start3A_146 = tpu.memref_slice %arg27[%add3A_142, %dma_start3A_145] : memref<10240x128xf32, #tpu.memory_space<vmem_shared>> -> memref<40x128xf32, #tpu.memory_space<vmem_shared>>
    tpu.enqueue_dma source(%arg8 : memref<40x128xf32, #tpu.memory_space<vmem>>) target(%dma_start3A_146 : memref<40x128xf32, #tpu.memory_space<vmem_shared>>) target_semaphore(%arg18 : memref<!tpu.dma_semaphore, #tpu.memory_space<semaphore_mem>>)
    %add3A_147 = arith.constant 240 : i32
    %add3A_148 = arith.addi %mul3A_3, %add3A_147 : i32
    %dma_start3A_149 = arith.constant 0 : i32
    %dma_start3A_150 = tpu.memref_slice %arg27[%add3A_148, %dma_start3A_149] : memref<10240x128xf32, #tpu.memory_space<vmem_shared>> -> memref<40x128xf32, #tpu.memory_space<vmem_shared>>
    %dma_start3A_151 = arith.constant 0 : i32
    %dma_start3A_152 = tpu.memref_slice %arg27[%add3A_148, %dma_start3A_151] : memref<10240x128xf32, #tpu.memory_space<vmem_shared>> -> memref<40x128xf32, #tpu.memory_space<vmem_shared>>
    tpu.enqueue_dma source(%arg8 : memref<40x128xf32, #tpu.memory_space<vmem>>) target(%dma_start3A_152 : memref<40x128xf32, #tpu.memory_space<vmem_shared>>) target_semaphore(%arg18 : memref<!tpu.dma_semaphore, #tpu.memory_space<semaphore_mem>>)
    %add3A_153 = arith.constant 280 : i32
    %add3A_154 = arith.addi %mul3A_3, %add3A_153 : i32
    %dma_start3A_155 = arith.constant 0 : i32
    %dma_start3A_156 = tpu.memref_slice %arg27[%add3A_154, %dma_start3A_155] : memref<10240x128xf32, #tpu.memory_space<vmem_shared>> -> memref<40x128xf32, #tpu.memory_space<vmem_shared>>
    %dma_start3A_157 = arith.constant 0 : i32
    %dma_start3A_158 = tpu.memref_slice %arg27[%add3A_154, %dma_start3A_157] : memref<10240x128xf32, #tpu.memory_space<vmem_shared>> -> memref<40x128xf32, #tpu.memory_space<vmem_shared>>
    tpu.enqueue_dma source(%arg8 : memref<40x128xf32, #tpu.memory_space<vmem>>) target(%dma_start3A_158 : memref<40x128xf32, #tpu.memory_space<vmem_shared>>) target_semaphore(%arg18 : memref<!tpu.dma_semaphore, #tpu.memory_space<semaphore_mem>>)
    %add3A_159 = arith.constant 320 : i32
    %add3A_160 = arith.addi %mul3A_3, %add3A_159 : i32
    %dma_start3A_161 = arith.constant 0 : i32
    %dma_start3A_162 = tpu.memref_slice %arg27[%add3A_160, %dma_start3A_161] : memref<10240x128xf32, #tpu.memory_space<vmem_shared>> -> memref<40x128xf32, #tpu.memory_space<vmem_shared>>
    %dma_start3A_163 = arith.constant 0 : i32
    %dma_start3A_164 = tpu.memref_slice %arg27[%add3A_160, %dma_start3A_163] : memref<10240x128xf32, #tpu.memory_space<vmem_shared>> -> memref<40x128xf32, #tpu.memory_space<vmem_shared>>
    tpu.enqueue_dma source(%arg8 : memref<40x128xf32, #tpu.memory_space<vmem>>) target(%dma_start3A_164 : memref<40x128xf32, #tpu.memory_space<vmem_shared>>) target_semaphore(%arg18 : memref<!tpu.dma_semaphore, #tpu.memory_space<semaphore_mem>>)
    %add3A_165 = arith.constant 360 : i32
    %add3A_166 = arith.addi %mul3A_3, %add3A_165 : i32
    %dma_start3A_167 = arith.constant 0 : i32
    %dma_start3A_168 = tpu.memref_slice %arg27[%add3A_166, %dma_start3A_167] : memref<10240x128xf32, #tpu.memory_space<vmem_shared>> -> memref<40x128xf32, #tpu.memory_space<vmem_shared>>
    %dma_start3A_169 = arith.constant 0 : i32
    %dma_start3A_170 = tpu.memref_slice %arg27[%add3A_166, %dma_start3A_169] : memref<10240x128xf32, #tpu.memory_space<vmem_shared>> -> memref<40x128xf32, #tpu.memory_space<vmem_shared>>
    tpu.enqueue_dma source(%arg8 : memref<40x128xf32, #tpu.memory_space<vmem>>) target(%dma_start3A_170 : memref<40x128xf32, #tpu.memory_space<vmem_shared>>) target_semaphore(%arg18 : memref<!tpu.dma_semaphore, #tpu.memory_space<semaphore_mem>>)
    %add3A_171 = arith.constant 400 : i32
    %add3A_172 = arith.addi %mul3A_3, %add3A_171 : i32
    %dma_start3A_173 = arith.constant 0 : i32
    %dma_start3A_174 = tpu.memref_slice %arg27[%add3A_172, %dma_start3A_173] : memref<10240x128xf32, #tpu.memory_space<vmem_shared>> -> memref<40x128xf32, #tpu.memory_space<vmem_shared>>
    %dma_start3A_175 = arith.constant 0 : i32
    %dma_start3A_176 = tpu.memref_slice %arg27[%add3A_172, %dma_start3A_175] : memref<10240x128xf32, #tpu.memory_space<vmem_shared>> -> memref<40x128xf32, #tpu.memory_space<vmem_shared>>
    tpu.enqueue_dma source(%arg8 : memref<40x128xf32, #tpu.memory_space<vmem>>) target(%dma_start3A_176 : memref<40x128xf32, #tpu.memory_space<vmem_shared>>) target_semaphore(%arg18 : memref<!tpu.dma_semaphore, #tpu.memory_space<semaphore_mem>>)
    %add3A_177 = arith.constant 440 : i32
    %add3A_178 = arith.addi %mul3A_3, %add3A_177 : i32
    %dma_start3A_179 = arith.constant 0 : i32
    %dma_start3A_180 = tpu.memref_slice %arg27[%add3A_178, %dma_start3A_179] : memref<10240x128xf32, #tpu.memory_space<vmem_shared>> -> memref<40x128xf32, #tpu.memory_space<vmem_shared>>
    %dma_start3A_181 = arith.constant 0 : i32
    %dma_start3A_182 = tpu.memref_slice %arg27[%add3A_178, %dma_start3A_181] : memref<10240x128xf32, #tpu.memory_space<vmem_shared>> -> memref<40x128xf32, #tpu.memory_space<vmem_shared>>
    tpu.enqueue_dma source(%arg8 : memref<40x128xf32, #tpu.memory_space<vmem>>) target(%dma_start3A_182 : memref<40x128xf32, #tpu.memory_space<vmem_shared>>) target_semaphore(%arg18 : memref<!tpu.dma_semaphore, #tpu.memory_space<semaphore_mem>>)
    %add3A_183 = arith.constant 480 : i32
    %add3A_184 = arith.addi %mul3A_3, %add3A_183 : i32
    %dma_start3A_185 = arith.constant 0 : i32
    %dma_start3A_186 = tpu.memref_slice %arg27[%add3A_184, %dma_start3A_185] : memref<10240x128xf32, #tpu.memory_space<vmem_shared>> -> memref<40x128xf32, #tpu.memory_space<vmem_shared>>
    %dma_start3A_187 = arith.constant 0 : i32
    %dma_start3A_188 = tpu.memref_slice %arg27[%add3A_184, %dma_start3A_187] : memref<10240x128xf32, #tpu.memory_space<vmem_shared>> -> memref<40x128xf32, #tpu.memory_space<vmem_shared>>
    tpu.enqueue_dma source(%arg8 : memref<40x128xf32, #tpu.memory_space<vmem>>) target(%dma_start3A_188 : memref<40x128xf32, #tpu.memory_space<vmem_shared>>) target_semaphore(%arg18 : memref<!tpu.dma_semaphore, #tpu.memory_space<semaphore_mem>>)
    %add3A_189 = arith.constant 520 : i32
    %add3A_190 = arith.addi %mul3A_3, %add3A_189 : i32
    %dma_start3A_191 = arith.constant 0 : i32
    %dma_start3A_192 = tpu.memref_slice %arg27[%add3A_190, %dma_start3A_191] : memref<10240x128xf32, #tpu.memory_space<vmem_shared>> -> memref<40x128xf32, #tpu.memory_space<vmem_shared>>
    %dma_start3A_193 = arith.constant 0 : i32
    %dma_start3A_194 = tpu.memref_slice %arg27[%add3A_190, %dma_start3A_193] : memref<10240x128xf32, #tpu.memory_space<vmem_shared>> -> memref<40x128xf32, #tpu.memory_space<vmem_shared>>
    tpu.enqueue_dma source(%arg8 : memref<40x128xf32, #tpu.memory_space<vmem>>) target(%dma_start3A_194 : memref<40x128xf32, #tpu.memory_space<vmem_shared>>) target_semaphore(%arg18 : memref<!tpu.dma_semaphore, #tpu.memory_space<semaphore_mem>>)
    %add3A_195 = arith.constant 560 : i32
    %add3A_196 = arith.addi %mul3A_3, %add3A_195 : i32
    %dma_start3A_197 = arith.constant 0 : i32
    %dma_start3A_198 = tpu.memref_slice %arg27[%add3A_196, %dma_start3A_197] : memref<10240x128xf32, #tpu.memory_space<vmem_shared>> -> memref<40x128xf32, #tpu.memory_space<vmem_shared>>
    %dma_start3A_199 = arith.constant 0 : i32
    %dma_start3A_200 = tpu.memref_slice %arg27[%add3A_196, %dma_start3A_199] : memref<10240x128xf32, #tpu.memory_space<vmem_shared>> -> memref<40x128xf32, #tpu.memory_space<vmem_shared>>
    tpu.enqueue_dma source(%arg8 : memref<40x128xf32, #tpu.memory_space<vmem>>) target(%dma_start3A_200 : memref<40x128xf32, #tpu.memory_space<vmem_shared>>) target_semaphore(%arg18 : memref<!tpu.dma_semaphore, #tpu.memory_space<semaphore_mem>>)
    %add3A_201 = arith.constant 600 : i32
    %add3A_202 = arith.addi %mul3A_3, %add3A_201 : i32
    %dma_start3A_203 = arith.constant 0 : i32
    %dma_start3A_204 = tpu.memref_slice %arg27[%add3A_202, %dma_start3A_203] : memref<10240x128xf32, #tpu.memory_space<vmem_shared>> -> memref<40x128xf32, #tpu.memory_space<vmem_shared>>
    %dma_start3A_205 = arith.constant 0 : i32
    %dma_start3A_206 = tpu.memref_slice %arg27[%add3A_202, %dma_start3A_205] : memref<10240x128xf32, #tpu.memory_space<vmem_shared>> -> memref<40x128xf32, #tpu.memory_space<vmem_shared>>
    tpu.enqueue_dma source(%arg8 : memref<40x128xf32, #tpu.memory_space<vmem>>) target(%dma_start3A_206 : memref<40x128xf32, #tpu.memory_space<vmem_shared>>) target_semaphore(%arg18 : memref<!tpu.dma_semaphore, #tpu.memory_space<semaphore_mem>>)
    %dma_start3A_207 = arith.constant 1 : i32
    %dma_start3A_208 = arith.constant 1 : i32
    %dma_start3A_209 = arith.constant 0 : i32
    %dma_start3A_210 = arith.constant 0 : i32
    %dma_start3A_211 = tpu.memref_slice %arg6[%dma_start3A_208, %dma_start3A_209, %dma_start3A_210] : memref<2x5x40xi32, #tpu.memory_space<vmem>> -> memref<1x5x40xi32, #tpu.memory_space<vmem>>
    %dma_start3A_212 = tpu.memref_squeeze %dma_start3A_211 : memref<1x5x40xi32, #tpu.memory_space<vmem>> -> memref<5x40xi32, #tpu.memory_space<vmem>>
    %dma_start3A_213 = arith.constant 0 : i32
    %dma_start3A_214 = arith.constant 0 : i32
    %dma_start3A_215 = tpu.memref_slice %arg3[%add3A, %dma_start3A_207, %dma_start3A_213, %dma_start3A_214] : memref<32x50x5x40xi32, #tpu.memory_space<hbm>> -> memref<1x1x5x40xi32, #tpu.memory_space<hbm>>
    %dma_start3A_216 = tpu.memref_squeeze %dma_start3A_215 : memref<1x1x5x40xi32, #tpu.memory_space<hbm>> -> memref<5x40xi32, #tpu.memory_space<hbm>>
    %dma_start3A_217 = arith.constant 0 : i32
    %dma_start3A_218 = arith.constant 0 : i32
    %dma_start3A_219 = tpu.memref_slice %arg6[%dma_start3A_208, %dma_start3A_217, %dma_start3A_218] : memref<2x5x40xi32, #tpu.memory_space<vmem>> -> memref<1x5x40xi32, #tpu.memory_space<vmem>>
    %dma_start3A_220 = tpu.memref_squeeze %dma_start3A_219 : memref<1x5x40xi32, #tpu.memory_space<vmem>> -> memref<5x40xi32, #tpu.memory_space<vmem>>
    %dma_start3A_221 = arith.constant 0 : i32
    %dma_start3A_222 = arith.constant 0 : i32
    %dma_start3A_223 = tpu.memref_slice %arg3[%add3A, %dma_start3A_207, %dma_start3A_221, %dma_start3A_222] : memref<32x50x5x40xi32, #tpu.memory_space<hbm>> -> memref<1x1x5x40xi32, #tpu.memory_space<hbm>>
    %dma_start3A_224 = tpu.memref_squeeze %dma_start3A_223 : memref<1x1x5x40xi32, #tpu.memory_space<hbm>> -> memref<5x40xi32, #tpu.memory_space<hbm>>
    tpu.enqueue_dma source(%dma_start3A_224 : memref<5x40xi32, #tpu.memory_space<hbm>>) target(%dma_start3A_220 : memref<5x40xi32, #tpu.memory_space<vmem>>) target_semaphore(%arg24 : memref<!tpu.dma_semaphore, #tpu.memory_space<semaphore_mem>>)
    %dma_start3A_225 = arith.constant 1 : i32
    %dma_start3A_226 = arith.constant 1 : i32
    %dma_start3A_227 = arith.constant 0 : i32
    %dma_start3A_228 = arith.constant 0 : i32
    %dma_start3A_229 = tpu.memref_slice %arg7[%dma_start3A_226, %dma_start3A_227, %dma_start3A_228] : memref<2x5x40xi32, #tpu.memory_space<vmem>> -> memref<1x5x40xi32, #tpu.memory_space<vmem>>
    %dma_start3A_230 = tpu.memref_squeeze %dma_start3A_229 : memref<1x5x40xi32, #tpu.memory_space<vmem>> -> memref<5x40xi32, #tpu.memory_space<vmem>>
    %dma_start3A_231 = arith.constant 0 : i32
    %dma_start3A_232 = arith.constant 0 : i32
    %dma_start3A_233 = tpu.memref_slice %arg4[%add3A, %dma_start3A_225, %dma_start3A_231, %dma_start3A_232] : memref<32x50x5x40xi32, #tpu.memory_space<hbm>> -> memref<1x1x5x40xi32, #tpu.memory_space<hbm>>
    %dma_start3A_234 = tpu.memref_squeeze %dma_start3A_233 : memref<1x1x5x40xi32, #tpu.memory_space<hbm>> -> memref<5x40xi32, #tpu.memory_space<hbm>>
    %dma_start3A_235 = arith.constant 0 : i32
    %dma_start3A_236 = arith.constant 0 : i32
    %dma_start3A_237 = tpu.memref_slice %arg7[%dma_start3A_226, %dma_start3A_235, %dma_start3A_236] : memref<2x5x40xi32, #tpu.memory_space<vmem>> -> memref<1x5x40xi32, #tpu.memory_space<vmem>>
    %dma_start3A_238 = tpu.memref_squeeze %dma_start3A_237 : memref<1x5x40xi32, #tpu.memory_space<vmem>> -> memref<5x40xi32, #tpu.memory_space<vmem>>
    %dma_start3A_239 = arith.constant 0 : i32
    %dma_start3A_240 = arith.constant 0 : i32
    %dma_start3A_241 = tpu.memref_slice %arg4[%add3A, %dma_start3A_225, %dma_start3A_239, %dma_start3A_240] : memref<32x50x5x40xi32, #tpu.memory_space<hbm>> -> memref<1x1x5x40xi32, #tpu.memory_space<hbm>>
    %dma_start3A_242 = tpu.memref_squeeze %dma_start3A_241 : memref<1x1x5x40xi32, #tpu.memory_space<hbm>> -> memref<5x40xi32, #tpu.memory_space<hbm>>
    tpu.enqueue_dma source(%dma_start3A_242 : memref<5x40xi32, #tpu.memory_space<hbm>>) target(%dma_start3A_238 : memref<5x40xi32, #tpu.memory_space<vmem>>) target_semaphore(%arg26 : memref<!tpu.dma_semaphore, #tpu.memory_space<semaphore_mem>>)
    %add3A_243 = arith.constant 0 : i32
    %add3A_244 = arith.addi %mul3A_3, %add3A_243 : i32
    %dma_wait3A_245 = arith.constant 0 : i32
    %dma_wait3A_246 = tpu.memref_slice %arg27[%add3A_244, %dma_wait3A_245] : memref<10240x128xf32, #tpu.memory_space<vmem_shared>> -> memref<40x128xf32, #tpu.memory_space<vmem_shared>>
    %dma_wait3A_247 = arith.constant 0 : i32
    %dma_wait3A_248 = tpu.memref_slice %arg27[%add3A_244, %dma_wait3A_247] : memref<10240x128xf32, #tpu.memory_space<vmem_shared>> -> memref<40x128xf32, #tpu.memory_space<vmem_shared>>
    tpu.wait_dma2 semaphore(%arg18 : memref<!tpu.dma_semaphore, #tpu.memory_space<semaphore_mem>>) src(%arg8 : memref<40x128xf32, #tpu.memory_space<vmem>>) dst(%dma_wait3A_248 : memref<40x128xf32, #tpu.memory_space<vmem_shared>>)
    %add3A_249 = arith.constant 40 : i32
    %add3A_250 = arith.addi %mul3A_3, %add3A_249 : i32
    %dma_wait3A_251 = arith.constant 0 : i32
    %dma_wait3A_252 = tpu.memref_slice %arg27[%add3A_250, %dma_wait3A_251] : memref<10240x128xf32, #tpu.memory_space<vmem_shared>> -> memref<40x128xf32, #tpu.memory_space<vmem_shared>>
    %dma_wait3A_253 = arith.constant 0 : i32
    %dma_wait3A_254 = tpu.memref_slice %arg27[%add3A_250, %dma_wait3A_253] : memref<10240x128xf32, #tpu.memory_space<vmem_shared>> -> memref<40x128xf32, #tpu.memory_space<vmem_shared>>
    tpu.wait_dma2 semaphore(%arg18 : memref<!tpu.dma_semaphore, #tpu.memory_space<semaphore_mem>>) src(%arg8 : memref<40x128xf32, #tpu.memory_space<vmem>>) dst(%dma_wait3A_254 : memref<40x128xf32, #tpu.memory_space<vmem_shared>>)
    %add3A_255 = arith.constant 80 : i32
    %add3A_256 = arith.addi %mul3A_3, %add3A_255 : i32
    %dma_wait3A_257 = arith.constant 0 : i32
    %dma_wait3A_258 = tpu.memref_slice %arg27[%add3A_256, %dma_wait3A_257] : memref<10240x128xf32, #tpu.memory_space<vmem_shared>> -> memref<40x128xf32, #tpu.memory_space<vmem_shared>>
    %dma_wait3A_259 = arith.constant 0 : i32
    %dma_wait3A_260 = tpu.memref_slice %arg27[%add3A_256, %dma_wait3A_259] : memref<10240x128xf32, #tpu.memory_space<vmem_shared>> -> memref<40x128xf32, #tpu.memory_space<vmem_shared>>
    tpu.wait_dma2 semaphore(%arg18 : memref<!tpu.dma_semaphore, #tpu.memory_space<semaphore_mem>>) src(%arg8 : memref<40x128xf32, #tpu.memory_space<vmem>>) dst(%dma_wait3A_260 : memref<40x128xf32, #tpu.memory_space<vmem_shared>>)
    %add3A_261 = arith.constant 120 : i32
    %add3A_262 = arith.addi %mul3A_3, %add3A_261 : i32
    %dma_wait3A_263 = arith.constant 0 : i32
    %dma_wait3A_264 = tpu.memref_slice %arg27[%add3A_262, %dma_wait3A_263] : memref<10240x128xf32, #tpu.memory_space<vmem_shared>> -> memref<40x128xf32, #tpu.memory_space<vmem_shared>>
    %dma_wait3A_265 = arith.constant 0 : i32
    %dma_wait3A_266 = tpu.memref_slice %arg27[%add3A_262, %dma_wait3A_265] : memref<10240x128xf32, #tpu.memory_space<vmem_shared>> -> memref<40x128xf32, #tpu.memory_space<vmem_shared>>
    tpu.wait_dma2 semaphore(%arg18 : memref<!tpu.dma_semaphore, #tpu.memory_space<semaphore_mem>>) src(%arg8 : memref<40x128xf32, #tpu.memory_space<vmem>>) dst(%dma_wait3A_266 : memref<40x128xf32, #tpu.memory_space<vmem_shared>>)
    %add3A_267 = arith.constant 160 : i32
    %add3A_268 = arith.addi %mul3A_3, %add3A_267 : i32
    %dma_wait3A_269 = arith.constant 0 : i32
    %dma_wait3A_270 = tpu.memref_slice %arg27[%add3A_268, %dma_wait3A_269] : memref<10240x128xf32, #tpu.memory_space<vmem_shared>> -> memref<40x128xf32, #tpu.memory_space<vmem_shared>>
    %dma_wait3A_271 = arith.constant 0 : i32
    %dma_wait3A_272 = tpu.memref_slice %arg27[%add3A_268, %dma_wait3A_271] : memref<10240x128xf32, #tpu.memory_space<vmem_shared>> -> memref<40x128xf32, #tpu.memory_space<vmem_shared>>
    tpu.wait_dma2 semaphore(%arg18 : memref<!tpu.dma_semaphore, #tpu.memory_space<semaphore_mem>>) src(%arg8 : memref<40x128xf32, #tpu.memory_space<vmem>>) dst(%dma_wait3A_272 : memref<40x128xf32, #tpu.memory_space<vmem_shared>>)
    %add3A_273 = arith.constant 200 : i32
    %add3A_274 = arith.addi %mul3A_3, %add3A_273 : i32
    %dma_wait3A_275 = arith.constant 0 : i32
    %dma_wait3A_276 = tpu.memref_slice %arg27[%add3A_274, %dma_wait3A_275] : memref<10240x128xf32, #tpu.memory_space<vmem_shared>> -> memref<40x128xf32, #tpu.memory_space<vmem_shared>>
    %dma_wait3A_277 = arith.constant 0 : i32
    %dma_wait3A_278 = tpu.memref_slice %arg27[%add3A_274, %dma_wait3A_277] : memref<10240x128xf32, #tpu.memory_space<vmem_shared>> -> memref<40x128xf32, #tpu.memory_space<vmem_shared>>
    tpu.wait_dma2 semaphore(%arg18 : memref<!tpu.dma_semaphore, #tpu.memory_space<semaphore_mem>>) src(%arg8 : memref<40x128xf32, #tpu.memory_space<vmem>>) dst(%dma_wait3A_278 : memref<40x128xf32, #tpu.memory_space<vmem_shared>>)
    %add3A_279 = arith.constant 240 : i32
    %add3A_280 = arith.addi %mul3A_3, %add3A_279 : i32
    %dma_wait3A_281 = arith.constant 0 : i32
    %dma_wait3A_282 = tpu.memref_slice %arg27[%add3A_280, %dma_wait3A_281] : memref<10240x128xf32, #tpu.memory_space<vmem_shared>> -> memref<40x128xf32, #tpu.memory_space<vmem_shared>>
    %dma_wait3A_283 = arith.constant 0 : i32
    %dma_wait3A_284 = tpu.memref_slice %arg27[%add3A_280, %dma_wait3A_283] : memref<10240x128xf32, #tpu.memory_space<vmem_shared>> -> memref<40x128xf32, #tpu.memory_space<vmem_shared>>
    tpu.wait_dma2 semaphore(%arg18 : memref<!tpu.dma_semaphore, #tpu.memory_space<semaphore_mem>>) src(%arg8 : memref<40x128xf32, #tpu.memory_space<vmem>>) dst(%dma_wait3A_284 : memref<40x128xf32, #tpu.memory_space<vmem_shared>>)
    %add3A_285 = arith.constant 280 : i32
    %add3A_286 = arith.addi %mul3A_3, %add3A_285 : i32
    %dma_wait3A_287 = arith.constant 0 : i32
    %dma_wait3A_288 = tpu.memref_slice %arg27[%add3A_286, %dma_wait3A_287] : memref<10240x128xf32, #tpu.memory_space<vmem_shared>> -> memref<40x128xf32, #tpu.memory_space<vmem_shared>>
    %dma_wait3A_289 = arith.constant 0 : i32
    %dma_wait3A_290 = tpu.memref_slice %arg27[%add3A_286, %dma_wait3A_289] : memref<10240x128xf32, #tpu.memory_space<vmem_shared>> -> memref<40x128xf32, #tpu.memory_space<vmem_shared>>
    tpu.wait_dma2 semaphore(%arg18 : memref<!tpu.dma_semaphore, #tpu.memory_space<semaphore_mem>>) src(%arg8 : memref<40x128xf32, #tpu.memory_space<vmem>>) dst(%dma_wait3A_290 : memref<40x128xf32, #tpu.memory_space<vmem_shared>>)
    %add3A_291 = arith.constant 320 : i32
    %add3A_292 = arith.addi %mul3A_3, %add3A_291 : i32
    %dma_wait3A_293 = arith.constant 0 : i32
    %dma_wait3A_294 = tpu.memref_slice %arg27[%add3A_292, %dma_wait3A_293] : memref<10240x128xf32, #tpu.memory_space<vmem_shared>> -> memref<40x128xf32, #tpu.memory_space<vmem_shared>>
    %dma_wait3A_295 = arith.constant 0 : i32
    %dma_wait3A_296 = tpu.memref_slice %arg27[%add3A_292, %dma_wait3A_295] : memref<10240x128xf32, #tpu.memory_space<vmem_shared>> -> memref<40x128xf32, #tpu.memory_space<vmem_shared>>
    tpu.wait_dma2 semaphore(%arg18 : memref<!tpu.dma_semaphore, #tpu.memory_space<semaphore_mem>>) src(%arg8 : memref<40x128xf32, #tpu.memory_space<vmem>>) dst(%dma_wait3A_296 : memref<40x128xf32, #tpu.memory_space<vmem_shared>>)
    %add3A_297 = arith.constant 360 : i32
    %add3A_298 = arith.addi %mul3A_3, %add3A_297 : i32
    %dma_wait3A_299 = arith.constant 0 : i32
    %dma_wait3A_300 = tpu.memref_slice %arg27[%add3A_298, %dma_wait3A_299] : memref<10240x128xf32, #tpu.memory_space<vmem_shared>> -> memref<40x128xf32, #tpu.memory_space<vmem_shared>>
    %dma_wait3A_301 = arith.constant 0 : i32
    %dma_wait3A_302 = tpu.memref_slice %arg27[%add3A_298, %dma_wait3A_301] : memref<10240x128xf32, #tpu.memory_space<vmem_shared>> -> memref<40x128xf32, #tpu.memory_space<vmem_shared>>
    tpu.wait_dma2 semaphore(%arg18 : memref<!tpu.dma_semaphore, #tpu.memory_space<semaphore_mem>>) src(%arg8 : memref<40x128xf32, #tpu.memory_space<vmem>>) dst(%dma_wait3A_302 : memref<40x128xf32, #tpu.memory_space<vmem_shared>>)
    %add3A_303 = arith.constant 400 : i32
    %add3A_304 = arith.addi %mul3A_3, %add3A_303 : i32
    %dma_wait3A_305 = arith.constant 0 : i32
    %dma_wait3A_306 = tpu.memref_slice %arg27[%add3A_304, %dma_wait3A_305] : memref<10240x128xf32, #tpu.memory_space<vmem_shared>> -> memref<40x128xf32, #tpu.memory_space<vmem_shared>>
    %dma_wait3A_307 = arith.constant 0 : i32
    %dma_wait3A_308 = tpu.memref_slice %arg27[%add3A_304, %dma_wait3A_307] : memref<10240x128xf32, #tpu.memory_space<vmem_shared>> -> memref<40x128xf32, #tpu.memory_space<vmem_shared>>
    tpu.wait_dma2 semaphore(%arg18 : memref<!tpu.dma_semaphore, #tpu.memory_space<semaphore_mem>>) src(%arg8 : memref<40x128xf32, #tpu.memory_space<vmem>>) dst(%dma_wait3A_308 : memref<40x128xf32, #tpu.memory_space<vmem_shared>>)
    %add3A_309 = arith.constant 440 : i32
    %add3A_310 = arith.addi %mul3A_3, %add3A_309 : i32
    %dma_wait3A_311 = arith.constant 0 : i32
    %dma_wait3A_312 = tpu.memref_slice %arg27[%add3A_310, %dma_wait3A_311] : memref<10240x128xf32, #tpu.memory_space<vmem_shared>> -> memref<40x128xf32, #tpu.memory_space<vmem_shared>>
    %dma_wait3A_313 = arith.constant 0 : i32
    %dma_wait3A_314 = tpu.memref_slice %arg27[%add3A_310, %dma_wait3A_313] : memref<10240x128xf32, #tpu.memory_space<vmem_shared>> -> memref<40x128xf32, #tpu.memory_space<vmem_shared>>
    tpu.wait_dma2 semaphore(%arg18 : memref<!tpu.dma_semaphore, #tpu.memory_space<semaphore_mem>>) src(%arg8 : memref<40x128xf32, #tpu.memory_space<vmem>>) dst(%dma_wait3A_314 : memref<40x128xf32, #tpu.memory_space<vmem_shared>>)
    %add3A_315 = arith.constant 480 : i32
    %add3A_316 = arith.addi %mul3A_3, %add3A_315 : i32
    %dma_wait3A_317 = arith.constant 0 : i32
    %dma_wait3A_318 = tpu.memref_slice %arg27[%add3A_316, %dma_wait3A_317] : memref<10240x128xf32, #tpu.memory_space<vmem_shared>> -> memref<40x128xf32, #tpu.memory_space<vmem_shared>>
    %dma_wait3A_319 = arith.constant 0 : i32
    %dma_wait3A_320 = tpu.memref_slice %arg27[%add3A_316, %dma_wait3A_319] : memref<10240x128xf32, #tpu.memory_space<vmem_shared>> -> memref<40x128xf32, #tpu.memory_space<vmem_shared>>
    tpu.wait_dma2 semaphore(%arg18 : memref<!tpu.dma_semaphore, #tpu.memory_space<semaphore_mem>>) src(%arg8 : memref<40x128xf32, #tpu.memory_space<vmem>>) dst(%dma_wait3A_320 : memref<40x128xf32, #tpu.memory_space<vmem_shared>>)
    %add3A_321 = arith.constant 520 : i32
    %add3A_322 = arith.addi %mul3A_3, %add3A_321 : i32
    %dma_wait3A_323 = arith.constant 0 : i32
    %dma_wait3A_324 = tpu.memref_slice %arg27[%add3A_322, %dma_wait3A_323] : memref<10240x128xf32, #tpu.memory_space<vmem_shared>> -> memref<40x128xf32, #tpu.memory_space<vmem_shared>>
    %dma_wait3A_325 = arith.constant 0 : i32
    %dma_wait3A_326 = tpu.memref_slice %arg27[%add3A_322, %dma_wait3A_325] : memref<10240x128xf32, #tpu.memory_space<vmem_shared>> -> memref<40x128xf32, #tpu.memory_space<vmem_shared>>
    tpu.wait_dma2 semaphore(%arg18 : memref<!tpu.dma_semaphore, #tpu.memory_space<semaphore_mem>>) src(%arg8 : memref<40x128xf32, #tpu.memory_space<vmem>>) dst(%dma_wait3A_326 : memref<40x128xf32, #tpu.memory_space<vmem_shared>>)
    %add3A_327 = arith.constant 560 : i32
    %add3A_328 = arith.addi %mul3A_3, %add3A_327 : i32
    %dma_wait3A_329 = arith.constant 0 : i32
    %dma_wait3A_330 = tpu.memref_slice %arg27[%add3A_328, %dma_wait3A_329] : memref<10240x128xf32, #tpu.memory_space<vmem_shared>> -> memref<40x128xf32, #tpu.memory_space<vmem_shared>>
    %dma_wait3A_331 = arith.constant 0 : i32
    %dma_wait3A_332 = tpu.memref_slice %arg27[%add3A_328, %dma_wait3A_331] : memref<10240x128xf32, #tpu.memory_space<vmem_shared>> -> memref<40x128xf32, #tpu.memory_space<vmem_shared>>
    tpu.wait_dma2 semaphore(%arg18 : memref<!tpu.dma_semaphore, #tpu.memory_space<semaphore_mem>>) src(%arg8 : memref<40x128xf32, #tpu.memory_space<vmem>>) dst(%dma_wait3A_332 : memref<40x128xf32, #tpu.memory_space<vmem_shared>>)
    %add3A_333 = arith.constant 600 : i32
    %add3A_334 = arith.addi %mul3A_3, %add3A_333 : i32
    %dma_wait3A_335 = arith.constant 0 : i32
    %dma_wait3A_336 = tpu.memref_slice %arg27[%add3A_334, %dma_wait3A_335] : memref<10240x128xf32, #tpu.memory_space<vmem_shared>> -> memref<40x128xf32, #tpu.memory_space<vmem_shared>>
    %dma_wait3A_337 = arith.constant 0 : i32
    %dma_wait3A_338 = tpu.memref_slice %arg27[%add3A_334, %dma_wait3A_337] : memref<10240x128xf32, #tpu.memory_space<vmem_shared>> -> memref<40x128xf32, #tpu.memory_space<vmem_shared>>
    tpu.wait_dma2 semaphore(%arg18 : memref<!tpu.dma_semaphore, #tpu.memory_space<semaphore_mem>>) src(%arg8 : memref<40x128xf32, #tpu.memory_space<vmem>>) dst(%dma_wait3A_338 : memref<40x128xf32, #tpu.memory_space<vmem_shared>>)
    %dma_start3A_339 = arith.constant 0 : i32
    %dma_start3A_340 = arith.constant 0 : i32
    %dma_start3A_341 = arith.constant 0 : i32
    %dma_start3A_342 = tpu.memref_slice %arg6[%dma_start3A_339, %dma_start3A_340, %dma_start3A_341] : memref<2x5x40xi32, #tpu.memory_space<vmem>> -> memref<1x1x40xi32, #tpu.memory_space<vmem>>
    %dma_start3A_343 = tpu.memref_squeeze %dma_start3A_342 : memref<1x1x40xi32, #tpu.memory_space<vmem>> -> memref<40xi32, #tpu.memory_space<vmem>>
    %dma_start3A_344 = arith.constant 0 : i32
    %dma_start3A_345 = arith.constant 0 : i32
    %dma_start3A_346 = tpu.memref_slice %arg2[%dma_start3A_344, %dma_start3A_345] : memref<10240x128xf32, #tpu.memory_space<hbm>> -> memref<10240x128xf32, #tpu.memory_space<hbm>>
    tpu.enqueue_indirect_dma source(%dma_start3A_346 : memref<10240x128xf32, #tpu.memory_space<hbm>>) target(%arg8 : memref<40x128xf32, #tpu.memory_space<vmem>>) offsets(%dma_start3A_343 : memref<40xi32, #tpu.memory_space<vmem>>) semaphore(%arg13 : memref<!tpu.dma_semaphore, #tpu.memory_space<semaphore_mem>>)
    %barrier3A = arith.constant 0 : index
    tpu.barrier barrier_id(%barrier3A)
    %scan3A_347 = arith.constant 0 : i32
    %scan3A_348 = arith.constant 0 : i32
    %scan3A_349 = arith.constant 24 : i32
    %scan3A_350 = arith.addi %scan3A_348, %scan3A_349 : i32
    %scan3A_351 = arith.constant 1 : i32
    scf.for %scan3A_670 = %scan3A_348 to %scan3A_350 step %scan3A_351  : i32 {
      %mul3A_671 = arith.constant 2 : i32
      %mul3A_672 = arith.muli %mul3A_671, %scan3A_670 : i32
      %dma_wait3A_673 = arith.constant 0 : i32
      %dma_wait3A_674 = arith.constant 0 : i32
      %dma_wait3A_675 = arith.constant 0 : i32
      %dma_wait3A_676 = tpu.memref_slice %arg6[%dma_wait3A_673, %dma_wait3A_674, %dma_wait3A_675] : memref<2x5x40xi32, #tpu.memory_space<vmem>> -> memref<1x1x40xi32, #tpu.memory_space<vmem>>
      %dma_wait3A_677 = tpu.memref_squeeze %dma_wait3A_676 : memref<1x1x40xi32, #tpu.memory_space<vmem>> -> memref<40xi32, #tpu.memory_space<vmem>>
      %dma_wait3A_678 = arith.constant 0 : i32
      %dma_wait3A_679 = arith.constant 0 : i32
      %dma_wait3A_680 = tpu.memref_slice %arg2[%dma_wait3A_678, %dma_wait3A_679] : memref<10240x128xf32, #tpu.memory_space<hbm>> -> memref<10240x128xf32, #tpu.memory_space<hbm>>
      tpu.wait_indirect_dma semaphore(%arg13 : memref<!tpu.dma_semaphore, #tpu.memory_space<semaphore_mem>>) src(%dma_wait3A_680 : memref<10240x128xf32, #tpu.memory_space<hbm>>) dst(%arg8 : memref<40x128xf32, #tpu.memory_space<vmem>>)
      %dma_start3A_681 = arith.constant 0 : i32
      %dma_start3A_682 = arith.constant 0 : i32
      %dma_start3A_683 = arith.constant 0 : i32
      %dma_start3A_684 = tpu.memref_slice %arg7[%dma_start3A_681, %dma_start3A_682, %dma_start3A_683] : memref<2x5x40xi32, #tpu.memory_space<vmem>> -> memref<1x1x40xi32, #tpu.memory_space<vmem>>
      %dma_start3A_685 = tpu.memref_squeeze %dma_start3A_684 : memref<1x1x40xi32, #tpu.memory_space<vmem>> -> memref<40xi32, #tpu.memory_space<vmem>>
      %dma_start3A_686 = arith.constant 0 : i32
      %dma_start3A_687 = arith.constant 0 : i32
      %dma_start3A_688 = tpu.memref_slice %arg27[%dma_start3A_686, %dma_start3A_687] : memref<10240x128xf32, #tpu.memory_space<vmem_shared>> -> memref<10240x128xf32, #tpu.memory_space<vmem_shared>>
      tpu.enqueue_indirect_dma source(%arg8 : memref<40x128xf32, #tpu.memory_space<vmem>>) target(%dma_start3A_688 : memref<10240x128xf32, #tpu.memory_space<vmem_shared>>) offsets(%dma_start3A_685 : memref<40xi32, #tpu.memory_space<vmem>>) semaphore(%arg18 : memref<!tpu.dma_semaphore, #tpu.memory_space<semaphore_mem>>) {add = true}
      %dma_wait3A_689 = arith.constant 0 : i32
      %dma_wait3A_690 = arith.constant 1 : i32
      %dma_wait3A_691 = arith.constant 0 : i32
      %dma_wait3A_692 = tpu.memref_slice %arg6[%dma_wait3A_689, %dma_wait3A_690, %dma_wait3A_691] : memref<2x5x40xi32, #tpu.memory_space<vmem>> -> memref<1x1x40xi32, #tpu.memory_space<vmem>>
      %dma_wait3A_693 = tpu.memref_squeeze %dma_wait3A_692 : memref<1x1x40xi32, #tpu.memory_space<vmem>> -> memref<40xi32, #tpu.memory_space<vmem>>
      %dma_wait3A_694 = arith.constant 0 : i32
      %dma_wait3A_695 = arith.constant 0 : i32
      %dma_wait3A_696 = tpu.memref_slice %arg2[%dma_wait3A_694, %dma_wait3A_695] : memref<10240x128xf32, #tpu.memory_space<hbm>> -> memref<10240x128xf32, #tpu.memory_space<hbm>>
      tpu.wait_indirect_dma semaphore(%arg14 : memref<!tpu.dma_semaphore, #tpu.memory_space<semaphore_mem>>) src(%dma_wait3A_696 : memref<10240x128xf32, #tpu.memory_space<hbm>>) dst(%arg9 : memref<40x128xf32, #tpu.memory_space<vmem>>)
      %dma_start3A_697 = arith.constant 0 : i32
      %dma_start3A_698 = arith.constant 1 : i32
      %dma_start3A_699 = arith.constant 0 : i32
      %dma_start3A_700 = tpu.memref_slice %arg7[%dma_start3A_697, %dma_start3A_698, %dma_start3A_699] : memref<2x5x40xi32, #tpu.memory_space<vmem>> -> memref<1x1x40xi32, #tpu.memory_space<vmem>>
      %dma_start3A_701 = tpu.memref_squeeze %dma_start3A_700 : memref<1x1x40xi32, #tpu.memory_space<vmem>> -> memref<40xi32, #tpu.memory_space<vmem>>
      %dma_start3A_702 = arith.constant 0 : i32
      %dma_start3A_703 = arith.constant 0 : i32
      %dma_start3A_704 = tpu.memref_slice %arg27[%dma_start3A_702, %dma_start3A_703] : memref<10240x128xf32, #tpu.memory_space<vmem_shared>> -> memref<10240x128xf32, #tpu.memory_space<vmem_shared>>
      tpu.enqueue_indirect_dma source(%arg9 : memref<40x128xf32, #tpu.memory_space<vmem>>) target(%dma_start3A_704 : memref<10240x128xf32, #tpu.memory_space<vmem_shared>>) offsets(%dma_start3A_701 : memref<40xi32, #tpu.memory_space<vmem>>) semaphore(%arg19 : memref<!tpu.dma_semaphore, #tpu.memory_space<semaphore_mem>>) {add = true}
      %dma_wait3A_705 = arith.constant 0 : i32
      %dma_wait3A_706 = arith.constant 2 : i32
      %dma_wait3A_707 = arith.constant 0 : i32
      %dma_wait3A_708 = tpu.memref_slice %arg6[%dma_wait3A_705, %dma_wait3A_706, %dma_wait3A_707] : memref<2x5x40xi32, #tpu.memory_space<vmem>> -> memref<1x1x40xi32, #tpu.memory_space<vmem>>
      %dma_wait3A_709 = tpu.memref_squeeze %dma_wait3A_708 : memref<1x1x40xi32, #tpu.memory_space<vmem>> -> memref<40xi32, #tpu.memory_space<vmem>>
      %dma_wait3A_710 = arith.constant 0 : i32
      %dma_wait3A_711 = arith.constant 0 : i32
      %dma_wait3A_712 = tpu.memref_slice %arg2[%dma_wait3A_710, %dma_wait3A_711] : memref<10240x128xf32, #tpu.memory_space<hbm>> -> memref<10240x128xf32, #tpu.memory_space<hbm>>
      tpu.wait_indirect_dma semaphore(%arg15 : memref<!tpu.dma_semaphore, #tpu.memory_space<semaphore_mem>>) src(%dma_wait3A_712 : memref<10240x128xf32, #tpu.memory_space<hbm>>) dst(%arg10 : memref<40x128xf32, #tpu.memory_space<vmem>>)
      %dma_start3A_713 = arith.constant 0 : i32
      %dma_start3A_714 = arith.constant 2 : i32
      %dma_start3A_715 = arith.constant 0 : i32
      %dma_start3A_716 = tpu.memref_slice %arg7[%dma_start3A_713, %dma_start3A_714, %dma_start3A_715] : memref<2x5x40xi32, #tpu.memory_space<vmem>> -> memref<1x1x40xi32, #tpu.memory_space<vmem>>
      %dma_start3A_717 = tpu.memref_squeeze %dma_start3A_716 : memref<1x1x40xi32, #tpu.memory_space<vmem>> -> memref<40xi32, #tpu.memory_space<vmem>>
      %dma_start3A_718 = arith.constant 0 : i32
      %dma_start3A_719 = arith.constant 0 : i32
      %dma_start3A_720 = tpu.memref_slice %arg27[%dma_start3A_718, %dma_start3A_719] : memref<10240x128xf32, #tpu.memory_space<vmem_shared>> -> memref<10240x128xf32, #tpu.memory_space<vmem_shared>>
      tpu.enqueue_indirect_dma source(%arg10 : memref<40x128xf32, #tpu.memory_space<vmem>>) target(%dma_start3A_720 : memref<10240x128xf32, #tpu.memory_space<vmem_shared>>) offsets(%dma_start3A_717 : memref<40xi32, #tpu.memory_space<vmem>>) semaphore(%arg20 : memref<!tpu.dma_semaphore, #tpu.memory_space<semaphore_mem>>) {add = true}
      %dma_wait3A_721 = arith.constant 0 : i32
      %dma_wait3A_722 = arith.constant 3 : i32
      %dma_wait3A_723 = arith.constant 0 : i32
      %dma_wait3A_724 = tpu.memref_slice %arg6[%dma_wait3A_721, %dma_wait3A_722, %dma_wait3A_723] : memref<2x5x40xi32, #tpu.memory_space<vmem>> -> memref<1x1x40xi32, #tpu.memory_space<vmem>>
      %dma_wait3A_725 = tpu.memref_squeeze %dma_wait3A_724 : memref<1x1x40xi32, #tpu.memory_space<vmem>> -> memref<40xi32, #tpu.memory_space<vmem>>
      %dma_wait3A_726 = arith.constant 0 : i32
      %dma_wait3A_727 = arith.constant 0 : i32
      %dma_wait3A_728 = tpu.memref_slice %arg2[%dma_wait3A_726, %dma_wait3A_727] : memref<10240x128xf32, #tpu.memory_space<hbm>> -> memref<10240x128xf32, #tpu.memory_space<hbm>>
      tpu.wait_indirect_dma semaphore(%arg16 : memref<!tpu.dma_semaphore, #tpu.memory_space<semaphore_mem>>) src(%dma_wait3A_728 : memref<10240x128xf32, #tpu.memory_space<hbm>>) dst(%arg11 : memref<40x128xf32, #tpu.memory_space<vmem>>)
      %dma_start3A_729 = arith.constant 0 : i32
      %dma_start3A_730 = arith.constant 3 : i32
      %dma_start3A_731 = arith.constant 0 : i32
      %dma_start3A_732 = tpu.memref_slice %arg7[%dma_start3A_729, %dma_start3A_730, %dma_start3A_731] : memref<2x5x40xi32, #tpu.memory_space<vmem>> -> memref<1x1x40xi32, #tpu.memory_space<vmem>>
      %dma_start3A_733 = tpu.memref_squeeze %dma_start3A_732 : memref<1x1x40xi32, #tpu.memory_space<vmem>> -> memref<40xi32, #tpu.memory_space<vmem>>
      %dma_start3A_734 = arith.constant 0 : i32
      %dma_start3A_735 = arith.constant 0 : i32
      %dma_start3A_736 = tpu.memref_slice %arg27[%dma_start3A_734, %dma_start3A_735] : memref<10240x128xf32, #tpu.memory_space<vmem_shared>> -> memref<10240x128xf32, #tpu.memory_space<vmem_shared>>
      tpu.enqueue_indirect_dma source(%arg11 : memref<40x128xf32, #tpu.memory_space<vmem>>) target(%dma_start3A_736 : memref<10240x128xf32, #tpu.memory_space<vmem_shared>>) offsets(%dma_start3A_733 : memref<40xi32, #tpu.memory_space<vmem>>) semaphore(%arg21 : memref<!tpu.dma_semaphore, #tpu.memory_space<semaphore_mem>>) {add = true}
      %dma_wait3A_737 = arith.constant 0 : i32
      %dma_wait3A_738 = arith.constant 4 : i32
      %dma_wait3A_739 = arith.constant 0 : i32
      %dma_wait3A_740 = tpu.memref_slice %arg6[%dma_wait3A_737, %dma_wait3A_738, %dma_wait3A_739] : memref<2x5x40xi32, #tpu.memory_space<vmem>> -> memref<1x1x40xi32, #tpu.memory_space<vmem>>
      %dma_wait3A_741 = tpu.memref_squeeze %dma_wait3A_740 : memref<1x1x40xi32, #tpu.memory_space<vmem>> -> memref<40xi32, #tpu.memory_space<vmem>>
      %dma_wait3A_742 = arith.constant 0 : i32
      %dma_wait3A_743 = arith.constant 0 : i32
      %dma_wait3A_744 = tpu.memref_slice %arg2[%dma_wait3A_742, %dma_wait3A_743] : memref<10240x128xf32, #tpu.memory_space<hbm>> -> memref<10240x128xf32, #tpu.memory_space<hbm>>
      tpu.wait_indirect_dma semaphore(%arg17 : memref<!tpu.dma_semaphore, #tpu.memory_space<semaphore_mem>>) src(%dma_wait3A_744 : memref<10240x128xf32, #tpu.memory_space<hbm>>) dst(%arg12 : memref<40x128xf32, #tpu.memory_space<vmem>>)
      %dma_start3A_745 = arith.constant 0 : i32
      %dma_start3A_746 = arith.constant 4 : i32
      %dma_start3A_747 = arith.constant 0 : i32
      %dma_start3A_748 = tpu.memref_slice %arg7[%dma_start3A_745, %dma_start3A_746, %dma_start3A_747] : memref<2x5x40xi32, #tpu.memory_space<vmem>> -> memref<1x1x40xi32, #tpu.memory_space<vmem>>
      %dma_start3A_749 = tpu.memref_squeeze %dma_start3A_748 : memref<1x1x40xi32, #tpu.memory_space<vmem>> -> memref<40xi32, #tpu.memory_space<vmem>>
      %dma_start3A_750 = arith.constant 0 : i32
      %dma_start3A_751 = arith.constant 0 : i32
      %dma_start3A_752 = tpu.memref_slice %arg27[%dma_start3A_750, %dma_start3A_751] : memref<10240x128xf32, #tpu.memory_space<vmem_shared>> -> memref<10240x128xf32, #tpu.memory_space<vmem_shared>>
      tpu.enqueue_indirect_dma source(%arg12 : memref<40x128xf32, #tpu.memory_space<vmem>>) target(%dma_start3A_752 : memref<10240x128xf32, #tpu.memory_space<vmem_shared>>) offsets(%dma_start3A_749 : memref<40xi32, #tpu.memory_space<vmem>>) semaphore(%arg22 : memref<!tpu.dma_semaphore, #tpu.memory_space<semaphore_mem>>) {add = true}
      %add3A_753 = arith.constant 1 : i32
      %add3A_754 = arith.addi %mul3A_672, %add3A_753 : i32
      %dma_wait3A_755 = arith.constant 1 : i32
      %dma_wait3A_756 = arith.constant 0 : i32
      %dma_wait3A_757 = arith.constant 0 : i32
      %dma_wait3A_758 = tpu.memref_slice %arg6[%dma_wait3A_755, %dma_wait3A_756, %dma_wait3A_757] : memref<2x5x40xi32, #tpu.memory_space<vmem>> -> memref<1x5x40xi32, #tpu.memory_space<vmem>>
      %dma_wait3A_759 = tpu.memref_squeeze %dma_wait3A_758 : memref<1x5x40xi32, #tpu.memory_space<vmem>> -> memref<5x40xi32, #tpu.memory_space<vmem>>
      %dma_wait3A_760 = arith.constant 0 : i32
      %dma_wait3A_761 = arith.constant 0 : i32
      %dma_wait3A_762 = tpu.memref_slice %arg3[%add3A, %add3A_754, %dma_wait3A_760, %dma_wait3A_761] : memref<32x50x5x40xi32, #tpu.memory_space<hbm>> -> memref<1x1x5x40xi32, #tpu.memory_space<hbm>>
      %dma_wait3A_763 = tpu.memref_squeeze %dma_wait3A_762 : memref<1x1x5x40xi32, #tpu.memory_space<hbm>> -> memref<5x40xi32, #tpu.memory_space<hbm>>
      %dma_wait3A_764 = arith.constant 0 : i32
      %dma_wait3A_765 = arith.constant 0 : i32
      %dma_wait3A_766 = tpu.memref_slice %arg6[%dma_wait3A_755, %dma_wait3A_764, %dma_wait3A_765] : memref<2x5x40xi32, #tpu.memory_space<vmem>> -> memref<1x5x40xi32, #tpu.memory_space<vmem>>
      %dma_wait3A_767 = tpu.memref_squeeze %dma_wait3A_766 : memref<1x5x40xi32, #tpu.memory_space<vmem>> -> memref<5x40xi32, #tpu.memory_space<vmem>>
      %dma_wait3A_768 = arith.constant 0 : i32
      %dma_wait3A_769 = arith.constant 0 : i32
      %dma_wait3A_770 = tpu.memref_slice %arg3[%add3A, %add3A_754, %dma_wait3A_768, %dma_wait3A_769] : memref<32x50x5x40xi32, #tpu.memory_space<hbm>> -> memref<1x1x5x40xi32, #tpu.memory_space<hbm>>
      %dma_wait3A_771 = tpu.memref_squeeze %dma_wait3A_770 : memref<1x1x5x40xi32, #tpu.memory_space<hbm>> -> memref<5x40xi32, #tpu.memory_space<hbm>>
      tpu.wait_dma2 semaphore(%arg24 : memref<!tpu.dma_semaphore, #tpu.memory_space<semaphore_mem>>) src(%dma_wait3A_771 : memref<5x40xi32, #tpu.memory_space<hbm>>) dst(%dma_wait3A_767 : memref<5x40xi32, #tpu.memory_space<vmem>>)
      %dma_wait3A_772 = arith.constant 1 : i32
      %dma_wait3A_773 = arith.constant 0 : i32
      %dma_wait3A_774 = arith.constant 0 : i32
      %dma_wait3A_775 = tpu.memref_slice %arg7[%dma_wait3A_772, %dma_wait3A_773, %dma_wait3A_774] : memref<2x5x40xi32, #tpu.memory_space<vmem>> -> memref<1x5x40xi32, #tpu.memory_space<vmem>>
      %dma_wait3A_776 = tpu.memref_squeeze %dma_wait3A_775 : memref<1x5x40xi32, #tpu.memory_space<vmem>> -> memref<5x40xi32, #tpu.memory_space<vmem>>
      %dma_wait3A_777 = arith.constant 0 : i32
      %dma_wait3A_778 = arith.constant 0 : i32
      %dma_wait3A_779 = tpu.memref_slice %arg4[%add3A, %add3A_754, %dma_wait3A_777, %dma_wait3A_778] : memref<32x50x5x40xi32, #tpu.memory_space<hbm>> -> memref<1x1x5x40xi32, #tpu.memory_space<hbm>>
      %dma_wait3A_780 = tpu.memref_squeeze %dma_wait3A_779 : memref<1x1x5x40xi32, #tpu.memory_space<hbm>> -> memref<5x40xi32, #tpu.memory_space<hbm>>
      %dma_wait3A_781 = arith.constant 0 : i32
      %dma_wait3A_782 = arith.constant 0 : i32
      %dma_wait3A_783 = tpu.memref_slice %arg7[%dma_wait3A_772, %dma_wait3A_781, %dma_wait3A_782] : memref<2x5x40xi32, #tpu.memory_space<vmem>> -> memref<1x5x40xi32, #tpu.memory_space<vmem>>
      %dma_wait3A_784 = tpu.memref_squeeze %dma_wait3A_783 : memref<1x5x40xi32, #tpu.memory_space<vmem>> -> memref<5x40xi32, #tpu.memory_space<vmem>>
      %dma_wait3A_785 = arith.constant 0 : i32
      %dma_wait3A_786 = arith.constant 0 : i32
      %dma_wait3A_787 = tpu.memref_slice %arg4[%add3A, %add3A_754, %dma_wait3A_785, %dma_wait3A_786] : memref<32x50x5x40xi32, #tpu.memory_space<hbm>> -> memref<1x1x5x40xi32, #tpu.memory_space<hbm>>
      %dma_wait3A_788 = tpu.memref_squeeze %dma_wait3A_787 : memref<1x1x5x40xi32, #tpu.memory_space<hbm>> -> memref<5x40xi32, #tpu.memory_space<hbm>>
      tpu.wait_dma2 semaphore(%arg26 : memref<!tpu.dma_semaphore, #tpu.memory_space<semaphore_mem>>) src(%dma_wait3A_788 : memref<5x40xi32, #tpu.memory_space<hbm>>) dst(%dma_wait3A_784 : memref<5x40xi32, #tpu.memory_space<vmem>>)
      %dma_wait3A_789 = arith.constant 0 : i32
      %dma_wait3A_790 = arith.constant 0 : i32
      %dma_wait3A_791 = arith.constant 0 : i32
      %dma_wait3A_792 = tpu.memref_slice %arg7[%dma_wait3A_789, %dma_wait3A_790, %dma_wait3A_791] : memref<2x5x40xi32, #tpu.memory_space<vmem>> -> memref<1x1x40xi32, #tpu.memory_space<vmem>>
      %dma_wait3A_793 = tpu.memref_squeeze %dma_wait3A_792 : memref<1x1x40xi32, #tpu.memory_space<vmem>> -> memref<40xi32, #tpu.memory_space<vmem>>
      %dma_wait3A_794 = arith.constant 0 : i32
      %dma_wait3A_795 = arith.constant 0 : i32
      %dma_wait3A_796 = tpu.memref_slice %arg27[%dma_wait3A_794, %dma_wait3A_795] : memref<10240x128xf32, #tpu.memory_space<vmem_shared>> -> memref<10240x128xf32, #tpu.memory_space<vmem_shared>>
      tpu.wait_indirect_dma semaphore(%arg18 : memref<!tpu.dma_semaphore, #tpu.memory_space<semaphore_mem>>) src(%arg8 : memref<40x128xf32, #tpu.memory_space<vmem>>) dst(%dma_wait3A_796 : memref<10240x128xf32, #tpu.memory_space<vmem_shared>>)
      %dma_start3A_797 = arith.constant 1 : i32
      %dma_start3A_798 = arith.constant 0 : i32
      %dma_start3A_799 = arith.constant 0 : i32
      %dma_start3A_800 = tpu.memref_slice %arg6[%dma_start3A_797, %dma_start3A_798, %dma_start3A_799] : memref<2x5x40xi32, #tpu.memory_space<vmem>> -> memref<1x1x40xi32, #tpu.memory_space<vmem>>
      %dma_start3A_801 = tpu.memref_squeeze %dma_start3A_800 : memref<1x1x40xi32, #tpu.memory_space<vmem>> -> memref<40xi32, #tpu.memory_space<vmem>>
      %dma_start3A_802 = arith.constant 0 : i32
      %dma_start3A_803 = arith.constant 0 : i32
      %dma_start3A_804 = tpu.memref_slice %arg2[%dma_start3A_802, %dma_start3A_803] : memref<10240x128xf32, #tpu.memory_space<hbm>> -> memref<10240x128xf32, #tpu.memory_space<hbm>>
      tpu.enqueue_indirect_dma source(%dma_start3A_804 : memref<10240x128xf32, #tpu.memory_space<hbm>>) target(%arg8 : memref<40x128xf32, #tpu.memory_space<vmem>>) offsets(%dma_start3A_801 : memref<40xi32, #tpu.memory_space<vmem>>) semaphore(%arg13 : memref<!tpu.dma_semaphore, #tpu.memory_space<semaphore_mem>>)
      %dma_wait3A_805 = arith.constant 0 : i32
      %dma_wait3A_806 = arith.constant 1 : i32
      %dma_wait3A_807 = arith.constant 0 : i32
      %dma_wait3A_808 = tpu.memref_slice %arg7[%dma_wait3A_805, %dma_wait3A_806, %dma_wait3A_807] : memref<2x5x40xi32, #tpu.memory_space<vmem>> -> memref<1x1x40xi32, #tpu.memory_space<vmem>>
      %dma_wait3A_809 = tpu.memref_squeeze %dma_wait3A_808 : memref<1x1x40xi32, #tpu.memory_space<vmem>> -> memref<40xi32, #tpu.memory_space<vmem>>
      %dma_wait3A_810 = arith.constant 0 : i32
      %dma_wait3A_811 = arith.constant 0 : i32
      %dma_wait3A_812 = tpu.memref_slice %arg27[%dma_wait3A_810, %dma_wait3A_811] : memref<10240x128xf32, #tpu.memory_space<vmem_shared>> -> memref<10240x128xf32, #tpu.memory_space<vmem_shared>>
      tpu.wait_indirect_dma semaphore(%arg19 : memref<!tpu.dma_semaphore, #tpu.memory_space<semaphore_mem>>) src(%arg9 : memref<40x128xf32, #tpu.memory_space<vmem>>) dst(%dma_wait3A_812 : memref<10240x128xf32, #tpu.memory_space<vmem_shared>>)
      %dma_start3A_813 = arith.constant 1 : i32
      %dma_start3A_814 = arith.constant 1 : i32
      %dma_start3A_815 = arith.constant 0 : i32
      %dma_start3A_816 = tpu.memref_slice %arg6[%dma_start3A_813, %dma_start3A_814, %dma_start3A_815] : memref<2x5x40xi32, #tpu.memory_space<vmem>> -> memref<1x1x40xi32, #tpu.memory_space<vmem>>
      %dma_start3A_817 = tpu.memref_squeeze %dma_start3A_816 : memref<1x1x40xi32, #tpu.memory_space<vmem>> -> memref<40xi32, #tpu.memory_space<vmem>>
      %dma_start3A_818 = arith.constant 0 : i32
      %dma_start3A_819 = arith.constant 0 : i32
      %dma_start3A_820 = tpu.memref_slice %arg2[%dma_start3A_818, %dma_start3A_819] : memref<10240x128xf32, #tpu.memory_space<hbm>> -> memref<10240x128xf32, #tpu.memory_space<hbm>>
      tpu.enqueue_indirect_dma source(%dma_start3A_820 : memref<10240x128xf32, #tpu.memory_space<hbm>>) target(%arg9 : memref<40x128xf32, #tpu.memory_space<vmem>>) offsets(%dma_start3A_817 : memref<40xi32, #tpu.memory_space<vmem>>) semaphore(%arg14 : memref<!tpu.dma_semaphore, #tpu.memory_space<semaphore_mem>>)
      %dma_wait3A_821 = arith.constant 0 : i32
      %dma_wait3A_822 = arith.constant 2 : i32
      %dma_wait3A_823 = arith.constant 0 : i32
      %dma_wait3A_824 = tpu.memref_slice %arg7[%dma_wait3A_821, %dma_wait3A_822, %dma_wait3A_823] : memref<2x5x40xi32, #tpu.memory_space<vmem>> -> memref<1x1x40xi32, #tpu.memory_space<vmem>>
      %dma_wait3A_825 = tpu.memref_squeeze %dma_wait3A_824 : memref<1x1x40xi32, #tpu.memory_space<vmem>> -> memref<40xi32, #tpu.memory_space<vmem>>
      %dma_wait3A_826 = arith.constant 0 : i32
      %dma_wait3A_827 = arith.constant 0 : i32
      %dma_wait3A_828 = tpu.memref_slice %arg27[%dma_wait3A_826, %dma_wait3A_827] : memref<10240x128xf32, #tpu.memory_space<vmem_shared>> -> memref<10240x128xf32, #tpu.memory_space<vmem_shared>>
      tpu.wait_indirect_dma semaphore(%arg20 : memref<!tpu.dma_semaphore, #tpu.memory_space<semaphore_mem>>) src(%arg10 : memref<40x128xf32, #tpu.memory_space<vmem>>) dst(%dma_wait3A_828 : memref<10240x128xf32, #tpu.memory_space<vmem_shared>>)
      %dma_start3A_829 = arith.constant 1 : i32
      %dma_start3A_830 = arith.constant 2 : i32
      %dma_start3A_831 = arith.constant 0 : i32
      %dma_start3A_832 = tpu.memref_slice %arg6[%dma_start3A_829, %dma_start3A_830, %dma_start3A_831] : memref<2x5x40xi32, #tpu.memory_space<vmem>> -> memref<1x1x40xi32, #tpu.memory_space<vmem>>
      %dma_start3A_833 = tpu.memref_squeeze %dma_start3A_832 : memref<1x1x40xi32, #tpu.memory_space<vmem>> -> memref<40xi32, #tpu.memory_space<vmem>>
      %dma_start3A_834 = arith.constant 0 : i32
      %dma_start3A_835 = arith.constant 0 : i32
      %dma_start3A_836 = tpu.memref_slice %arg2[%dma_start3A_834, %dma_start3A_835] : memref<10240x128xf32, #tpu.memory_space<hbm>> -> memref<10240x128xf32, #tpu.memory_space<hbm>>
      tpu.enqueue_indirect_dma source(%dma_start3A_836 : memref<10240x128xf32, #tpu.memory_space<hbm>>) target(%arg10 : memref<40x128xf32, #tpu.memory_space<vmem>>) offsets(%dma_start3A_833 : memref<40xi32, #tpu.memory_space<vmem>>) semaphore(%arg15 : memref<!tpu.dma_semaphore, #tpu.memory_space<semaphore_mem>>)
      %dma_wait3A_837 = arith.constant 0 : i32
      %dma_wait3A_838 = arith.constant 3 : i32
      %dma_wait3A_839 = arith.constant 0 : i32
      %dma_wait3A_840 = tpu.memref_slice %arg7[%dma_wait3A_837, %dma_wait3A_838, %dma_wait3A_839] : memref<2x5x40xi32, #tpu.memory_space<vmem>> -> memref<1x1x40xi32, #tpu.memory_space<vmem>>
      %dma_wait3A_841 = tpu.memref_squeeze %dma_wait3A_840 : memref<1x1x40xi32, #tpu.memory_space<vmem>> -> memref<40xi32, #tpu.memory_space<vmem>>
      %dma_wait3A_842 = arith.constant 0 : i32
      %dma_wait3A_843 = arith.constant 0 : i32
      %dma_wait3A_844 = tpu.memref_slice %arg27[%dma_wait3A_842, %dma_wait3A_843] : memref<10240x128xf32, #tpu.memory_space<vmem_shared>> -> memref<10240x128xf32, #tpu.memory_space<vmem_shared>>
      tpu.wait_indirect_dma semaphore(%arg21 : memref<!tpu.dma_semaphore, #tpu.memory_space<semaphore_mem>>) src(%arg11 : memref<40x128xf32, #tpu.memory_space<vmem>>) dst(%dma_wait3A_844 : memref<10240x128xf32, #tpu.memory_space<vmem_shared>>)
      %dma_start3A_845 = arith.constant 1 : i32
      %dma_start3A_846 = arith.constant 3 : i32
      %dma_start3A_847 = arith.constant 0 : i32
      %dma_start3A_848 = tpu.memref_slice %arg6[%dma_start3A_845, %dma_start3A_846, %dma_start3A_847] : memref<2x5x40xi32, #tpu.memory_space<vmem>> -> memref<1x1x40xi32, #tpu.memory_space<vmem>>
      %dma_start3A_849 = tpu.memref_squeeze %dma_start3A_848 : memref<1x1x40xi32, #tpu.memory_space<vmem>> -> memref<40xi32, #tpu.memory_space<vmem>>
      %dma_start3A_850 = arith.constant 0 : i32
      %dma_start3A_851 = arith.constant 0 : i32
      %dma_start3A_852 = tpu.memref_slice %arg2[%dma_start3A_850, %dma_start3A_851] : memref<10240x128xf32, #tpu.memory_space<hbm>> -> memref<10240x128xf32, #tpu.memory_space<hbm>>
      tpu.enqueue_indirect_dma source(%dma_start3A_852 : memref<10240x128xf32, #tpu.memory_space<hbm>>) target(%arg11 : memref<40x128xf32, #tpu.memory_space<vmem>>) offsets(%dma_start3A_849 : memref<40xi32, #tpu.memory_space<vmem>>) semaphore(%arg16 : memref<!tpu.dma_semaphore, #tpu.memory_space<semaphore_mem>>)
      %dma_wait3A_853 = arith.constant 0 : i32
      %dma_wait3A_854 = arith.constant 4 : i32
      %dma_wait3A_855 = arith.constant 0 : i32
      %dma_wait3A_856 = tpu.memref_slice %arg7[%dma_wait3A_853, %dma_wait3A_854, %dma_wait3A_855] : memref<2x5x40xi32, #tpu.memory_space<vmem>> -> memref<1x1x40xi32, #tpu.memory_space<vmem>>
      %dma_wait3A_857 = tpu.memref_squeeze %dma_wait3A_856 : memref<1x1x40xi32, #tpu.memory_space<vmem>> -> memref<40xi32, #tpu.memory_space<vmem>>
      %dma_wait3A_858 = arith.constant 0 : i32
      %dma_wait3A_859 = arith.constant 0 : i32
      %dma_wait3A_860 = tpu.memref_slice %arg27[%dma_wait3A_858, %dma_wait3A_859] : memref<10240x128xf32, #tpu.memory_space<vmem_shared>> -> memref<10240x128xf32, #tpu.memory_space<vmem_shared>>
      tpu.wait_indirect_dma semaphore(%arg22 : memref<!tpu.dma_semaphore, #tpu.memory_space<semaphore_mem>>) src(%arg12 : memref<40x128xf32, #tpu.memory_space<vmem>>) dst(%dma_wait3A_860 : memref<10240x128xf32, #tpu.memory_space<vmem_shared>>)
      %dma_start3A_861 = arith.constant 1 : i32
      %dma_start3A_862 = arith.constant 4 : i32
      %dma_start3A_863 = arith.constant 0 : i32
      %dma_start3A_864 = tpu.memref_slice %arg6[%dma_start3A_861, %dma_start3A_862, %dma_start3A_863] : memref<2x5x40xi32, #tpu.memory_space<vmem>> -> memref<1x1x40xi32, #tpu.memory_space<vmem>>
      %dma_start3A_865 = tpu.memref_squeeze %dma_start3A_864 : memref<1x1x40xi32, #tpu.memory_space<vmem>> -> memref<40xi32, #tpu.memory_space<vmem>>
      %dma_start3A_866 = arith.constant 0 : i32
      %dma_start3A_867 = arith.constant 0 : i32
      %dma_start3A_868 = tpu.memref_slice %arg2[%dma_start3A_866, %dma_start3A_867] : memref<10240x128xf32, #tpu.memory_space<hbm>> -> memref<10240x128xf32, #tpu.memory_space<hbm>>
      tpu.enqueue_indirect_dma source(%dma_start3A_868 : memref<10240x128xf32, #tpu.memory_space<hbm>>) target(%arg12 : memref<40x128xf32, #tpu.memory_space<vmem>>) offsets(%dma_start3A_865 : memref<40xi32, #tpu.memory_space<vmem>>) semaphore(%arg17 : memref<!tpu.dma_semaphore, #tpu.memory_space<semaphore_mem>>)
      %add3A_869 = arith.constant 2 : i32
      %add3A_870 = arith.addi %mul3A_672, %add3A_869 : i32
      %dma_start3A_871 = arith.constant 0 : i32
      %dma_start3A_872 = arith.constant 0 : i32
      %dma_start3A_873 = arith.constant 0 : i32
      %dma_start3A_874 = tpu.memref_slice %arg6[%dma_start3A_871, %dma_start3A_872, %dma_start3A_873] : memref<2x5x40xi32, #tpu.memory_space<vmem>> -> memref<1x5x40xi32, #tpu.memory_space<vmem>>
      %dma_start3A_875 = tpu.memref_squeeze %dma_start3A_874 : memref<1x5x40xi32, #tpu.memory_space<vmem>> -> memref<5x40xi32, #tpu.memory_space<vmem>>
      %dma_start3A_876 = arith.constant 0 : i32
      %dma_start3A_877 = arith.constant 0 : i32
      %dma_start3A_878 = tpu.memref_slice %arg3[%add3A, %add3A_870, %dma_start3A_876, %dma_start3A_877] : memref<32x50x5x40xi32, #tpu.memory_space<hbm>> -> memref<1x1x5x40xi32, #tpu.memory_space<hbm>>
      %dma_start3A_879 = tpu.memref_squeeze %dma_start3A_878 : memref<1x1x5x40xi32, #tpu.memory_space<hbm>> -> memref<5x40xi32, #tpu.memory_space<hbm>>
      %dma_start3A_880 = arith.constant 0 : i32
      %dma_start3A_881 = arith.constant 0 : i32
      %dma_start3A_882 = tpu.memref_slice %arg6[%dma_start3A_871, %dma_start3A_880, %dma_start3A_881] : memref<2x5x40xi32, #tpu.memory_space<vmem>> -> memref<1x5x40xi32, #tpu.memory_space<vmem>>
      %dma_start3A_883 = tpu.memref_squeeze %dma_start3A_882 : memref<1x5x40xi32, #tpu.memory_space<vmem>> -> memref<5x40xi32, #tpu.memory_space<vmem>>
      %dma_start3A_884 = arith.constant 0 : i32
      %dma_start3A_885 = arith.constant 0 : i32
      %dma_start3A_886 = tpu.memref_slice %arg3[%add3A, %add3A_870, %dma_start3A_884, %dma_start3A_885] : memref<32x50x5x40xi32, #tpu.memory_space<hbm>> -> memref<1x1x5x40xi32, #tpu.memory_space<hbm>>
      %dma_start3A_887 = tpu.memref_squeeze %dma_start3A_886 : memref<1x1x5x40xi32, #tpu.memory_space<hbm>> -> memref<5x40xi32, #tpu.memory_space<hbm>>
      tpu.enqueue_dma source(%dma_start3A_887 : memref<5x40xi32, #tpu.memory_space<hbm>>) target(%dma_start3A_883 : memref<5x40xi32, #tpu.memory_space<vmem>>) target_semaphore(%arg23 : memref<!tpu.dma_semaphore, #tpu.memory_space<semaphore_mem>>)
      %dma_start3A_888 = arith.constant 0 : i32
      %dma_start3A_889 = arith.constant 0 : i32
      %dma_start3A_890 = arith.constant 0 : i32
      %dma_start3A_891 = tpu.memref_slice %arg7[%dma_start3A_888, %dma_start3A_889, %dma_start3A_890] : memref<2x5x40xi32, #tpu.memory_space<vmem>> -> memref<1x5x40xi32, #tpu.memory_space<vmem>>
      %dma_start3A_892 = tpu.memref_squeeze %dma_start3A_891 : memref<1x5x40xi32, #tpu.memory_space<vmem>> -> memref<5x40xi32, #tpu.memory_space<vmem>>
      %dma_start3A_893 = arith.constant 0 : i32
      %dma_start3A_894 = arith.constant 0 : i32
      %dma_start3A_895 = tpu.memref_slice %arg4[%add3A, %add3A_870, %dma_start3A_893, %dma_start3A_894] : memref<32x50x5x40xi32, #tpu.memory_space<hbm>> -> memref<1x1x5x40xi32, #tpu.memory_space<hbm>>
      %dma_start3A_896 = tpu.memref_squeeze %dma_start3A_895 : memref<1x1x5x40xi32, #tpu.memory_space<hbm>> -> memref<5x40xi32, #tpu.memory_space<hbm>>
      %dma_start3A_897 = arith.constant 0 : i32
      %dma_start3A_898 = arith.constant 0 : i32
      %dma_start3A_899 = tpu.memref_slice %arg7[%dma_start3A_888, %dma_start3A_897, %dma_start3A_898] : memref<2x5x40xi32, #tpu.memory_space<vmem>> -> memref<1x5x40xi32, #tpu.memory_space<vmem>>
      %dma_start3A_900 = tpu.memref_squeeze %dma_start3A_899 : memref<1x5x40xi32, #tpu.memory_space<vmem>> -> memref<5x40xi32, #tpu.memory_space<vmem>>
      %dma_start3A_901 = arith.constant 0 : i32
      %dma_start3A_902 = arith.constant 0 : i32
      %dma_start3A_903 = tpu.memref_slice %arg4[%add3A, %add3A_870, %dma_start3A_901, %dma_start3A_902] : memref<32x50x5x40xi32, #tpu.memory_space<hbm>> -> memref<1x1x5x40xi32, #tpu.memory_space<hbm>>
      %dma_start3A_904 = tpu.memref_squeeze %dma_start3A_903 : memref<1x1x5x40xi32, #tpu.memory_space<hbm>> -> memref<5x40xi32, #tpu.memory_space<hbm>>
      tpu.enqueue_dma source(%dma_start3A_904 : memref<5x40xi32, #tpu.memory_space<hbm>>) target(%dma_start3A_900 : memref<5x40xi32, #tpu.memory_space<vmem>>) target_semaphore(%arg25 : memref<!tpu.dma_semaphore, #tpu.memory_space<semaphore_mem>>)
      %dma_wait3A_905 = arith.constant 1 : i32
      %dma_wait3A_906 = arith.constant 0 : i32
      %dma_wait3A_907 = arith.constant 0 : i32
      %dma_wait3A_908 = tpu.memref_slice %arg6[%dma_wait3A_905, %dma_wait3A_906, %dma_wait3A_907] : memref<2x5x40xi32, #tpu.memory_space<vmem>> -> memref<1x1x40xi32, #tpu.memory_space<vmem>>
      %dma_wait3A_909 = tpu.memref_squeeze %dma_wait3A_908 : memref<1x1x40xi32, #tpu.memory_space<vmem>> -> memref<40xi32, #tpu.memory_space<vmem>>
      %dma_wait3A_910 = arith.constant 0 : i32
      %dma_wait3A_911 = arith.constant 0 : i32
      %dma_wait3A_912 = tpu.memref_slice %arg2[%dma_wait3A_910, %dma_wait3A_911] : memref<10240x128xf32, #tpu.memory_space<hbm>> -> memref<10240x128xf32, #tpu.memory_space<hbm>>
      tpu.wait_indirect_dma semaphore(%arg13 : memref<!tpu.dma_semaphore, #tpu.memory_space<semaphore_mem>>) src(%dma_wait3A_912 : memref<10240x128xf32, #tpu.memory_space<hbm>>) dst(%arg8 : memref<40x128xf32, #tpu.memory_space<vmem>>)
      %dma_start3A_913 = arith.constant 1 : i32
      %dma_start3A_914 = arith.constant 0 : i32
      %dma_start3A_915 = arith.constant 0 : i32
      %dma_start3A_916 = tpu.memref_slice %arg7[%dma_start3A_913, %dma_start3A_914, %dma_start3A_915] : memref<2x5x40xi32, #tpu.memory_space<vmem>> -> memref<1x1x40xi32, #tpu.memory_space<vmem>>
      %dma_start3A_917 = tpu.memref_squeeze %dma_start3A_916 : memref<1x1x40xi32, #tpu.memory_space<vmem>> -> memref<40xi32, #tpu.memory_space<vmem>>
      %dma_start3A_918 = arith.constant 0 : i32
      %dma_start3A_919 = arith.constant 0 : i32
      %dma_start3A_920 = tpu.memref_slice %arg27[%dma_start3A_918, %dma_start3A_919] : memref<10240x128xf32, #tpu.memory_space<vmem_shared>> -> memref<10240x128xf32, #tpu.memory_space<vmem_shared>>
      tpu.enqueue_indirect_dma source(%arg8 : memref<40x128xf32, #tpu.memory_space<vmem>>) target(%dma_start3A_920 : memref<10240x128xf32, #tpu.memory_space<vmem_shared>>) offsets(%dma_start3A_917 : memref<40xi32, #tpu.memory_space<vmem>>) semaphore(%arg18 : memref<!tpu.dma_semaphore, #tpu.memory_space<semaphore_mem>>) {add = true}
      %dma_wait3A_921 = arith.constant 1 : i32
      %dma_wait3A_922 = arith.constant 1 : i32
      %dma_wait3A_923 = arith.constant 0 : i32
      %dma_wait3A_924 = tpu.memref_slice %arg6[%dma_wait3A_921, %dma_wait3A_922, %dma_wait3A_923] : memref<2x5x40xi32, #tpu.memory_space<vmem>> -> memref<1x1x40xi32, #tpu.memory_space<vmem>>
      %dma_wait3A_925 = tpu.memref_squeeze %dma_wait3A_924 : memref<1x1x40xi32, #tpu.memory_space<vmem>> -> memref<40xi32, #tpu.memory_space<vmem>>
      %dma_wait3A_926 = arith.constant 0 : i32
      %dma_wait3A_927 = arith.constant 0 : i32
      %dma_wait3A_928 = tpu.memref_slice %arg2[%dma_wait3A_926, %dma_wait3A_927] : memref<10240x128xf32, #tpu.memory_space<hbm>> -> memref<10240x128xf32, #tpu.memory_space<hbm>>
      tpu.wait_indirect_dma semaphore(%arg14 : memref<!tpu.dma_semaphore, #tpu.memory_space<semaphore_mem>>) src(%dma_wait3A_928 : memref<10240x128xf32, #tpu.memory_space<hbm>>) dst(%arg9 : memref<40x128xf32, #tpu.memory_space<vmem>>)
      %dma_start3A_929 = arith.constant 1 : i32
      %dma_start3A_930 = arith.constant 1 : i32
      %dma_start3A_931 = arith.constant 0 : i32
      %dma_start3A_932 = tpu.memref_slice %arg7[%dma_start3A_929, %dma_start3A_930, %dma_start3A_931] : memref<2x5x40xi32, #tpu.memory_space<vmem>> -> memref<1x1x40xi32, #tpu.memory_space<vmem>>
      %dma_start3A_933 = tpu.memref_squeeze %dma_start3A_932 : memref<1x1x40xi32, #tpu.memory_space<vmem>> -> memref<40xi32, #tpu.memory_space<vmem>>
      %dma_start3A_934 = arith.constant 0 : i32
      %dma_start3A_935 = arith.constant 0 : i32
      %dma_start3A_936 = tpu.memref_slice %arg27[%dma_start3A_934, %dma_start3A_935] : memref<10240x128xf32, #tpu.memory_space<vmem_shared>> -> memref<10240x128xf32, #tpu.memory_space<vmem_shared>>
      tpu.enqueue_indirect_dma source(%arg9 : memref<40x128xf32, #tpu.memory_space<vmem>>) target(%dma_start3A_936 : memref<10240x128xf32, #tpu.memory_space<vmem_shared>>) offsets(%dma_start3A_933 : memref<40xi32, #tpu.memory_space<vmem>>) semaphore(%arg19 : memref<!tpu.dma_semaphore, #tpu.memory_space<semaphore_mem>>) {add = true}
      %dma_wait3A_937 = arith.constant 1 : i32
      %dma_wait3A_938 = arith.constant 2 : i32
      %dma_wait3A_939 = arith.constant 0 : i32
      %dma_wait3A_940 = tpu.memref_slice %arg6[%dma_wait3A_937, %dma_wait3A_938, %dma_wait3A_939] : memref<2x5x40xi32, #tpu.memory_space<vmem>> -> memref<1x1x40xi32, #tpu.memory_space<vmem>>
      %dma_wait3A_941 = tpu.memref_squeeze %dma_wait3A_940 : memref<1x1x40xi32, #tpu.memory_space<vmem>> -> memref<40xi32, #tpu.memory_space<vmem>>
      %dma_wait3A_942 = arith.constant 0 : i32
      %dma_wait3A_943 = arith.constant 0 : i32
      %dma_wait3A_944 = tpu.memref_slice %arg2[%dma_wait3A_942, %dma_wait3A_943] : memref<10240x128xf32, #tpu.memory_space<hbm>> -> memref<10240x128xf32, #tpu.memory_space<hbm>>
      tpu.wait_indirect_dma semaphore(%arg15 : memref<!tpu.dma_semaphore, #tpu.memory_space<semaphore_mem>>) src(%dma_wait3A_944 : memref<10240x128xf32, #tpu.memory_space<hbm>>) dst(%arg10 : memref<40x128xf32, #tpu.memory_space<vmem>>)
      %dma_start3A_945 = arith.constant 1 : i32
      %dma_start3A_946 = arith.constant 2 : i32
      %dma_start3A_947 = arith.constant 0 : i32
      %dma_start3A_948 = tpu.memref_slice %arg7[%dma_start3A_945, %dma_start3A_946, %dma_start3A_947] : memref<2x5x40xi32, #tpu.memory_space<vmem>> -> memref<1x1x40xi32, #tpu.memory_space<vmem>>
      %dma_start3A_949 = tpu.memref_squeeze %dma_start3A_948 : memref<1x1x40xi32, #tpu.memory_space<vmem>> -> memref<40xi32, #tpu.memory_space<vmem>>
      %dma_start3A_950 = arith.constant 0 : i32
      %dma_start3A_951 = arith.constant 0 : i32
      %dma_start3A_952 = tpu.memref_slice %arg27[%dma_start3A_950, %dma_start3A_951] : memref<10240x128xf32, #tpu.memory_space<vmem_shared>> -> memref<10240x128xf32, #tpu.memory_space<vmem_shared>>
      tpu.enqueue_indirect_dma source(%arg10 : memref<40x128xf32, #tpu.memory_space<vmem>>) target(%dma_start3A_952 : memref<10240x128xf32, #tpu.memory_space<vmem_shared>>) offsets(%dma_start3A_949 : memref<40xi32, #tpu.memory_space<vmem>>) semaphore(%arg20 : memref<!tpu.dma_semaphore, #tpu.memory_space<semaphore_mem>>) {add = true}
      %dma_wait3A_953 = arith.constant 1 : i32
      %dma_wait3A_954 = arith.constant 3 : i32
      %dma_wait3A_955 = arith.constant 0 : i32
      %dma_wait3A_956 = tpu.memref_slice %arg6[%dma_wait3A_953, %dma_wait3A_954, %dma_wait3A_955] : memref<2x5x40xi32, #tpu.memory_space<vmem>> -> memref<1x1x40xi32, #tpu.memory_space<vmem>>
      %dma_wait3A_957 = tpu.memref_squeeze %dma_wait3A_956 : memref<1x1x40xi32, #tpu.memory_space<vmem>> -> memref<40xi32, #tpu.memory_space<vmem>>
      %dma_wait3A_958 = arith.constant 0 : i32
      %dma_wait3A_959 = arith.constant 0 : i32
      %dma_wait3A_960 = tpu.memref_slice %arg2[%dma_wait3A_958, %dma_wait3A_959] : memref<10240x128xf32, #tpu.memory_space<hbm>> -> memref<10240x128xf32, #tpu.memory_space<hbm>>
      tpu.wait_indirect_dma semaphore(%arg16 : memref<!tpu.dma_semaphore, #tpu.memory_space<semaphore_mem>>) src(%dma_wait3A_960 : memref<10240x128xf32, #tpu.memory_space<hbm>>) dst(%arg11 : memref<40x128xf32, #tpu.memory_space<vmem>>)
      %dma_start3A_961 = arith.constant 1 : i32
      %dma_start3A_962 = arith.constant 3 : i32
      %dma_start3A_963 = arith.constant 0 : i32
      %dma_start3A_964 = tpu.memref_slice %arg7[%dma_start3A_961, %dma_start3A_962, %dma_start3A_963] : memref<2x5x40xi32, #tpu.memory_space<vmem>> -> memref<1x1x40xi32, #tpu.memory_space<vmem>>
      %dma_start3A_965 = tpu.memref_squeeze %dma_start3A_964 : memref<1x1x40xi32, #tpu.memory_space<vmem>> -> memref<40xi32, #tpu.memory_space<vmem>>
      %dma_start3A_966 = arith.constant 0 : i32
      %dma_start3A_967 = arith.constant 0 : i32
      %dma_start3A_968 = tpu.memref_slice %arg27[%dma_start3A_966, %dma_start3A_967] : memref<10240x128xf32, #tpu.memory_space<vmem_shared>> -> memref<10240x128xf32, #tpu.memory_space<vmem_shared>>
      tpu.enqueue_indirect_dma source(%arg11 : memref<40x128xf32, #tpu.memory_space<vmem>>) target(%dma_start3A_968 : memref<10240x128xf32, #tpu.memory_space<vmem_shared>>) offsets(%dma_start3A_965 : memref<40xi32, #tpu.memory_space<vmem>>) semaphore(%arg21 : memref<!tpu.dma_semaphore, #tpu.memory_space<semaphore_mem>>) {add = true}
      %dma_wait3A_969 = arith.constant 1 : i32
      %dma_wait3A_970 = arith.constant 4 : i32
      %dma_wait3A_971 = arith.constant 0 : i32
      %dma_wait3A_972 = tpu.memref_slice %arg6[%dma_wait3A_969, %dma_wait3A_970, %dma_wait3A_971] : memref<2x5x40xi32, #tpu.memory_space<vmem>> -> memref<1x1x40xi32, #tpu.memory_space<vmem>>
      %dma_wait3A_973 = tpu.memref_squeeze %dma_wait3A_972 : memref<1x1x40xi32, #tpu.memory_space<vmem>> -> memref<40xi32, #tpu.memory_space<vmem>>
      %dma_wait3A_974 = arith.constant 0 : i32
      %dma_wait3A_975 = arith.constant 0 : i32
      %dma_wait3A_976 = tpu.memref_slice %arg2[%dma_wait3A_974, %dma_wait3A_975] : memref<10240x128xf32, #tpu.memory_space<hbm>> -> memref<10240x128xf32, #tpu.memory_space<hbm>>
      tpu.wait_indirect_dma semaphore(%arg17 : memref<!tpu.dma_semaphore, #tpu.memory_space<semaphore_mem>>) src(%dma_wait3A_976 : memref<10240x128xf32, #tpu.memory_space<hbm>>) dst(%arg12 : memref<40x128xf32, #tpu.memory_space<vmem>>)
      %dma_start3A_977 = arith.constant 1 : i32
      %dma_start3A_978 = arith.constant 4 : i32
      %dma_start3A_979 = arith.constant 0 : i32
      %dma_start3A_980 = tpu.memref_slice %arg7[%dma_start3A_977, %dma_start3A_978, %dma_start3A_979] : memref<2x5x40xi32, #tpu.memory_space<vmem>> -> memref<1x1x40xi32, #tpu.memory_space<vmem>>
      %dma_start3A_981 = tpu.memref_squeeze %dma_start3A_980 : memref<1x1x40xi32, #tpu.memory_space<vmem>> -> memref<40xi32, #tpu.memory_space<vmem>>
      %dma_start3A_982 = arith.constant 0 : i32
      %dma_start3A_983 = arith.constant 0 : i32
      %dma_start3A_984 = tpu.memref_slice %arg27[%dma_start3A_982, %dma_start3A_983] : memref<10240x128xf32, #tpu.memory_space<vmem_shared>> -> memref<10240x128xf32, #tpu.memory_space<vmem_shared>>
      tpu.enqueue_indirect_dma source(%arg12 : memref<40x128xf32, #tpu.memory_space<vmem>>) target(%dma_start3A_984 : memref<10240x128xf32, #tpu.memory_space<vmem_shared>>) offsets(%dma_start3A_981 : memref<40xi32, #tpu.memory_space<vmem>>) semaphore(%arg22 : memref<!tpu.dma_semaphore, #tpu.memory_space<semaphore_mem>>) {add = true}
      %add3A_985 = arith.constant 2 : i32
      %add3A_986 = arith.addi %mul3A_672, %add3A_985 : i32
      %dma_wait3A_987 = arith.constant 0 : i32
      %dma_wait3A_988 = arith.constant 0 : i32
      %dma_wait3A_989 = arith.constant 0 : i32
      %dma_wait3A_990 = tpu.memref_slice %arg6[%dma_wait3A_987, %dma_wait3A_988, %dma_wait3A_989] : memref<2x5x40xi32, #tpu.memory_space<vmem>> -> memref<1x5x40xi32, #tpu.memory_space<vmem>>
      %dma_wait3A_991 = tpu.memref_squeeze %dma_wait3A_990 : memref<1x5x40xi32, #tpu.memory_space<vmem>> -> memref<5x40xi32, #tpu.memory_space<vmem>>
      %dma_wait3A_992 = arith.constant 0 : i32
      %dma_wait3A_993 = arith.constant 0 : i32
      %dma_wait3A_994 = tpu.memref_slice %arg3[%add3A, %add3A_986, %dma_wait3A_992, %dma_wait3A_993] : memref<32x50x5x40xi32, #tpu.memory_space<hbm>> -> memref<1x1x5x40xi32, #tpu.memory_space<hbm>>
      %dma_wait3A_995 = tpu.memref_squeeze %dma_wait3A_994 : memref<1x1x5x40xi32, #tpu.memory_space<hbm>> -> memref<5x40xi32, #tpu.memory_space<hbm>>
      %dma_wait3A_996 = arith.constant 0 : i32
      %dma_wait3A_997 = arith.constant 0 : i32
      %dma_wait3A_998 = tpu.memref_slice %arg6[%dma_wait3A_987, %dma_wait3A_996, %dma_wait3A_997] : memref<2x5x40xi32, #tpu.memory_space<vmem>> -> memref<1x5x40xi32, #tpu.memory_space<vmem>>
      %dma_wait3A_999 = tpu.memref_squeeze %dma_wait3A_998 : memref<1x5x40xi32, #tpu.memory_space<vmem>> -> memref<5x40xi32, #tpu.memory_space<vmem>>
      %dma_wait3A_1000 = arith.constant 0 : i32
      %dma_wait3A_1001 = arith.constant 0 : i32
      %dma_wait3A_1002 = tpu.memref_slice %arg3[%add3A, %add3A_986, %dma_wait3A_1000, %dma_wait3A_1001] : memref<32x50x5x40xi32, #tpu.memory_space<hbm>> -> memref<1x1x5x40xi32, #tpu.memory_space<hbm>>
      %dma_wait3A_1003 = tpu.memref_squeeze %dma_wait3A_1002 : memref<1x1x5x40xi32, #tpu.memory_space<hbm>> -> memref<5x40xi32, #tpu.memory_space<hbm>>
      tpu.wait_dma2 semaphore(%arg23 : memref<!tpu.dma_semaphore, #tpu.memory_space<semaphore_mem>>) src(%dma_wait3A_1003 : memref<5x40xi32, #tpu.memory_space<hbm>>) dst(%dma_wait3A_999 : memref<5x40xi32, #tpu.memory_space<vmem>>)
      %dma_wait3A_1004 = arith.constant 0 : i32
      %dma_wait3A_1005 = arith.constant 0 : i32
      %dma_wait3A_1006 = arith.constant 0 : i32
      %dma_wait3A_1007 = tpu.memref_slice %arg7[%dma_wait3A_1004, %dma_wait3A_1005, %dma_wait3A_1006] : memref<2x5x40xi32, #tpu.memory_space<vmem>> -> memref<1x5x40xi32, #tpu.memory_space<vmem>>
      %dma_wait3A_1008 = tpu.memref_squeeze %dma_wait3A_1007 : memref<1x5x40xi32, #tpu.memory_space<vmem>> -> memref<5x40xi32, #tpu.memory_space<vmem>>
      %dma_wait3A_1009 = arith.constant 0 : i32
      %dma_wait3A_1010 = arith.constant 0 : i32
      %dma_wait3A_1011 = tpu.memref_slice %arg4[%add3A, %add3A_986, %dma_wait3A_1009, %dma_wait3A_1010] : memref<32x50x5x40xi32, #tpu.memory_space<hbm>> -> memref<1x1x5x40xi32, #tpu.memory_space<hbm>>
      %dma_wait3A_1012 = tpu.memref_squeeze %dma_wait3A_1011 : memref<1x1x5x40xi32, #tpu.memory_space<hbm>> -> memref<5x40xi32, #tpu.memory_space<hbm>>
      %dma_wait3A_1013 = arith.constant 0 : i32
      %dma_wait3A_1014 = arith.constant 0 : i32
      %dma_wait3A_1015 = tpu.memref_slice %arg7[%dma_wait3A_1004, %dma_wait3A_1013, %dma_wait3A_1014] : memref<2x5x40xi32, #tpu.memory_space<vmem>> -> memref<1x5x40xi32, #tpu.memory_space<vmem>>
      %dma_wait3A_1016 = tpu.memref_squeeze %dma_wait3A_1015 : memref<1x5x40xi32, #tpu.memory_space<vmem>> -> memref<5x40xi32, #tpu.memory_space<vmem>>
      %dma_wait3A_1017 = arith.constant 0 : i32
      %dma_wait3A_1018 = arith.constant 0 : i32
      %dma_wait3A_1019 = tpu.memref_slice %arg4[%add3A, %add3A_986, %dma_wait3A_1017, %dma_wait3A_1018] : memref<32x50x5x40xi32, #tpu.memory_space<hbm>> -> memref<1x1x5x40xi32, #tpu.memory_space<hbm>>
      %dma_wait3A_1020 = tpu.memref_squeeze %dma_wait3A_1019 : memref<1x1x5x40xi32, #tpu.memory_space<hbm>> -> memref<5x40xi32, #tpu.memory_space<hbm>>
      tpu.wait_dma2 semaphore(%arg25 : memref<!tpu.dma_semaphore, #tpu.memory_space<semaphore_mem>>) src(%dma_wait3A_1020 : memref<5x40xi32, #tpu.memory_space<hbm>>) dst(%dma_wait3A_1016 : memref<5x40xi32, #tpu.memory_space<vmem>>)
      %dma_wait3A_1021 = arith.constant 1 : i32
      %dma_wait3A_1022 = arith.constant 0 : i32
      %dma_wait3A_1023 = arith.constant 0 : i32
      %dma_wait3A_1024 = tpu.memref_slice %arg7[%dma_wait3A_1021, %dma_wait3A_1022, %dma_wait3A_1023] : memref<2x5x40xi32, #tpu.memory_space<vmem>> -> memref<1x1x40xi32, #tpu.memory_space<vmem>>
      %dma_wait3A_1025 = tpu.memref_squeeze %dma_wait3A_1024 : memref<1x1x40xi32, #tpu.memory_space<vmem>> -> memref<40xi32, #tpu.memory_space<vmem>>
      %dma_wait3A_1026 = arith.constant 0 : i32
      %dma_wait3A_1027 = arith.constant 0 : i32
      %dma_wait3A_1028 = tpu.memref_slice %arg27[%dma_wait3A_1026, %dma_wait3A_1027] : memref<10240x128xf32, #tpu.memory_space<vmem_shared>> -> memref<10240x128xf32, #tpu.memory_space<vmem_shared>>
      tpu.wait_indirect_dma semaphore(%arg18 : memref<!tpu.dma_semaphore, #tpu.memory_space<semaphore_mem>>) src(%arg8 : memref<40x128xf32, #tpu.memory_space<vmem>>) dst(%dma_wait3A_1028 : memref<10240x128xf32, #tpu.memory_space<vmem_shared>>)
      %dma_start3A_1029 = arith.constant 0 : i32
      %dma_start3A_1030 = arith.constant 0 : i32
      %dma_start3A_1031 = arith.constant 0 : i32
      %dma_start3A_1032 = tpu.memref_slice %arg6[%dma_start3A_1029, %dma_start3A_1030, %dma_start3A_1031] : memref<2x5x40xi32, #tpu.memory_space<vmem>> -> memref<1x1x40xi32, #tpu.memory_space<vmem>>
      %dma_start3A_1033 = tpu.memref_squeeze %dma_start3A_1032 : memref<1x1x40xi32, #tpu.memory_space<vmem>> -> memref<40xi32, #tpu.memory_space<vmem>>
      %dma_start3A_1034 = arith.constant 0 : i32
      %dma_start3A_1035 = arith.constant 0 : i32
      %dma_start3A_1036 = tpu.memref_slice %arg2[%dma_start3A_1034, %dma_start3A_1035] : memref<10240x128xf32, #tpu.memory_space<hbm>> -> memref<10240x128xf32, #tpu.memory_space<hbm>>
      tpu.enqueue_indirect_dma source(%dma_start3A_1036 : memref<10240x128xf32, #tpu.memory_space<hbm>>) target(%arg8 : memref<40x128xf32, #tpu.memory_space<vmem>>) offsets(%dma_start3A_1033 : memref<40xi32, #tpu.memory_space<vmem>>) semaphore(%arg13 : memref<!tpu.dma_semaphore, #tpu.memory_space<semaphore_mem>>)
      %dma_wait3A_1037 = arith.constant 1 : i32
      %dma_wait3A_1038 = arith.constant 1 : i32
      %dma_wait3A_1039 = arith.constant 0 : i32
      %dma_wait3A_1040 = tpu.memref_slice %arg7[%dma_wait3A_1037, %dma_wait3A_1038, %dma_wait3A_1039] : memref<2x5x40xi32, #tpu.memory_space<vmem>> -> memref<1x1x40xi32, #tpu.memory_space<vmem>>
      %dma_wait3A_1041 = tpu.memref_squeeze %dma_wait3A_1040 : memref<1x1x40xi32, #tpu.memory_space<vmem>> -> memref<40xi32, #tpu.memory_space<vmem>>
      %dma_wait3A_1042 = arith.constant 0 : i32
      %dma_wait3A_1043 = arith.constant 0 : i32
      %dma_wait3A_1044 = tpu.memref_slice %arg27[%dma_wait3A_1042, %dma_wait3A_1043] : memref<10240x128xf32, #tpu.memory_space<vmem_shared>> -> memref<10240x128xf32, #tpu.memory_space<vmem_shared>>
      tpu.wait_indirect_dma semaphore(%arg19 : memref<!tpu.dma_semaphore, #tpu.memory_space<semaphore_mem>>) src(%arg9 : memref<40x128xf32, #tpu.memory_space<vmem>>) dst(%dma_wait3A_1044 : memref<10240x128xf32, #tpu.memory_space<vmem_shared>>)
      %dma_start3A_1045 = arith.constant 0 : i32
      %dma_start3A_1046 = arith.constant 1 : i32
      %dma_start3A_1047 = arith.constant 0 : i32
      %dma_start3A_1048 = tpu.memref_slice %arg6[%dma_start3A_1045, %dma_start3A_1046, %dma_start3A_1047] : memref<2x5x40xi32, #tpu.memory_space<vmem>> -> memref<1x1x40xi32, #tpu.memory_space<vmem>>
      %dma_start3A_1049 = tpu.memref_squeeze %dma_start3A_1048 : memref<1x1x40xi32, #tpu.memory_space<vmem>> -> memref<40xi32, #tpu.memory_space<vmem>>
      %dma_start3A_1050 = arith.constant 0 : i32
      %dma_start3A_1051 = arith.constant 0 : i32
      %dma_start3A_1052 = tpu.memref_slice %arg2[%dma_start3A_1050, %dma_start3A_1051] : memref<10240x128xf32, #tpu.memory_space<hbm>> -> memref<10240x128xf32, #tpu.memory_space<hbm>>
      tpu.enqueue_indirect_dma source(%dma_start3A_1052 : memref<10240x128xf32, #tpu.memory_space<hbm>>) target(%arg9 : memref<40x128xf32, #tpu.memory_space<vmem>>) offsets(%dma_start3A_1049 : memref<40xi32, #tpu.memory_space<vmem>>) semaphore(%arg14 : memref<!tpu.dma_semaphore, #tpu.memory_space<semaphore_mem>>)
      %dma_wait3A_1053 = arith.constant 1 : i32
      %dma_wait3A_1054 = arith.constant 2 : i32
      %dma_wait3A_1055 = arith.constant 0 : i32
      %dma_wait3A_1056 = tpu.memref_slice %arg7[%dma_wait3A_1053, %dma_wait3A_1054, %dma_wait3A_1055] : memref<2x5x40xi32, #tpu.memory_space<vmem>> -> memref<1x1x40xi32, #tpu.memory_space<vmem>>
      %dma_wait3A_1057 = tpu.memref_squeeze %dma_wait3A_1056 : memref<1x1x40xi32, #tpu.memory_space<vmem>> -> memref<40xi32, #tpu.memory_space<vmem>>
      %dma_wait3A_1058 = arith.constant 0 : i32
      %dma_wait3A_1059 = arith.constant 0 : i32
      %dma_wait3A_1060 = tpu.memref_slice %arg27[%dma_wait3A_1058, %dma_wait3A_1059] : memref<10240x128xf32, #tpu.memory_space<vmem_shared>> -> memref<10240x128xf32, #tpu.memory_space<vmem_shared>>
      tpu.wait_indirect_dma semaphore(%arg20 : memref<!tpu.dma_semaphore, #tpu.memory_space<semaphore_mem>>) src(%arg10 : memref<40x128xf32, #tpu.memory_space<vmem>>) dst(%dma_wait3A_1060 : memref<10240x128xf32, #tpu.memory_space<vmem_shared>>)
      %dma_start3A_1061 = arith.constant 0 : i32
      %dma_start3A_1062 = arith.constant 2 : i32
      %dma_start3A_1063 = arith.constant 0 : i32
      %dma_start3A_1064 = tpu.memref_slice %arg6[%dma_start3A_1061, %dma_start3A_1062, %dma_start3A_1063] : memref<2x5x40xi32, #tpu.memory_space<vmem>> -> memref<1x1x40xi32, #tpu.memory_space<vmem>>
      %dma_start3A_1065 = tpu.memref_squeeze %dma_start3A_1064 : memref<1x1x40xi32, #tpu.memory_space<vmem>> -> memref<40xi32, #tpu.memory_space<vmem>>
      %dma_start3A_1066 = arith.constant 0 : i32
      %dma_start3A_1067 = arith.constant 0 : i32
      %dma_start3A_1068 = tpu.memref_slice %arg2[%dma_start3A_1066, %dma_start3A_1067] : memref<10240x128xf32, #tpu.memory_space<hbm>> -> memref<10240x128xf32, #tpu.memory_space<hbm>>
      tpu.enqueue_indirect_dma source(%dma_start3A_1068 : memref<10240x128xf32, #tpu.memory_space<hbm>>) target(%arg10 : memref<40x128xf32, #tpu.memory_space<vmem>>) offsets(%dma_start3A_1065 : memref<40xi32, #tpu.memory_space<vmem>>) semaphore(%arg15 : memref<!tpu.dma_semaphore, #tpu.memory_space<semaphore_mem>>)
      %dma_wait3A_1069 = arith.constant 1 : i32
      %dma_wait3A_1070 = arith.constant 3 : i32
      %dma_wait3A_1071 = arith.constant 0 : i32
      %dma_wait3A_1072 = tpu.memref_slice %arg7[%dma_wait3A_1069, %dma_wait3A_1070, %dma_wait3A_1071] : memref<2x5x40xi32, #tpu.memory_space<vmem>> -> memref<1x1x40xi32, #tpu.memory_space<vmem>>
      %dma_wait3A_1073 = tpu.memref_squeeze %dma_wait3A_1072 : memref<1x1x40xi32, #tpu.memory_space<vmem>> -> memref<40xi32, #tpu.memory_space<vmem>>
      %dma_wait3A_1074 = arith.constant 0 : i32
      %dma_wait3A_1075 = arith.constant 0 : i32
      %dma_wait3A_1076 = tpu.memref_slice %arg27[%dma_wait3A_1074, %dma_wait3A_1075] : memref<10240x128xf32, #tpu.memory_space<vmem_shared>> -> memref<10240x128xf32, #tpu.memory_space<vmem_shared>>
      tpu.wait_indirect_dma semaphore(%arg21 : memref<!tpu.dma_semaphore, #tpu.memory_space<semaphore_mem>>) src(%arg11 : memref<40x128xf32, #tpu.memory_space<vmem>>) dst(%dma_wait3A_1076 : memref<10240x128xf32, #tpu.memory_space<vmem_shared>>)
      %dma_start3A_1077 = arith.constant 0 : i32
      %dma_start3A_1078 = arith.constant 3 : i32
      %dma_start3A_1079 = arith.constant 0 : i32
      %dma_start3A_1080 = tpu.memref_slice %arg6[%dma_start3A_1077, %dma_start3A_1078, %dma_start3A_1079] : memref<2x5x40xi32, #tpu.memory_space<vmem>> -> memref<1x1x40xi32, #tpu.memory_space<vmem>>
      %dma_start3A_1081 = tpu.memref_squeeze %dma_start3A_1080 : memref<1x1x40xi32, #tpu.memory_space<vmem>> -> memref<40xi32, #tpu.memory_space<vmem>>
      %dma_start3A_1082 = arith.constant 0 : i32
      %dma_start3A_1083 = arith.constant 0 : i32
      %dma_start3A_1084 = tpu.memref_slice %arg2[%dma_start3A_1082, %dma_start3A_1083] : memref<10240x128xf32, #tpu.memory_space<hbm>> -> memref<10240x128xf32, #tpu.memory_space<hbm>>
      tpu.enqueue_indirect_dma source(%dma_start3A_1084 : memref<10240x128xf32, #tpu.memory_space<hbm>>) target(%arg11 : memref<40x128xf32, #tpu.memory_space<vmem>>) offsets(%dma_start3A_1081 : memref<40xi32, #tpu.memory_space<vmem>>) semaphore(%arg16 : memref<!tpu.dma_semaphore, #tpu.memory_space<semaphore_mem>>)
      %dma_wait3A_1085 = arith.constant 1 : i32
      %dma_wait3A_1086 = arith.constant 4 : i32
      %dma_wait3A_1087 = arith.constant 0 : i32
      %dma_wait3A_1088 = tpu.memref_slice %arg7[%dma_wait3A_1085, %dma_wait3A_1086, %dma_wait3A_1087] : memref<2x5x40xi32, #tpu.memory_space<vmem>> -> memref<1x1x40xi32, #tpu.memory_space<vmem>>
      %dma_wait3A_1089 = tpu.memref_squeeze %dma_wait3A_1088 : memref<1x1x40xi32, #tpu.memory_space<vmem>> -> memref<40xi32, #tpu.memory_space<vmem>>
      %dma_wait3A_1090 = arith.constant 0 : i32
      %dma_wait3A_1091 = arith.constant 0 : i32
      %dma_wait3A_1092 = tpu.memref_slice %arg27[%dma_wait3A_1090, %dma_wait3A_1091] : memref<10240x128xf32, #tpu.memory_space<vmem_shared>> -> memref<10240x128xf32, #tpu.memory_space<vmem_shared>>
      tpu.wait_indirect_dma semaphore(%arg22 : memref<!tpu.dma_semaphore, #tpu.memory_space<semaphore_mem>>) src(%arg12 : memref<40x128xf32, #tpu.memory_space<vmem>>) dst(%dma_wait3A_1092 : memref<10240x128xf32, #tpu.memory_space<vmem_shared>>)
      %dma_start3A_1093 = arith.constant 0 : i32
      %dma_start3A_1094 = arith.constant 4 : i32
      %dma_start3A_1095 = arith.constant 0 : i32
      %dma_start3A_1096 = tpu.memref_slice %arg6[%dma_start3A_1093, %dma_start3A_1094, %dma_start3A_1095] : memref<2x5x40xi32, #tpu.memory_space<vmem>> -> memref<1x1x40xi32, #tpu.memory_space<vmem>>
      %dma_start3A_1097 = tpu.memref_squeeze %dma_start3A_1096 : memref<1x1x40xi32, #tpu.memory_space<vmem>> -> memref<40xi32, #tpu.memory_space<vmem>>
      %dma_start3A_1098 = arith.constant 0 : i32
      %dma_start3A_1099 = arith.constant 0 : i32
      %dma_start3A_1100 = tpu.memref_slice %arg2[%dma_start3A_1098, %dma_start3A_1099] : memref<10240x128xf32, #tpu.memory_space<hbm>> -> memref<10240x128xf32, #tpu.memory_space<hbm>>
      tpu.enqueue_indirect_dma source(%dma_start3A_1100 : memref<10240x128xf32, #tpu.memory_space<hbm>>) target(%arg12 : memref<40x128xf32, #tpu.memory_space<vmem>>) offsets(%dma_start3A_1097 : memref<40xi32, #tpu.memory_space<vmem>>) semaphore(%arg17 : memref<!tpu.dma_semaphore, #tpu.memory_space<semaphore_mem>>)
      %add3A_1101 = arith.constant 3 : i32
      %add3A_1102 = arith.addi %mul3A_672, %add3A_1101 : i32
      %dma_start3A_1103 = arith.constant 1 : i32
      %dma_start3A_1104 = arith.constant 0 : i32
      %dma_start3A_1105 = arith.constant 0 : i32
      %dma_start3A_1106 = tpu.memref_slice %arg6[%dma_start3A_1103, %dma_start3A_1104, %dma_start3A_1105] : memref<2x5x40xi32, #tpu.memory_space<vmem>> -> memref<1x5x40xi32, #tpu.memory_space<vmem>>
      %dma_start3A_1107 = tpu.memref_squeeze %dma_start3A_1106 : memref<1x5x40xi32, #tpu.memory_space<vmem>> -> memref<5x40xi32, #tpu.memory_space<vmem>>
      %dma_start3A_1108 = arith.constant 0 : i32
      %dma_start3A_1109 = arith.constant 0 : i32
      %dma_start3A_1110 = tpu.memref_slice %arg3[%add3A, %add3A_1102, %dma_start3A_1108, %dma_start3A_1109] : memref<32x50x5x40xi32, #tpu.memory_space<hbm>> -> memref<1x1x5x40xi32, #tpu.memory_space<hbm>>
      %dma_start3A_1111 = tpu.memref_squeeze %dma_start3A_1110 : memref<1x1x5x40xi32, #tpu.memory_space<hbm>> -> memref<5x40xi32, #tpu.memory_space<hbm>>
      %dma_start3A_1112 = arith.constant 0 : i32
      %dma_start3A_1113 = arith.constant 0 : i32
      %dma_start3A_1114 = tpu.memref_slice %arg6[%dma_start3A_1103, %dma_start3A_1112, %dma_start3A_1113] : memref<2x5x40xi32, #tpu.memory_space<vmem>> -> memref<1x5x40xi32, #tpu.memory_space<vmem>>
      %dma_start3A_1115 = tpu.memref_squeeze %dma_start3A_1114 : memref<1x5x40xi32, #tpu.memory_space<vmem>> -> memref<5x40xi32, #tpu.memory_space<vmem>>
      %dma_start3A_1116 = arith.constant 0 : i32
      %dma_start3A_1117 = arith.constant 0 : i32
      %dma_start3A_1118 = tpu.memref_slice %arg3[%add3A, %add3A_1102, %dma_start3A_1116, %dma_start3A_1117] : memref<32x50x5x40xi32, #tpu.memory_space<hbm>> -> memref<1x1x5x40xi32, #tpu.memory_space<hbm>>
      %dma_start3A_1119 = tpu.memref_squeeze %dma_start3A_1118 : memref<1x1x5x40xi32, #tpu.memory_space<hbm>> -> memref<5x40xi32, #tpu.memory_space<hbm>>
      tpu.enqueue_dma source(%dma_start3A_1119 : memref<5x40xi32, #tpu.memory_space<hbm>>) target(%dma_start3A_1115 : memref<5x40xi32, #tpu.memory_space<vmem>>) target_semaphore(%arg24 : memref<!tpu.dma_semaphore, #tpu.memory_space<semaphore_mem>>)
      %dma_start3A_1120 = arith.constant 1 : i32
      %dma_start3A_1121 = arith.constant 0 : i32
      %dma_start3A_1122 = arith.constant 0 : i32
      %dma_start3A_1123 = tpu.memref_slice %arg7[%dma_start3A_1120, %dma_start3A_1121, %dma_start3A_1122] : memref<2x5x40xi32, #tpu.memory_space<vmem>> -> memref<1x5x40xi32, #tpu.memory_space<vmem>>
      %dma_start3A_1124 = tpu.memref_squeeze %dma_start3A_1123 : memref<1x5x40xi32, #tpu.memory_space<vmem>> -> memref<5x40xi32, #tpu.memory_space<vmem>>
      %dma_start3A_1125 = arith.constant 0 : i32
      %dma_start3A_1126 = arith.constant 0 : i32
      %dma_start3A_1127 = tpu.memref_slice %arg4[%add3A, %add3A_1102, %dma_start3A_1125, %dma_start3A_1126] : memref<32x50x5x40xi32, #tpu.memory_space<hbm>> -> memref<1x1x5x40xi32, #tpu.memory_space<hbm>>
      %dma_start3A_1128 = tpu.memref_squeeze %dma_start3A_1127 : memref<1x1x5x40xi32, #tpu.memory_space<hbm>> -> memref<5x40xi32, #tpu.memory_space<hbm>>
      %dma_start3A_1129 = arith.constant 0 : i32
      %dma_start3A_1130 = arith.constant 0 : i32
      %dma_start3A_1131 = tpu.memref_slice %arg7[%dma_start3A_1120, %dma_start3A_1129, %dma_start3A_1130] : memref<2x5x40xi32, #tpu.memory_space<vmem>> -> memref<1x5x40xi32, #tpu.memory_space<vmem>>
      %dma_start3A_1132 = tpu.memref_squeeze %dma_start3A_1131 : memref<1x5x40xi32, #tpu.memory_space<vmem>> -> memref<5x40xi32, #tpu.memory_space<vmem>>
      %dma_start3A_1133 = arith.constant 0 : i32
      %dma_start3A_1134 = arith.constant 0 : i32
      %dma_start3A_1135 = tpu.memref_slice %arg4[%add3A, %add3A_1102, %dma_start3A_1133, %dma_start3A_1134] : memref<32x50x5x40xi32, #tpu.memory_space<hbm>> -> memref<1x1x5x40xi32, #tpu.memory_space<hbm>>
      %dma_start3A_1136 = tpu.memref_squeeze %dma_start3A_1135 : memref<1x1x5x40xi32, #tpu.memory_space<hbm>> -> memref<5x40xi32, #tpu.memory_space<hbm>>
      tpu.enqueue_dma source(%dma_start3A_1136 : memref<5x40xi32, #tpu.memory_space<hbm>>) target(%dma_start3A_1132 : memref<5x40xi32, #tpu.memory_space<vmem>>) target_semaphore(%arg26 : memref<!tpu.dma_semaphore, #tpu.memory_space<semaphore_mem>>)
    }
    %scan3A_352 = arith.constant 24 : i32
    %dma_wait3A_353 = arith.constant 0 : i32
    %dma_wait3A_354 = arith.constant 0 : i32
    %dma_wait3A_355 = arith.constant 0 : i32
    %dma_wait3A_356 = tpu.memref_slice %arg6[%dma_wait3A_353, %dma_wait3A_354, %dma_wait3A_355] : memref<2x5x40xi32, #tpu.memory_space<vmem>> -> memref<1x1x40xi32, #tpu.memory_space<vmem>>
    %dma_wait3A_357 = tpu.memref_squeeze %dma_wait3A_356 : memref<1x1x40xi32, #tpu.memory_space<vmem>> -> memref<40xi32, #tpu.memory_space<vmem>>
    %dma_wait3A_358 = arith.constant 0 : i32
    %dma_wait3A_359 = arith.constant 0 : i32
    %dma_wait3A_360 = tpu.memref_slice %arg2[%dma_wait3A_358, %dma_wait3A_359] : memref<10240x128xf32, #tpu.memory_space<hbm>> -> memref<10240x128xf32, #tpu.memory_space<hbm>>
    tpu.wait_indirect_dma semaphore(%arg13 : memref<!tpu.dma_semaphore, #tpu.memory_space<semaphore_mem>>) src(%dma_wait3A_360 : memref<10240x128xf32, #tpu.memory_space<hbm>>) dst(%arg8 : memref<40x128xf32, #tpu.memory_space<vmem>>)
    %dma_start3A_361 = arith.constant 0 : i32
    %dma_start3A_362 = arith.constant 0 : i32
    %dma_start3A_363 = arith.constant 0 : i32
    %dma_start3A_364 = tpu.memref_slice %arg7[%dma_start3A_361, %dma_start3A_362, %dma_start3A_363] : memref<2x5x40xi32, #tpu.memory_space<vmem>> -> memref<1x1x40xi32, #tpu.memory_space<vmem>>
    %dma_start3A_365 = tpu.memref_squeeze %dma_start3A_364 : memref<1x1x40xi32, #tpu.memory_space<vmem>> -> memref<40xi32, #tpu.memory_space<vmem>>
    %dma_start3A_366 = arith.constant 0 : i32
    %dma_start3A_367 = arith.constant 0 : i32
    %dma_start3A_368 = tpu.memref_slice %arg27[%dma_start3A_366, %dma_start3A_367] : memref<10240x128xf32, #tpu.memory_space<vmem_shared>> -> memref<10240x128xf32, #tpu.memory_space<vmem_shared>>
    tpu.enqueue_indirect_dma source(%arg8 : memref<40x128xf32, #tpu.memory_space<vmem>>) target(%dma_start3A_368 : memref<10240x128xf32, #tpu.memory_space<vmem_shared>>) offsets(%dma_start3A_365 : memref<40xi32, #tpu.memory_space<vmem>>) semaphore(%arg18 : memref<!tpu.dma_semaphore, #tpu.memory_space<semaphore_mem>>) {add = true}
    %dma_wait3A_369 = arith.constant 0 : i32
    %dma_wait3A_370 = arith.constant 1 : i32
    %dma_wait3A_371 = arith.constant 0 : i32
    %dma_wait3A_372 = tpu.memref_slice %arg6[%dma_wait3A_369, %dma_wait3A_370, %dma_wait3A_371] : memref<2x5x40xi32, #tpu.memory_space<vmem>> -> memref<1x1x40xi32, #tpu.memory_space<vmem>>
    %dma_wait3A_373 = tpu.memref_squeeze %dma_wait3A_372 : memref<1x1x40xi32, #tpu.memory_space<vmem>> -> memref<40xi32, #tpu.memory_space<vmem>>
    %dma_wait3A_374 = arith.constant 0 : i32
    %dma_wait3A_375 = arith.constant 0 : i32
    %dma_wait3A_376 = tpu.memref_slice %arg2[%dma_wait3A_374, %dma_wait3A_375] : memref<10240x128xf32, #tpu.memory_space<hbm>> -> memref<10240x128xf32, #tpu.memory_space<hbm>>
    tpu.wait_indirect_dma semaphore(%arg14 : memref<!tpu.dma_semaphore, #tpu.memory_space<semaphore_mem>>) src(%dma_wait3A_376 : memref<10240x128xf32, #tpu.memory_space<hbm>>) dst(%arg9 : memref<40x128xf32, #tpu.memory_space<vmem>>)
    %dma_start3A_377 = arith.constant 0 : i32
    %dma_start3A_378 = arith.constant 1 : i32
    %dma_start3A_379 = arith.constant 0 : i32
    %dma_start3A_380 = tpu.memref_slice %arg7[%dma_start3A_377, %dma_start3A_378, %dma_start3A_379] : memref<2x5x40xi32, #tpu.memory_space<vmem>> -> memref<1x1x40xi32, #tpu.memory_space<vmem>>
    %dma_start3A_381 = tpu.memref_squeeze %dma_start3A_380 : memref<1x1x40xi32, #tpu.memory_space<vmem>> -> memref<40xi32, #tpu.memory_space<vmem>>
    %dma_start3A_382 = arith.constant 0 : i32
    %dma_start3A_383 = arith.constant 0 : i32
    %dma_start3A_384 = tpu.memref_slice %arg27[%dma_start3A_382, %dma_start3A_383] : memref<10240x128xf32, #tpu.memory_space<vmem_shared>> -> memref<10240x128xf32, #tpu.memory_space<vmem_shared>>
    tpu.enqueue_indirect_dma source(%arg9 : memref<40x128xf32, #tpu.memory_space<vmem>>) target(%dma_start3A_384 : memref<10240x128xf32, #tpu.memory_space<vmem_shared>>) offsets(%dma_start3A_381 : memref<40xi32, #tpu.memory_space<vmem>>) semaphore(%arg19 : memref<!tpu.dma_semaphore, #tpu.memory_space<semaphore_mem>>) {add = true}
    %dma_wait3A_385 = arith.constant 0 : i32
    %dma_wait3A_386 = arith.constant 2 : i32
    %dma_wait3A_387 = arith.constant 0 : i32
    %dma_wait3A_388 = tpu.memref_slice %arg6[%dma_wait3A_385, %dma_wait3A_386, %dma_wait3A_387] : memref<2x5x40xi32, #tpu.memory_space<vmem>> -> memref<1x1x40xi32, #tpu.memory_space<vmem>>
    %dma_wait3A_389 = tpu.memref_squeeze %dma_wait3A_388 : memref<1x1x40xi32, #tpu.memory_space<vmem>> -> memref<40xi32, #tpu.memory_space<vmem>>
    %dma_wait3A_390 = arith.constant 0 : i32
    %dma_wait3A_391 = arith.constant 0 : i32
    %dma_wait3A_392 = tpu.memref_slice %arg2[%dma_wait3A_390, %dma_wait3A_391] : memref<10240x128xf32, #tpu.memory_space<hbm>> -> memref<10240x128xf32, #tpu.memory_space<hbm>>
    tpu.wait_indirect_dma semaphore(%arg15 : memref<!tpu.dma_semaphore, #tpu.memory_space<semaphore_mem>>) src(%dma_wait3A_392 : memref<10240x128xf32, #tpu.memory_space<hbm>>) dst(%arg10 : memref<40x128xf32, #tpu.memory_space<vmem>>)
    %dma_start3A_393 = arith.constant 0 : i32
    %dma_start3A_394 = arith.constant 2 : i32
    %dma_start3A_395 = arith.constant 0 : i32
    %dma_start3A_396 = tpu.memref_slice %arg7[%dma_start3A_393, %dma_start3A_394, %dma_start3A_395] : memref<2x5x40xi32, #tpu.memory_space<vmem>> -> memref<1x1x40xi32, #tpu.memory_space<vmem>>
    %dma_start3A_397 = tpu.memref_squeeze %dma_start3A_396 : memref<1x1x40xi32, #tpu.memory_space<vmem>> -> memref<40xi32, #tpu.memory_space<vmem>>
    %dma_start3A_398 = arith.constant 0 : i32
    %dma_start3A_399 = arith.constant 0 : i32
    %dma_start3A_400 = tpu.memref_slice %arg27[%dma_start3A_398, %dma_start3A_399] : memref<10240x128xf32, #tpu.memory_space<vmem_shared>> -> memref<10240x128xf32, #tpu.memory_space<vmem_shared>>
    tpu.enqueue_indirect_dma source(%arg10 : memref<40x128xf32, #tpu.memory_space<vmem>>) target(%dma_start3A_400 : memref<10240x128xf32, #tpu.memory_space<vmem_shared>>) offsets(%dma_start3A_397 : memref<40xi32, #tpu.memory_space<vmem>>) semaphore(%arg20 : memref<!tpu.dma_semaphore, #tpu.memory_space<semaphore_mem>>) {add = true}
    %dma_wait3A_401 = arith.constant 0 : i32
    %dma_wait3A_402 = arith.constant 3 : i32
    %dma_wait3A_403 = arith.constant 0 : i32
    %dma_wait3A_404 = tpu.memref_slice %arg6[%dma_wait3A_401, %dma_wait3A_402, %dma_wait3A_403] : memref<2x5x40xi32, #tpu.memory_space<vmem>> -> memref<1x1x40xi32, #tpu.memory_space<vmem>>
    %dma_wait3A_405 = tpu.memref_squeeze %dma_wait3A_404 : memref<1x1x40xi32, #tpu.memory_space<vmem>> -> memref<40xi32, #tpu.memory_space<vmem>>
    %dma_wait3A_406 = arith.constant 0 : i32
    %dma_wait3A_407 = arith.constant 0 : i32
    %dma_wait3A_408 = tpu.memref_slice %arg2[%dma_wait3A_406, %dma_wait3A_407] : memref<10240x128xf32, #tpu.memory_space<hbm>> -> memref<10240x128xf32, #tpu.memory_space<hbm>>
    tpu.wait_indirect_dma semaphore(%arg16 : memref<!tpu.dma_semaphore, #tpu.memory_space<semaphore_mem>>) src(%dma_wait3A_408 : memref<10240x128xf32, #tpu.memory_space<hbm>>) dst(%arg11 : memref<40x128xf32, #tpu.memory_space<vmem>>)
    %dma_start3A_409 = arith.constant 0 : i32
    %dma_start3A_410 = arith.constant 3 : i32
    %dma_start3A_411 = arith.constant 0 : i32
    %dma_start3A_412 = tpu.memref_slice %arg7[%dma_start3A_409, %dma_start3A_410, %dma_start3A_411] : memref<2x5x40xi32, #tpu.memory_space<vmem>> -> memref<1x1x40xi32, #tpu.memory_space<vmem>>
    %dma_start3A_413 = tpu.memref_squeeze %dma_start3A_412 : memref<1x1x40xi32, #tpu.memory_space<vmem>> -> memref<40xi32, #tpu.memory_space<vmem>>
    %dma_start3A_414 = arith.constant 0 : i32
    %dma_start3A_415 = arith.constant 0 : i32
    %dma_start3A_416 = tpu.memref_slice %arg27[%dma_start3A_414, %dma_start3A_415] : memref<10240x128xf32, #tpu.memory_space<vmem_shared>> -> memref<10240x128xf32, #tpu.memory_space<vmem_shared>>
    tpu.enqueue_indirect_dma source(%arg11 : memref<40x128xf32, #tpu.memory_space<vmem>>) target(%dma_start3A_416 : memref<10240x128xf32, #tpu.memory_space<vmem_shared>>) offsets(%dma_start3A_413 : memref<40xi32, #tpu.memory_space<vmem>>) semaphore(%arg21 : memref<!tpu.dma_semaphore, #tpu.memory_space<semaphore_mem>>) {add = true}
    %dma_wait3A_417 = arith.constant 0 : i32
    %dma_wait3A_418 = arith.constant 4 : i32
    %dma_wait3A_419 = arith.constant 0 : i32
    %dma_wait3A_420 = tpu.memref_slice %arg6[%dma_wait3A_417, %dma_wait3A_418, %dma_wait3A_419] : memref<2x5x40xi32, #tpu.memory_space<vmem>> -> memref<1x1x40xi32, #tpu.memory_space<vmem>>
    %dma_wait3A_421 = tpu.memref_squeeze %dma_wait3A_420 : memref<1x1x40xi32, #tpu.memory_space<vmem>> -> memref<40xi32, #tpu.memory_space<vmem>>
    %dma_wait3A_422 = arith.constant 0 : i32
    %dma_wait3A_423 = arith.constant 0 : i32
    %dma_wait3A_424 = tpu.memref_slice %arg2[%dma_wait3A_422, %dma_wait3A_423] : memref<10240x128xf32, #tpu.memory_space<hbm>> -> memref<10240x128xf32, #tpu.memory_space<hbm>>
    tpu.wait_indirect_dma semaphore(%arg17 : memref<!tpu.dma_semaphore, #tpu.memory_space<semaphore_mem>>) src(%dma_wait3A_424 : memref<10240x128xf32, #tpu.memory_space<hbm>>) dst(%arg12 : memref<40x128xf32, #tpu.memory_space<vmem>>)
    %dma_start3A_425 = arith.constant 0 : i32
    %dma_start3A_426 = arith.constant 4 : i32
    %dma_start3A_427 = arith.constant 0 : i32
    %dma_start3A_428 = tpu.memref_slice %arg7[%dma_start3A_425, %dma_start3A_426, %dma_start3A_427] : memref<2x5x40xi32, #tpu.memory_space<vmem>> -> memref<1x1x40xi32, #tpu.memory_space<vmem>>
    %dma_start3A_429 = tpu.memref_squeeze %dma_start3A_428 : memref<1x1x40xi32, #tpu.memory_space<vmem>> -> memref<40xi32, #tpu.memory_space<vmem>>
    %dma_start3A_430 = arith.constant 0 : i32
    %dma_start3A_431 = arith.constant 0 : i32
    %dma_start3A_432 = tpu.memref_slice %arg27[%dma_start3A_430, %dma_start3A_431] : memref<10240x128xf32, #tpu.memory_space<vmem_shared>> -> memref<10240x128xf32, #tpu.memory_space<vmem_shared>>
    tpu.enqueue_indirect_dma source(%arg12 : memref<40x128xf32, #tpu.memory_space<vmem>>) target(%dma_start3A_432 : memref<10240x128xf32, #tpu.memory_space<vmem_shared>>) offsets(%dma_start3A_429 : memref<40xi32, #tpu.memory_space<vmem>>) semaphore(%arg22 : memref<!tpu.dma_semaphore, #tpu.memory_space<semaphore_mem>>) {add = true}
    %dma_wait3A_433 = arith.constant 49 : i32
    %dma_wait3A_434 = arith.constant 1 : i32
    %dma_wait3A_435 = arith.constant 0 : i32
    %dma_wait3A_436 = arith.constant 0 : i32
    %dma_wait3A_437 = tpu.memref_slice %arg6[%dma_wait3A_434, %dma_wait3A_435, %dma_wait3A_436] : memref<2x5x40xi32, #tpu.memory_space<vmem>> -> memref<1x5x40xi32, #tpu.memory_space<vmem>>
    %dma_wait3A_438 = tpu.memref_squeeze %dma_wait3A_437 : memref<1x5x40xi32, #tpu.memory_space<vmem>> -> memref<5x40xi32, #tpu.memory_space<vmem>>
    %dma_wait3A_439 = arith.constant 0 : i32
    %dma_wait3A_440 = arith.constant 0 : i32
    %dma_wait3A_441 = tpu.memref_slice %arg3[%add3A, %dma_wait3A_433, %dma_wait3A_439, %dma_wait3A_440] : memref<32x50x5x40xi32, #tpu.memory_space<hbm>> -> memref<1x1x5x40xi32, #tpu.memory_space<hbm>>
    %dma_wait3A_442 = tpu.memref_squeeze %dma_wait3A_441 : memref<1x1x5x40xi32, #tpu.memory_space<hbm>> -> memref<5x40xi32, #tpu.memory_space<hbm>>
    %dma_wait3A_443 = arith.constant 0 : i32
    %dma_wait3A_444 = arith.constant 0 : i32
    %dma_wait3A_445 = tpu.memref_slice %arg6[%dma_wait3A_434, %dma_wait3A_443, %dma_wait3A_444] : memref<2x5x40xi32, #tpu.memory_space<vmem>> -> memref<1x5x40xi32, #tpu.memory_space<vmem>>
    %dma_wait3A_446 = tpu.memref_squeeze %dma_wait3A_445 : memref<1x5x40xi32, #tpu.memory_space<vmem>> -> memref<5x40xi32, #tpu.memory_space<vmem>>
    %dma_wait3A_447 = arith.constant 0 : i32
    %dma_wait3A_448 = arith.constant 0 : i32
    %dma_wait3A_449 = tpu.memref_slice %arg3[%add3A, %dma_wait3A_433, %dma_wait3A_447, %dma_wait3A_448] : memref<32x50x5x40xi32, #tpu.memory_space<hbm>> -> memref<1x1x5x40xi32, #tpu.memory_space<hbm>>
    %dma_wait3A_450 = tpu.memref_squeeze %dma_wait3A_449 : memref<1x1x5x40xi32, #tpu.memory_space<hbm>> -> memref<5x40xi32, #tpu.memory_space<hbm>>
    tpu.wait_dma2 semaphore(%arg24 : memref<!tpu.dma_semaphore, #tpu.memory_space<semaphore_mem>>) src(%dma_wait3A_450 : memref<5x40xi32, #tpu.memory_space<hbm>>) dst(%dma_wait3A_446 : memref<5x40xi32, #tpu.memory_space<vmem>>)
    %dma_wait3A_451 = arith.constant 49 : i32
    %dma_wait3A_452 = arith.constant 1 : i32
    %dma_wait3A_453 = arith.constant 0 : i32
    %dma_wait3A_454 = arith.constant 0 : i32
    %dma_wait3A_455 = tpu.memref_slice %arg7[%dma_wait3A_452, %dma_wait3A_453, %dma_wait3A_454] : memref<2x5x40xi32, #tpu.memory_space<vmem>> -> memref<1x5x40xi32, #tpu.memory_space<vmem>>
    %dma_wait3A_456 = tpu.memref_squeeze %dma_wait3A_455 : memref<1x5x40xi32, #tpu.memory_space<vmem>> -> memref<5x40xi32, #tpu.memory_space<vmem>>
    %dma_wait3A_457 = arith.constant 0 : i32
    %dma_wait3A_458 = arith.constant 0 : i32
    %dma_wait3A_459 = tpu.memref_slice %arg4[%add3A, %dma_wait3A_451, %dma_wait3A_457, %dma_wait3A_458] : memref<32x50x5x40xi32, #tpu.memory_space<hbm>> -> memref<1x1x5x40xi32, #tpu.memory_space<hbm>>
    %dma_wait3A_460 = tpu.memref_squeeze %dma_wait3A_459 : memref<1x1x5x40xi32, #tpu.memory_space<hbm>> -> memref<5x40xi32, #tpu.memory_space<hbm>>
    %dma_wait3A_461 = arith.constant 0 : i32
    %dma_wait3A_462 = arith.constant 0 : i32
    %dma_wait3A_463 = tpu.memref_slice %arg7[%dma_wait3A_452, %dma_wait3A_461, %dma_wait3A_462] : memref<2x5x40xi32, #tpu.memory_space<vmem>> -> memref<1x5x40xi32, #tpu.memory_space<vmem>>
    %dma_wait3A_464 = tpu.memref_squeeze %dma_wait3A_463 : memref<1x5x40xi32, #tpu.memory_space<vmem>> -> memref<5x40xi32, #tpu.memory_space<vmem>>
    %dma_wait3A_465 = arith.constant 0 : i32
    %dma_wait3A_466 = arith.constant 0 : i32
    %dma_wait3A_467 = tpu.memref_slice %arg4[%add3A, %dma_wait3A_451, %dma_wait3A_465, %dma_wait3A_466] : memref<32x50x5x40xi32, #tpu.memory_space<hbm>> -> memref<1x1x5x40xi32, #tpu.memory_space<hbm>>
    %dma_wait3A_468 = tpu.memref_squeeze %dma_wait3A_467 : memref<1x1x5x40xi32, #tpu.memory_space<hbm>> -> memref<5x40xi32, #tpu.memory_space<hbm>>
    tpu.wait_dma2 semaphore(%arg26 : memref<!tpu.dma_semaphore, #tpu.memory_space<semaphore_mem>>) src(%dma_wait3A_468 : memref<5x40xi32, #tpu.memory_space<hbm>>) dst(%dma_wait3A_464 : memref<5x40xi32, #tpu.memory_space<vmem>>)
    %dma_wait3A_469 = arith.constant 0 : i32
    %dma_wait3A_470 = arith.constant 0 : i32
    %dma_wait3A_471 = arith.constant 0 : i32
    %dma_wait3A_472 = tpu.memref_slice %arg7[%dma_wait3A_469, %dma_wait3A_470, %dma_wait3A_471] : memref<2x5x40xi32, #tpu.memory_space<vmem>> -> memref<1x1x40xi32, #tpu.memory_space<vmem>>
    %dma_wait3A_473 = tpu.memref_squeeze %dma_wait3A_472 : memref<1x1x40xi32, #tpu.memory_space<vmem>> -> memref<40xi32, #tpu.memory_space<vmem>>
    %dma_wait3A_474 = arith.constant 0 : i32
    %dma_wait3A_475 = arith.constant 0 : i32
    %dma_wait3A_476 = tpu.memref_slice %arg27[%dma_wait3A_474, %dma_wait3A_475] : memref<10240x128xf32, #tpu.memory_space<vmem_shared>> -> memref<10240x128xf32, #tpu.memory_space<vmem_shared>>
    tpu.wait_indirect_dma semaphore(%arg18 : memref<!tpu.dma_semaphore, #tpu.memory_space<semaphore_mem>>) src(%arg8 : memref<40x128xf32, #tpu.memory_space<vmem>>) dst(%dma_wait3A_476 : memref<10240x128xf32, #tpu.memory_space<vmem_shared>>)
    %dma_start3A_477 = arith.constant 1 : i32
    %dma_start3A_478 = arith.constant 0 : i32
    %dma_start3A_479 = arith.constant 0 : i32
    %dma_start3A_480 = tpu.memref_slice %arg6[%dma_start3A_477, %dma_start3A_478, %dma_start3A_479] : memref<2x5x40xi32, #tpu.memory_space<vmem>> -> memref<1x1x40xi32, #tpu.memory_space<vmem>>
    %dma_start3A_481 = tpu.memref_squeeze %dma_start3A_480 : memref<1x1x40xi32, #tpu.memory_space<vmem>> -> memref<40xi32, #tpu.memory_space<vmem>>
    %dma_start3A_482 = arith.constant 0 : i32
    %dma_start3A_483 = arith.constant 0 : i32
    %dma_start3A_484 = tpu.memref_slice %arg2[%dma_start3A_482, %dma_start3A_483] : memref<10240x128xf32, #tpu.memory_space<hbm>> -> memref<10240x128xf32, #tpu.memory_space<hbm>>
    tpu.enqueue_indirect_dma source(%dma_start3A_484 : memref<10240x128xf32, #tpu.memory_space<hbm>>) target(%arg8 : memref<40x128xf32, #tpu.memory_space<vmem>>) offsets(%dma_start3A_481 : memref<40xi32, #tpu.memory_space<vmem>>) semaphore(%arg13 : memref<!tpu.dma_semaphore, #tpu.memory_space<semaphore_mem>>)
    %dma_wait3A_485 = arith.constant 0 : i32
    %dma_wait3A_486 = arith.constant 1 : i32
    %dma_wait3A_487 = arith.constant 0 : i32
    %dma_wait3A_488 = tpu.memref_slice %arg7[%dma_wait3A_485, %dma_wait3A_486, %dma_wait3A_487] : memref<2x5x40xi32, #tpu.memory_space<vmem>> -> memref<1x1x40xi32, #tpu.memory_space<vmem>>
    %dma_wait3A_489 = tpu.memref_squeeze %dma_wait3A_488 : memref<1x1x40xi32, #tpu.memory_space<vmem>> -> memref<40xi32, #tpu.memory_space<vmem>>
    %dma_wait3A_490 = arith.constant 0 : i32
    %dma_wait3A_491 = arith.constant 0 : i32
    %dma_wait3A_492 = tpu.memref_slice %arg27[%dma_wait3A_490, %dma_wait3A_491] : memref<10240x128xf32, #tpu.memory_space<vmem_shared>> -> memref<10240x128xf32, #tpu.memory_space<vmem_shared>>
    tpu.wait_indirect_dma semaphore(%arg19 : memref<!tpu.dma_semaphore, #tpu.memory_space<semaphore_mem>>) src(%arg9 : memref<40x128xf32, #tpu.memory_space<vmem>>) dst(%dma_wait3A_492 : memref<10240x128xf32, #tpu.memory_space<vmem_shared>>)
    %dma_start3A_493 = arith.constant 1 : i32
    %dma_start3A_494 = arith.constant 1 : i32
    %dma_start3A_495 = arith.constant 0 : i32
    %dma_start3A_496 = tpu.memref_slice %arg6[%dma_start3A_493, %dma_start3A_494, %dma_start3A_495] : memref<2x5x40xi32, #tpu.memory_space<vmem>> -> memref<1x1x40xi32, #tpu.memory_space<vmem>>
    %dma_start3A_497 = tpu.memref_squeeze %dma_start3A_496 : memref<1x1x40xi32, #tpu.memory_space<vmem>> -> memref<40xi32, #tpu.memory_space<vmem>>
    %dma_start3A_498 = arith.constant 0 : i32
    %dma_start3A_499 = arith.constant 0 : i32
    %dma_start3A_500 = tpu.memref_slice %arg2[%dma_start3A_498, %dma_start3A_499] : memref<10240x128xf32, #tpu.memory_space<hbm>> -> memref<10240x128xf32, #tpu.memory_space<hbm>>
    tpu.enqueue_indirect_dma source(%dma_start3A_500 : memref<10240x128xf32, #tpu.memory_space<hbm>>) target(%arg9 : memref<40x128xf32, #tpu.memory_space<vmem>>) offsets(%dma_start3A_497 : memref<40xi32, #tpu.memory_space<vmem>>) semaphore(%arg14 : memref<!tpu.dma_semaphore, #tpu.memory_space<semaphore_mem>>)
    %dma_wait3A_501 = arith.constant 0 : i32
    %dma_wait3A_502 = arith.constant 2 : i32
    %dma_wait3A_503 = arith.constant 0 : i32
    %dma_wait3A_504 = tpu.memref_slice %arg7[%dma_wait3A_501, %dma_wait3A_502, %dma_wait3A_503] : memref<2x5x40xi32, #tpu.memory_space<vmem>> -> memref<1x1x40xi32, #tpu.memory_space<vmem>>
    %dma_wait3A_505 = tpu.memref_squeeze %dma_wait3A_504 : memref<1x1x40xi32, #tpu.memory_space<vmem>> -> memref<40xi32, #tpu.memory_space<vmem>>
    %dma_wait3A_506 = arith.constant 0 : i32
    %dma_wait3A_507 = arith.constant 0 : i32
    %dma_wait3A_508 = tpu.memref_slice %arg27[%dma_wait3A_506, %dma_wait3A_507] : memref<10240x128xf32, #tpu.memory_space<vmem_shared>> -> memref<10240x128xf32, #tpu.memory_space<vmem_shared>>
    tpu.wait_indirect_dma semaphore(%arg20 : memref<!tpu.dma_semaphore, #tpu.memory_space<semaphore_mem>>) src(%arg10 : memref<40x128xf32, #tpu.memory_space<vmem>>) dst(%dma_wait3A_508 : memref<10240x128xf32, #tpu.memory_space<vmem_shared>>)
    %dma_start3A_509 = arith.constant 1 : i32
    %dma_start3A_510 = arith.constant 2 : i32
    %dma_start3A_511 = arith.constant 0 : i32
    %dma_start3A_512 = tpu.memref_slice %arg6[%dma_start3A_509, %dma_start3A_510, %dma_start3A_511] : memref<2x5x40xi32, #tpu.memory_space<vmem>> -> memref<1x1x40xi32, #tpu.memory_space<vmem>>
    %dma_start3A_513 = tpu.memref_squeeze %dma_start3A_512 : memref<1x1x40xi32, #tpu.memory_space<vmem>> -> memref<40xi32, #tpu.memory_space<vmem>>
    %dma_start3A_514 = arith.constant 0 : i32
    %dma_start3A_515 = arith.constant 0 : i32
    %dma_start3A_516 = tpu.memref_slice %arg2[%dma_start3A_514, %dma_start3A_515] : memref<10240x128xf32, #tpu.memory_space<hbm>> -> memref<10240x128xf32, #tpu.memory_space<hbm>>
    tpu.enqueue_indirect_dma source(%dma_start3A_516 : memref<10240x128xf32, #tpu.memory_space<hbm>>) target(%arg10 : memref<40x128xf32, #tpu.memory_space<vmem>>) offsets(%dma_start3A_513 : memref<40xi32, #tpu.memory_space<vmem>>) semaphore(%arg15 : memref<!tpu.dma_semaphore, #tpu.memory_space<semaphore_mem>>)
    %dma_wait3A_517 = arith.constant 0 : i32
    %dma_wait3A_518 = arith.constant 3 : i32
    %dma_wait3A_519 = arith.constant 0 : i32
    %dma_wait3A_520 = tpu.memref_slice %arg7[%dma_wait3A_517, %dma_wait3A_518, %dma_wait3A_519] : memref<2x5x40xi32, #tpu.memory_space<vmem>> -> memref<1x1x40xi32, #tpu.memory_space<vmem>>
    %dma_wait3A_521 = tpu.memref_squeeze %dma_wait3A_520 : memref<1x1x40xi32, #tpu.memory_space<vmem>> -> memref<40xi32, #tpu.memory_space<vmem>>
    %dma_wait3A_522 = arith.constant 0 : i32
    %dma_wait3A_523 = arith.constant 0 : i32
    %dma_wait3A_524 = tpu.memref_slice %arg27[%dma_wait3A_522, %dma_wait3A_523] : memref<10240x128xf32, #tpu.memory_space<vmem_shared>> -> memref<10240x128xf32, #tpu.memory_space<vmem_shared>>
    tpu.wait_indirect_dma semaphore(%arg21 : memref<!tpu.dma_semaphore, #tpu.memory_space<semaphore_mem>>) src(%arg11 : memref<40x128xf32, #tpu.memory_space<vmem>>) dst(%dma_wait3A_524 : memref<10240x128xf32, #tpu.memory_space<vmem_shared>>)
    %dma_start3A_525 = arith.constant 1 : i32
    %dma_start3A_526 = arith.constant 3 : i32
    %dma_start3A_527 = arith.constant 0 : i32
    %dma_start3A_528 = tpu.memref_slice %arg6[%dma_start3A_525, %dma_start3A_526, %dma_start3A_527] : memref<2x5x40xi32, #tpu.memory_space<vmem>> -> memref<1x1x40xi32, #tpu.memory_space<vmem>>
    %dma_start3A_529 = tpu.memref_squeeze %dma_start3A_528 : memref<1x1x40xi32, #tpu.memory_space<vmem>> -> memref<40xi32, #tpu.memory_space<vmem>>
    %dma_start3A_530 = arith.constant 0 : i32
    %dma_start3A_531 = arith.constant 0 : i32
    %dma_start3A_532 = tpu.memref_slice %arg2[%dma_start3A_530, %dma_start3A_531] : memref<10240x128xf32, #tpu.memory_space<hbm>> -> memref<10240x128xf32, #tpu.memory_space<hbm>>
    tpu.enqueue_indirect_dma source(%dma_start3A_532 : memref<10240x128xf32, #tpu.memory_space<hbm>>) target(%arg11 : memref<40x128xf32, #tpu.memory_space<vmem>>) offsets(%dma_start3A_529 : memref<40xi32, #tpu.memory_space<vmem>>) semaphore(%arg16 : memref<!tpu.dma_semaphore, #tpu.memory_space<semaphore_mem>>)
    %dma_wait3A_533 = arith.constant 0 : i32
    %dma_wait3A_534 = arith.constant 4 : i32
    %dma_wait3A_535 = arith.constant 0 : i32
    %dma_wait3A_536 = tpu.memref_slice %arg7[%dma_wait3A_533, %dma_wait3A_534, %dma_wait3A_535] : memref<2x5x40xi32, #tpu.memory_space<vmem>> -> memref<1x1x40xi32, #tpu.memory_space<vmem>>
    %dma_wait3A_537 = tpu.memref_squeeze %dma_wait3A_536 : memref<1x1x40xi32, #tpu.memory_space<vmem>> -> memref<40xi32, #tpu.memory_space<vmem>>
    %dma_wait3A_538 = arith.constant 0 : i32
    %dma_wait3A_539 = arith.constant 0 : i32
    %dma_wait3A_540 = tpu.memref_slice %arg27[%dma_wait3A_538, %dma_wait3A_539] : memref<10240x128xf32, #tpu.memory_space<vmem_shared>> -> memref<10240x128xf32, #tpu.memory_space<vmem_shared>>
    tpu.wait_indirect_dma semaphore(%arg22 : memref<!tpu.dma_semaphore, #tpu.memory_space<semaphore_mem>>) src(%arg12 : memref<40x128xf32, #tpu.memory_space<vmem>>) dst(%dma_wait3A_540 : memref<10240x128xf32, #tpu.memory_space<vmem_shared>>)
    %dma_start3A_541 = arith.constant 1 : i32
    %dma_start3A_542 = arith.constant 4 : i32
    %dma_start3A_543 = arith.constant 0 : i32
    %dma_start3A_544 = tpu.memref_slice %arg6[%dma_start3A_541, %dma_start3A_542, %dma_start3A_543] : memref<2x5x40xi32, #tpu.memory_space<vmem>> -> memref<1x1x40xi32, #tpu.memory_space<vmem>>
    %dma_start3A_545 = tpu.memref_squeeze %dma_start3A_544 : memref<1x1x40xi32, #tpu.memory_space<vmem>> -> memref<40xi32, #tpu.memory_space<vmem>>
    %dma_start3A_546 = arith.constant 0 : i32
    %dma_start3A_547 = arith.constant 0 : i32
    %dma_start3A_548 = tpu.memref_slice %arg2[%dma_start3A_546, %dma_start3A_547] : memref<10240x128xf32, #tpu.memory_space<hbm>> -> memref<10240x128xf32, #tpu.memory_space<hbm>>
    tpu.enqueue_indirect_dma source(%dma_start3A_548 : memref<10240x128xf32, #tpu.memory_space<hbm>>) target(%arg12 : memref<40x128xf32, #tpu.memory_space<vmem>>) offsets(%dma_start3A_545 : memref<40xi32, #tpu.memory_space<vmem>>) semaphore(%arg17 : memref<!tpu.dma_semaphore, #tpu.memory_space<semaphore_mem>>)
    %dma_wait3A_549 = arith.constant 1 : i32
    %dma_wait3A_550 = arith.constant 0 : i32
    %dma_wait3A_551 = arith.constant 0 : i32
    %dma_wait3A_552 = tpu.memref_slice %arg6[%dma_wait3A_549, %dma_wait3A_550, %dma_wait3A_551] : memref<2x5x40xi32, #tpu.memory_space<vmem>> -> memref<1x1x40xi32, #tpu.memory_space<vmem>>
    %dma_wait3A_553 = tpu.memref_squeeze %dma_wait3A_552 : memref<1x1x40xi32, #tpu.memory_space<vmem>> -> memref<40xi32, #tpu.memory_space<vmem>>
    %dma_wait3A_554 = arith.constant 0 : i32
    %dma_wait3A_555 = arith.constant 0 : i32
    %dma_wait3A_556 = tpu.memref_slice %arg2[%dma_wait3A_554, %dma_wait3A_555] : memref<10240x128xf32, #tpu.memory_space<hbm>> -> memref<10240x128xf32, #tpu.memory_space<hbm>>
    tpu.wait_indirect_dma semaphore(%arg13 : memref<!tpu.dma_semaphore, #tpu.memory_space<semaphore_mem>>) src(%dma_wait3A_556 : memref<10240x128xf32, #tpu.memory_space<hbm>>) dst(%arg8 : memref<40x128xf32, #tpu.memory_space<vmem>>)
    %dma_start3A_557 = arith.constant 1 : i32
    %dma_start3A_558 = arith.constant 0 : i32
    %dma_start3A_559 = arith.constant 0 : i32
    %dma_start3A_560 = tpu.memref_slice %arg7[%dma_start3A_557, %dma_start3A_558, %dma_start3A_559] : memref<2x5x40xi32, #tpu.memory_space<vmem>> -> memref<1x1x40xi32, #tpu.memory_space<vmem>>
    %dma_start3A_561 = tpu.memref_squeeze %dma_start3A_560 : memref<1x1x40xi32, #tpu.memory_space<vmem>> -> memref<40xi32, #tpu.memory_space<vmem>>
    %dma_start3A_562 = arith.constant 0 : i32
    %dma_start3A_563 = arith.constant 0 : i32
    %dma_start3A_564 = tpu.memref_slice %arg27[%dma_start3A_562, %dma_start3A_563] : memref<10240x128xf32, #tpu.memory_space<vmem_shared>> -> memref<10240x128xf32, #tpu.memory_space<vmem_shared>>
    tpu.enqueue_indirect_dma source(%arg8 : memref<40x128xf32, #tpu.memory_space<vmem>>) target(%dma_start3A_564 : memref<10240x128xf32, #tpu.memory_space<vmem_shared>>) offsets(%dma_start3A_561 : memref<40xi32, #tpu.memory_space<vmem>>) semaphore(%arg18 : memref<!tpu.dma_semaphore, #tpu.memory_space<semaphore_mem>>) {add = true}
    %dma_wait3A_565 = arith.constant 1 : i32
    %dma_wait3A_566 = arith.constant 1 : i32
    %dma_wait3A_567 = arith.constant 0 : i32
    %dma_wait3A_568 = tpu.memref_slice %arg6[%dma_wait3A_565, %dma_wait3A_566, %dma_wait3A_567] : memref<2x5x40xi32, #tpu.memory_space<vmem>> -> memref<1x1x40xi32, #tpu.memory_space<vmem>>
    %dma_wait3A_569 = tpu.memref_squeeze %dma_wait3A_568 : memref<1x1x40xi32, #tpu.memory_space<vmem>> -> memref<40xi32, #tpu.memory_space<vmem>>
    %dma_wait3A_570 = arith.constant 0 : i32
    %dma_wait3A_571 = arith.constant 0 : i32
    %dma_wait3A_572 = tpu.memref_slice %arg2[%dma_wait3A_570, %dma_wait3A_571] : memref<10240x128xf32, #tpu.memory_space<hbm>> -> memref<10240x128xf32, #tpu.memory_space<hbm>>
    tpu.wait_indirect_dma semaphore(%arg14 : memref<!tpu.dma_semaphore, #tpu.memory_space<semaphore_mem>>) src(%dma_wait3A_572 : memref<10240x128xf32, #tpu.memory_space<hbm>>) dst(%arg9 : memref<40x128xf32, #tpu.memory_space<vmem>>)
    %dma_start3A_573 = arith.constant 1 : i32
    %dma_start3A_574 = arith.constant 1 : i32
    %dma_start3A_575 = arith.constant 0 : i32
    %dma_start3A_576 = tpu.memref_slice %arg7[%dma_start3A_573, %dma_start3A_574, %dma_start3A_575] : memref<2x5x40xi32, #tpu.memory_space<vmem>> -> memref<1x1x40xi32, #tpu.memory_space<vmem>>
    %dma_start3A_577 = tpu.memref_squeeze %dma_start3A_576 : memref<1x1x40xi32, #tpu.memory_space<vmem>> -> memref<40xi32, #tpu.memory_space<vmem>>
    %dma_start3A_578 = arith.constant 0 : i32
    %dma_start3A_579 = arith.constant 0 : i32
    %dma_start3A_580 = tpu.memref_slice %arg27[%dma_start3A_578, %dma_start3A_579] : memref<10240x128xf32, #tpu.memory_space<vmem_shared>> -> memref<10240x128xf32, #tpu.memory_space<vmem_shared>>
    tpu.enqueue_indirect_dma source(%arg9 : memref<40x128xf32, #tpu.memory_space<vmem>>) target(%dma_start3A_580 : memref<10240x128xf32, #tpu.memory_space<vmem_shared>>) offsets(%dma_start3A_577 : memref<40xi32, #tpu.memory_space<vmem>>) semaphore(%arg19 : memref<!tpu.dma_semaphore, #tpu.memory_space<semaphore_mem>>) {add = true}
    %dma_wait3A_581 = arith.constant 1 : i32
    %dma_wait3A_582 = arith.constant 2 : i32
    %dma_wait3A_583 = arith.constant 0 : i32
    %dma_wait3A_584 = tpu.memref_slice %arg6[%dma_wait3A_581, %dma_wait3A_582, %dma_wait3A_583] : memref<2x5x40xi32, #tpu.memory_space<vmem>> -> memref<1x1x40xi32, #tpu.memory_space<vmem>>
    %dma_wait3A_585 = tpu.memref_squeeze %dma_wait3A_584 : memref<1x1x40xi32, #tpu.memory_space<vmem>> -> memref<40xi32, #tpu.memory_space<vmem>>
    %dma_wait3A_586 = arith.constant 0 : i32
    %dma_wait3A_587 = arith.constant 0 : i32
    %dma_wait3A_588 = tpu.memref_slice %arg2[%dma_wait3A_586, %dma_wait3A_587] : memref<10240x128xf32, #tpu.memory_space<hbm>> -> memref<10240x128xf32, #tpu.memory_space<hbm>>
    tpu.wait_indirect_dma semaphore(%arg15 : memref<!tpu.dma_semaphore, #tpu.memory_space<semaphore_mem>>) src(%dma_wait3A_588 : memref<10240x128xf32, #tpu.memory_space<hbm>>) dst(%arg10 : memref<40x128xf32, #tpu.memory_space<vmem>>)
    %dma_start3A_589 = arith.constant 1 : i32
    %dma_start3A_590 = arith.constant 2 : i32
    %dma_start3A_591 = arith.constant 0 : i32
    %dma_start3A_592 = tpu.memref_slice %arg7[%dma_start3A_589, %dma_start3A_590, %dma_start3A_591] : memref<2x5x40xi32, #tpu.memory_space<vmem>> -> memref<1x1x40xi32, #tpu.memory_space<vmem>>
    %dma_start3A_593 = tpu.memref_squeeze %dma_start3A_592 : memref<1x1x40xi32, #tpu.memory_space<vmem>> -> memref<40xi32, #tpu.memory_space<vmem>>
    %dma_start3A_594 = arith.constant 0 : i32
    %dma_start3A_595 = arith.constant 0 : i32
    %dma_start3A_596 = tpu.memref_slice %arg27[%dma_start3A_594, %dma_start3A_595] : memref<10240x128xf32, #tpu.memory_space<vmem_shared>> -> memref<10240x128xf32, #tpu.memory_space<vmem_shared>>
    tpu.enqueue_indirect_dma source(%arg10 : memref<40x128xf32, #tpu.memory_space<vmem>>) target(%dma_start3A_596 : memref<10240x128xf32, #tpu.memory_space<vmem_shared>>) offsets(%dma_start3A_593 : memref<40xi32, #tpu.memory_space<vmem>>) semaphore(%arg20 : memref<!tpu.dma_semaphore, #tpu.memory_space<semaphore_mem>>) {add = true}
    %dma_wait3A_597 = arith.constant 1 : i32
    %dma_wait3A_598 = arith.constant 3 : i32
    %dma_wait3A_599 = arith.constant 0 : i32
    %dma_wait3A_600 = tpu.memref_slice %arg6[%dma_wait3A_597, %dma_wait3A_598, %dma_wait3A_599] : memref<2x5x40xi32, #tpu.memory_space<vmem>> -> memref<1x1x40xi32, #tpu.memory_space<vmem>>
    %dma_wait3A_601 = tpu.memref_squeeze %dma_wait3A_600 : memref<1x1x40xi32, #tpu.memory_space<vmem>> -> memref<40xi32, #tpu.memory_space<vmem>>
    %dma_wait3A_602 = arith.constant 0 : i32
    %dma_wait3A_603 = arith.constant 0 : i32
    %dma_wait3A_604 = tpu.memref_slice %arg2[%dma_wait3A_602, %dma_wait3A_603] : memref<10240x128xf32, #tpu.memory_space<hbm>> -> memref<10240x128xf32, #tpu.memory_space<hbm>>
    tpu.wait_indirect_dma semaphore(%arg16 : memref<!tpu.dma_semaphore, #tpu.memory_space<semaphore_mem>>) src(%dma_wait3A_604 : memref<10240x128xf32, #tpu.memory_space<hbm>>) dst(%arg11 : memref<40x128xf32, #tpu.memory_space<vmem>>)
    %dma_start3A_605 = arith.constant 1 : i32
    %dma_start3A_606 = arith.constant 3 : i32
    %dma_start3A_607 = arith.constant 0 : i32
    %dma_start3A_608 = tpu.memref_slice %arg7[%dma_start3A_605, %dma_start3A_606, %dma_start3A_607] : memref<2x5x40xi32, #tpu.memory_space<vmem>> -> memref<1x1x40xi32, #tpu.memory_space<vmem>>
    %dma_start3A_609 = tpu.memref_squeeze %dma_start3A_608 : memref<1x1x40xi32, #tpu.memory_space<vmem>> -> memref<40xi32, #tpu.memory_space<vmem>>
    %dma_start3A_610 = arith.constant 0 : i32
    %dma_start3A_611 = arith.constant 0 : i32
    %dma_start3A_612 = tpu.memref_slice %arg27[%dma_start3A_610, %dma_start3A_611] : memref<10240x128xf32, #tpu.memory_space<vmem_shared>> -> memref<10240x128xf32, #tpu.memory_space<vmem_shared>>
    tpu.enqueue_indirect_dma source(%arg11 : memref<40x128xf32, #tpu.memory_space<vmem>>) target(%dma_start3A_612 : memref<10240x128xf32, #tpu.memory_space<vmem_shared>>) offsets(%dma_start3A_609 : memref<40xi32, #tpu.memory_space<vmem>>) semaphore(%arg21 : memref<!tpu.dma_semaphore, #tpu.memory_space<semaphore_mem>>) {add = true}
    %dma_wait3A_613 = arith.constant 1 : i32
    %dma_wait3A_614 = arith.constant 4 : i32
    %dma_wait3A_615 = arith.constant 0 : i32
    %dma_wait3A_616 = tpu.memref_slice %arg6[%dma_wait3A_613, %dma_wait3A_614, %dma_wait3A_615] : memref<2x5x40xi32, #tpu.memory_space<vmem>> -> memref<1x1x40xi32, #tpu.memory_space<vmem>>
    %dma_wait3A_617 = tpu.memref_squeeze %dma_wait3A_616 : memref<1x1x40xi32, #tpu.memory_space<vmem>> -> memref<40xi32, #tpu.memory_space<vmem>>
    %dma_wait3A_618 = arith.constant 0 : i32
    %dma_wait3A_619 = arith.constant 0 : i32
    %dma_wait3A_620 = tpu.memref_slice %arg2[%dma_wait3A_618, %dma_wait3A_619] : memref<10240x128xf32, #tpu.memory_space<hbm>> -> memref<10240x128xf32, #tpu.memory_space<hbm>>
    tpu.wait_indirect_dma semaphore(%arg17 : memref<!tpu.dma_semaphore, #tpu.memory_space<semaphore_mem>>) src(%dma_wait3A_620 : memref<10240x128xf32, #tpu.memory_space<hbm>>) dst(%arg12 : memref<40x128xf32, #tpu.memory_space<vmem>>)
    %dma_start3A_621 = arith.constant 1 : i32
    %dma_start3A_622 = arith.constant 4 : i32
    %dma_start3A_623 = arith.constant 0 : i32
    %dma_start3A_624 = tpu.memref_slice %arg7[%dma_start3A_621, %dma_start3A_622, %dma_start3A_623] : memref<2x5x40xi32, #tpu.memory_space<vmem>> -> memref<1x1x40xi32, #tpu.memory_space<vmem>>
    %dma_start3A_625 = tpu.memref_squeeze %dma_start3A_624 : memref<1x1x40xi32, #tpu.memory_space<vmem>> -> memref<40xi32, #tpu.memory_space<vmem>>
    %dma_start3A_626 = arith.constant 0 : i32
    %dma_start3A_627 = arith.constant 0 : i32
    %dma_start3A_628 = tpu.memref_slice %arg27[%dma_start3A_626, %dma_start3A_627] : memref<10240x128xf32, #tpu.memory_space<vmem_shared>> -> memref<10240x128xf32, #tpu.memory_space<vmem_shared>>
    tpu.enqueue_indirect_dma source(%arg12 : memref<40x128xf32, #tpu.memory_space<vmem>>) target(%dma_start3A_628 : memref<10240x128xf32, #tpu.memory_space<vmem_shared>>) offsets(%dma_start3A_625 : memref<40xi32, #tpu.memory_space<vmem>>) semaphore(%arg22 : memref<!tpu.dma_semaphore, #tpu.memory_space<semaphore_mem>>) {add = true}
    %dma_wait3A_629 = arith.constant 1 : i32
    %dma_wait3A_630 = arith.constant 0 : i32
    %dma_wait3A_631 = arith.constant 0 : i32
    %dma_wait3A_632 = tpu.memref_slice %arg7[%dma_wait3A_629, %dma_wait3A_630, %dma_wait3A_631] : memref<2x5x40xi32, #tpu.memory_space<vmem>> -> memref<1x1x40xi32, #tpu.memory_space<vmem>>
    %dma_wait3A_633 = tpu.memref_squeeze %dma_wait3A_632 : memref<1x1x40xi32, #tpu.memory_space<vmem>> -> memref<40xi32, #tpu.memory_space<vmem>>
    %dma_wait3A_634 = arith.constant 0 : i32
    %dma_wait3A_635 = arith.constant 0 : i32
    %dma_wait3A_636 = tpu.memref_slice %arg27[%dma_wait3A_634, %dma_wait3A_635] : memref<10240x128xf32, #tpu.memory_space<vmem_shared>> -> memref<10240x128xf32, #tpu.memory_space<vmem_shared>>
    tpu.wait_indirect_dma semaphore(%arg18 : memref<!tpu.dma_semaphore, #tpu.memory_space<semaphore_mem>>) src(%arg8 : memref<40x128xf32, #tpu.memory_space<vmem>>) dst(%dma_wait3A_636 : memref<10240x128xf32, #tpu.memory_space<vmem_shared>>)
    %dma_wait3A_637 = arith.constant 1 : i32
    %dma_wait3A_638 = arith.constant 1 : i32
    %dma_wait3A_639 = arith.constant 0 : i32
    %dma_wait3A_640 = tpu.memref_slice %arg7[%dma_wait3A_637, %dma_wait3A_638, %dma_wait3A_639] : memref<2x5x40xi32, #tpu.memory_space<vmem>> -> memref<1x1x40xi32, #tpu.memory_space<vmem>>
    %dma_wait3A_641 = tpu.memref_squeeze %dma_wait3A_640 : memref<1x1x40xi32, #tpu.memory_space<vmem>> -> memref<40xi32, #tpu.memory_space<vmem>>
    %dma_wait3A_642 = arith.constant 0 : i32
    %dma_wait3A_643 = arith.constant 0 : i32
    %dma_wait3A_644 = tpu.memref_slice %arg27[%dma_wait3A_642, %dma_wait3A_643] : memref<10240x128xf32, #tpu.memory_space<vmem_shared>> -> memref<10240x128xf32, #tpu.memory_space<vmem_shared>>
    tpu.wait_indirect_dma semaphore(%arg19 : memref<!tpu.dma_semaphore, #tpu.memory_space<semaphore_mem>>) src(%arg9 : memref<40x128xf32, #tpu.memory_space<vmem>>) dst(%dma_wait3A_644 : memref<10240x128xf32, #tpu.memory_space<vmem_shared>>)
    %dma_wait3A_645 = arith.constant 1 : i32
    %dma_wait3A_646 = arith.constant 2 : i32
    %dma_wait3A_647 = arith.constant 0 : i32
    %dma_wait3A_648 = tpu.memref_slice %arg7[%dma_wait3A_645, %dma_wait3A_646, %dma_wait3A_647] : memref<2x5x40xi32, #tpu.memory_space<vmem>> -> memref<1x1x40xi32, #tpu.memory_space<vmem>>
    %dma_wait3A_649 = tpu.memref_squeeze %dma_wait3A_648 : memref<1x1x40xi32, #tpu.memory_space<vmem>> -> memref<40xi32, #tpu.memory_space<vmem>>
    %dma_wait3A_650 = arith.constant 0 : i32
    %dma_wait3A_651 = arith.constant 0 : i32
    %dma_wait3A_652 = tpu.memref_slice %arg27[%dma_wait3A_650, %dma_wait3A_651] : memref<10240x128xf32, #tpu.memory_space<vmem_shared>> -> memref<10240x128xf32, #tpu.memory_space<vmem_shared>>
    tpu.wait_indirect_dma semaphore(%arg20 : memref<!tpu.dma_semaphore, #tpu.memory_space<semaphore_mem>>) src(%arg10 : memref<40x128xf32, #tpu.memory_space<vmem>>) dst(%dma_wait3A_652 : memref<10240x128xf32, #tpu.memory_space<vmem_shared>>)
    %dma_wait3A_653 = arith.constant 1 : i32
    %dma_wait3A_654 = arith.constant 3 : i32
    %dma_wait3A_655 = arith.constant 0 : i32
    %dma_wait3A_656 = tpu.memref_slice %arg7[%dma_wait3A_653, %dma_wait3A_654, %dma_wait3A_655] : memref<2x5x40xi32, #tpu.memory_space<vmem>> -> memref<1x1x40xi32, #tpu.memory_space<vmem>>
    %dma_wait3A_657 = tpu.memref_squeeze %dma_wait3A_656 : memref<1x1x40xi32, #tpu.memory_space<vmem>> -> memref<40xi32, #tpu.memory_space<vmem>>
    %dma_wait3A_658 = arith.constant 0 : i32
    %dma_wait3A_659 = arith.constant 0 : i32
    %dma_wait3A_660 = tpu.memref_slice %arg27[%dma_wait3A_658, %dma_wait3A_659] : memref<10240x128xf32, #tpu.memory_space<vmem_shared>> -> memref<10240x128xf32, #tpu.memory_space<vmem_shared>>
    tpu.wait_indirect_dma semaphore(%arg21 : memref<!tpu.dma_semaphore, #tpu.memory_space<semaphore_mem>>) src(%arg11 : memref<40x128xf32, #tpu.memory_space<vmem>>) dst(%dma_wait3A_660 : memref<10240x128xf32, #tpu.memory_space<vmem_shared>>)
    %dma_wait3A_661 = arith.constant 1 : i32
    %dma_wait3A_662 = arith.constant 4 : i32
    %dma_wait3A_663 = arith.constant 0 : i32
    %dma_wait3A_664 = tpu.memref_slice %arg7[%dma_wait3A_661, %dma_wait3A_662, %dma_wait3A_663] : memref<2x5x40xi32, #tpu.memory_space<vmem>> -> memref<1x1x40xi32, #tpu.memory_space<vmem>>
    %dma_wait3A_665 = tpu.memref_squeeze %dma_wait3A_664 : memref<1x1x40xi32, #tpu.memory_space<vmem>> -> memref<40xi32, #tpu.memory_space<vmem>>
    %dma_wait3A_666 = arith.constant 0 : i32
    %dma_wait3A_667 = arith.constant 0 : i32
    %dma_wait3A_668 = tpu.memref_slice %arg27[%dma_wait3A_666, %dma_wait3A_667] : memref<10240x128xf32, #tpu.memory_space<vmem_shared>> -> memref<10240x128xf32, #tpu.memory_space<vmem_shared>>
    tpu.wait_indirect_dma semaphore(%arg22 : memref<!tpu.dma_semaphore, #tpu.memory_space<semaphore_mem>>) src(%arg12 : memref<40x128xf32, #tpu.memory_space<vmem>>) dst(%dma_wait3A_668 : memref<10240x128xf32, #tpu.memory_space<vmem_shared>>)
    %barrier3A_669 = arith.constant 0 : index
    tpu.barrier barrier_id(%barrier3A_669)
    "tpu.region"() ({
      %run_scoped3A = tpu.sem_alloc : memref<!tpu.dma_semaphore, #tpu.memory_space<semaphore_mem>>
      %dma_start3A_670 = arith.constant 0 : i32
      %dma_start3A_671 = tpu.memref_slice %arg5[%arg0, %mul3A_3, %dma_start3A_670] : memref<2x10240x128xf32, #tpu.memory_space<hbm>> -> memref<1x640x128xf32, #tpu.memory_space<hbm>>
      %dma_start3A_672 = tpu.memref_squeeze %dma_start3A_671 : memref<1x640x128xf32, #tpu.memory_space<hbm>> -> memref<640x128xf32, #tpu.memory_space<hbm>>
      %dma_start3A_673 = arith.constant 0 : i32
      %dma_start3A_674 = tpu.memref_slice %arg27[%mul3A_3, %dma_start3A_673] : memref<10240x128xf32, #tpu.memory_space<vmem_shared>> -> memref<640x128xf32, #tpu.memory_space<vmem_shared>>
      tpu.enqueue_dma source(%dma_start3A_674 : memref<640x128xf32, #tpu.memory_space<vmem_shared>>) target(%dma_start3A_672 : memref<640x128xf32, #tpu.memory_space<hbm>>) target_semaphore(%run_scoped3A : memref<!tpu.dma_semaphore, #tpu.memory_space<semaphore_mem>>)
      %dma_wait3A_675 = arith.constant 0 : i32
      %dma_wait3A_676 = tpu.memref_slice %arg5[%arg0, %mul3A_3, %dma_wait3A_675] : memref<2x10240x128xf32, #tpu.memory_space<hbm>> -> memref<1x640x128xf32, #tpu.memory_space<hbm>>
      %dma_wait3A_677 = tpu.memref_squeeze %dma_wait3A_676 : memref<1x640x128xf32, #tpu.memory_space<hbm>> -> memref<640x128xf32, #tpu.memory_space<hbm>>
      %dma_wait3A_678 = arith.constant 0 : i32
      %dma_wait3A_679 = tpu.memref_slice %arg27[%mul3A_3, %dma_wait3A_678] : memref<10240x128xf32, #tpu.memory_space<vmem_shared>> -> memref<640x128xf32, #tpu.memory_space<vmem_shared>>
      tpu.wait_dma2 semaphore(%run_scoped3A : memref<!tpu.dma_semaphore, #tpu.memory_space<semaphore_mem>>) src(%dma_wait3A_679 : memref<640x128xf32, #tpu.memory_space<vmem_shared>>) dst(%dma_wait3A_677 : memref<640x128xf32, #tpu.memory_space<hbm>>)
      tpu.yield
    }) : () -> ()
    return
  }
}

module attributes {stable_mosaic.version = 14 : i64} {
  func.func @_lin1_body(%arg0: i32, %arg1: memref<1024x128xf32, #tpu.memory_space<vmem>>, %arg2: memref<128x128xf32, #tpu.memory_space<vmem>>, %arg3: memref<32x1024xf32, #tpu.memory_space<vmem>>, %arg4: memref<1024x128xf32, #tpu.memory_space<vmem>>) attributes {dimension_semantics = [#tpu.dimension_semantics<arbitrary>], iteration_bounds = array<i64: 10>, scalar_prefetch = 0 : i64, scratch_operands = 0 : i64, tpu.core_type = #tpu.core_type<tc>, window_params = [{transform_indices = @transform_0, window_bounds = array<i64: 1024, 128>}, {pipeline_mode = #tpu.pipeline_mode<synchronous>, transform_indices = @transform_1, window_bounds = array<i64: 128, 128>}, {transform_indices = @transform_2, window_bounds = array<i64: 32, 1024>}, {transform_indices = @transform_3, window_bounds = array<i64: 1024, 128>}]} {
    %get3A = arith.constant 0 : index
    %get3A_0 = arith.constant 0 : index
    %get3A_1 = vector.load %arg1[%get3A, %get3A_0] : memref<1024x128xf32, #tpu.memory_space<vmem>>, vector<1024x128xf32>
    %get3A_2 = arith.constant 0 : index
    %get3A_3 = arith.constant 0 : index
    %get3A_4 = vector.load %arg2[%get3A_2, %get3A_3] : memref<128x128xf32, #tpu.memory_space<vmem>>, vector<128x128xf32>
    %dot_general3A = arith.constant dense<0.000000e+00> : vector<1024x128xf32>
    %dot_general3A_5 = tpu.matmul %get3A_1, %get3A_4, %dot_general3A {dimension_numbers = #tpu.dot_dimension_numbers<[1], [1], [0], [0], [0, 0, 1, 0], [], []>, transpose_lhs_hint = false} : vector<1024x128xf32>, vector<128x128xf32>, vector<1024x128xf32> -> vector<1024x128xf32>
    %get3A_6 = arith.constant 0 : index
    %get3A_7 = arith.constant 0 : index
    %get3A_8 = vector.load %arg3[%get3A_6, %get3A_7] : memref<32x1024xf32, #tpu.memory_space<vmem>>, vector<32x1024xf32>
    %reduce_sum3A = arith.constant dense<0.000000e+00> : vector<1024xf32>
    %reduce_sum3A_9 = vector.multi_reduction <add>, %get3A_8, %reduce_sum3A [0] : vector<32x1024xf32> to vector<1024xf32>
    %add3A = arith.constant 1.000000e+00 : f32
    %add3A_10 = vector.broadcast %add3A : f32 to vector<1024xf32>
    %add3A_11 = arith.addf %add3A_10, %reduce_sum3A_9 : vector<1024xf32>
    %rsqrt3A = math.rsqrt %add3A_11 : vector<1024xf32>
    %broadcast_in_dim3A = vector.shape_cast %rsqrt3A : vector<1024xf32> to vector<1024x1xf32>
    %mul3A = vector.broadcast %broadcast_in_dim3A : vector<1024x1xf32> to vector<1024x128xf32>
    %mul3A_12 = arith.mulf %dot_general3A_5, %mul3A : vector<1024x128xf32>
    %swap3A = arith.constant 0 : index
    %swap3A_13 = arith.constant 0 : index
    %swap3A_14 = vector.load %arg4[%swap3A, %swap3A_13] : memref<1024x128xf32, #tpu.memory_space<vmem>>, vector<1024x128xf32>
    tpu.vector_store %arg4[%swap3A, %swap3A_13], %mul3A_12 {strides = array<i32>} : memref<1024x128xf32, #tpu.memory_space<vmem>>, vector<1024x128xf32>,
    return
  }
  func.func @transform_0(%arg0: i32) -> (i32, i32) {
    %c0_i32 = arith.constant 0 : i32
    %c0_i32_0 = arith.constant 0 : i32
    return %arg0, %c0_i32 : i32, i32
  }
  func.func @transform_1(%arg0: i32) -> (i32, i32) {
    %c0_i32 = arith.constant 0 : i32
    %c0_i32_0 = arith.constant 0 : i32
    %c0_i32_1 = arith.constant 0 : i32
    return %c0_i32, %c0_i32_0 : i32, i32
  }
  func.func @transform_2(%arg0: i32) -> (i32, i32) {
    %c0_i32 = arith.constant 0 : i32
    %c0_i32_0 = arith.constant 0 : i32
    return %c0_i32, %arg0 : i32, i32
  }
  func.func @transform_3(%arg0: i32) -> (i32, i32) {
    %c0_i32 = arith.constant 0 : i32
    %c0_i32_0 = arith.constant 0 : i32
    return %arg0, %c0_i32 : i32, i32
  }
}

module attributes {stable_mosaic.version = 14 : i64} {
  func.func @_fin_body(%arg0: i32, %arg1: memref<2x1024x128xf32, #tpu.memory_space<vmem>>, %arg2: memref<1024x128xf32, #tpu.memory_space<vmem>>, %arg3: memref<32x1024xf32, #tpu.memory_space<vmem>>, %arg4: memref<1x128xf32, #tpu.memory_space<vmem>>, %arg5: memref<128x128xf32, #tpu.memory_space<vmem>>, %arg6: memref<1x128xf32, #tpu.memory_space<vmem>>, %arg7: memref<1x128xf32, #tpu.memory_space<vmem>>, %arg8: memref<1x128xf32, #tpu.memory_space<vmem>>) attributes {dimension_semantics = [#tpu.dimension_semantics<arbitrary>], iteration_bounds = array<i64: 10>, scalar_prefetch = 0 : i64, scratch_operands = 1 : i64, tpu.core_type = #tpu.core_type<tc>, window_params = [{transform_indices = @transform_0, window_bounds = array<i64: 2, 1024, 128>}, {transform_indices = @transform_1, window_bounds = array<i64: 1024, 128>}, {transform_indices = @transform_2, window_bounds = array<i64: 32, 1024>}, {pipeline_mode = #tpu.pipeline_mode<synchronous>, transform_indices = @transform_3, window_bounds = array<i64: 1, 128>}, {pipeline_mode = #tpu.pipeline_mode<synchronous>, transform_indices = @transform_4, window_bounds = array<i64: 128, 128>}, {pipeline_mode = #tpu.pipeline_mode<synchronous>, transform_indices = @transform_5, window_bounds = array<i64: 1, 128>}, {pipeline_mode = #tpu.pipeline_mode<synchronous>, transform_indices = @transform_6, window_bounds = array<i64: 1, 128>}]} {
    %eq3A = arith.constant 0 : i32
    %eq3A_0 = arith.cmpi eq, %arg0, %eq3A : i32
    %convert_element_type3A = arith.extui %eq3A_0 : i1 to i32
    %cond3A = arith.constant 0 : i32
    %cond3A_1 = arith.cmpi ne, %convert_element_type3A, %cond3A : i32
    scf.if %cond3A_1 {
      %broadcast_in_dim3A_53 = arith.constant 0.000000e+00 : f32
      %broadcast_in_dim3A_54 = vector.broadcast %broadcast_in_dim3A_53 : f32 to vector<1x128xf32>
      %swap3A_55 = arith.constant 0 : index
      %swap3A_56 = arith.constant 0 : index
      %swap3A_57 = vector.load %arg8[%swap3A_55, %swap3A_56] : memref<1x128xf32, #tpu.memory_space<vmem>>, vector<1x128xf32>
      tpu.vector_store %arg8[%swap3A_55, %swap3A_56], %broadcast_in_dim3A_54 {strides = array<i32>} : memref<1x128xf32, #tpu.memory_space<vmem>>, vector<1x128xf32>,
    } else {
    }
    %get3A = arith.constant 0 : index
    %get3A_2 = arith.constant 0 : index
    %get3A_3 = vector.load %arg3[%get3A, %get3A_2] : memref<32x1024xf32, #tpu.memory_space<vmem>>, vector<32x1024xf32>
    %reduce_sum3A = arith.constant dense<0.000000e+00> : vector<1024xf32>
    %reduce_sum3A_4 = vector.multi_reduction <add>, %get3A_3, %reduce_sum3A [0] : vector<32x1024xf32> to vector<1024xf32>
    %add3A = arith.constant 1.000000e+00 : f32
    %add3A_5 = vector.broadcast %add3A : f32 to vector<1024xf32>
    %add3A_6 = arith.addf %add3A_5, %reduce_sum3A_4 : vector<1024xf32>
    %rsqrt3A = math.rsqrt %add3A_6 : vector<1024xf32>
    %broadcast_in_dim3A = vector.shape_cast %rsqrt3A : vector<1024xf32> to vector<1024x1xf32>
    %get3A_7 = arith.constant 0 : index
    %get3A_8 = arith.constant 0 : index
    %get3A_9 = arith.constant 0 : index
    %get3A_10 = vector.load %arg1[%get3A_7, %get3A_8, %get3A_9] : memref<2x1024x128xf32, #tpu.memory_space<vmem>>, vector<1x1024x128xf32>
    %get3A_11 = vector.shape_cast %get3A_10 : vector<1x1024x128xf32> to vector<1024x128xf32>
    %get3A_12 = arith.constant 1 : index
    %get3A_13 = arith.constant 0 : index
    %get3A_14 = arith.constant 0 : index
    %get3A_15 = vector.load %arg1[%get3A_12, %get3A_13, %get3A_14] : memref<2x1024x128xf32, #tpu.memory_space<vmem>>, vector<1x1024x128xf32>
    %get3A_16 = vector.shape_cast %get3A_15 : vector<1x1024x128xf32> to vector<1024x128xf32>
    %add3A_17 = arith.addf %get3A_11, %get3A_16 : vector<1024x128xf32>
    %get3A_18 = arith.constant 0 : index
    %get3A_19 = arith.constant 0 : index
    %get3A_20 = vector.load %arg2[%get3A_18, %get3A_19] : memref<1024x128xf32, #tpu.memory_space<vmem>>, vector<1024x128xf32>
    %add3A_21 = arith.addf %add3A_17, %get3A_20 : vector<1024x128xf32>
    %mul3A = vector.broadcast %broadcast_in_dim3A : vector<1024x1xf32> to vector<1024x128xf32>
    %mul3A_22 = arith.mulf %mul3A, %add3A_21 : vector<1024x128xf32>
    %get3A_23 = arith.constant 0 : index
    %get3A_24 = arith.constant 0 : index
    %get3A_25 = vector.load %arg4[%get3A_23, %get3A_24] : memref<1x128xf32, #tpu.memory_space<vmem>>, vector<1x128xf32>
    %add3A_26 = vector.broadcast %get3A_25 : vector<1x128xf32> to vector<1024x128xf32>
    %add3A_27 = arith.addf %mul3A_22, %add3A_26 : vector<1024x128xf32>
    %max3A = arith.constant 0.000000e+00 : f32
    %max3A_28 = vector.broadcast %max3A : f32 to vector<1024x128xf32>
    %max3A_29 = arith.maximumf %add3A_27, %max3A_28 : vector<1024x128xf32>
    %mul3A_30 = arith.constant 1024 : i32
    %mul3A_31 = arith.muli %arg0, %mul3A_30 : i32
    %iota3A = tpu.iota {dimensions = array<i32: 0>} : vector<1024x1xi32>
    %add3A_32 = vector.broadcast %mul3A_31 : i32 to vector<1024x1xi32>
    %add3A_33 = arith.addi %add3A_32, %iota3A : vector<1024x1xi32>
    %lt3A = arith.constant 10000 : i32
    %lt3A_34 = vector.broadcast %lt3A : i32 to vector<1024x1xi32>
    %lt3A_35 = arith.cmpi slt, %add3A_33, %lt3A_34 : vector<1024x1xi32>
    %jit3A = arith.constant 0.000000e+00 : f32
    %broadcast_in_dim3A_36 = vector.shape_cast %lt3A_35 : vector<1024x1xi1> to vector<1024x1xi1>
    %broadcast_in_dim3A_37 = vector.broadcast %broadcast_in_dim3A_36 : vector<1024x1xi1> to vector<1024x128xi1>
    %broadcast_in_dim3A_38 = vector.broadcast %jit3A : f32 to vector<1024x128xf32>
    %select_n3A = arith.select %broadcast_in_dim3A_37, %max3A_29, %broadcast_in_dim3A_38 : vector<1024x128xi1>, vector<1024x128xf32>
    %get3A_39 = arith.constant 0 : index
    %get3A_40 = arith.constant 0 : index
    %get3A_41 = vector.load %arg8[%get3A_39, %get3A_40] : memref<1x128xf32, #tpu.memory_space<vmem>>, vector<1x128xf32>
    %reduce_sum3A_42 = arith.constant dense<0.000000e+00> : vector<128xf32>
    %reduce_sum3A_43 = vector.multi_reduction <add>, %select_n3A, %reduce_sum3A_42 [0] : vector<1024x128xf32> to vector<128xf32>
    %broadcast_in_dim3A_44 = vector.shape_cast %reduce_sum3A_43 : vector<128xf32> to vector<1x128xf32>
    %add3A_45 = arith.addf %get3A_41, %broadcast_in_dim3A_44 : vector<1x128xf32>
    %swap3A = arith.constant 0 : index
    %swap3A_46 = arith.constant 0 : index
    %swap3A_47 = vector.load %arg8[%swap3A, %swap3A_46] : memref<1x128xf32, #tpu.memory_space<vmem>>, vector<1x128xf32>
    tpu.vector_store %arg8[%swap3A, %swap3A_46], %add3A_45 {strides = array<i32>} : memref<1x128xf32, #tpu.memory_space<vmem>>, vector<1x128xf32>,
    %eq3A_48 = arith.constant 9 : i32
    %eq3A_49 = arith.cmpi eq, %arg0, %eq3A_48 : i32
    %convert_element_type3A_50 = arith.extui %eq3A_49 : i1 to i32
    %cond3A_51 = arith.constant 0 : i32
    %cond3A_52 = arith.cmpi ne, %convert_element_type3A_50, %cond3A_51 : i32
    scf.if %cond3A_52 {
      %get3A_53 = arith.constant 0 : index
      %get3A_54 = arith.constant 0 : index
      %get3A_55 = vector.load %arg8[%get3A_53, %get3A_54] : memref<1x128xf32, #tpu.memory_space<vmem>>, vector<1x128xf32>
      %mul3A_56 = arith.constant 9.99999974E-5 : f32
      %mul3A_57 = vector.broadcast %mul3A_56 : f32 to vector<1x128xf32>
      %mul3A_58 = arith.mulf %get3A_55, %mul3A_57 : vector<1x128xf32>
      %get3A_59 = arith.constant 0 : index
      %get3A_60 = arith.constant 0 : index
      %get3A_61 = vector.load %arg5[%get3A_59, %get3A_60] : memref<128x128xf32, #tpu.memory_space<vmem>>, vector<128x128xf32>
      %dot_general3A = arith.constant dense<0.000000e+00> : vector<1x128xf32>
      %dot_general3A_62 = tpu.matmul %mul3A_58, %get3A_61, %dot_general3A {dimension_numbers = #tpu.dot_dimension_numbers<[1], [1], [0], [0], [0, 0, 1, 0], [], []>, transpose_lhs_hint = false} : vector<1x128xf32>, vector<128x128xf32>, vector<1x128xf32> -> vector<1x128xf32>
      %get3A_63 = arith.constant 0 : index
      %get3A_64 = arith.constant 0 : index
      %get3A_65 = vector.load %arg6[%get3A_63, %get3A_64] : memref<1x128xf32, #tpu.memory_space<vmem>>, vector<1x128xf32>
      %add3A_66 = arith.addf %dot_general3A_62, %get3A_65 : vector<1x128xf32>
      %swap3A_67 = arith.constant 0 : index
      %swap3A_68 = arith.constant 0 : index
      %swap3A_69 = vector.load %arg7[%swap3A_67, %swap3A_68] : memref<1x128xf32, #tpu.memory_space<vmem>>, vector<1x128xf32>
      tpu.vector_store %arg7[%swap3A_67, %swap3A_68], %add3A_66 {strides = array<i32>} : memref<1x128xf32, #tpu.memory_space<vmem>>, vector<1x128xf32>,
    } else {
    }
    return
  }
  func.func @transform_0(%arg0: i32) -> (i32, i32, i32) {
    %c0_i32 = arith.constant 0 : i32
    %c0_i32_0 = arith.constant 0 : i32
    %c0_i32_1 = arith.constant 0 : i32
    return %c0_i32, %arg0, %c0_i32_0 : i32, i32, i32
  }
  func.func @transform_1(%arg0: i32) -> (i32, i32) {
    %c0_i32 = arith.constant 0 : i32
    %c0_i32_0 = arith.constant 0 : i32
    return %arg0, %c0_i32 : i32, i32
  }
  func.func @transform_2(%arg0: i32) -> (i32, i32) {
    %c0_i32 = arith.constant 0 : i32
    %c0_i32_0 = arith.constant 0 : i32
    return %c0_i32, %arg0 : i32, i32
  }
  func.func @transform_3(%arg0: i32) -> (i32, i32) {
    %c0_i32 = arith.constant 0 : i32
    %c0_i32_0 = arith.constant 0 : i32
    %c0_i32_1 = arith.constant 0 : i32
    return %c0_i32, %c0_i32_0 : i32, i32
  }
  func.func @transform_4(%arg0: i32) -> (i32, i32) {
    %c0_i32 = arith.constant 0 : i32
    %c0_i32_0 = arith.constant 0 : i32
    %c0_i32_1 = arith.constant 0 : i32
    return %c0_i32, %c0_i32_0 : i32, i32
  }
  func.func @transform_5(%arg0: i32) -> (i32, i32) {
    %c0_i32 = arith.constant 0 : i32
    %c0_i32_0 = arith.constant 0 : i32
    %c0_i32_1 = arith.constant 0 : i32
    return %c0_i32, %c0_i32_0 : i32, i32
  }
  func.func @transform_6(%arg0: i32) -> (i32, i32) {
    %c0_i32 = arith.constant 0 : i32
    %c0_i32_0 = arith.constant 0 : i32
    %c0_i32_1 = arith.constant 0 : i32
    return %c0_i32, %c0_i32_0 : i32, i32
  }
}

module attributes {stable_mosaic.version = 14 : i64} {
  func.func @_mid_body(%arg0: i32, %arg1: memref<2x1024x128xf32, #tpu.memory_space<vmem>>, %arg2: memref<1024x128xf32, #tpu.memory_space<vmem>>, %arg3: memref<32x1024xf32, #tpu.memory_space<vmem>>, %arg4: memref<1x128xf32, #tpu.memory_space<vmem>>, %arg5: memref<128x128xf32, #tpu.memory_space<vmem>>, %arg6: memref<1024x128xf32, #tpu.memory_space<vmem>>) attributes {dimension_semantics = [#tpu.dimension_semantics<arbitrary>], iteration_bounds = array<i64: 10>, scalar_prefetch = 0 : i64, scratch_operands = 0 : i64, tpu.core_type = #tpu.core_type<tc>, window_params = [{transform_indices = @transform_0, window_bounds = array<i64: 2, 1024, 128>}, {transform_indices = @transform_1, window_bounds = array<i64: 1024, 128>}, {transform_indices = @transform_2, window_bounds = array<i64: 32, 1024>}, {pipeline_mode = #tpu.pipeline_mode<synchronous>, transform_indices = @transform_3, window_bounds = array<i64: 1, 128>}, {pipeline_mode = #tpu.pipeline_mode<synchronous>, transform_indices = @transform_4, window_bounds = array<i64: 128, 128>}, {transform_indices = @transform_5, window_bounds = array<i64: 1024, 128>}]} {
    %get3A = arith.constant 0 : index
    %get3A_0 = arith.constant 0 : index
    %get3A_1 = vector.load %arg3[%get3A, %get3A_0] : memref<32x1024xf32, #tpu.memory_space<vmem>>, vector<32x1024xf32>
    %reduce_sum3A = arith.constant dense<0.000000e+00> : vector<1024xf32>
    %reduce_sum3A_2 = vector.multi_reduction <add>, %get3A_1, %reduce_sum3A [0] : vector<32x1024xf32> to vector<1024xf32>
    %add3A = arith.constant 1.000000e+00 : f32
    %add3A_3 = vector.broadcast %add3A : f32 to vector<1024xf32>
    %add3A_4 = arith.addf %add3A_3, %reduce_sum3A_2 : vector<1024xf32>
    %rsqrt3A = math.rsqrt %add3A_4 : vector<1024xf32>
    %broadcast_in_dim3A = vector.shape_cast %rsqrt3A : vector<1024xf32> to vector<1024x1xf32>
    %get3A_5 = arith.constant 0 : index
    %get3A_6 = arith.constant 0 : index
    %get3A_7 = arith.constant 0 : index
    %get3A_8 = vector.load %arg1[%get3A_5, %get3A_6, %get3A_7] : memref<2x1024x128xf32, #tpu.memory_space<vmem>>, vector<1x1024x128xf32>
    %get3A_9 = vector.shape_cast %get3A_8 : vector<1x1024x128xf32> to vector<1024x128xf32>
    %get3A_10 = arith.constant 1 : index
    %get3A_11 = arith.constant 0 : index
    %get3A_12 = arith.constant 0 : index
    %get3A_13 = vector.load %arg1[%get3A_10, %get3A_11, %get3A_12] : memref<2x1024x128xf32, #tpu.memory_space<vmem>>, vector<1x1024x128xf32>
    %get3A_14 = vector.shape_cast %get3A_13 : vector<1x1024x128xf32> to vector<1024x128xf32>
    %add3A_15 = arith.addf %get3A_9, %get3A_14 : vector<1024x128xf32>
    %get3A_16 = arith.constant 0 : index
    %get3A_17 = arith.constant 0 : index
    %get3A_18 = vector.load %arg2[%get3A_16, %get3A_17] : memref<1024x128xf32, #tpu.memory_space<vmem>>, vector<1024x128xf32>
    %add3A_19 = arith.addf %add3A_15, %get3A_18 : vector<1024x128xf32>
    %mul3A = vector.broadcast %broadcast_in_dim3A : vector<1024x1xf32> to vector<1024x128xf32>
    %mul3A_20 = arith.mulf %mul3A, %add3A_19 : vector<1024x128xf32>
    %get3A_21 = arith.constant 0 : index
    %get3A_22 = arith.constant 0 : index
    %get3A_23 = vector.load %arg4[%get3A_21, %get3A_22] : memref<1x128xf32, #tpu.memory_space<vmem>>, vector<1x128xf32>
    %add3A_24 = vector.broadcast %get3A_23 : vector<1x128xf32> to vector<1024x128xf32>
    %add3A_25 = arith.addf %mul3A_20, %add3A_24 : vector<1024x128xf32>
    %max3A = arith.constant 0.000000e+00 : f32
    %max3A_26 = vector.broadcast %max3A : f32 to vector<1024x128xf32>
    %max3A_27 = arith.maximumf %add3A_25, %max3A_26 : vector<1024x128xf32>
    %get3A_28 = arith.constant 0 : index
    %get3A_29 = arith.constant 0 : index
    %get3A_30 = vector.load %arg5[%get3A_28, %get3A_29] : memref<128x128xf32, #tpu.memory_space<vmem>>, vector<128x128xf32>
    %dot_general3A = arith.constant dense<0.000000e+00> : vector<1024x128xf32>
    %dot_general3A_31 = tpu.matmul %max3A_27, %get3A_30, %dot_general3A {dimension_numbers = #tpu.dot_dimension_numbers<[1], [1], [0], [0], [0, 0, 1, 0], [], []>, transpose_lhs_hint = false} : vector<1024x128xf32>, vector<128x128xf32>, vector<1024x128xf32> -> vector<1024x128xf32>
    %mul3A_32 = vector.broadcast %broadcast_in_dim3A : vector<1024x1xf32> to vector<1024x128xf32>
    %mul3A_33 = arith.mulf %dot_general3A_31, %mul3A_32 : vector<1024x128xf32>
    %swap3A = arith.constant 0 : index
    %swap3A_34 = arith.constant 0 : index
    %swap3A_35 = vector.load %arg6[%swap3A, %swap3A_34] : memref<1024x128xf32, #tpu.memory_space<vmem>>, vector<1024x128xf32>
    tpu.vector_store %arg6[%swap3A, %swap3A_34], %mul3A_33 {strides = array<i32>} : memref<1024x128xf32, #tpu.memory_space<vmem>>, vector<1024x128xf32>,
    return
  }
  func.func @transform_0(%arg0: i32) -> (i32, i32, i32) {
    %c0_i32 = arith.constant 0 : i32
    %c0_i32_0 = arith.constant 0 : i32
    %c0_i32_1 = arith.constant 0 : i32
    return %c0_i32, %arg0, %c0_i32_0 : i32, i32, i32
  }
  func.func @transform_1(%arg0: i32) -> (i32, i32) {
    %c0_i32 = arith.constant 0 : i32
    %c0_i32_0 = arith.constant 0 : i32
    return %arg0, %c0_i32 : i32, i32
  }
  func.func @transform_2(%arg0: i32) -> (i32, i32) {
    %c0_i32 = arith.constant 0 : i32
    %c0_i32_0 = arith.constant 0 : i32
    return %c0_i32, %arg0 : i32, i32
  }
  func.func @transform_3(%arg0: i32) -> (i32, i32) {
    %c0_i32 = arith.constant 0 : i32
    %c0_i32_0 = arith.constant 0 : i32
    %c0_i32_1 = arith.constant 0 : i32
    return %c0_i32, %c0_i32_0 : i32, i32
  }
  func.func @transform_4(%arg0: i32) -> (i32, i32) {
    %c0_i32 = arith.constant 0 : i32
    %c0_i32_0 = arith.constant 0 : i32
    %c0_i32_1 = arith.constant 0 : i32
    return %c0_i32, %c0_i32_0 : i32, i32
  }
  func.func @transform_5(%arg0: i32) -> (i32, i32) {
    %c0_i32 = arith.constant 0 : i32
    %c0_i32_0 = arith.constant 0 : i32
    return %arg0, %c0_i32 : i32, i32
  }
}

</mosaic_0001>

<sc_bundles>
// kernel: kernel.11.cloned.1.call-start
scs
__scs_entry_jumppad:
0x0: {  	(pc) =	sbr.rel $0x88, $3  }
0x1: {  	(tag) =	ssettag $0x0;
	lr =	simm.s32 $0x1  }
0x2: {  	[smem:$0x3F99] =	sst lr;
	_ =	strace $0xD0000000  }
0x3: {  	_ = 	snop  }
0x4: {  	_ = 	snop  }
0x5: {  	_ = 	snop  }
0x6: {  	_ = 	snop  }
0x7: {  	_ = 	snop  }
__scs_overlays_trampoline_lowered:
0x8: {  	[smem:$0x3FA8] =	sst s0  }
0x9: {  	[smem:$0x3FA9] =	sst s1  }
0xa: {  	[smem:$0x3FAA] =	sst s2  }
0xb: {  	[smem:$0x3FAB] =	sst s3  }
0xc: {  	[smem:$0x3FAC] =	sst s4  }
0xd: {  	[smem:$0x3FAD] =	sst s5  }
0xe: {  	[smem:$0x3FAE] =	sst s6  }
0xf: {  	[smem:$0x3FAF] =	sst s7  }
0x10: {  	[smem:$0x3FB0] =	sst s8  }
0x11: {  	[smem:$0x3FB1] =	sst s9;
	s0 =	simm.s32 @!p0 $0x0  }
0x12: {  	s1 =	sld [smem:$0x3F97];
	s0 =	simm.s32 @p0 $0x1  }
0x13: {  	[smem:$0x3FB2] =	sst s0;
	s0 =	simm.s32 @!p1 $0x0  }
0x14: {  	s2 =	sld [smem:$0x3F96];
	s0 =	simm.s32 @p1 $0x1  }
0x15: {  	[smem:$0x3FB3] =	sst s0;
	s0 =	simm.s32 @!p2 $0x0  }
0x16: {  	s3 =	sld [smem:$0x3FDB];
	s0 =	simm.s32 @p2 $0x1  }
0x17: {  	s4 =	simm.s32 $0x1BF5;
	[smem:$0x3FB5] =	sst s0  }
0x18: {  	s0 =	sld [smem:$0x3F98];
	_ =	swait.ge [sflag:s4], $0x0  }
0x19: {  	s7 =	sld [smem:$0x3F99]  }
0x1a: {  	s8 =	sadd.s32 $0xFFFFE003, lr  }
0x1b: {  	s9 =	sadd.s32 $0xFFFFFEF7, lr;
	s5 =	simm.s32 $0xFFFFFFFF;
	p2 =	slt.u32 s8, $0xFFFFF086  }
0x1c: {  	p1 =	slt.u32 s9, $0xF7A;
	s5 =	simm.s32 @!p2 $0x0  }
0x1d: {  	s5 =	simm.s32 @p1 $0x1;
	p0 =	seq.s32 s7, s2  }
0x1e: {  	s7 =	smul.u32 @!p0 $0xF7A, s2;
	p2 =	seq.s32 @!p0 s5, $0x0  }
0x1f: {  	s9 =	smul.u32 $0xF7A, s1;
	s8 =	simm.s32 @!p0 $0x1BF5;
	p2 =	por !p2, p0  }
0x20: {  	[sflag:s8] =	ssyncset.s32 @!p0 $0xFFFFF086;
	s6 =	sadd.s32 @!p0 s3, s7;
	s7 =	simm.s32 @!p0 $0x108  }
0x21: {  	s3 =	sadd.s32 s3, s9;
	s6 =	sadd.s32 @!p0 $0x88, s6;
	s7 =	simm.s32 @p2 $0x1082  }
0x22: {  	[simem:s7], [sflag:s8] =	dma.local @!p0 [hbm:s6], $0xF7A  }
0x23: {  	s9 =	sor.u32 $0xD0000000, s2;
	s6 =	simm.s32 $0x108;
	_ =	swait.ge @!p0 [sflag:s8], $0x0  }
0x24: {  	s3 =	sadd.s32 $0x88, s3;
	s6 =	simm.s32 @!p1 $0x1082;
	[sflag:s4] =	ssyncset.s32 $0xFFFFF086  }
0x25: {  	[simem:s6], [sflag:s4] =	dma.local [hbm:s3], $0xF7A  }
0x26: {  	[smem:$0x3F99] =	sst s1;
	(tag) =	ssettag s2;
	_ =	strace s9  }
0x27: {  	s1 =	sld [smem:$0x3FA9]  }
0x28: {  	s2 =	sld [smem:$0x3FAA]  }
0x29: {  	s4 =	sld [smem:$0x3FAC]  }
0x2a: {  	p0 =	seq.s32 s5, $0x0;
	s5 =	sld [smem:$0x3FAD]  }
0x2b: {  	s6 =	sld [smem:$0x3FAE]  }
0x2c: {  	s7 =	sld [smem:$0x3FAF]  }
0x2d: {  	s3 =	simm.s32 $0x108;
	s8 =	sld [smem:$0x3FB0]  }
0x2e: {  	s3 =	simm.s32 @!p0 $0x1082;
	s9 =	sld [smem:$0x3FB1]  }
0x2f: {  	lr =	sadd.s32 s0, s3;
	s0 =	sld [smem:$0x3FA8]  }
0x30: {  	s3 =	sld [smem:$0x3FAB]  }
0x31: {  	[smem:$0x3FB4] =	sst s10  }
0x32: {  	s10 =	sld [smem:$0x3FB2];
	_ =	sdelay $0x3  }
0x33: {  	p0 =	seq.s32 s10, $0x1;
	s10 =	sld [smem:$0x3FB4];
	_ =	sdelay $0x3  }
0x34: {  	[smem:$0x3FB4] =	sst s10  }
0x35: {  	s10 =	sld [smem:$0x3FB3];
	_ =	sdelay $0x3  }
0x36: {  	p1 =	seq.s32 s10, $0x1;
	s10 =	sld [smem:$0x3FB4];
	_ =	sdelay $0x3  }
0x37: {  	[smem:$0x3FB4] =	sst s10  }
0x38: {  	s10 =	sld [smem:$0x3FB5]  }
0x39: {  	_ = 	snop;
	(pc) =	sbr.ind lr, $3  }
0x3a: {  	_ = 	snop  }
0x3b: {  	_ = 	snop  }
0x3c: {  	p2 =	seq.s32 s10, $0x1;
	s10 =	sld [smem:$0x3FB4]  }
0x3d: {  	_ =	shalt  }
0x3e: {  	_ =	shalt  }
0x3f: {  	_ =	shalt  }
0x40: {  	_ =	shalt  }
0x41: {  	_ =	shalt  }
0x42: {  	_ =	shalt  }
0x43: {  	_ =	shalt  }
0x44: {  	_ =	shalt  }
0x45: {  	_ =	shalt  }
0x46: {  	_ =	shalt  }
0x47: {  	_ =	shalt  }
0x48: {  	_ =	shalt  }
0x49: {  	_ =	shalt  }
0x4a: {  	_ =	shalt  }
0x4b: {  	_ =	shalt  }
0x4c: {  	_ =	shalt  }
0x4d: {  	_ =	shalt  }
0x4e: {  	_ =	shalt  }
0x4f: {  	_ =	shalt  }
0x50: {  	_ =	shalt  }
0x51: {  	_ =	shalt  }
0x52: {  	_ =	shalt  }
0x53: {  	_ =	shalt  }
0x54: {  	_ =	shalt  }
0x55: {  	_ =	shalt  }
0x56: {  	_ =	shalt  }
0x57: {  	_ =	shalt  }
0x58: {  	_ =	shalt  }
0x59: {  	_ =	shalt  }
0x5a: {  	_ =	shalt  }
0x5b: {  	_ =	shalt  }
0x5c: {  	_ =	shalt  }
0x5d: {  	_ =	shalt  }
0x5e: {  	_ =	shalt  }
0x5f: {  	_ =	shalt  }
0x60: {  	_ =	shalt  }
0x61: {  	_ =	shalt  }
0x62: {  	_ =	shalt  }
0x63: {  	_ =	shalt  }
0x64: {  	_ =	shalt  }
0x65: {  	_ =	shalt  }
0x66: {  	_ =	shalt  }
0x67: {  	_ =	shalt  }
0x68: {  	_ =	shalt  }
0x69: {  	_ =	shalt  }
0x6a: {  	_ =	shalt  }
0x6b: {  	_ =	shalt  }
0x6c: {  	_ =	shalt  }
0x6d: {  	_ =	shalt  }
0x6e: {  	_ =	shalt  }
0x6f: {  	_ =	shalt  }
0x70: {  	_ =	shalt  }
0x71: {  	_ =	shalt  }
0x72: {  	_ =	shalt  }
0x73: {  	_ =	shalt  }
0x74: {  	_ =	shalt  }
0x75: {  	_ =	shalt  }
0x76: {  	_ =	shalt  }
0x77: {  	_ =	shalt  }
0x78: {  	_ =	shalt  }
0x79: {  	_ =	shalt  }
0x7a: {  	_ =	shalt  }
0x7b: {  	_ =	shalt  }
0x7c: {  	_ =	shalt  }
0x7d: {  	_ =	shalt  }
0x7e: {  	_ =	shalt  }
0x7f: {  	_ =	shalt  }
0x80: {  	_ =	shalt  }
0x81: {  	_ =	shalt  }
0x82: {  	_ =	shalt  }
0x83: {  	_ =	shalt  }
0x84: {  	_ =	shalt  }
0x85: {  	_ =	shalt  }
0x86: {  	_ =	shalt  }
0x87: {  	_ =	shalt  }
.Lfunc_end0:
.L_simem_size_0:
called_computation.1_lowered:
.L_overlay_start_0:
0x88: {  	s2 =	sld [smem:$0x3FD9]  }
0x89: {  	s3 =	sld [smem:$0x3FFE];
	_ =	sdelay $0x1  }
0x8a: {  	s1 =	srdreg.scid  }
0x8b: {  	s0 =	sand.u32 $0x1, s1  }
0x8c: {  	s16 =	sshll.u32 s0, $0xA;
	s2 =	sadd.s32 s3, s2  }
0x8d: {  	s2 =	sadd.s32 s2, s16  }
0x8e: {  	[smem:$0x3FC0] =	sst s2  }
0x8f: {  	_ = 	snop  }
0x90: {  	(tm) =	ssettm $0x1  }
0x91: {  	s17 =	sld [smem:$0x3FFB];
	_ =	sdelay $0x3  }
0x92: {  	_ =	strace s17  }
0x93: {  	s2 =	sld [smem:$0x3FFC];
	_ =	sdelay $0x3  }
0x94: {  	_ =	strace s2  }
0x95: {  	s2 =	sld [smem:$0x3FFD];
	_ =	sdelay $0x3  }
0x96: {  	_ =	strace s2  }
0x97: {  	_ =	strace $0x8FFFFFFF  }
0x98: {  	s18 =	sld [smem:$0x3FDB];
	_ =	sdelay $0x1  }
0x99: {  	s19 =	simm.s32 $_scs_section_size  }
0x9a: {  	s4 =	simm.s32 $_size__tile_overlayer_lowered;
	s5 =	simm.s32 $_tile_overlayer_lowered  }
0x9b: {  	s22 =	simm.s32 $0x1BFF;
	s21 =	sshll.u32 s5, $0x1;
	s2 =	sadd.s32 s19, s18  }
0x9c: {  	s6 =	simm.s32 $0x0;
	s20 =	sshll.u32 s4, $0x1;
	s4 =	sadd.s32 s21, s2  }
0x9d: {  	[timem:s6], [sflag:s22] =	dma.local [hbm:s4], s20  }
0x9e: {  	_ =	swait.ge [sflag:s22], s20  }
0x9f: {  	s3 =	ssub.s32 $0x0, s20;
	[sflag:s22] =	ssyncset.done $0x0  }
0xa0: {  	[sflag:s22] =	ssyncadd.s32 s3;
	_ =	sdelay $0x1  }
0xa1: {  	s23 =	simm.s32 $0x1B8B  }
0xa2: {  	_ =	swait.ge [sflag:s23], $0x1  }
0xa3: {  	[sflag:s23] =	ssyncset.done $0x0  }
0xa4: {  	s25 =	simm.s32 $0x1B8E;
	s24 =	sld [smem:$0x3FFE];
	[sflag:s23] =	ssyncadd.s32 $0xFFFFFFFF  }
0xa5: {  	s26 =	simm.s32 $execute0_lowered;
	[smem:$0x3FD2] =	sst s25  }
0xa6: {  	s4 =	sshll.u32 s26, $0x1;
	_ =	strace $0x80000049;
	[dreg:$0x1] =	wrdreg $0xFFFFFFFF  }
0xa7: {  	s28 =	simm.s32 $_size_execute0_lowered;
	s2 =	sadd.s32 s2, s4;
	[dreg:$0x0] =	wrdreg $0x0  }
0xa8: {  	s4 =	sshll.u32 s28, $0x1;
	[dreg:$0x2] =	wrdreg s2  }
0xa9: {  	[dreg:$0x3] =	wrdreg s4  }
0xaa: {  	[dreg:$0x4] =	wrdreg $0xC0  }
0xab: {  	_ =	task [dreg:s6], $0x5FFFF  }
0xac: {  	[dreg:$0x1] =	wrdreg $0xFFFFFFFF  }
0xad: {  	[dreg:$0x0] =	wrdreg $0x60  }
0xae: {  	[dreg:$0x2] =	wrdreg s24  }
0xaf: {  	[dreg:$0x3] =	wrdreg $0x74000  }
0xb0: {  	[dreg:$0x4] =	wrdreg $0x9  }
0xb1: {  	_ =	task.clear_ibuf [dreg:s6], $0x5FFFF;
	_ =	strace $0x90000049  }
0xb2: {  	s29 =	simm.s32 $0x9;
	_ =	strace $0x8000004B  }
0xb3: {  	_ =	swait.ge [sflag:s29], $0x1  }
0xb4: {  	[sflag:s29] =	ssyncadd.s32 $0xFFFFFFFF  }
0xb5: {  	_ =	strace $0x9000004B  }
0xb6: {  	_ =	sfence  }
0xb7: {  	s30 =	sld [smem:$0x0];
	_ =	sdelay $0x2  }
0xb8: {  	s31 =	sshll.u32 s1, $0xD;
	s1 =	sshrl.u32 s1, $0x2  }
0xb9: {  	s3 =	sand.u32 $0x4000, s31;
	s1 =	sadd.s32 s1, s30  }
0xba: {  	s0 =	sor.u32 s3, s0;
	s1 =	sshll.u32 s1, $0x11  }
0xbb: {  	s0 =	sor.u32 s1, s0  }
0xbc: {  	s0 =	sadd.s32 $0x8F2B, s0  }
0xbd: {  	[sflag:s0] =	ssyncadd.remote.s32 $0x1  }
0xbe: {  	_ =	sfence.sel $0xFFFF  }
0xbf: {  	[dreg:$0x0] =	wrdreg $0xFFFFFFFF;
	(pc) =	sbr.abs _section_cstart, $3  }
0xc0: {  	[dreg:$0x1] =	wrdreg $0xFFFFFFFF  }
0xc1: {  	_ =	task.clear_ibuf [dreg:s6], $0x2FFFF;
	_ =	strace $0x9FFFFFFF  }
0xc2: {  	(tm) =	ssettm $0x7FFFFFFF  }
0xc3: {  	_ =	shalt  }
tec
execute0_lowered:
.L_overlay_start_1:
0x0: {  	(tag) =	ssettag $0x1  }
0x1: {  	s0 =	rddreg [dreg:$0x0]  }
0x2: {  	s1 =	rddreg [dreg:$0x1]  }
0x3: {  	s2 =	simm.s32 $0x0;
	s3 =	srdreg.scid;
	s5 =	stileid.u32  }
0x4: {  	s31 =	simm.s32 $0x80;
	s28 =	simm.s32 $0x4;
	s30 =	simm.s32 $0x5  }
0x5: {  	[smem:$0x7FF] =	sst s2;
	s3 =	sand.u32 $0x1, s3;
	s8 =	smul.u32 $0x14000, s5  }
0x6: {  	s4 =	sadd.s32 $0x7A400, s0;
	s9 =	sshll.u32 s5, $0x1;
	s11 =	smul.u32 $0x50000, s5  }
0x7: {  	s18 =	sadd.s32 $0x48400, s0;
	s6 =	sadd.s32 $0x16400, s0;
	s20 =	smul.u32 $0x19000, s5  }
0x8: {  	_ =	strace $0x8000004A;
	s7 =	smul.u32 $0x140000, s3;
	s9 =	sor.u32 s3, s9  }
0x9: {  	s19 =	ssub.s32 $0x2, s3;
	[dreg:$0x5] =	wrdreg s18;
	s21 =	sshrl.u32 s11, $0x2  }
0xa: {  	s3 =	smul.u32 $0xC800, s3;
	[dreg:$0x6] =	wrdreg s6;
	s29 =	sadd.s32 s21, s1  }
0xb: {  	s9 =	smul.u32 $0xC800, s9;
	s24 =	sadd.s32 $0x1400, s29;
	[dreg:$0x9] =	wrdreg s29  }
0xc: {  	s10 =	sshrl.u32 s19, $0x1;
	s25 =	sadd.s32 $0x2800, s29;
	[dreg:$0xa] =	wrdreg s24  }
0xd: {  	s7 =	sadd.s32 s8, s7;
	s26 =	sadd.s32 $0x3C00, s29;
	[dreg:$0xb] =	wrdreg s25  }
0xe: {  	s3 =	sadd.s32 s3, s20;
	s8 =	sadd.s32 $0x5000, s29;
	[dreg:$0xc] =	wrdreg s26  }
0xf: {  	s7 =	sshrl.u32 s7, $0x3;
	s11 =	sadd.s32 $0x7800, s29;
	[dreg:$0xd] =	wrdreg s8  }
0x10: {  	s9 =	sshrl.u32 s9, $0x3;
	s12 =	sadd.s32 $0x8C00, s29;
	[dreg:$0xf] =	wrdreg s11  }
0x11: {  	s13 =	sadd.s32 $0xA000, s29;
	s15 =	sadd.s32 $0xB400, s29;
	[dreg:$0x10] =	wrdreg s12  }
0x12: {  	s16 =	sadd.s32 $0xC800, s29;
	s17 =	sadd.s32 $0xDC00, s29;
	[dreg:$0x11] =	wrdreg s13  }
0x13: {  	s0 =	sadd.s32 s7, s0;
	s7 =	ssub.s32 s19, s10;
	[dreg:$0x12] =	wrdreg s15  }
0x14: {  	s22 =	sadd.s32 s18, s9;
	s23 =	sadd.s32 s6, s9;
	[dreg:$0x13] =	wrdreg s16  }
0x15: {  	s8 =	sadd.s32 $0xC00, s3;
	s10 =	sadd.s32 $0x6400, s29;
	[dreg:$0x14] =	wrdreg s17  }
0x16: {  	s9 =	sor.u32 $0x80, s9;
	s24 =	sadd.s32 $0x10400, s29;
	s25 =	sadd.s32 $0x11800, s29  }
0x17: {  	s26 =	sadd.s32 $0x12C00, s29;
	s12 =	simm.s32 $0x3800;
	[dreg:$0x7] =	wrdreg s22  }
0x18: {  	s16 =	simm.s32 $0x6000;
	s17 =	simm.s32 $0x1000;
	[dreg:$0x8] =	wrdreg s23  }
0x19: {  	s11 =	simm.s32 $0x7;
	s15 =	simm.s32 $0x8;
	[dreg:$0xe] =	wrdreg s10  }
0x1a: {  	s13 =	simm.s32 $0x0;
	s8 =	sshrl.u32 s8, $0x3;
	[dreg:$0x1b] =	wrdreg s24  }
0x1b: {  	s19 =	sadd.s32 s18, s9;
	s20 =	sadd.s32 s6, s9;
	[dreg:$0x1c] =	wrdreg s25  }
0x1c: {  	s0 =	sadd.s32 $0xA2400, s0;
	s21 =	smax.u32 s7, $0x1;
	[dreg:$0x1d] =	wrdreg s26  }
0x1d: {  	s22 =	sadd.s32 $0x800, s3;
	s23 =	sadd.s32 $0xF000, s29;
	[dreg:$0x15] =	wrdreg s19  }
0x1e: {  	s3 =	simm.s32 $0xD;
	s7 =	simm.s32 $0x28;
	[dreg:$0x16] =	wrdreg s20  }
0x1f: {  	s10 =	simm.s32 $0x2400;
	s9 =	simm.s32 $0x880;
	[dreg:$0x17] =	wrdreg s0  }
0x20: {  	s24 =	simm.s32 $0x3;
	s26 =	simm.s32 $0x9;
	[dreg:$0x18] =	wrdreg s21  }
0x21: {  	s25 =	simm.s32 $0xA;
	s14 =	sadd.s32 s8, s6;
	[dreg:$0x19] =	wrdreg s22  }
0x22: {  	s8 =	sadd.s32 s8, s18;
	[dreg:$0x1a] =	wrdreg s23;
	s19 =	simm.s32 $0x800  }
0x23: {  	s0 =	simm.s32 $0xB;
	s20 =	simm.s32 $0x6;
	s21 =	simm.s32 $0x1  }
0x24: {  	s22 =	simm.s32 $0x2;
	s18 =	simm.s32 $0xE;
	[dreg:$0x3] =	wrdreg s14  }
0x25: {  	v0 =	vimm.f32 $0.0e+00;
	[dreg:$0x4] =	wrdreg s8;
	s14 =	simm.s32 $0x4C00;
	s8 =	simm.s32 $0xC00  }
.LBB2_1:
0x26: {  	s5 =	rddreg [dreg:$0x7]  }
0x27: {  	[tilespmem:s2], [sflag:$0xB] =	stream.linear.gather [hbm4b:s5+s2], $0x280, $0x38;
	[tilespmem:$0x1B400] =	vst v63  }
0x28: {  	s23 =	rddreg [dreg:$0x8]  }
0x29: {  	[tilespmem:s19], [sflag:$0xD] =	stream.linear.gather [hbm4b:s23+s2], $0x280, $0x38;
	[tilespmem:$0x1B400] =	vst v63  }
0x2a: {  	[dreg:$0x1e] =	wrdreg s13;
	s13 =	simm.s32 $0x0;
	s23 =	simm.s32 $0x200  }
.LBB2_2:
0x2b: {  	p0 =	sne.s32 s23, $0x4E00;
	[tilespmem:s13+$0x1070] =	vst v0  }
0x2c: {  	[tilespmem:s13+$0x1000] =	vst v0  }
0x2d: {  	[tilespmem:s13+$0x1010] =	vst v0  }
.Ltmp0:
0x2e: {  	[tilespmem:s13+$0x1020] =	vst v0;
	(pc) =	sbr.rel @p0 .LBB2_2-.Ltmp0, $4  }
0x2f: {  	[tilespmem:s13+$0x1030] =	vst v0  }
0x30: {  	[tilespmem:s13+$0x1040] =	vst v0  }
0x31: {  	[tilespmem:s13+$0x1050] =	vst v0  }
0x32: {  	[tilespmem:s13+$0x1060] =	vst v0;
	s13 =	sshra.s32 s23, $0x2;
	s23 =	sadd.s32 $0x200, s23  }
0x33: {  	[tilespmem:s13+$0x1070] =	vst v0  }
0x34: {  	[tilespmem:s13+$0x1000] =	vst v0  }
0x35: {  	[tilespmem:s13+$0x1010] =	vst v0  }
0x36: {  	[tilespmem:s13+$0x1020] =	vst v0  }
0x37: {  	[tilespmem:s13+$0x1030] =	vst v0  }
0x38: {  	[tilespmem:s13+$0x1040] =	vst v0  }
0x39: {  	[tilespmem:s13+$0x1050] =	vst v0  }
0x3a: {  	[tilespmem:s13+$0x1060] =	vst v0  }
0x3b: {  	_ =	swait.ge [sflag:s0], $0x280  }
0x3c: {  	[sflag:s0] =	ssyncset.done $0x0  }
0x3d: {  	[sflag:s0] =	ssyncadd.s32 $0xFFFFFD80  }
0x3e: {  	_ =	swait.ge [sflag:s3], $0x280  }
0x3f: {  	[sflag:s3] =	ssyncset.done $0x0  }
0x40: {  	[sflag:s3] =	ssyncadd.s32 $0xFFFFFD80  }
0x41: {  	[tilespmem:s10], [sflag:$0x2] =	stream.indirect.gather [hbm4b:s4+s7], $0x80, s31, s7, $0xb8;
	[tilespmem:$0x1B400] =	vst v63  }
0x42: {  	s5 =	simm.s32 $0x100  }
0x43: {  	[tilespmem:s12], [sflag:$0x3] =	stream.indirect.gather [hbm4b:s4+s7], $0x80, s5, s7, $0xb8;
	[tilespmem:$0x1B400] =	vst v63  }
0x44: {  	s6 =	simm.s32 $0x180  }
0x45: {  	[tilespmem:s14], [sflag:$0x4] =	stream.indirect.gather [hbm4b:s4+s7], $0x80, s6, s7, $0xb8;
	[tilespmem:$0x1B400] =	vst v63  }
0x46: {  	s13 =	simm.s32 $0x200  }
0x47: {  	[tilespmem:s16], [sflag:$0x5] =	stream.indirect.gather [hbm4b:s4+s7], $0x80, s13, s7, $0xb8;
	[tilespmem:$0x1B400] =	vst v63  }
0x48: {  	_ = 	snop  }
0x49: {  	[spmem:s29] =	stream.linear.scatter [tilespmem:s17], [sflag:$0x6], $0x1400, $0x38;
	[tilespmem:$0x1B400] =	vst v63  }
0x4a: {  	s23 =	rddreg [dreg:$0xa]  }
0x4b: {  	[spmem:s23] =	stream.linear.scatter [tilespmem:s17], [sflag:$0x6], $0x1400, $0x38;
	[tilespmem:$0x1B400] =	vst v63  }
0x4c: {  	s6 =	rddreg [dreg:$0xb]  }
0x4d: {  	[spmem:s6] =	stream.linear.scatter [tilespmem:s17], [sflag:$0x6], $0x1400, $0x38;
	[tilespmem:$0x1B400] =	vst v63  }
0x4e: {  	s13 =	rddreg [dreg:$0xc]  }
0x4f: {  	[spmem:s13] =	stream.linear.scatter [tilespmem:s17], [sflag:$0x6], $0x1400, $0x38;
	[tilespmem:$0x1B400] =	vst v63  }
0x50: {  	s23 =	rddreg [dreg:$0xd]  }
0x51: {  	[spmem:s23] =	stream.linear.scatter [tilespmem:s17], [sflag:$0x6], $0x1400, $0x38;
	[tilespmem:$0x1B400] =	vst v63  }
0x52: {  	s6 =	rddreg [dreg:$0xe]  }
0x53: {  	[spmem:s6] =	stream.linear.scatter [tilespmem:s17], [sflag:$0x6], $0x1400, $0x38;
	[tilespmem:$0x1B400] =	vst v63  }
0x54: {  	s13 =	rddreg [dreg:$0xf]  }
0x55: {  	[spmem:s13] =	stream.linear.scatter [tilespmem:s17], [sflag:$0x6], $0x1400, $0x38;
	[tilespmem:$0x1B400] =	vst v63  }
0x56: {  	s23 =	rddreg [dreg:$0x10]  }
0x57: {  	[spmem:s23] =	stream.linear.scatter [tilespmem:s17], [sflag:$0x6], $0x1400, $0x38;
	[tilespmem:$0x1B400] =	vst v63  }
0x58: {  	s6 =	rddreg [dreg:$0x11]  }
0x59: {  	[spmem:s6] =	stream.linear.scatter [tilespmem:s17], [sflag:$0x6], $0x1400, $0x38;
	[tilespmem:$0x1B400] =	vst v63  }
0x5a: {  	s13 =	rddreg [dreg:$0x12]  }
0x5b: {  	[spmem:s13] =	stream.linear.scatter [tilespmem:s17], [sflag:$0x6], $0x1400, $0x38;
	[tilespmem:$0x1B400] =	vst v63  }
0x5c: {  	s23 =	rddreg [dreg:$0x13]  }
0x5d: {  	[spmem:s23] =	stream.linear.scatter [tilespmem:s17], [sflag:$0x6], $0x1400, $0x38;
	[tilespmem:$0x1B400] =	vst v63  }
0x5e: {  	s6 =	rddreg [dreg:$0x14]  }
0x5f: {  	[spmem:s6] =	stream.linear.scatter [tilespmem:s17], [sflag:$0x6], $0x1400, $0x38;
	[tilespmem:$0x1B400] =	vst v63  }
0x60: {  	s13 =	rddreg [dreg:$0x1a]  }
0x61: {  	[spmem:s13] =	stream.linear.scatter [tilespmem:s17], [sflag:$0x6], $0x1400, $0x38;
	[tilespmem:$0x1B400] =	vst v63  }
0x62: {  	s23 =	rddreg [dreg:$0x1b]  }
0x63: {  	[spmem:s23] =	stream.linear.scatter [tilespmem:s17], [sflag:$0x6], $0x1400, $0x38;
	[tilespmem:$0x1B400] =	vst v63  }
0x64: {  	s6 =	rddreg [dreg:$0x1c]  }
0x65: {  	[spmem:s6] =	stream.linear.scatter [tilespmem:s17], [sflag:$0x6], $0x1400, $0x38;
	[tilespmem:$0x1B400] =	vst v63  }
0x66: {  	s13 =	rddreg [dreg:$0x1d]  }
0x67: {  	[spmem:s13] =	stream.linear.scatter [tilespmem:s17], [sflag:$0x6], $0x1400, $0x38;
	[tilespmem:$0x1B400] =	vst v63  }
0x68: {  	s29 =	simm.s32 $0x400;
	s23 =	rddreg [dreg:$0x15];
	s13 =	simm.s32 $0x0  }
0x69: {  	[tilespmem:s29], [sflag:$0xC] =	stream.linear.gather [hbm4b:s23+s13], $0x280, $0x38;
	[tilespmem:$0x1B400] =	vst v63  }
0x6a: {  	s6 =	rddreg [dreg:$0x16]  }
0x6b: {  	[tilespmem:s8], [sflag:$0xE] =	stream.linear.gather [hbm4b:s6+s13], $0x280, $0x38;
	[tilespmem:$0x1B400] =	vst v63  }
0x6c: {  	_ =	swait.ge [sflag:s20], $0x1400  }
0x6d: {  	[sflag:s20] =	ssyncset.done $0x0  }
0x6e: {  	[sflag:s20] =	ssyncadd.s32 $0xFFFFEC00  }
0x6f: {  	_ =	swait.ge [sflag:s20], $0x1400  }
0x70: {  	[sflag:s20] =	ssyncset.done $0x0  }
0x71: {  	[sflag:s20] =	ssyncadd.s32 $0xFFFFEC00  }
0x72: {  	_ =	swait.ge [sflag:s20], $0x1400  }
0x73: {  	[sflag:s20] =	ssyncset.done $0x0  }
0x74: {  	[sflag:s20] =	ssyncadd.s32 $0xFFFFEC00  }
0x75: {  	_ =	swait.ge [sflag:s20], $0x1400  }
0x76: {  	[sflag:s20] =	ssyncset.done $0x0  }
0x77: {  	[sflag:s20] =	ssyncadd.s32 $0xFFFFEC00  }
0x78: {  	_ =	swait.ge [sflag:s20], $0x1400  }
0x79: {  	[sflag:s20] =	ssyncset.done $0x0  }
0x7a: {  	[sflag:s20] =	ssyncadd.s32 $0xFFFFEC00  }
0x7b: {  	_ =	swait.ge [sflag:s20], $0x1400  }
0x7c: {  	[sflag:s20] =	ssyncset.done $0x0  }
0x7d: {  	[sflag:s20] =	ssyncadd.s32 $0xFFFFEC00  }
0x7e: {  	_ =	swait.ge [sflag:s20], $0x1400  }
0x7f: {  	[sflag:s20] =	ssyncset.done $0x0  }
0x80: {  	[sflag:s20] =	ssyncadd.s32 $0xFFFFEC00  }
0x81: {  	_ =	swait.ge [sflag:s20], $0x1400  }
0x82: {  	[sflag:s20] =	ssyncset.done $0x0  }
0x83: {  	[sflag:s20] =	ssyncadd.s32 $0xFFFFEC00  }
0x84: {  	_ =	swait.ge [sflag:s20], $0x1400  }
0x85: {  	[sflag:s20] =	ssyncset.done $0x0  }
0x86: {  	[sflag:s20] =	ssyncadd.s32 $0xFFFFEC00  }
0x87: {  	_ =	swait.ge [sflag:s20], $0x1400  }
0x88: {  	[sflag:s20] =	ssyncset.done $0x0  }
0x89: {  	[sflag:s20] =	ssyncadd.s32 $0xFFFFEC00  }
0x8a: {  	_ =	swait.ge [sflag:s20], $0x1400  }
0x8b: {  	[sflag:s20] =	ssyncset.done $0x0  }
0x8c: {  	[sflag:s20] =	ssyncadd.s32 $0xFFFFEC00  }
0x8d: {  	_ =	swait.ge [sflag:s20], $0x1400  }
0x8e: {  	[sflag:s20] =	ssyncset.done $0x0  }
0x8f: {  	[sflag:s20] =	ssyncadd.s32 $0xFFFFEC00  }
0x90: {  	_ =	swait.ge [sflag:s20], $0x1400  }
0x91: {  	[sflag:s20] =	ssyncset.done $0x0  }
0x92: {  	[sflag:s20] =	ssyncadd.s32 $0xFFFFEC00  }
0x93: {  	_ =	swait.ge [sflag:s20], $0x1400  }
0x94: {  	[sflag:s20] =	ssyncset.done $0x0  }
0x95: {  	[sflag:s20] =	ssyncadd.s32 $0xFFFFEC00  }
0x96: {  	_ =	swait.ge [sflag:s20], $0x1400  }
0x97: {  	[sflag:s20] =	ssyncset.done $0x0  }
0x98: {  	[sflag:s20] =	ssyncadd.s32 $0xFFFFEC00  }
0x99: {  	_ =	swait.ge [sflag:s20], $0x1400  }
0x9a: {  	[sflag:s20] =	ssyncset.done $0x0  }
0x9b: {  	[sflag:s20] =	ssyncadd.s32 $0xFFFFEC00  }
0x9c: {  	[tilespmem:s17], [sflag:$0x1] =	stream.indirect.gather [hbm4b:s4+s7], $0x80, s13, s7, $0xb8;
	[tilespmem:$0x1B400] =	vst v63  }
0x9d: {  	[bflag:$0x0] =	sbarrier.arrive $0xFFFF  }
0x9e: {  	_ =	swait.ge [sflag:s21], $0x1400  }
0x9f: {  	[sflag:s21] =	ssyncset.done $0x0  }
0xa0: {  	[sflag:s21] =	ssyncadd.s32 $0xFFFFEC00  }
0xa1: {  	[spmem:s1] =	stream.indirect.scatter.add.f32 [tilespmem:s17], [sflag:$0x6], $0x80, s19, s7, $0xb8;
	[tilespmem:$0x1B400] =	vst v63  }
0xa2: {  	_ =	swait.ge [sflag:s22], $0x1400  }
0xa3: {  	[sflag:s22] =	ssyncset.done $0x0  }
0xa4: {  	[sflag:s22] =	ssyncadd.s32 $0xFFFFEC00  }
0xa5: {  	[spmem:s1] =	stream.indirect.scatter.add.f32 [tilespmem:s10], [sflag:$0x7], $0x80, s9, s7, $0xb8;
	[tilespmem:$0x1B400] =	vst v63  }
0xa6: {  	_ =	swait.ge [sflag:s24], $0x1400  }
0xa7: {  	[sflag:s24] =	ssyncset.done $0x0  }
0xa8: {  	s13 =	simm.s32 $0x900;
	[sflag:s24] =	ssyncadd.s32 $0xFFFFEC00  }
0xa9: {  	[spmem:s1] =	stream.indirect.scatter.add.f32 [tilespmem:s12], [sflag:$0x8], $0x80, s13, s7, $0xb8;
	[tilespmem:$0x1B400] =	vst v63  }
0xaa: {  	_ =	swait.ge [sflag:s28], $0x1400  }
0xab: {  	[sflag:s28] =	ssyncset.done $0x0  }
0xac: {  	s23 =	simm.s32 $0x980;
	[sflag:s28] =	ssyncadd.s32 $0xFFFFEC00  }
0xad: {  	[spmem:s1] =	stream.indirect.scatter.add.f32 [tilespmem:s14], [sflag:$0x9], $0x80, s23, s7, $0xb8;
	[tilespmem:$0x1B400] =	vst v63  }
0xae: {  	_ =	swait.ge [sflag:s30], $0x1400  }
0xaf: {  	[sflag:s30] =	ssyncset.done $0x0  }
0xb0: {  	s31 =	simm.s32 $0xC;
	s6 =	simm.s32 $0xA00;
	[sflag:s30] =	ssyncadd.s32 $0xFFFFEC00  }
0xb1: {  	[spmem:s1] =	stream.indirect.scatter.add.f32 [tilespmem:s16], [sflag:$0xA], $0x80, s6, s7, $0xb8;
	[tilespmem:$0x1B400] =	vst v63  }
0xb2: {  	_ =	swait.ge [sflag:s31], $0x280  }
0xb3: {  	[sflag:s31] =	ssyncset.done $0x0  }
0xb4: {  	[sflag:s31] =	ssyncadd.s32 $0xFFFFFD80  }
0xb5: {  	_ =	swait.ge [sflag:s18], $0x280  }
0xb6: {  	[sflag:s18] =	ssyncset.done $0x0  }
0xb7: {  	[sflag:s18] =	ssyncadd.s32 $0xFFFFFD80  }
0xb8: {  	_ =	swait.ge [sflag:s20], $0x1400  }
0xb9: {  	[sflag:s20] =	ssyncset.done $0x0  }
0xba: {  	[sflag:s20] =	ssyncadd.s32 $0xFFFFEC00  }
0xbb: {  	[tilespmem:s17], [sflag:$0x1] =	stream.indirect.gather [hbm4b:s4+s7], $0x80, s29, s7, $0xb8;
	[tilespmem:$0x1B400] =	vst v63  }
0xbc: {  	_ =	swait.ge [sflag:s11], $0x1400  }
0xbd: {  	[sflag:s11] =	ssyncset.done $0x0  }
0xbe: {  	s9 =	simm.s32 $0x480;
	[sflag:s11] =	ssyncadd.s32 $0xFFFFEC00  }
0xbf: {  	[tilespmem:s10], [sflag:$0x2] =	stream.indirect.gather [hbm4b:s4+s7], $0x80, s9, s7, $0xb8;
	[tilespmem:$0x1B400] =	vst v63  }
0xc0: {  	_ =	swait.ge [sflag:s15], $0x1400  }
0xc1: {  	[sflag:s15] =	ssyncset.done $0x0  }
0xc2: {  	s13 =	simm.s32 $0x500;
	[sflag:s15] =	ssyncadd.s32 $0xFFFFEC00  }
0xc3: {  	[tilespmem:s12], [sflag:$0x3] =	stream.indirect.gather [hbm4b:s4+s7], $0x80, s13, s7, $0xb8;
	[tilespmem:$0x1B400] =	vst v63  }
0xc4: {  	_ =	swait.ge [sflag:s26], $0x1400  }
0xc5: {  	[sflag:s26] =	ssyncset.done $0x0  }
0xc6: {  	s23 =	simm.s32 $0x580;
	[sflag:s26] =	ssyncadd.s32 $0xFFFFEC00  }
0xc7: {  	[tilespmem:s14], [sflag:$0x4] =	stream.indirect.gather [hbm4b:s4+s7], $0x80, s23, s7, $0xb8;
	[tilespmem:$0x1B400] =	vst v63  }
0xc8: {  	_ =	swait.ge [sflag:s25], $0x1400  }
0xc9: {  	[sflag:s25] =	ssyncset.done $0x0  }
0xca: {  	s6 =	simm.s32 $0x600;
	s5 =	rddreg [dreg:$0x19];
	[sflag:s25] =	ssyncadd.s32 $0xFFFFEC00  }
0xcb: {  	[tilespmem:s16], [sflag:$0x5] =	stream.indirect.gather [hbm4b:s4+s7], $0x80, s6, s7, $0xb8;
	[tilespmem:$0x1B400] =	vst v63  }
0xcc: {  	s13 =	sshrl.u32 s5, $0x3;
	s6 =	rddreg [dreg:$0x5]  }
0xcd: {  	s23 =	sadd.s32 s6, s13  }
0xce: {  	[tilespmem:s2], [sflag:$0xB] =	stream.linear.gather [hbm4b:s23+s2], $0x280, $0x38;
	[tilespmem:$0x1B400] =	vst v63  }
0xcf: {  	s23 =	rddreg [dreg:$0x6]  }
0xd0: {  	s13 =	sadd.s32 s23, s13  }
0xd1: {  	[tilespmem:s19], [sflag:$0xD] =	stream.linear.gather [hbm4b:s13+s2], $0x280, $0x38;
	[tilespmem:$0x1B400] =	vst v63  }
0xd2: {  	_ =	swait.ge [sflag:s21], $0x1400  }
0xd3: {  	[sflag:s21] =	ssyncset.done $0x0  }
0xd4: {  	[sflag:s21] =	ssyncadd.s32 $0xFFFFEC00  }
0xd5: {  	[spmem:s1] =	stream.indirect.scatter.add.f32 [tilespmem:s17], [sflag:$0x6], $0x80, s8, s7, $0xb8;
	[tilespmem:$0x1B400] =	vst v63  }
0xd6: {  	_ =	swait.ge [sflag:s22], $0x1400  }
0xd7: {  	[sflag:s22] =	ssyncset.done $0x0  }
0xd8: {  	s6 =	simm.s32 $0xC80;
	[sflag:s22] =	ssyncadd.s32 $0xFFFFEC00  }
0xd9: {  	[spmem:s1] =	stream.indirect.scatter.add.f32 [tilespmem:s10], [sflag:$0x7], $0x80, s6, s7, $0xb8;
	[tilespmem:$0x1B400] =	vst v63  }
0xda: {  	_ =	swait.ge [sflag:s24], $0x1400  }
0xdb: {  	[sflag:s24] =	ssyncset.done $0x0  }
0xdc: {  	s9 =	simm.s32 $0xD00;
	[sflag:s24] =	ssyncadd.s32 $0xFFFFEC00  }
0xdd: {  	[spmem:s1] =	stream.indirect.scatter.add.f32 [tilespmem:s12], [sflag:$0x8], $0x80, s9, s7, $0xb8;
	[tilespmem:$0x1B400] =	vst v63  }
0xde: {  	_ =	swait.ge [sflag:s28], $0x1400  }
0xdf: {  	[sflag:s28] =	ssyncset.done $0x0  }
0xe0: {  	s13 =	simm.s32 $0xD80;
	[sflag:s28] =	ssyncadd.s32 $0xFFFFEC00  }
0xe1: {  	[spmem:s1] =	stream.indirect.scatter.add.f32 [tilespmem:s14], [sflag:$0x9], $0x80, s13, s7, $0xb8;
	[tilespmem:$0x1B400] =	vst v63  }
0xe2: {  	_ =	swait.ge [sflag:s30], $0x1400  }
0xe3: {  	[sflag:s30] =	ssyncset.done $0x0  }
0xe4: {  	s19 =	simm.s32 $0xE00;
	[sflag:s30] =	ssyncadd.s32 $0xFFFFEC00  }
0xe5: {  	[spmem:s1] =	stream.indirect.scatter.add.f32 [tilespmem:s16], [sflag:$0xA], $0x80, s19, s7, $0xb8;
	[tilespmem:$0x1B400] =	vst v63  }
0xe6: {  	_ =	swait.ge [sflag:s0], $0x280  }
0xe7: {  	[sflag:s0] =	ssyncset.done $0x0  }
0xe8: {  	[sflag:s0] =	ssyncadd.s32 $0xFFFFFD80  }
0xe9: {  	_ =	swait.ge [sflag:s3], $0x280  }
0xea: {  	[sflag:s3] =	ssyncset.done $0x0  }
0xeb: {  	[sflag:s3] =	ssyncadd.s32 $0xFFFFFD80  }
0xec: {  	_ =	swait.ge [sflag:s20], $0x1400  }
0xed: {  	[sflag:s20] =	ssyncset.done $0x0  }
0xee: {  	[sflag:s20] =	ssyncadd.s32 $0xFFFFEC00  }
0xef: {  	[tilespmem:s17], [sflag:$0x1] =	stream.indirect.gather [hbm4b:s4+s7], $0x80, s2, s7, $0xb8;
	[tilespmem:$0x1B400] =	vst v63  }
0xf0: {  	_ =	swait.ge [sflag:s11], $0x1400  }
0xf1: {  	[sflag:s11] =	ssyncset.done $0x0  }
0xf2: {  	s23 =	simm.s32 $0x80;
	[sflag:s11] =	ssyncadd.s32 $0xFFFFEC00  }
0xf3: {  	[tilespmem:s10], [sflag:$0x2] =	stream.indirect.gather [hbm4b:s4+s7], $0x80, s23, s7, $0xb8;
	[tilespmem:$0x1B400] =	vst v63  }
0xf4: {  	_ =	swait.ge [sflag:s15], $0x1400  }
0xf5: {  	[sflag:s15] =	ssyncset.done $0x0  }
0xf6: {  	s3 =	simm.s32 $0x100;
	[sflag:s15] =	ssyncadd.s32 $0xFFFFEC00  }
0xf7: {  	[tilespmem:s12], [sflag:$0x3] =	stream.indirect.gather [hbm4b:s4+s7], $0x80, s3, s7, $0xb8;
	[tilespmem:$0x1B400] =	vst v63  }
0xf8: {  	_ =	swait.ge [sflag:s26], $0x1400  }
0xf9: {  	[sflag:s26] =	ssyncset.done $0x0  }
0xfa: {  	s6 =	simm.s32 $0x180;
	[sflag:s26] =	ssyncadd.s32 $0xFFFFEC00  }
0xfb: {  	[tilespmem:s14], [sflag:$0x4] =	stream.indirect.gather [hbm4b:s4+s7], $0x80, s6, s7, $0xb8;
	[tilespmem:$0x1B400] =	vst v63  }
0xfc: {  	s9 =	simm.s32 $0x200;
	s0 =	simm.s32 $0x400;
	_ =	swait.ge [sflag:s25], $0x1400  }
0xfd: {  	s3 =	simm.s32 $0xB;
	[sflag:s25] =	ssyncset.done $0x0;
	s8 =	rddreg [dreg:$0x4]  }
0xfe: {  	s19 =	rddreg [dreg:$0x3];
	[sflag:s25] =	ssyncadd.s32 $0xFFFFEC00;
	s13 =	sadd.s32 $0x0, s8  }
0xff: {  	[tilespmem:s16], [sflag:$0x5] =	stream.indirect.gather [hbm4b:s4+s7], $0x80, s9, s7, $0xb8;
	[tilespmem:$0x1B400] =	vst v63  }
0x100: {  	s23 =	sadd.s32 $0x0, s19;
	s8 =	simm.s32 $0xC00;
	s19 =	simm.s32 $0x800  }
0x101: {  	[tilespmem:s29], [sflag:$0xC] =	stream.linear.gather [hbm4b:s13+s2], $0x280, $0x38;
	[tilespmem:$0x1B400] =	vst v63  }
0x102: {  	s9 =	simm.s32 $0xD;
	s29 =	simm.s32 $0x100;
	s13 =	sadd.s32 $0x800, s5  }
.LBB2_4:
0x103: {  	[tilespmem:s8], [sflag:$0xE] =	stream.linear.gather [hbm4b:s23+s2], $0x280, $0x38;
	[tilespmem:$0x1B400] =	vst v63  }
0x104: {  	_ =	swait.ge [sflag:s21], $0x1400  }
0x105: {  	[sflag:s21] =	ssyncset.done $0x0  }
0x106: {  	[sflag:s21] =	ssyncadd.s32 $0xFFFFEC00  }
0x107: {  	[spmem:s1] =	stream.indirect.scatter.add.f32 [tilespmem:s17], [sflag:$0x6], $0x80, s19, s7, $0xb8;
	[tilespmem:$0x1B400] =	vst v63  }
0x108: {  	_ =	swait.ge [sflag:s22], $0x1400  }
0x109: {  	[sflag:s22] =	ssyncset.done $0x0  }
0x10a: {  	s5 =	simm.s32 $0x880;
	[sflag:s22] =	ssyncadd.s32 $0xFFFFEC00  }
0x10b: {  	[spmem:s1] =	stream.indirect.scatter.add.f32 [tilespmem:s10], [sflag:$0x7], $0x80, s5, s7, $0xb8;
	[tilespmem:$0x1B400] =	vst v63  }
0x10c: {  	_ =	swait.ge [sflag:s24], $0x1400  }
0x10d: {  	[sflag:s24] =	ssyncset.done $0x0  }
0x10e: {  	s6 =	simm.s32 $0x900;
	[sflag:s24] =	ssyncadd.s32 $0xFFFFEC00  }
0x10f: {  	[spmem:s1] =	stream.indirect.scatter.add.f32 [tilespmem:s12], [sflag:$0x8], $0x80, s6, s7, $0xb8;
	[tilespmem:$0x1B400] =	vst v63  }
0x110: {  	_ =	swait.ge [sflag:s28], $0x1400  }
0x111: {  	[sflag:s28] =	ssyncset.done $0x0  }
0x112: {  	s6 =	simm.s32 $0x980;
	[sflag:s28] =	ssyncadd.s32 $0xFFFFEC00  }
0x113: {  	[spmem:s1] =	stream.indirect.scatter.add.f32 [tilespmem:s14], [sflag:$0x9], $0x80, s6, s7, $0xb8;
	[tilespmem:$0x1B400] =	vst v63  }
0x114: {  	_ =	swait.ge [sflag:s30], $0x1400  }
0x115: {  	[sflag:s30] =	ssyncset.done $0x0  }
0x116: {  	s6 =	simm.s32 $0xA00;
	[sflag:s30] =	ssyncadd.s32 $0xFFFFEC00  }
0x117: {  	[spmem:s1] =	stream.indirect.scatter.add.f32 [tilespmem:s16], [sflag:$0xA], $0x80, s6, s7, $0xb8;
	[tilespmem:$0x1B400] =	vst v63  }
0x118: {  	_ =	swait.ge [sflag:s31], $0x280  }
0x119: {  	[sflag:s31] =	ssyncset.done $0x0  }
0x11a: {  	[sflag:s31] =	ssyncadd.s32 $0xFFFFFD80  }
0x11b: {  	_ =	swait.ge [sflag:s18], $0x280  }
0x11c: {  	[sflag:s18] =	ssyncset.done $0x0  }
0x11d: {  	[sflag:s18] =	ssyncadd.s32 $0xFFFFFD80  }
0x11e: {  	_ =	swait.ge [sflag:s20], $0x1400  }
0x11f: {  	[sflag:s20] =	ssyncset.done $0x0  }
0x120: {  	[sflag:s20] =	ssyncadd.s32 $0xFFFFEC00  }
0x121: {  	[tilespmem:s17], [sflag:$0x1] =	stream.indirect.gather [hbm4b:s4+s7], $0x80, s0, s7, $0xb8;
	[tilespmem:$0x1B400] =	vst v63  }
0x122: {  	_ =	swait.ge [sflag:s11], $0x1400  }
0x123: {  	[sflag:s11] =	ssyncset.done $0x0  }
0x124: {  	s5 =	simm.s32 $0x480;
	[sflag:s11] =	ssyncadd.s32 $0xFFFFEC00  }
0x125: {  	[tilespmem:s10], [sflag:$0x2] =	stream.indirect.gather [hbm4b:s4+s7], $0x80, s5, s7, $0xb8;
	[tilespmem:$0x1B400] =	vst v63  }
0x126: {  	_ =	swait.ge [sflag:s15], $0x1400  }
0x127: {  	[sflag:s15] =	ssyncset.done $0x0  }
0x128: {  	s6 =	simm.s32 $0x500;
	[sflag:s15] =	ssyncadd.s32 $0xFFFFEC00  }
0x129: {  	[tilespmem:s12], [sflag:$0x3] =	stream.indirect.gather [hbm4b:s4+s7], $0x80, s6, s7, $0xb8;
	[tilespmem:$0x1B400] =	vst v63  }
0x12a: {  	_ =	swait.ge [sflag:s26], $0x1400  }
0x12b: {  	[sflag:s26] =	ssyncset.done $0x0  }
0x12c: {  	s5 =	simm.s32 $0x580;
	[sflag:s26] =	ssyncadd.s32 $0xFFFFEC00  }
0x12d: {  	[tilespmem:s14], [sflag:$0x4] =	stream.indirect.gather [hbm4b:s4+s7], $0x80, s5, s7, $0xb8;
	[tilespmem:$0x1B400] =	vst v63  }
0x12e: {  	_ =	swait.ge [sflag:s25], $0x1400  }
0x12f: {  	[sflag:s25] =	ssyncset.done $0x0  }
0x130: {  	s6 =	simm.s32 $0x600;
	[sflag:s25] =	ssyncadd.s32 $0xFFFFEC00  }
0x131: {  	[tilespmem:s16], [sflag:$0x5] =	stream.indirect.gather [hbm4b:s4+s7], $0x80, s6, s7, $0xb8;
	[tilespmem:$0x1B400] =	vst v63  }
0x132: {  	s5 =	sshrl.u32 s13, $0x3;
	s6 =	rddreg [dreg:$0x5]  }
0x133: {  	s6 =	sadd.s32 s6, s5  }
0x134: {  	[tilespmem:s2], [sflag:$0xB] =	stream.linear.gather [hbm4b:s6+s2], $0x280, $0x38;
	[tilespmem:$0x1B400] =	vst v63  }
0x135: {  	s6 =	rddreg [dreg:$0x6]  }
0x136: {  	s5 =	sadd.s32 s6, s5  }
0x137: {  	[tilespmem:s19], [sflag:$0xD] =	stream.linear.gather [hbm4b:s5+s2], $0x280, $0x38;
	[tilespmem:$0x1B400] =	vst v63  }
0x138: {  	_ =	swait.ge [sflag:s21], $0x1400  }
0x139: {  	[sflag:s21] =	ssyncset.done $0x0  }
0x13a: {  	[sflag:s21] =	ssyncadd.s32 $0xFFFFEC00  }
0x13b: {  	[spmem:s1] =	stream.indirect.scatter.add.f32 [tilespmem:s17], [sflag:$0x6], $0x80, s8, s7, $0xb8;
	[tilespmem:$0x1B400] =	vst v63  }
0x13c: {  	_ =	swait.ge [sflag:s22], $0x1400  }
0x13d: {  	[sflag:s22] =	ssyncset.done $0x0  }
0x13e: {  	s6 =	simm.s32 $0xC80;
	[sflag:s22] =	ssyncadd.s32 $0xFFFFEC00  }
0x13f: {  	[spmem:s1] =	stream.indirect.scatter.add.f32 [tilespmem:s10], [sflag:$0x7], $0x80, s6, s7, $0xb8;
	[tilespmem:$0x1B400] =	vst v63  }
0x140: {  	_ =	swait.ge [sflag:s24], $0x1400  }
0x141: {  	[sflag:s24] =	ssyncset.done $0x0  }
0x142: {  	s6 =	simm.s32 $0xD00;
	[sflag:s24] =	ssyncadd.s32 $0xFFFFEC00  }
0x143: {  	[spmem:s1] =	stream.indirect.scatter.add.f32 [tilespmem:s12], [sflag:$0x8], $0x80, s6, s7, $0xb8;
	[tilespmem:$0x1B400] =	vst v63  }
0x144: {  	_ =	swait.ge [sflag:s28], $0x1400  }
0x145: {  	[sflag:s28] =	ssyncset.done $0x0  }
0x146: {  	s6 =	simm.s32 $0xD80;
	[sflag:s28] =	ssyncadd.s32 $0xFFFFEC00  }
0x147: {  	[spmem:s1] =	stream.indirect.scatter.add.f32 [tilespmem:s14], [sflag:$0x9], $0x80, s6, s7, $0xb8;
	[tilespmem:$0x1B400] =	vst v63  }
0x148: {  	_ =	swait.ge [sflag:s30], $0x1400  }
0x149: {  	[sflag:s30] =	ssyncset.done $0x0  }
0x14a: {  	s6 =	simm.s32 $0xE00;
	[sflag:s30] =	ssyncadd.s32 $0xFFFFEC00  }
0x14b: {  	[spmem:s1] =	stream.indirect.scatter.add.f32 [tilespmem:s16], [sflag:$0xA], $0x80, s6, s7, $0xb8;
	[tilespmem:$0x1B400] =	vst v63  }
0x14c: {  	_ =	swait.ge [sflag:s3], $0x280  }
0x14d: {  	[sflag:s3] =	ssyncset.done $0x0  }
0x14e: {  	[sflag:s3] =	ssyncadd.s32 $0xFFFFFD80  }
0x14f: {  	_ =	swait.ge [sflag:s9], $0x280  }
0x150: {  	[sflag:s9] =	ssyncset.done $0x0  }
0x151: {  	[sflag:s9] =	ssyncadd.s32 $0xFFFFFD80  }
0x152: {  	_ =	swait.ge [sflag:s20], $0x1400  }
0x153: {  	[sflag:s20] =	ssyncset.done $0x0  }
0x154: {  	[sflag:s20] =	ssyncadd.s32 $0xFFFFEC00  }
0x155: {  	[tilespmem:s17], [sflag:$0x1] =	stream.indirect.gather [hbm4b:s4+s7], $0x80, s2, s7, $0xb8;
	[tilespmem:$0x1B400] =	vst v63  }
0x156: {  	_ =	swait.ge [sflag:s11], $0x1400  }
0x157: {  	[sflag:s11] =	ssyncset.done $0x0  }
0x158: {  	s6 =	simm.s32 $0x80;
	[sflag:s11] =	ssyncadd.s32 $0xFFFFEC00  }
0x159: {  	[tilespmem:s10], [sflag:$0x2] =	stream.indirect.gather [hbm4b:s4+s7], $0x80, s6, s7, $0xb8;
	[tilespmem:$0x1B400] =	vst v63  }
0x15a: {  	_ =	swait.ge [sflag:s15], $0x1400  }
0x15b: {  	[sflag:s15] =	ssyncset.done $0x0  }
0x15c: {  	s6 =	simm.s32 $0x100;
	[sflag:s15] =	ssyncadd.s32 $0xFFFFEC00  }
0x15d: {  	[tilespmem:s12], [sflag:$0x3] =	stream.indirect.gather [hbm4b:s4+s7], $0x80, s6, s7, $0xb8;
	[tilespmem:$0x1B400] =	vst v63  }
0x15e: {  	_ =	swait.ge [sflag:s26], $0x1400  }
0x15f: {  	[sflag:s26] =	ssyncset.done $0x0  }
0x160: {  	s23 =	smov.u32 s29;
	s10 =	simm.s32 $0x180;
	[sflag:s26] =	ssyncadd.s32 $0xFFFFEC00  }
0x161: {  	[tilespmem:s14], [sflag:$0x4] =	stream.indirect.gather [hbm4b:s4+s7], $0x80, s10, s7, $0xb8;
	[tilespmem:$0x1B400] =	vst v63  }
0x162: {  	p0 =	sne.s32 s29, $0x1700;
	s29 =	sadd.s32 $0x100, s29;
	_ =	swait.ge [sflag:s25], $0x1400  }
0x163: {  	s0 =	simm.s32 $0x400;
	s10 =	simm.s32 $0x200;
	[sflag:s25] =	ssyncset.done $0x0  }
.Ltmp1:
0x164: {  	s5 =	rddreg [dreg:$0x4];
	[sflag:s25] =	ssyncadd.s32 $0xFFFFEC00;
	(pc) =	sbr.rel @p0 .LBB2_4-.Ltmp1, $4  }
0x165: {  	[tilespmem:s16], [sflag:$0x5] =	stream.indirect.gather [hbm4b:s4+s7], $0x80, s10, s7, $0xb8;
	[tilespmem:$0x1B400] =	vst v63  }
0x166: {  	s13 =	sadd.s32 $0x800, s13;
	s6 =	rddreg [dreg:$0x3];
	s5 =	sadd.s32 s23, s5  }
0x167: {  	[tilespmem:s0], [sflag:$0xC] =	stream.linear.gather [hbm4b:s5+s2], $0x280, $0x38;
	[tilespmem:$0x1B400] =	vst v63  }
0x168: {  	s23 =	sadd.s32 s23, s6;
	s10 =	simm.s32 $0x2400;
	s0 =	simm.s32 $0x400  }
0x169: {  	[tilespmem:s8], [sflag:$0xE] =	stream.linear.gather [hbm4b:s23+s2], $0x280, $0x38;
	[tilespmem:$0x1B400] =	vst v63  }
0x16a: {  	_ =	swait.ge [sflag:s21], $0x1400  }
0x16b: {  	[sflag:s21] =	ssyncset.done $0x0  }
0x16c: {  	[sflag:s21] =	ssyncadd.s32 $0xFFFFEC00  }
0x16d: {  	[spmem:s1] =	stream.indirect.scatter.add.f32 [tilespmem:s17], [sflag:$0x6], $0x80, s19, s7, $0xb8;
	[tilespmem:$0x1B400] =	vst v63  }
0x16e: {  	_ =	swait.ge [sflag:s22], $0x1400  }
0x16f: {  	[sflag:s22] =	ssyncset.done $0x0  }
0x170: {  	s3 =	simm.s32 $0x880;
	[sflag:s22] =	ssyncadd.s32 $0xFFFFEC00  }
0x171: {  	[spmem:s1] =	stream.indirect.scatter.add.f32 [tilespmem:s10], [sflag:$0x7], $0x80, s3, s7, $0xb8;
	[tilespmem:$0x1B400] =	vst v63  }
0x172: {  	_ =	swait.ge [sflag:s24], $0x1400  }
0x173: {  	[sflag:s24] =	ssyncset.done $0x0  }
0x174: {  	s23 =	simm.s32 $0x900;
	[sflag:s24] =	ssyncadd.s32 $0xFFFFEC00  }
0x175: {  	[spmem:s1] =	stream.indirect.scatter.add.f32 [tilespmem:s12], [sflag:$0x8], $0x80, s23, s7, $0xb8;
	[tilespmem:$0x1B400] =	vst v63  }
0x176: {  	_ =	swait.ge [sflag:s28], $0x1400  }
0x177: {  	[sflag:s28] =	ssyncset.done $0x0  }
0x178: {  	s5 =	simm.s32 $0x980;
	[sflag:s28] =	ssyncadd.s32 $0xFFFFEC00  }
0x179: {  	[spmem:s1] =	stream.indirect.scatter.add.f32 [tilespmem:s14], [sflag:$0x9], $0x80, s5, s7, $0xb8;
	[tilespmem:$0x1B400] =	vst v63  }
0x17a: {  	_ =	swait.ge [sflag:s30], $0x1400  }
0x17b: {  	[sflag:s30] =	ssyncset.done $0x0  }
0x17c: {  	s6 =	simm.s32 $0xA00;
	[sflag:s30] =	ssyncadd.s32 $0xFFFFEC00  }
0x17d: {  	[spmem:s1] =	stream.indirect.scatter.add.f32 [tilespmem:s16], [sflag:$0xA], $0x80, s6, s7, $0xb8;
	[tilespmem:$0x1B400] =	vst v63  }
0x17e: {  	_ =	swait.ge [sflag:s31], $0x280  }
0x17f: {  	[sflag:s31] =	ssyncset.done $0x0  }
0x180: {  	[sflag:s31] =	ssyncadd.s32 $0xFFFFFD80  }
0x181: {  	_ =	swait.ge [sflag:s18], $0x280  }
0x182: {  	[sflag:s18] =	ssyncset.done $0x0  }
0x183: {  	[sflag:s18] =	ssyncadd.s32 $0xFFFFFD80  }
0x184: {  	_ =	swait.ge [sflag:s20], $0x1400  }
0x185: {  	[sflag:s20] =	ssyncset.done $0x0  }
0x186: {  	[sflag:s20] =	ssyncadd.s32 $0xFFFFEC00  }
0x187: {  	[tilespmem:s17], [sflag:$0x1] =	stream.indirect.gather [hbm4b:s4+s7], $0x80, s0, s7, $0xb8;
	[tilespmem:$0x1B400] =	vst v63  }
0x188: {  	_ =	swait.ge [sflag:s11], $0x1400  }
0x189: {  	[sflag:s11] =	ssyncset.done $0x0  }
0x18a: {  	s9 =	simm.s32 $0x480;
	[sflag:s11] =	ssyncadd.s32 $0xFFFFEC00  }
0x18b: {  	[tilespmem:s10], [sflag:$0x2] =	stream.indirect.gather [hbm4b:s4+s7], $0x80, s9, s7, $0xb8;
	[tilespmem:$0x1B400] =	vst v63  }
0x18c: {  	_ =	swait.ge [sflag:s15], $0x1400  }
0x18d: {  	[sflag:s15] =	ssyncset.done $0x0  }
0x18e: {  	s13 =	simm.s32 $0x500;
	[sflag:s15] =	ssyncadd.s32 $0xFFFFEC00  }
0x18f: {  	[tilespmem:s12], [sflag:$0x3] =	stream.indirect.gather [hbm4b:s4+s7], $0x80, s13, s7, $0xb8;
	[tilespmem:$0x1B400] =	vst v63  }
0x190: {  	_ =	swait.ge [sflag:s26], $0x1400  }
0x191: {  	[sflag:s26] =	ssyncset.done $0x0  }
0x192: {  	s19 =	simm.s32 $0x580;
	[sflag:s26] =	ssyncadd.s32 $0xFFFFEC00  }
0x193: {  	[tilespmem:s14], [sflag:$0x4] =	stream.indirect.gather [hbm4b:s4+s7], $0x80, s19, s7, $0xb8;
	[tilespmem:$0x1B400] =	vst v63  }
0x194: {  	_ =	swait.ge [sflag:s25], $0x1400  }
0x195: {  	[sflag:s25] =	ssyncset.done $0x0  }
0x196: {  	s23 =	simm.s32 $0x600;
	[sflag:s25] =	ssyncadd.s32 $0xFFFFEC00  }
0x197: {  	[tilespmem:s16], [sflag:$0x5] =	stream.indirect.gather [hbm4b:s4+s7], $0x80, s23, s7, $0xb8;
	[tilespmem:$0x1B400] =	vst v63  }
0x198: {  	_ =	swait.ge [sflag:s21], $0x1400  }
0x199: {  	[sflag:s21] =	ssyncset.done $0x0  }
0x19a: {  	[sflag:s21] =	ssyncadd.s32 $0xFFFFEC00  }
0x19b: {  	[spmem:s1] =	stream.indirect.scatter.add.f32 [tilespmem:s17], [sflag:$0x6], $0x80, s8, s7, $0xb8;
	[tilespmem:$0x1B400] =	vst v63  }
0x19c: {  	_ =	swait.ge [sflag:s22], $0x1400  }
0x19d: {  	[sflag:s22] =	ssyncset.done $0x0  }
0x19e: {  	s3 =	simm.s32 $0xC80;
	[sflag:s22] =	ssyncadd.s32 $0xFFFFEC00  }
0x19f: {  	[spmem:s1] =	stream.indirect.scatter.add.f32 [tilespmem:s10], [sflag:$0x7], $0x80, s3, s7, $0xb8;
	[tilespmem:$0x1B400] =	vst v63  }
0x1a0: {  	_ =	swait.ge [sflag:s24], $0x1400  }
0x1a1: {  	[sflag:s24] =	ssyncset.done $0x0  }
0x1a2: {  	s5 =	simm.s32 $0xD00;
	[sflag:s24] =	ssyncadd.s32 $0xFFFFEC00  }
0x1a3: {  	[spmem:s1] =	stream.indirect.scatter.add.f32 [tilespmem:s12], [sflag:$0x8], $0x80, s5, s7, $0xb8;
	[tilespmem:$0x1B400] =	vst v63  }
0x1a4: {  	_ =	swait.ge [sflag:s28], $0x1400  }
0x1a5: {  	[sflag:s28] =	ssyncset.done $0x0  }
0x1a6: {  	s6 =	simm.s32 $0xD80;
	[sflag:s28] =	ssyncadd.s32 $0xFFFFEC00  }
0x1a7: {  	[spmem:s1] =	stream.indirect.scatter.add.f32 [tilespmem:s14], [sflag:$0x9], $0x80, s6, s7, $0xb8;
	[tilespmem:$0x1B400] =	vst v63  }
0x1a8: {  	_ =	swait.ge [sflag:s30], $0x1400  }
0x1a9: {  	[sflag:s30] =	ssyncset.done $0x0  }
0x1aa: {  	s8 =	simm.s32 $0xE00;
	[sflag:s30] =	ssyncadd.s32 $0xFFFFEC00  }
0x1ab: {  	[spmem:s1] =	stream.indirect.scatter.add.f32 [tilespmem:s16], [sflag:$0xA], $0x80, s8, s7, $0xb8;
	[tilespmem:$0x1B400] =	vst v63  }
0x1ac: {  	_ =	swait.ge [sflag:s20], $0x1400  }
0x1ad: {  	[sflag:s20] =	ssyncset.done $0x0  }
0x1ae: {  	[sflag:s20] =	ssyncadd.s32 $0xFFFFEC00  }
0x1af: {  	_ =	swait.ge [sflag:s11], $0x1400  }
0x1b0: {  	[sflag:s11] =	ssyncset.done $0x0  }
0x1b1: {  	[sflag:s11] =	ssyncadd.s32 $0xFFFFEC00  }
0x1b2: {  	_ =	swait.ge [sflag:s15], $0x1400  }
0x1b3: {  	[sflag:s15] =	ssyncset.done $0x0  }
0x1b4: {  	[sflag:s15] =	ssyncadd.s32 $0xFFFFEC00  }
0x1b5: {  	_ =	swait.ge [sflag:s26], $0x1400  }
0x1b6: {  	[sflag:s26] =	ssyncset.done $0x0  }
0x1b7: {  	[sflag:s26] =	ssyncadd.s32 $0xFFFFEC00  }
0x1b8: {  	_ =	swait.ge [sflag:s25], $0x1400  }
0x1b9: {  	[sflag:s25] =	ssyncset.done $0x0  }
0x1ba: {  	[sflag:s25] =	ssyncadd.s32 $0xFFFFEC00  }
0x1bb: {  	s5 =	stileid.u32;
	[bflag:$0x0] =	sbarrier.arrive $0xFFFF  }
0x1bc: {  	s9 =	simm.s32 $0xF;
	s5 =	sshll.u32 s5, $0x6;
	s29 =	rddreg [dreg:$0x9]  }
0x1bd: {  	s5 =	sor.u32 $0x1C0F, s5;
	s13 =	rddreg [dreg:$0x17];
	s6 =	sshrl.u32 s29, $0x3  }
0x1be: {  	[hbm:s13], [sflag:s5] =	dma.local [spmem:s6], $0x2800  }
0x1bf: {  	_ =	swait.ge [sflag:s9], $0x2800  }
0x1c0: {  	s19 =	rddreg [dreg:$0x1e]  }
0x1c1: {  	s23 =	rddreg [dreg:$0x18];
	s13 =	sadd.s32 $0x1, s19  }
0x1c2: {  	p0 =	sne.s32 s13, s23  }
.Ltmp2:
0x1c3: {  	_ = 	snop;
	(pc) =	sbr.rel @p0 .LBB2_1-.Ltmp2, $4  }
0x1c4: {  	_ = 	snop  }
0x1c5: {  	s31 =	simm.s32 $0x80;
	s0 =	simm.s32 $0xB  }
0x1c6: {  	s3 =	simm.s32 $0xD;
	s8 =	simm.s32 $0xC00;
	[sflag:s9] =	ssyncset.done $0x0  }
0x1c7: {  	[sflag:s9] =	ssyncadd.s32 $0xFFFFD800;
	s19 =	simm.s32 $0x800;
	s9 =	simm.s32 $0x880  }
0x1c8: {  	_ =	sfence.sel $0x180000  }
0x1c9: {  	[bflag:$0x0] =	sbarrier.arrive $0xFFFF  }
0x1ca: {  	_ =	strace $0x9000004A  }
0x1cb: {  	s0 =	stileid.u32;
	[bflag:$0x2] =	sbarrier.arrive $0xFFFF  }
0x1cc: {  	p0 =	sne.s32 s0, $0x0;
	s0 =	rddreg [dreg:$0x2]  }
0x1cd: {  	s0 =	sadd.s32 @!p0 $0x100000, s0  }
0x1ce: {  	[sflag:s0] =	ssyncadd.tile.s32 @!p0 $0x1;
	_ =	shalt  }
.Lfunc_end2:
_tile_overlayer_lowered:
.L_overlay_start_2:
0x1cf: {  	(tag) =	ssettag $0x2  }
0x1d0: {  	s0 =	rddreg [dreg:$0x0];
	s2 =	stileid.u32  }
0x1d1: {  	s1 =	rddreg [dreg:$0x1];
	p0 =	sne.s32 s2, $0x0  }
0x1d2: {  	s3 =	rddreg [dreg:$0x2];
	[bflag:$0x3] =	sbarrier.arrive $0xFFFF;
	s2 =	simm.s32 @!p0 $0x1C0F  }
0x1d3: {  	[timem:s3], [sflag:s2] =	dma.local @!p0 [hbm:s0], s1  }
0x1d4: {  	s0 =	simm.s32 @!p0 $0xF  }
0x1d5: {  	_ =	swait.ge @!p0 [sflag:s0], s1  }
0x1d6: {  	s1 =	ssub.s32 @!p0 $0x0, s1;
	[sflag:s0] =	ssyncset.done @!p0 $0x0  }
0x1d7: {  	[sflag:s0] =	ssyncadd.s32 @!p0 s1  }
0x1d8: {  	[bflag:$0x3] =	sbarrier.arrive $0xFFFF  }
0x1d9: {  	_ =	shalt  }

// kernel: kernel.14.cloned.1.call-start
scs
__scs_entry_jumppad:
0x0: {  	(pc) =	sbr.rel $0x88, $3  }
0x1: {  	(tag) =	ssettag $0x0;
	lr =	simm.s32 $0x1  }
0x2: {  	[smem:$0x3F99] =	sst lr;
	_ =	strace $0xD0000000  }
0x3: {  	_ = 	snop  }
0x4: {  	_ = 	snop  }
0x5: {  	_ = 	snop  }
0x6: {  	_ = 	snop  }
0x7: {  	_ = 	snop  }
__scs_overlays_trampoline_lowered:
0x8: {  	[smem:$0x3FA8] =	sst s0  }
0x9: {  	[smem:$0x3FA9] =	sst s1  }
0xa: {  	[smem:$0x3FAA] =	sst s2  }
0xb: {  	[smem:$0x3FAB] =	sst s3  }
0xc: {  	[smem:$0x3FAC] =	sst s4  }
0xd: {  	[smem:$0x3FAD] =	sst s5  }
0xe: {  	[smem:$0x3FAE] =	sst s6  }
0xf: {  	[smem:$0x3FAF] =	sst s7  }
0x10: {  	[smem:$0x3FB0] =	sst s8  }
0x11: {  	[smem:$0x3FB1] =	sst s9;
	s0 =	simm.s32 @!p0 $0x0  }
0x12: {  	s1 =	sld [smem:$0x3F97];
	s0 =	simm.s32 @p0 $0x1  }
0x13: {  	[smem:$0x3FB2] =	sst s0;
	s0 =	simm.s32 @!p1 $0x0  }
0x14: {  	s2 =	sld [smem:$0x3F96];
	s0 =	simm.s32 @p1 $0x1  }
0x15: {  	[smem:$0x3FB3] =	sst s0;
	s0 =	simm.s32 @!p2 $0x0  }
0x16: {  	s3 =	sld [smem:$0x3FDB];
	s0 =	simm.s32 @p2 $0x1  }
0x17: {  	s4 =	simm.s32 $0x1BF5;
	[smem:$0x3FB5] =	sst s0  }
0x18: {  	s0 =	sld [smem:$0x3F98];
	_ =	swait.ge [sflag:s4], $0x0  }
0x19: {  	s7 =	sld [smem:$0x3F99]  }
0x1a: {  	s8 =	sadd.s32 $0xFFFFE003, lr  }
0x1b: {  	s9 =	sadd.s32 $0xFFFFFEF7, lr;
	s5 =	simm.s32 $0xFFFFFFFF;
	p2 =	slt.u32 s8, $0xFFFFF086  }
0x1c: {  	p1 =	slt.u32 s9, $0xF7A;
	s5 =	simm.s32 @!p2 $0x0  }
0x1d: {  	s5 =	simm.s32 @p1 $0x1;
	p0 =	seq.s32 s7, s2  }
0x1e: {  	s7 =	smul.u32 @!p0 $0xF7A, s2;
	p2 =	seq.s32 @!p0 s5, $0x0  }
0x1f: {  	s9 =	smul.u32 $0xF7A, s1;
	s8 =	simm.s32 @!p0 $0x1BF5;
	p2 =	por !p2, p0  }
0x20: {  	[sflag:s8] =	ssyncset.s32 @!p0 $0xFFFFF086;
	s6 =	sadd.s32 @!p0 s3, s7;
	s7 =	simm.s32 @!p0 $0x108  }
0x21: {  	s3 =	sadd.s32 s3, s9;
	s6 =	sadd.s32 @!p0 $0x88, s6;
	s7 =	simm.s32 @p2 $0x1082  }
0x22: {  	[simem:s7], [sflag:s8] =	dma.local @!p0 [hbm:s6], $0xF7A  }
0x23: {  	s9 =	sor.u32 $0xD0000000, s2;
	s6 =	simm.s32 $0x108;
	_ =	swait.ge @!p0 [sflag:s8], $0x0  }
0x24: {  	s3 =	sadd.s32 $0x88, s3;
	s6 =	simm.s32 @!p1 $0x1082;
	[sflag:s4] =	ssyncset.s32 $0xFFFFF086  }
0x25: {  	[simem:s6], [sflag:s4] =	dma.local [hbm:s3], $0xF7A  }
0x26: {  	[smem:$0x3F99] =	sst s1;
	(tag) =	ssettag s2;
	_ =	strace s9  }
0x27: {  	s1 =	sld [smem:$0x3FA9]  }
0x28: {  	s2 =	sld [smem:$0x3FAA]  }
0x29: {  	s4 =	sld [smem:$0x3FAC]  }
0x2a: {  	p0 =	seq.s32 s5, $0x0;
	s5 =	sld [smem:$0x3FAD]  }
0x2b: {  	s6 =	sld [smem:$0x3FAE]  }
0x2c: {  	s7 =	sld [smem:$0x3FAF]  }
0x2d: {  	s3 =	simm.s32 $0x108;
	s8 =	sld [smem:$0x3FB0]  }
0x2e: {  	s3 =	simm.s32 @!p0 $0x1082;
	s9 =	sld [smem:$0x3FB1]  }
0x2f: {  	lr =	sadd.s32 s0, s3;
	s0 =	sld [smem:$0x3FA8]  }
0x30: {  	s3 =	sld [smem:$0x3FAB]  }
0x31: {  	[smem:$0x3FB4] =	sst s10  }
0x32: {  	s10 =	sld [smem:$0x3FB2];
	_ =	sdelay $0x3  }
0x33: {  	p0 =	seq.s32 s10, $0x1;
	s10 =	sld [smem:$0x3FB4];
	_ =	sdelay $0x3  }
0x34: {  	[smem:$0x3FB4] =	sst s10  }
0x35: {  	s10 =	sld [smem:$0x3FB3];
	_ =	sdelay $0x3  }
0x36: {  	p1 =	seq.s32 s10, $0x1;
	s10 =	sld [smem:$0x3FB4];
	_ =	sdelay $0x3  }
0x37: {  	[smem:$0x3FB4] =	sst s10  }
0x38: {  	s10 =	sld [smem:$0x3FB5]  }
0x39: {  	_ = 	snop;
	(pc) =	sbr.ind lr, $3  }
0x3a: {  	_ = 	snop  }
0x3b: {  	_ = 	snop  }
0x3c: {  	p2 =	seq.s32 s10, $0x1;
	s10 =	sld [smem:$0x3FB4]  }
0x3d: {  	_ =	shalt  }
0x3e: {  	_ =	shalt  }
0x3f: {  	_ =	shalt  }
0x40: {  	_ =	shalt  }
0x41: {  	_ =	shalt  }
0x42: {  	_ =	shalt  }
0x43: {  	_ =	shalt  }
0x44: {  	_ =	shalt  }
0x45: {  	_ =	shalt  }
0x46: {  	_ =	shalt  }
0x47: {  	_ =	shalt  }
0x48: {  	_ =	shalt  }
0x49: {  	_ =	shalt  }
0x4a: {  	_ =	shalt  }
0x4b: {  	_ =	shalt  }
0x4c: {  	_ =	shalt  }
0x4d: {  	_ =	shalt  }
0x4e: {  	_ =	shalt  }
0x4f: {  	_ =	shalt  }
0x50: {  	_ =	shalt  }
0x51: {  	_ =	shalt  }
0x52: {  	_ =	shalt  }
0x53: {  	_ =	shalt  }
0x54: {  	_ =	shalt  }
0x55: {  	_ =	shalt  }
0x56: {  	_ =	shalt  }
0x57: {  	_ =	shalt  }
0x58: {  	_ =	shalt  }
0x59: {  	_ =	shalt  }
0x5a: {  	_ =	shalt  }
0x5b: {  	_ =	shalt  }
0x5c: {  	_ =	shalt  }
0x5d: {  	_ =	shalt  }
0x5e: {  	_ =	shalt  }
0x5f: {  	_ =	shalt  }
0x60: {  	_ =	shalt  }
0x61: {  	_ =	shalt  }
0x62: {  	_ =	shalt  }
0x63: {  	_ =	shalt  }
0x64: {  	_ =	shalt  }
0x65: {  	_ =	shalt  }
0x66: {  	_ =	shalt  }
0x67: {  	_ =	shalt  }
0x68: {  	_ =	shalt  }
0x69: {  	_ =	shalt  }
0x6a: {  	_ =	shalt  }
0x6b: {  	_ =	shalt  }
0x6c: {  	_ =	shalt  }
0x6d: {  	_ =	shalt  }
0x6e: {  	_ =	shalt  }
0x6f: {  	_ =	shalt  }
0x70: {  	_ =	shalt  }
0x71: {  	_ =	shalt  }
0x72: {  	_ =	shalt  }
0x73: {  	_ =	shalt  }
0x74: {  	_ =	shalt  }
0x75: {  	_ =	shalt  }
0x76: {  	_ =	shalt  }
0x77: {  	_ =	shalt  }
0x78: {  	_ =	shalt  }
0x79: {  	_ =	shalt  }
0x7a: {  	_ =	shalt  }
0x7b: {  	_ =	shalt  }
0x7c: {  	_ =	shalt  }
0x7d: {  	_ =	shalt  }
0x7e: {  	_ =	shalt  }
0x7f: {  	_ =	shalt  }
0x80: {  	_ =	shalt  }
0x81: {  	_ =	shalt  }
0x82: {  	_ =	shalt  }
0x83: {  	_ =	shalt  }
0x84: {  	_ =	shalt  }
0x85: {  	_ =	shalt  }
0x86: {  	_ =	shalt  }
0x87: {  	_ =	shalt  }
.Lfunc_end0:
.L_simem_size_0:
called_computation.2_lowered:
.L_overlay_start_0:
0x88: {  	s2 =	sld [smem:$0x3FD9]  }
0x89: {  	s3 =	sld [smem:$0x3FFE];
	_ =	sdelay $0x1  }
0x8a: {  	s1 =	srdreg.scid  }
0x8b: {  	s0 =	sand.u32 $0x1, s1  }
0x8c: {  	s16 =	sshll.u32 s0, $0xA;
	s2 =	sadd.s32 s3, s2  }
0x8d: {  	s2 =	sadd.s32 s2, s16  }
0x8e: {  	[smem:$0x3FC0] =	sst s2  }
0x8f: {  	_ = 	snop  }
0x90: {  	(tm) =	ssettm $0x1  }
0x91: {  	s17 =	sld [smem:$0x3FFB];
	_ =	sdelay $0x3  }
0x92: {  	_ =	strace s17  }
0x93: {  	s2 =	sld [smem:$0x3FFC];
	_ =	sdelay $0x3  }
0x94: {  	_ =	strace s2  }
0x95: {  	s2 =	sld [smem:$0x3FFD];
	_ =	sdelay $0x3  }
0x96: {  	_ =	strace s2  }
0x97: {  	_ =	strace $0x8FFFFFFF  }
0x98: {  	s18 =	sld [smem:$0x3FDB];
	_ =	sdelay $0x1  }
0x99: {  	s19 =	simm.s32 $_scs_section_size  }
0x9a: {  	s4 =	simm.s32 $_size__tile_overlayer_lowered;
	s5 =	simm.s32 $_tile_overlayer_lowered  }
0x9b: {  	s22 =	simm.s32 $0x1BFF;
	s21 =	sshll.u32 s5, $0x1;
	s2 =	sadd.s32 s19, s18  }
0x9c: {  	s6 =	simm.s32 $0x0;
	s20 =	sshll.u32 s4, $0x1;
	s4 =	sadd.s32 s21, s2  }
0x9d: {  	[timem:s6], [sflag:s22] =	dma.local [hbm:s4], s20  }
0x9e: {  	_ =	swait.ge [sflag:s22], s20  }
0x9f: {  	s3 =	ssub.s32 $0x0, s20;
	[sflag:s22] =	ssyncset.done $0x0  }
0xa0: {  	[sflag:s22] =	ssyncadd.s32 s3;
	_ =	sdelay $0x1  }
0xa1: {  	s23 =	simm.s32 $0x1B8B  }
0xa2: {  	_ =	swait.ge [sflag:s23], $0x1  }
0xa3: {  	[sflag:s23] =	ssyncset.done $0x0  }
0xa4: {  	s25 =	simm.s32 $0x1B8E;
	s24 =	sld [smem:$0x3FFE];
	[sflag:s23] =	ssyncadd.s32 $0xFFFFFFFF  }
0xa5: {  	s26 =	simm.s32 $execute0_lowered;
	[smem:$0x3FD2] =	sst s25  }
0xa6: {  	s4 =	sshll.u32 s26, $0x1;
	_ =	strace $0x8000004C;
	[dreg:$0x1] =	wrdreg $0xFFFFFFFF  }
0xa7: {  	s28 =	simm.s32 $_size_execute0_lowered;
	s2 =	sadd.s32 s2, s4;
	[dreg:$0x0] =	wrdreg $0x0  }
0xa8: {  	s4 =	sshll.u32 s28, $0x1;
	[dreg:$0x2] =	wrdreg s2  }
0xa9: {  	[dreg:$0x3] =	wrdreg s4  }
0xaa: {  	[dreg:$0x4] =	wrdreg $0xC0  }
0xab: {  	_ =	task [dreg:s6], $0x5FFFF  }
0xac: {  	[dreg:$0x1] =	wrdreg $0xFFFFFFFF  }
0xad: {  	[dreg:$0x0] =	wrdreg $0x60  }
0xae: {  	[dreg:$0x2] =	wrdreg s24  }
0xaf: {  	[dreg:$0x3] =	wrdreg $0x74000  }
0xb0: {  	[dreg:$0x4] =	wrdreg $0x9  }
0xb1: {  	_ =	task.clear_ibuf [dreg:s6], $0x5FFFF;
	_ =	strace $0x9000004C  }
0xb2: {  	s29 =	simm.s32 $0x9;
	_ =	strace $0x8000004E  }
0xb3: {  	_ =	swait.ge [sflag:s29], $0x1  }
0xb4: {  	[sflag:s29] =	ssyncadd.s32 $0xFFFFFFFF  }
0xb5: {  	_ =	strace $0x9000004E  }
0xb6: {  	_ =	sfence  }
0xb7: {  	s30 =	sld [smem:$0x0];
	_ =	sdelay $0x2  }
0xb8: {  	s31 =	sshll.u32 s1, $0xD;
	s1 =	sshrl.u32 s1, $0x2  }
0xb9: {  	s3 =	sand.u32 $0x4000, s31;
	s1 =	sadd.s32 s1, s30  }
0xba: {  	s0 =	sor.u32 s3, s0;
	s1 =	sshll.u32 s1, $0x11  }
0xbb: {  	s0 =	sor.u32 s1, s0  }
0xbc: {  	s0 =	sadd.s32 $0x8F2B, s0  }
0xbd: {  	[sflag:s0] =	ssyncadd.remote.s32 $0x1  }
0xbe: {  	_ =	sfence.sel $0xFFFF  }
0xbf: {  	[dreg:$0x0] =	wrdreg $0xFFFFFFFF;
	(pc) =	sbr.abs _section_cstart, $3  }
0xc0: {  	[dreg:$0x1] =	wrdreg $0xFFFFFFFF  }
0xc1: {  	_ =	task.clear_ibuf [dreg:s6], $0x2FFFF;
	_ =	strace $0x9FFFFFFF  }
0xc2: {  	(tm) =	ssettm $0x7FFFFFFF  }
0xc3: {  	_ =	shalt  }
tec
execute0_lowered:
.L_overlay_start_1:
0x0: {  	(tag) =	ssettag $0x1  }
0x1: {  	s0 =	rddreg [dreg:$0x0]  }
0x2: {  	s1 =	rddreg [dreg:$0x1]  }
0x3: {  	s2 =	simm.s32 $0x0;
	s3 =	srdreg.scid;
	s5 =	stileid.u32  }
0x4: {  	s31 =	simm.s32 $0x80;
	s28 =	simm.s32 $0x4;
	s30 =	simm.s32 $0x5  }
0x5: {  	[smem:$0x7FF] =	sst s2;
	s3 =	sand.u32 $0x1, s3;
	s8 =	smul.u32 $0x14000, s5  }
0x6: {  	s4 =	sadd.s32 $0x7A400, s0;
	s9 =	sshll.u32 s5, $0x1;
	s11 =	smul.u32 $0x50000, s5  }
0x7: {  	s18 =	sadd.s32 $0x48400, s0;
	s6 =	sadd.s32 $0x16400, s0;
	s20 =	smul.u32 $0x19000, s5  }
0x8: {  	_ =	strace $0x8000004D;
	s7 =	smul.u32 $0x140000, s3;
	s9 =	sor.u32 s3, s9  }
0x9: {  	s19 =	ssub.s32 $0x2, s3;
	[dreg:$0x5] =	wrdreg s18;
	s21 =	sshrl.u32 s11, $0x2  }
0xa: {  	s3 =	smul.u32 $0xC800, s3;
	[dreg:$0x6] =	wrdreg s6;
	s29 =	sadd.s32 s21, s1  }
0xb: {  	s9 =	smul.u32 $0xC800, s9;
	s24 =	sadd.s32 $0x1400, s29;
	[dreg:$0x9] =	wrdreg s29  }
0xc: {  	s10 =	sshrl.u32 s19, $0x1;
	s25 =	sadd.s32 $0x2800, s29;
	[dreg:$0xa] =	wrdreg s24  }
0xd: {  	s7 =	sadd.s32 s8, s7;
	s26 =	sadd.s32 $0x3C00, s29;
	[dreg:$0xb] =	wrdreg s25  }
0xe: {  	s3 =	sadd.s32 s3, s20;
	s8 =	sadd.s32 $0x5000, s29;
	[dreg:$0xc] =	wrdreg s26  }
0xf: {  	s7 =	sshrl.u32 s7, $0x3;
	s11 =	sadd.s32 $0x7800, s29;
	[dreg:$0xd] =	wrdreg s8  }
0x10: {  	s9 =	sshrl.u32 s9, $0x3;
	s12 =	sadd.s32 $0x8C00, s29;
	[dreg:$0xf] =	wrdreg s11  }
0x11: {  	s13 =	sadd.s32 $0xA000, s29;
	s15 =	sadd.s32 $0xB400, s29;
	[dreg:$0x10] =	wrdreg s12  }
0x12: {  	s16 =	sadd.s32 $0xC800, s29;
	s17 =	sadd.s32 $0xDC00, s29;
	[dreg:$0x11] =	wrdreg s13  }
0x13: {  	s0 =	sadd.s32 s7, s0;
	s7 =	ssub.s32 s19, s10;
	[dreg:$0x12] =	wrdreg s15  }
0x14: {  	s22 =	sadd.s32 s18, s9;
	s23 =	sadd.s32 s6, s9;
	[dreg:$0x13] =	wrdreg s16  }
0x15: {  	s8 =	sadd.s32 $0xC00, s3;
	s10 =	sadd.s32 $0x6400, s29;
	[dreg:$0x14] =	wrdreg s17  }
0x16: {  	s9 =	sor.u32 $0x80, s9;
	s24 =	sadd.s32 $0x10400, s29;
	s25 =	sadd.s32 $0x11800, s29  }
0x17: {  	s26 =	sadd.s32 $0x12C00, s29;
	s12 =	simm.s32 $0x3800;
	[dreg:$0x7] =	wrdreg s22  }
0x18: {  	s16 =	simm.s32 $0x6000;
	s17 =	simm.s32 $0x1000;
	[dreg:$0x8] =	wrdreg s23  }
0x19: {  	s11 =	simm.s32 $0x7;
	s15 =	simm.s32 $0x8;
	[dreg:$0xe] =	wrdreg s10  }
0x1a: {  	s13 =	simm.s32 $0x0;
	s8 =	sshrl.u32 s8, $0x3;
	[dreg:$0x1b] =	wrdreg s24  }
0x1b: {  	s19 =	sadd.s32 s18, s9;
	s20 =	sadd.s32 s6, s9;
	[dreg:$0x1c] =	wrdreg s25  }
0x1c: {  	s0 =	sadd.s32 $0xA2400, s0;
	s21 =	smax.u32 s7, $0x1;
	[dreg:$0x1d] =	wrdreg s26  }
0x1d: {  	s22 =	sadd.s32 $0x800, s3;
	s23 =	sadd.s32 $0xF000, s29;
	[dreg:$0x15] =	wrdreg s19  }
0x1e: {  	s3 =	simm.s32 $0xD;
	s7 =	simm.s32 $0x28;
	[dreg:$0x16] =	wrdreg s20  }
0x1f: {  	s10 =	simm.s32 $0x2400;
	s9 =	simm.s32 $0x880;
	[dreg:$0x17] =	wrdreg s0  }
0x20: {  	s24 =	simm.s32 $0x3;
	s26 =	simm.s32 $0x9;
	[dreg:$0x18] =	wrdreg s21  }
0x21: {  	s25 =	simm.s32 $0xA;
	s14 =	sadd.s32 s8, s6;
	[dreg:$0x19] =	wrdreg s22  }
0x22: {  	s8 =	sadd.s32 s8, s18;
	[dreg:$0x1a] =	wrdreg s23;
	s19 =	simm.s32 $0x800  }
0x23: {  	s0 =	simm.s32 $0xB;
	s20 =	simm.s32 $0x6;
	s21 =	simm.s32 $0x1  }
0x24: {  	s22 =	simm.s32 $0x2;
	s18 =	simm.s32 $0xE;
	[dreg:$0x3] =	wrdreg s14  }
0x25: {  	v0 =	vimm.f32 $0.0e+00;
	[dreg:$0x4] =	wrdreg s8;
	s14 =	simm.s32 $0x4C00;
	s8 =	simm.s32 $0xC00  }
.LBB2_1:
0x26: {  	s5 =	rddreg [dreg:$0x7]  }
0x27: {  	[tilespmem:s2], [sflag:$0xB] =	stream.linear.gather [hbm4b:s5+s2], $0x280, $0x38;
	[tilespmem:$0x1B400] =	vst v63  }
0x28: {  	s23 =	rddreg [dreg:$0x8]  }
0x29: {  	[tilespmem:s19], [sflag:$0xD] =	stream.linear.gather [hbm4b:s23+s2], $0x280, $0x38;
	[tilespmem:$0x1B400] =	vst v63  }
0x2a: {  	[dreg:$0x1e] =	wrdreg s13;
	s13 =	simm.s32 $0x0;
	s23 =	simm.s32 $0x200  }
.LBB2_2:
0x2b: {  	p0 =	sne.s32 s23, $0x4E00;
	[tilespmem:s13+$0x1070] =	vst v0  }
0x2c: {  	[tilespmem:s13+$0x1000] =	vst v0  }
0x2d: {  	[tilespmem:s13+$0x1010] =	vst v0  }
.Ltmp0:
0x2e: {  	[tilespmem:s13+$0x1020] =	vst v0;
	(pc) =	sbr.rel @p0 .LBB2_2-.Ltmp0, $4  }
0x2f: {  	[tilespmem:s13+$0x1030] =	vst v0  }
0x30: {  	[tilespmem:s13+$0x1040] =	vst v0  }
0x31: {  	[tilespmem:s13+$0x1050] =	vst v0  }
0x32: {  	[tilespmem:s13+$0x1060] =	vst v0;
	s13 =	sshra.s32 s23, $0x2;
	s23 =	sadd.s32 $0x200, s23  }
0x33: {  	[tilespmem:s13+$0x1070] =	vst v0  }
0x34: {  	[tilespmem:s13+$0x1000] =	vst v0  }
0x35: {  	[tilespmem:s13+$0x1010] =	vst v0  }
0x36: {  	[tilespmem:s13+$0x1020] =	vst v0  }
0x37: {  	[tilespmem:s13+$0x1030] =	vst v0  }
0x38: {  	[tilespmem:s13+$0x1040] =	vst v0  }
0x39: {  	[tilespmem:s13+$0x1050] =	vst v0  }
0x3a: {  	[tilespmem:s13+$0x1060] =	vst v0  }
0x3b: {  	_ =	swait.ge [sflag:s0], $0x280  }
0x3c: {  	[sflag:s0] =	ssyncset.done $0x0  }
0x3d: {  	[sflag:s0] =	ssyncadd.s32 $0xFFFFFD80  }
0x3e: {  	_ =	swait.ge [sflag:s3], $0x280  }
0x3f: {  	[sflag:s3] =	ssyncset.done $0x0  }
0x40: {  	[sflag:s3] =	ssyncadd.s32 $0xFFFFFD80  }
0x41: {  	[tilespmem:s10], [sflag:$0x2] =	stream.indirect.gather [hbm4b:s4+s7], $0x80, s31, s7, $0xb8;
	[tilespmem:$0x1B400] =	vst v63  }
0x42: {  	s5 =	simm.s32 $0x100  }
0x43: {  	[tilespmem:s12], [sflag:$0x3] =	stream.indirect.gather [hbm4b:s4+s7], $0x80, s5, s7, $0xb8;
	[tilespmem:$0x1B400] =	vst v63  }
0x44: {  	s6 =	simm.s32 $0x180  }
0x45: {  	[tilespmem:s14], [sflag:$0x4] =	stream.indirect.gather [hbm4b:s4+s7], $0x80, s6, s7, $0xb8;
	[tilespmem:$0x1B400] =	vst v63  }
0x46: {  	s13 =	simm.s32 $0x200  }
0x47: {  	[tilespmem:s16], [sflag:$0x5] =	stream.indirect.gather [hbm4b:s4+s7], $0x80, s13, s7, $0xb8;
	[tilespmem:$0x1B400] =	vst v63  }
0x48: {  	_ = 	snop  }
0x49: {  	[spmem:s29] =	stream.linear.scatter [tilespmem:s17], [sflag:$0x6], $0x1400, $0x38;
	[tilespmem:$0x1B400] =	vst v63  }
0x4a: {  	s23 =	rddreg [dreg:$0xa]  }
0x4b: {  	[spmem:s23] =	stream.linear.scatter [tilespmem:s17], [sflag:$0x6], $0x1400, $0x38;
	[tilespmem:$0x1B400] =	vst v63  }
0x4c: {  	s6 =	rddreg [dreg:$0xb]  }
0x4d: {  	[spmem:s6] =	stream.linear.scatter [tilespmem:s17], [sflag:$0x6], $0x1400, $0x38;
	[tilespmem:$0x1B400] =	vst v63  }
0x4e: {  	s13 =	rddreg [dreg:$0xc]  }
0x4f: {  	[spmem:s13] =	stream.linear.scatter [tilespmem:s17], [sflag:$0x6], $0x1400, $0x38;
	[tilespmem:$0x1B400] =	vst v63  }
0x50: {  	s23 =	rddreg [dreg:$0xd]  }
0x51: {  	[spmem:s23] =	stream.linear.scatter [tilespmem:s17], [sflag:$0x6], $0x1400, $0x38;
	[tilespmem:$0x1B400] =	vst v63  }
0x52: {  	s6 =	rddreg [dreg:$0xe]  }
0x53: {  	[spmem:s6] =	stream.linear.scatter [tilespmem:s17], [sflag:$0x6], $0x1400, $0x38;
	[tilespmem:$0x1B400] =	vst v63  }
0x54: {  	s13 =	rddreg [dreg:$0xf]  }
0x55: {  	[spmem:s13] =	stream.linear.scatter [tilespmem:s17], [sflag:$0x6], $0x1400, $0x38;
	[tilespmem:$0x1B400] =	vst v63  }
0x56: {  	s23 =	rddreg [dreg:$0x10]  }
0x57: {  	[spmem:s23] =	stream.linear.scatter [tilespmem:s17], [sflag:$0x6], $0x1400, $0x38;
	[tilespmem:$0x1B400] =	vst v63  }
0x58: {  	s6 =	rddreg [dreg:$0x11]  }
0x59: {  	[spmem:s6] =	stream.linear.scatter [tilespmem:s17], [sflag:$0x6], $0x1400, $0x38;
	[tilespmem:$0x1B400] =	vst v63  }
0x5a: {  	s13 =	rddreg [dreg:$0x12]  }
0x5b: {  	[spmem:s13] =	stream.linear.scatter [tilespmem:s17], [sflag:$0x6], $0x1400, $0x38;
	[tilespmem:$0x1B400] =	vst v63  }
0x5c: {  	s23 =	rddreg [dreg:$0x13]  }
0x5d: {  	[spmem:s23] =	stream.linear.scatter [tilespmem:s17], [sflag:$0x6], $0x1400, $0x38;
	[tilespmem:$0x1B400] =	vst v63  }
0x5e: {  	s6 =	rddreg [dreg:$0x14]  }
0x5f: {  	[spmem:s6] =	stream.linear.scatter [tilespmem:s17], [sflag:$0x6], $0x1400, $0x38;
	[tilespmem:$0x1B400] =	vst v63  }
0x60: {  	s13 =	rddreg [dreg:$0x1a]  }
0x61: {  	[spmem:s13] =	stream.linear.scatter [tilespmem:s17], [sflag:$0x6], $0x1400, $0x38;
	[tilespmem:$0x1B400] =	vst v63  }
0x62: {  	s23 =	rddreg [dreg:$0x1b]  }
0x63: {  	[spmem:s23] =	stream.linear.scatter [tilespmem:s17], [sflag:$0x6], $0x1400, $0x38;
	[tilespmem:$0x1B400] =	vst v63  }
0x64: {  	s6 =	rddreg [dreg:$0x1c]  }
0x65: {  	[spmem:s6] =	stream.linear.scatter [tilespmem:s17], [sflag:$0x6], $0x1400, $0x38;
	[tilespmem:$0x1B400] =	vst v63  }
0x66: {  	s13 =	rddreg [dreg:$0x1d]  }
0x67: {  	[spmem:s13] =	stream.linear.scatter [tilespmem:s17], [sflag:$0x6], $0x1400, $0x38;
	[tilespmem:$0x1B400] =	vst v63  }
0x68: {  	s29 =	simm.s32 $0x400;
	s23 =	rddreg [dreg:$0x15];
	s13 =	simm.s32 $0x0  }
0x69: {  	[tilespmem:s29], [sflag:$0xC] =	stream.linear.gather [hbm4b:s23+s13], $0x280, $0x38;
	[tilespmem:$0x1B400] =	vst v63  }
0x6a: {  	s6 =	rddreg [dreg:$0x16]  }
0x6b: {  	[tilespmem:s8], [sflag:$0xE] =	stream.linear.gather [hbm4b:s6+s13], $0x280, $0x38;
	[tilespmem:$0x1B400] =	vst v63  }
0x6c: {  	_ =	swait.ge [sflag:s20], $0x1400  }
0x6d: {  	[sflag:s20] =	ssyncset.done $0x0  }
0x6e: {  	[sflag:s20] =	ssyncadd.s32 $0xFFFFEC00  }
0x6f: {  	_ =	swait.ge [sflag:s20], $0x1400  }
0x70: {  	[sflag:s20] =	ssyncset.done $0x0  }
0x71: {  	[sflag:s20] =	ssyncadd.s32 $0xFFFFEC00  }
0x72: {  	_ =	swait.ge [sflag:s20], $0x1400  }
0x73: {  	[sflag:s20] =	ssyncset.done $0x0  }
0x74: {  	[sflag:s20] =	ssyncadd.s32 $0xFFFFEC00  }
0x75: {  	_ =	swait.ge [sflag:s20], $0x1400  }
0x76: {  	[sflag:s20] =	ssyncset.done $0x0  }
0x77: {  	[sflag:s20] =	ssyncadd.s32 $0xFFFFEC00  }
0x78: {  	_ =	swait.ge [sflag:s20], $0x1400  }
0x79: {  	[sflag:s20] =	ssyncset.done $0x0  }
0x7a: {  	[sflag:s20] =	ssyncadd.s32 $0xFFFFEC00  }
0x7b: {  	_ =	swait.ge [sflag:s20], $0x1400  }
0x7c: {  	[sflag:s20] =	ssyncset.done $0x0  }
0x7d: {  	[sflag:s20] =	ssyncadd.s32 $0xFFFFEC00  }
0x7e: {  	_ =	swait.ge [sflag:s20], $0x1400  }
0x7f: {  	[sflag:s20] =	ssyncset.done $0x0  }
0x80: {  	[sflag:s20] =	ssyncadd.s32 $0xFFFFEC00  }
0x81: {  	_ =	swait.ge [sflag:s20], $0x1400  }
0x82: {  	[sflag:s20] =	ssyncset.done $0x0  }
0x83: {  	[sflag:s20] =	ssyncadd.s32 $0xFFFFEC00  }
0x84: {  	_ =	swait.ge [sflag:s20], $0x1400  }
0x85: {  	[sflag:s20] =	ssyncset.done $0x0  }
0x86: {  	[sflag:s20] =	ssyncadd.s32 $0xFFFFEC00  }
0x87: {  	_ =	swait.ge [sflag:s20], $0x1400  }
0x88: {  	[sflag:s20] =	ssyncset.done $0x0  }
0x89: {  	[sflag:s20] =	ssyncadd.s32 $0xFFFFEC00  }
0x8a: {  	_ =	swait.ge [sflag:s20], $0x1400  }
0x8b: {  	[sflag:s20] =	ssyncset.done $0x0  }
0x8c: {  	[sflag:s20] =	ssyncadd.s32 $0xFFFFEC00  }
0x8d: {  	_ =	swait.ge [sflag:s20], $0x1400  }
0x8e: {  	[sflag:s20] =	ssyncset.done $0x0  }
0x8f: {  	[sflag:s20] =	ssyncadd.s32 $0xFFFFEC00  }
0x90: {  	_ =	swait.ge [sflag:s20], $0x1400  }
0x91: {  	[sflag:s20] =	ssyncset.done $0x0  }
0x92: {  	[sflag:s20] =	ssyncadd.s32 $0xFFFFEC00  }
0x93: {  	_ =	swait.ge [sflag:s20], $0x1400  }
0x94: {  	[sflag:s20] =	ssyncset.done $0x0  }
0x95: {  	[sflag:s20] =	ssyncadd.s32 $0xFFFFEC00  }
0x96: {  	_ =	swait.ge [sflag:s20], $0x1400  }
0x97: {  	[sflag:s20] =	ssyncset.done $0x0  }
0x98: {  	[sflag:s20] =	ssyncadd.s32 $0xFFFFEC00  }
0x99: {  	_ =	swait.ge [sflag:s20], $0x1400  }
0x9a: {  	[sflag:s20] =	ssyncset.done $0x0  }
0x9b: {  	[sflag:s20] =	ssyncadd.s32 $0xFFFFEC00  }
0x9c: {  	[tilespmem:s17], [sflag:$0x1] =	stream.indirect.gather [hbm4b:s4+s7], $0x80, s13, s7, $0xb8;
	[tilespmem:$0x1B400] =	vst v63  }
0x9d: {  	[bflag:$0x0] =	sbarrier.arrive $0xFFFF  }
0x9e: {  	_ =	swait.ge [sflag:s21], $0x1400  }
0x9f: {  	[sflag:s21] =	ssyncset.done $0x0  }
0xa0: {  	[sflag:s21] =	ssyncadd.s32 $0xFFFFEC00  }
0xa1: {  	[spmem:s1] =	stream.indirect.scatter.add.f32 [tilespmem:s17], [sflag:$0x6], $0x80, s19, s7, $0xb8;
	[tilespmem:$0x1B400] =	vst v63  }
0xa2: {  	_ =	swait.ge [sflag:s22], $0x1400  }
0xa3: {  	[sflag:s22] =	ssyncset.done $0x0  }
0xa4: {  	[sflag:s22] =	ssyncadd.s32 $0xFFFFEC00  }
0xa5: {  	[spmem:s1] =	stream.indirect.scatter.add.f32 [tilespmem:s10], [sflag:$0x7], $0x80, s9, s7, $0xb8;
	[tilespmem:$0x1B400] =	vst v63  }
0xa6: {  	_ =	swait.ge [sflag:s24], $0x1400  }
0xa7: {  	[sflag:s24] =	ssyncset.done $0x0  }
0xa8: {  	s13 =	simm.s32 $0x900;
	[sflag:s24] =	ssyncadd.s32 $0xFFFFEC00  }
0xa9: {  	[spmem:s1] =	stream.indirect.scatter.add.f32 [tilespmem:s12], [sflag:$0x8], $0x80, s13, s7, $0xb8;
	[tilespmem:$0x1B400] =	vst v63  }
0xaa: {  	_ =	swait.ge [sflag:s28], $0x1400  }
0xab: {  	[sflag:s28] =	ssyncset.done $0x0  }
0xac: {  	s23 =	simm.s32 $0x980;
	[sflag:s28] =	ssyncadd.s32 $0xFFFFEC00  }
0xad: {  	[spmem:s1] =	stream.indirect.scatter.add.f32 [tilespmem:s14], [sflag:$0x9], $0x80, s23, s7, $0xb8;
	[tilespmem:$0x1B400] =	vst v63  }
0xae: {  	_ =	swait.ge [sflag:s30], $0x1400  }
0xaf: {  	[sflag:s30] =	ssyncset.done $0x0  }
0xb0: {  	s31 =	simm.s32 $0xC;
	s6 =	simm.s32 $0xA00;
	[sflag:s30] =	ssyncadd.s32 $0xFFFFEC00  }
0xb1: {  	[spmem:s1] =	stream.indirect.scatter.add.f32 [tilespmem:s16], [sflag:$0xA], $0x80, s6, s7, $0xb8;
	[tilespmem:$0x1B400] =	vst v63  }
0xb2: {  	_ =	swait.ge [sflag:s31], $0x280  }
0xb3: {  	[sflag:s31] =	ssyncset.done $0x0  }
0xb4: {  	[sflag:s31] =	ssyncadd.s32 $0xFFFFFD80  }
0xb5: {  	_ =	swait.ge [sflag:s18], $0x280  }
0xb6: {  	[sflag:s18] =	ssyncset.done $0x0  }
0xb7: {  	[sflag:s18] =	ssyncadd.s32 $0xFFFFFD80  }
0xb8: {  	_ =	swait.ge [sflag:s20], $0x1400  }
0xb9: {  	[sflag:s20] =	ssyncset.done $0x0  }
0xba: {  	[sflag:s20] =	ssyncadd.s32 $0xFFFFEC00  }
0xbb: {  	[tilespmem:s17], [sflag:$0x1] =	stream.indirect.gather [hbm4b:s4+s7], $0x80, s29, s7, $0xb8;
	[tilespmem:$0x1B400] =	vst v63  }
0xbc: {  	_ =	swait.ge [sflag:s11], $0x1400  }
0xbd: {  	[sflag:s11] =	ssyncset.done $0x0  }
0xbe: {  	s9 =	simm.s32 $0x480;
	[sflag:s11] =	ssyncadd.s32 $0xFFFFEC00  }
0xbf: {  	[tilespmem:s10], [sflag:$0x2] =	stream.indirect.gather [hbm4b:s4+s7], $0x80, s9, s7, $0xb8;
	[tilespmem:$0x1B400] =	vst v63  }
0xc0: {  	_ =	swait.ge [sflag:s15], $0x1400  }
0xc1: {  	[sflag:s15] =	ssyncset.done $0x0  }
0xc2: {  	s13 =	simm.s32 $0x500;
	[sflag:s15] =	ssyncadd.s32 $0xFFFFEC00  }
0xc3: {  	[tilespmem:s12], [sflag:$0x3] =	stream.indirect.gather [hbm4b:s4+s7], $0x80, s13, s7, $0xb8;
	[tilespmem:$0x1B400] =	vst v63  }
0xc4: {  	_ =	swait.ge [sflag:s26], $0x1400  }
0xc5: {  	[sflag:s26] =	ssyncset.done $0x0  }
0xc6: {  	s23 =	simm.s32 $0x580;
	[sflag:s26] =	ssyncadd.s32 $0xFFFFEC00  }
0xc7: {  	[tilespmem:s14], [sflag:$0x4] =	stream.indirect.gather [hbm4b:s4+s7], $0x80, s23, s7, $0xb8;
	[tilespmem:$0x1B400] =	vst v63  }
0xc8: {  	_ =	swait.ge [sflag:s25], $0x1400  }
0xc9: {  	[sflag:s25] =	ssyncset.done $0x0  }
0xca: {  	s6 =	simm.s32 $0x600;
	s5 =	rddreg [dreg:$0x19];
	[sflag:s25] =	ssyncadd.s32 $0xFFFFEC00  }
0xcb: {  	[tilespmem:s16], [sflag:$0x5] =	stream.indirect.gather [hbm4b:s4+s7], $0x80, s6, s7, $0xb8;
	[tilespmem:$0x1B400] =	vst v63  }
0xcc: {  	s13 =	sshrl.u32 s5, $0x3;
	s6 =	rddreg [dreg:$0x5]  }
0xcd: {  	s23 =	sadd.s32 s6, s13  }
0xce: {  	[tilespmem:s2], [sflag:$0xB] =	stream.linear.gather [hbm4b:s23+s2], $0x280, $0x38;
	[tilespmem:$0x1B400] =	vst v63  }
0xcf: {  	s23 =	rddreg [dreg:$0x6]  }
0xd0: {  	s13 =	sadd.s32 s23, s13  }
0xd1: {  	[tilespmem:s19], [sflag:$0xD] =	stream.linear.gather [hbm4b:s13+s2], $0x280, $0x38;
	[tilespmem:$0x1B400] =	vst v63  }
0xd2: {  	_ =	swait.ge [sflag:s21], $0x1400  }
0xd3: {  	[sflag:s21] =	ssyncset.done $0x0  }
0xd4: {  	[sflag:s21] =	ssyncadd.s32 $0xFFFFEC00  }
0xd5: {  	[spmem:s1] =	stream.indirect.scatter.add.f32 [tilespmem:s17], [sflag:$0x6], $0x80, s8, s7, $0xb8;
	[tilespmem:$0x1B400] =	vst v63  }
0xd6: {  	_ =	swait.ge [sflag:s22], $0x1400  }
0xd7: {  	[sflag:s22] =	ssyncset.done $0x0  }
0xd8: {  	s6 =	simm.s32 $0xC80;
	[sflag:s22] =	ssyncadd.s32 $0xFFFFEC00  }
0xd9: {  	[spmem:s1] =	stream.indirect.scatter.add.f32 [tilespmem:s10], [sflag:$0x7], $0x80, s6, s7, $0xb8;
	[tilespmem:$0x1B400] =	vst v63  }
0xda: {  	_ =	swait.ge [sflag:s24], $0x1400  }
0xdb: {  	[sflag:s24] =	ssyncset.done $0x0  }
0xdc: {  	s9 =	simm.s32 $0xD00;
	[sflag:s24] =	ssyncadd.s32 $0xFFFFEC00  }
0xdd: {  	[spmem:s1] =	stream.indirect.scatter.add.f32 [tilespmem:s12], [sflag:$0x8], $0x80, s9, s7, $0xb8;
	[tilespmem:$0x1B400] =	vst v63  }
0xde: {  	_ =	swait.ge [sflag:s28], $0x1400  }
0xdf: {  	[sflag:s28] =	ssyncset.done $0x0  }
0xe0: {  	s13 =	simm.s32 $0xD80;
	[sflag:s28] =	ssyncadd.s32 $0xFFFFEC00  }
0xe1: {  	[spmem:s1] =	stream.indirect.scatter.add.f32 [tilespmem:s14], [sflag:$0x9], $0x80, s13, s7, $0xb8;
	[tilespmem:$0x1B400] =	vst v63  }
0xe2: {  	_ =	swait.ge [sflag:s30], $0x1400  }
0xe3: {  	[sflag:s30] =	ssyncset.done $0x0  }
0xe4: {  	s19 =	simm.s32 $0xE00;
	[sflag:s30] =	ssyncadd.s32 $0xFFFFEC00  }
0xe5: {  	[spmem:s1] =	stream.indirect.scatter.add.f32 [tilespmem:s16], [sflag:$0xA], $0x80, s19, s7, $0xb8;
	[tilespmem:$0x1B400] =	vst v63  }
0xe6: {  	_ =	swait.ge [sflag:s0], $0x280  }
0xe7: {  	[sflag:s0] =	ssyncset.done $0x0  }
0xe8: {  	[sflag:s0] =	ssyncadd.s32 $0xFFFFFD80  }
0xe9: {  	_ =	swait.ge [sflag:s3], $0x280  }
0xea: {  	[sflag:s3] =	ssyncset.done $0x0  }
0xeb: {  	[sflag:s3] =	ssyncadd.s32 $0xFFFFFD80  }
0xec: {  	_ =	swait.ge [sflag:s20], $0x1400  }
0xed: {  	[sflag:s20] =	ssyncset.done $0x0  }
0xee: {  	[sflag:s20] =	ssyncadd.s32 $0xFFFFEC00  }
0xef: {  	[tilespmem:s17], [sflag:$0x1] =	stream.indirect.gather [hbm4b:s4+s7], $0x80, s2, s7, $0xb8;
	[tilespmem:$0x1B400] =	vst v63  }
0xf0: {  	_ =	swait.ge [sflag:s11], $0x1400  }
0xf1: {  	[sflag:s11] =	ssyncset.done $0x0  }
0xf2: {  	s23 =	simm.s32 $0x80;
	[sflag:s11] =	ssyncadd.s32 $0xFFFFEC00  }
0xf3: {  	[tilespmem:s10], [sflag:$0x2] =	stream.indirect.gather [hbm4b:s4+s7], $0x80, s23, s7, $0xb8;
	[tilespmem:$0x1B400] =	vst v63  }
0xf4: {  	_ =	swait.ge [sflag:s15], $0x1400  }
0xf5: {  	[sflag:s15] =	ssyncset.done $0x0  }
0xf6: {  	s3 =	simm.s32 $0x100;
	[sflag:s15] =	ssyncadd.s32 $0xFFFFEC00  }
0xf7: {  	[tilespmem:s12], [sflag:$0x3] =	stream.indirect.gather [hbm4b:s4+s7], $0x80, s3, s7, $0xb8;
	[tilespmem:$0x1B400] =	vst v63  }
0xf8: {  	_ =	swait.ge [sflag:s26], $0x1400  }
0xf9: {  	[sflag:s26] =	ssyncset.done $0x0  }
0xfa: {  	s6 =	simm.s32 $0x180;
	[sflag:s26] =	ssyncadd.s32 $0xFFFFEC00  }
0xfb: {  	[tilespmem:s14], [sflag:$0x4] =	stream.indirect.gather [hbm4b:s4+s7], $0x80, s6, s7, $0xb8;
	[tilespmem:$0x1B400] =	vst v63  }
0xfc: {  	s9 =	simm.s32 $0x200;
	s0 =	simm.s32 $0x400;
	_ =	swait.ge [sflag:s25], $0x1400  }
0xfd: {  	s3 =	simm.s32 $0xB;
	[sflag:s25] =	ssyncset.done $0x0;
	s8 =	rddreg [dreg:$0x4]  }
0xfe: {  	s19 =	rddreg [dreg:$0x3];
	[sflag:s25] =	ssyncadd.s32 $0xFFFFEC00;
	s13 =	sadd.s32 $0x0, s8  }
0xff: {  	[tilespmem:s16], [sflag:$0x5] =	stream.indirect.gather [hbm4b:s4+s7], $0x80, s9, s7, $0xb8;
	[tilespmem:$0x1B400] =	vst v63  }
0x100: {  	s23 =	sadd.s32 $0x0, s19;
	s8 =	simm.s32 $0xC00;
	s19 =	simm.s32 $0x800  }
0x101: {  	[tilespmem:s29], [sflag:$0xC] =	stream.linear.gather [hbm4b:s13+s2], $0x280, $0x38;
	[tilespmem:$0x1B400] =	vst v63  }
0x102: {  	s9 =	simm.s32 $0xD;
	s29 =	simm.s32 $0x100;
	s13 =	sadd.s32 $0x800, s5  }
.LBB2_4:
0x103: {  	[tilespmem:s8], [sflag:$0xE] =	stream.linear.gather [hbm4b:s23+s2], $0x280, $0x38;
	[tilespmem:$0x1B400] =	vst v63  }
0x104: {  	_ =	swait.ge [sflag:s21], $0x1400  }
0x105: {  	[sflag:s21] =	ssyncset.done $0x0  }
0x106: {  	[sflag:s21] =	ssyncadd.s32 $0xFFFFEC00  }
0x107: {  	[spmem:s1] =	stream.indirect.scatter.add.f32 [tilespmem:s17], [sflag:$0x6], $0x80, s19, s7, $0xb8;
	[tilespmem:$0x1B400] =	vst v63  }
0x108: {  	_ =	swait.ge [sflag:s22], $0x1400  }
0x109: {  	[sflag:s22] =	ssyncset.done $0x0  }
0x10a: {  	s5 =	simm.s32 $0x880;
	[sflag:s22] =	ssyncadd.s32 $0xFFFFEC00  }
0x10b: {  	[spmem:s1] =	stream.indirect.scatter.add.f32 [tilespmem:s10], [sflag:$0x7], $0x80, s5, s7, $0xb8;
	[tilespmem:$0x1B400] =	vst v63  }
0x10c: {  	_ =	swait.ge [sflag:s24], $0x1400  }
0x10d: {  	[sflag:s24] =	ssyncset.done $0x0  }
0x10e: {  	s6 =	simm.s32 $0x900;
	[sflag:s24] =	ssyncadd.s32 $0xFFFFEC00  }
0x10f: {  	[spmem:s1] =	stream.indirect.scatter.add.f32 [tilespmem:s12], [sflag:$0x8], $0x80, s6, s7, $0xb8;
	[tilespmem:$0x1B400] =	vst v63  }
0x110: {  	_ =	swait.ge [sflag:s28], $0x1400  }
0x111: {  	[sflag:s28] =	ssyncset.done $0x0  }
0x112: {  	s6 =	simm.s32 $0x980;
	[sflag:s28] =	ssyncadd.s32 $0xFFFFEC00  }
0x113: {  	[spmem:s1] =	stream.indirect.scatter.add.f32 [tilespmem:s14], [sflag:$0x9], $0x80, s6, s7, $0xb8;
	[tilespmem:$0x1B400] =	vst v63  }
0x114: {  	_ =	swait.ge [sflag:s30], $0x1400  }
0x115: {  	[sflag:s30] =	ssyncset.done $0x0  }
0x116: {  	s6 =	simm.s32 $0xA00;
	[sflag:s30] =	ssyncadd.s32 $0xFFFFEC00  }
0x117: {  	[spmem:s1] =	stream.indirect.scatter.add.f32 [tilespmem:s16], [sflag:$0xA], $0x80, s6, s7, $0xb8;
	[tilespmem:$0x1B400] =	vst v63  }
0x118: {  	_ =	swait.ge [sflag:s31], $0x280  }
0x119: {  	[sflag:s31] =	ssyncset.done $0x0  }
0x11a: {  	[sflag:s31] =	ssyncadd.s32 $0xFFFFFD80  }
0x11b: {  	_ =	swait.ge [sflag:s18], $0x280  }
0x11c: {  	[sflag:s18] =	ssyncset.done $0x0  }
0x11d: {  	[sflag:s18] =	ssyncadd.s32 $0xFFFFFD80  }
0x11e: {  	_ =	swait.ge [sflag:s20], $0x1400  }
0x11f: {  	[sflag:s20] =	ssyncset.done $0x0  }
0x120: {  	[sflag:s20] =	ssyncadd.s32 $0xFFFFEC00  }
0x121: {  	[tilespmem:s17], [sflag:$0x1] =	stream.indirect.gather [hbm4b:s4+s7], $0x80, s0, s7, $0xb8;
	[tilespmem:$0x1B400] =	vst v63  }
0x122: {  	_ =	swait.ge [sflag:s11], $0x1400  }
0x123: {  	[sflag:s11] =	ssyncset.done $0x0  }
0x124: {  	s5 =	simm.s32 $0x480;
	[sflag:s11] =	ssyncadd.s32 $0xFFFFEC00  }
0x125: {  	[tilespmem:s10], [sflag:$0x2] =	stream.indirect.gather [hbm4b:s4+s7], $0x80, s5, s7, $0xb8;
	[tilespmem:$0x1B400] =	vst v63  }
0x126: {  	_ =	swait.ge [sflag:s15], $0x1400  }
0x127: {  	[sflag:s15] =	ssyncset.done $0x0  }
0x128: {  	s6 =	simm.s32 $0x500;
	[sflag:s15] =	ssyncadd.s32 $0xFFFFEC00  }
0x129: {  	[tilespmem:s12], [sflag:$0x3] =	stream.indirect.gather [hbm4b:s4+s7], $0x80, s6, s7, $0xb8;
	[tilespmem:$0x1B400] =	vst v63  }
0x12a: {  	_ =	swait.ge [sflag:s26], $0x1400  }
0x12b: {  	[sflag:s26] =	ssyncset.done $0x0  }
0x12c: {  	s5 =	simm.s32 $0x580;
	[sflag:s26] =	ssyncadd.s32 $0xFFFFEC00  }
0x12d: {  	[tilespmem:s14], [sflag:$0x4] =	stream.indirect.gather [hbm4b:s4+s7], $0x80, s5, s7, $0xb8;
	[tilespmem:$0x1B400] =	vst v63  }
0x12e: {  	_ =	swait.ge [sflag:s25], $0x1400  }
0x12f: {  	[sflag:s25] =	ssyncset.done $0x0  }
0x130: {  	s6 =	simm.s32 $0x600;
	[sflag:s25] =	ssyncadd.s32 $0xFFFFEC00  }
0x131: {  	[tilespmem:s16], [sflag:$0x5] =	stream.indirect.gather [hbm4b:s4+s7], $0x80, s6, s7, $0xb8;
	[tilespmem:$0x1B400] =	vst v63  }
0x132: {  	s5 =	sshrl.u32 s13, $0x3;
	s6 =	rddreg [dreg:$0x5]  }
0x133: {  	s6 =	sadd.s32 s6, s5  }
0x134: {  	[tilespmem:s2], [sflag:$0xB] =	stream.linear.gather [hbm4b:s6+s2], $0x280, $0x38;
	[tilespmem:$0x1B400] =	vst v63  }
0x135: {  	s6 =	rddreg [dreg:$0x6]  }
0x136: {  	s5 =	sadd.s32 s6, s5  }
0x137: {  	[tilespmem:s19], [sflag:$0xD] =	stream.linear.gather [hbm4b:s5+s2], $0x280, $0x38;
	[tilespmem:$0x1B400] =	vst v63  }
0x138: {  	_ =	swait.ge [sflag:s21], $0x1400  }
0x139: {  	[sflag:s21] =	ssyncset.done $0x0  }
0x13a: {  	[sflag:s21] =	ssyncadd.s32 $0xFFFFEC00  }
0x13b: {  	[spmem:s1] =	stream.indirect.scatter.add.f32 [tilespmem:s17], [sflag:$0x6], $0x80, s8, s7, $0xb8;
	[tilespmem:$0x1B400] =	vst v63  }
0x13c: {  	_ =	swait.ge [sflag:s22], $0x1400  }
0x13d: {  	[sflag:s22] =	ssyncset.done $0x0  }
0x13e: {  	s6 =	simm.s32 $0xC80;
	[sflag:s22] =	ssyncadd.s32 $0xFFFFEC00  }
0x13f: {  	[spmem:s1] =	stream.indirect.scatter.add.f32 [tilespmem:s10], [sflag:$0x7], $0x80, s6, s7, $0xb8;
	[tilespmem:$0x1B400] =	vst v63  }
0x140: {  	_ =	swait.ge [sflag:s24], $0x1400  }
0x141: {  	[sflag:s24] =	ssyncset.done $0x0  }
0x142: {  	s6 =	simm.s32 $0xD00;
	[sflag:s24] =	ssyncadd.s32 $0xFFFFEC00  }
0x143: {  	[spmem:s1] =	stream.indirect.scatter.add.f32 [tilespmem:s12], [sflag:$0x8], $0x80, s6, s7, $0xb8;
	[tilespmem:$0x1B400] =	vst v63  }
0x144: {  	_ =	swait.ge [sflag:s28], $0x1400  }
0x145: {  	[sflag:s28] =	ssyncset.done $0x0  }
0x146: {  	s6 =	simm.s32 $0xD80;
	[sflag:s28] =	ssyncadd.s32 $0xFFFFEC00  }
0x147: {  	[spmem:s1] =	stream.indirect.scatter.add.f32 [tilespmem:s14], [sflag:$0x9], $0x80, s6, s7, $0xb8;
	[tilespmem:$0x1B400] =	vst v63  }
0x148: {  	_ =	swait.ge [sflag:s30], $0x1400  }
0x149: {  	[sflag:s30] =	ssyncset.done $0x0  }
0x14a: {  	s6 =	simm.s32 $0xE00;
	[sflag:s30] =	ssyncadd.s32 $0xFFFFEC00  }
0x14b: {  	[spmem:s1] =	stream.indirect.scatter.add.f32 [tilespmem:s16], [sflag:$0xA], $0x80, s6, s7, $0xb8;
	[tilespmem:$0x1B400] =	vst v63  }
0x14c: {  	_ =	swait.ge [sflag:s3], $0x280  }
0x14d: {  	[sflag:s3] =	ssyncset.done $0x0  }
0x14e: {  	[sflag:s3] =	ssyncadd.s32 $0xFFFFFD80  }
0x14f: {  	_ =	swait.ge [sflag:s9], $0x280  }
0x150: {  	[sflag:s9] =	ssyncset.done $0x0  }
0x151: {  	[sflag:s9] =	ssyncadd.s32 $0xFFFFFD80  }
0x152: {  	_ =	swait.ge [sflag:s20], $0x1400  }
0x153: {  	[sflag:s20] =	ssyncset.done $0x0  }
0x154: {  	[sflag:s20] =	ssyncadd.s32 $0xFFFFEC00  }
0x155: {  	[tilespmem:s17], [sflag:$0x1] =	stream.indirect.gather [hbm4b:s4+s7], $0x80, s2, s7, $0xb8;
	[tilespmem:$0x1B400] =	vst v63  }
0x156: {  	_ =	swait.ge [sflag:s11], $0x1400  }
0x157: {  	[sflag:s11] =	ssyncset.done $0x0  }
0x158: {  	s6 =	simm.s32 $0x80;
	[sflag:s11] =	ssyncadd.s32 $0xFFFFEC00  }
0x159: {  	[tilespmem:s10], [sflag:$0x2] =	stream.indirect.gather [hbm4b:s4+s7], $0x80, s6, s7, $0xb8;
	[tilespmem:$0x1B400] =	vst v63  }
0x15a: {  	_ =	swait.ge [sflag:s15], $0x1400  }
0x15b: {  	[sflag:s15] =	ssyncset.done $0x0  }
0x15c: {  	s6 =	simm.s32 $0x100;
	[sflag:s15] =	ssyncadd.s32 $0xFFFFEC00  }
0x15d: {  	[tilespmem:s12], [sflag:$0x3] =	stream.indirect.gather [hbm4b:s4+s7], $0x80, s6, s7, $0xb8;
	[tilespmem:$0x1B400] =	vst v63  }
0x15e: {  	_ =	swait.ge [sflag:s26], $0x1400  }
0x15f: {  	[sflag:s26] =	ssyncset.done $0x0  }
0x160: {  	s23 =	smov.u32 s29;
	s10 =	simm.s32 $0x180;
	[sflag:s26] =	ssyncadd.s32 $0xFFFFEC00  }
0x161: {  	[tilespmem:s14], [sflag:$0x4] =	stream.indirect.gather [hbm4b:s4+s7], $0x80, s10, s7, $0xb8;
	[tilespmem:$0x1B400] =	vst v63  }
0x162: {  	p0 =	sne.s32 s29, $0x1700;
	s29 =	sadd.s32 $0x100, s29;
	_ =	swait.ge [sflag:s25], $0x1400  }
0x163: {  	s0 =	simm.s32 $0x400;
	s10 =	simm.s32 $0x200;
	[sflag:s25] =	ssyncset.done $0x0  }
.Ltmp1:
0x164: {  	s5 =	rddreg [dreg:$0x4];
	[sflag:s25] =	ssyncadd.s32 $0xFFFFEC00;
	(pc) =	sbr.rel @p0 .LBB2_4-.Ltmp1, $4  }
0x165: {  	[tilespmem:s16], [sflag:$0x5] =	stream.indirect.gather [hbm4b:s4+s7], $0x80, s10, s7, $0xb8;
	[tilespmem:$0x1B400] =	vst v63  }
0x166: {  	s13 =	sadd.s32 $0x800, s13;
	s6 =	rddreg [dreg:$0x3];
	s5 =	sadd.s32 s23, s5  }
0x167: {  	[tilespmem:s0], [sflag:$0xC] =	stream.linear.gather [hbm4b:s5+s2], $0x280, $0x38;
	[tilespmem:$0x1B400] =	vst v63  }
0x168: {  	s23 =	sadd.s32 s23, s6;
	s10 =	simm.s32 $0x2400;
	s0 =	simm.s32 $0x400  }
0x169: {  	[tilespmem:s8], [sflag:$0xE] =	stream.linear.gather [hbm4b:s23+s2], $0x280, $0x38;
	[tilespmem:$0x1B400] =	vst v63  }
0x16a: {  	_ =	swait.ge [sflag:s21], $0x1400  }
0x16b: {  	[sflag:s21] =	ssyncset.done $0x0  }
0x16c: {  	[sflag:s21] =	ssyncadd.s32 $0xFFFFEC00  }
0x16d: {  	[spmem:s1] =	stream.indirect.scatter.add.f32 [tilespmem:s17], [sflag:$0x6], $0x80, s19, s7, $0xb8;
	[tilespmem:$0x1B400] =	vst v63  }
0x16e: {  	_ =	swait.ge [sflag:s22], $0x1400  }
0x16f: {  	[sflag:s22] =	ssyncset.done $0x0  }
0x170: {  	s3 =	simm.s32 $0x880;
	[sflag:s22] =	ssyncadd.s32 $0xFFFFEC00  }
0x171: {  	[spmem:s1] =	stream.indirect.scatter.add.f32 [tilespmem:s10], [sflag:$0x7], $0x80, s3, s7, $0xb8;
	[tilespmem:$0x1B400] =	vst v63  }
0x172: {  	_ =	swait.ge [sflag:s24], $0x1400  }
0x173: {  	[sflag:s24] =	ssyncset.done $0x0  }
0x174: {  	s23 =	simm.s32 $0x900;
	[sflag:s24] =	ssyncadd.s32 $0xFFFFEC00  }
0x175: {  	[spmem:s1] =	stream.indirect.scatter.add.f32 [tilespmem:s12], [sflag:$0x8], $0x80, s23, s7, $0xb8;
	[tilespmem:$0x1B400] =	vst v63  }
0x176: {  	_ =	swait.ge [sflag:s28], $0x1400  }
0x177: {  	[sflag:s28] =	ssyncset.done $0x0  }
0x178: {  	s5 =	simm.s32 $0x980;
	[sflag:s28] =	ssyncadd.s32 $0xFFFFEC00  }
0x179: {  	[spmem:s1] =	stream.indirect.scatter.add.f32 [tilespmem:s14], [sflag:$0x9], $0x80, s5, s7, $0xb8;
	[tilespmem:$0x1B400] =	vst v63  }
0x17a: {  	_ =	swait.ge [sflag:s30], $0x1400  }
0x17b: {  	[sflag:s30] =	ssyncset.done $0x0  }
0x17c: {  	s6 =	simm.s32 $0xA00;
	[sflag:s30] =	ssyncadd.s32 $0xFFFFEC00  }
0x17d: {  	[spmem:s1] =	stream.indirect.scatter.add.f32 [tilespmem:s16], [sflag:$0xA], $0x80, s6, s7, $0xb8;
	[tilespmem:$0x1B400] =	vst v63  }
0x17e: {  	_ =	swait.ge [sflag:s31], $0x280  }
0x17f: {  	[sflag:s31] =	ssyncset.done $0x0  }
0x180: {  	[sflag:s31] =	ssyncadd.s32 $0xFFFFFD80  }
0x181: {  	_ =	swait.ge [sflag:s18], $0x280  }
0x182: {  	[sflag:s18] =	ssyncset.done $0x0  }
0x183: {  	[sflag:s18] =	ssyncadd.s32 $0xFFFFFD80  }
0x184: {  	_ =	swait.ge [sflag:s20], $0x1400  }
0x185: {  	[sflag:s20] =	ssyncset.done $0x0  }
0x186: {  	[sflag:s20] =	ssyncadd.s32 $0xFFFFEC00  }
0x187: {  	[tilespmem:s17], [sflag:$0x1] =	stream.indirect.gather [hbm4b:s4+s7], $0x80, s0, s7, $0xb8;
	[tilespmem:$0x1B400] =	vst v63  }
0x188: {  	_ =	swait.ge [sflag:s11], $0x1400  }
0x189: {  	[sflag:s11] =	ssyncset.done $0x0  }
0x18a: {  	s9 =	simm.s32 $0x480;
	[sflag:s11] =	ssyncadd.s32 $0xFFFFEC00  }
0x18b: {  	[tilespmem:s10], [sflag:$0x2] =	stream.indirect.gather [hbm4b:s4+s7], $0x80, s9, s7, $0xb8;
	[tilespmem:$0x1B400] =	vst v63  }
0x18c: {  	_ =	swait.ge [sflag:s15], $0x1400  }
0x18d: {  	[sflag:s15] =	ssyncset.done $0x0  }
0x18e: {  	s13 =	simm.s32 $0x500;
	[sflag:s15] =	ssyncadd.s32 $0xFFFFEC00  }
0x18f: {  	[tilespmem:s12], [sflag:$0x3] =	stream.indirect.gather [hbm4b:s4+s7], $0x80, s13, s7, $0xb8;
	[tilespmem:$0x1B400] =	vst v63  }
0x190: {  	_ =	swait.ge [sflag:s26], $0x1400  }
0x191: {  	[sflag:s26] =	ssyncset.done $0x0  }
0x192: {  	s19 =	simm.s32 $0x580;
	[sflag:s26] =	ssyncadd.s32 $0xFFFFEC00  }
0x193: {  	[tilespmem:s14], [sflag:$0x4] =	stream.indirect.gather [hbm4b:s4+s7], $0x80, s19, s7, $0xb8;
	[tilespmem:$0x1B400] =	vst v63  }
0x194: {  	_ =	swait.ge [sflag:s25], $0x1400  }
0x195: {  	[sflag:s25] =	ssyncset.done $0x0  }
0x196: {  	s23 =	simm.s32 $0x600;
	[sflag:s25] =	ssyncadd.s32 $0xFFFFEC00  }
0x197: {  	[tilespmem:s16], [sflag:$0x5] =	stream.indirect.gather [hbm4b:s4+s7], $0x80, s23, s7, $0xb8;
	[tilespmem:$0x1B400] =	vst v63  }
0x198: {  	_ =	swait.ge [sflag:s21], $0x1400  }
0x199: {  	[sflag:s21] =	ssyncset.done $0x0  }
0x19a: {  	[sflag:s21] =	ssyncadd.s32 $0xFFFFEC00  }
0x19b: {  	[spmem:s1] =	stream.indirect.scatter.add.f32 [tilespmem:s17], [sflag:$0x6], $0x80, s8, s7, $0xb8;
	[tilespmem:$0x1B400] =	vst v63  }
0x19c: {  	_ =	swait.ge [sflag:s22], $0x1400  }
0x19d: {  	[sflag:s22] =	ssyncset.done $0x0  }
0x19e: {  	s3 =	simm.s32 $0xC80;
	[sflag:s22] =	ssyncadd.s32 $0xFFFFEC00  }
0x19f: {  	[spmem:s1] =	stream.indirect.scatter.add.f32 [tilespmem:s10], [sflag:$0x7], $0x80, s3, s7, $0xb8;
	[tilespmem:$0x1B400] =	vst v63  }
0x1a0: {  	_ =	swait.ge [sflag:s24], $0x1400  }
0x1a1: {  	[sflag:s24] =	ssyncset.done $0x0  }
0x1a2: {  	s5 =	simm.s32 $0xD00;
	[sflag:s24] =	ssyncadd.s32 $0xFFFFEC00  }
0x1a3: {  	[spmem:s1] =	stream.indirect.scatter.add.f32 [tilespmem:s12], [sflag:$0x8], $0x80, s5, s7, $0xb8;
	[tilespmem:$0x1B400] =	vst v63  }
0x1a4: {  	_ =	swait.ge [sflag:s28], $0x1400  }
0x1a5: {  	[sflag:s28] =	ssyncset.done $0x0  }
0x1a6: {  	s6 =	simm.s32 $0xD80;
	[sflag:s28] =	ssyncadd.s32 $0xFFFFEC00  }
0x1a7: {  	[spmem:s1] =	stream.indirect.scatter.add.f32 [tilespmem:s14], [sflag:$0x9], $0x80, s6, s7, $0xb8;
	[tilespmem:$0x1B400] =	vst v63  }
0x1a8: {  	_ =	swait.ge [sflag:s30], $0x1400  }
0x1a9: {  	[sflag:s30] =	ssyncset.done $0x0  }
0x1aa: {  	s8 =	simm.s32 $0xE00;
	[sflag:s30] =	ssyncadd.s32 $0xFFFFEC00  }
0x1ab: {  	[spmem:s1] =	stream.indirect.scatter.add.f32 [tilespmem:s16], [sflag:$0xA], $0x80, s8, s7, $0xb8;
	[tilespmem:$0x1B400] =	vst v63  }
0x1ac: {  	_ =	swait.ge [sflag:s20], $0x1400  }
0x1ad: {  	[sflag:s20] =	ssyncset.done $0x0  }
0x1ae: {  	[sflag:s20] =	ssyncadd.s32 $0xFFFFEC00  }
0x1af: {  	_ =	swait.ge [sflag:s11], $0x1400  }
0x1b0: {  	[sflag:s11] =	ssyncset.done $0x0  }
0x1b1: {  	[sflag:s11] =	ssyncadd.s32 $0xFFFFEC00  }
0x1b2: {  	_ =	swait.ge [sflag:s15], $0x1400  }
0x1b3: {  	[sflag:s15] =	ssyncset.done $0x0  }
0x1b4: {  	[sflag:s15] =	ssyncadd.s32 $0xFFFFEC00  }
0x1b5: {  	_ =	swait.ge [sflag:s26], $0x1400  }
0x1b6: {  	[sflag:s26] =	ssyncset.done $0x0  }
0x1b7: {  	[sflag:s26] =	ssyncadd.s32 $0xFFFFEC00  }
0x1b8: {  	_ =	swait.ge [sflag:s25], $0x1400  }
0x1b9: {  	[sflag:s25] =	ssyncset.done $0x0  }
0x1ba: {  	[sflag:s25] =	ssyncadd.s32 $0xFFFFEC00  }
0x1bb: {  	s5 =	stileid.u32;
	[bflag:$0x0] =	sbarrier.arrive $0xFFFF  }
0x1bc: {  	s9 =	simm.s32 $0xF;
	s5 =	sshll.u32 s5, $0x6;
	s29 =	rddreg [dreg:$0x9]  }
0x1bd: {  	s5 =	sor.u32 $0x1C0F, s5;
	s13 =	rddreg [dreg:$0x17];
	s6 =	sshrl.u32 s29, $0x3  }
0x1be: {  	[hbm:s13], [sflag:s5] =	dma.local [spmem:s6], $0x2800  }
0x1bf: {  	_ =	swait.ge [sflag:s9], $0x2800  }
0x1c0: {  	s19 =	rddreg [dreg:$0x1e]  }
0x1c1: {  	s23 =	rddreg [dreg:$0x18];
	s13 =	sadd.s32 $0x1, s19  }
0x1c2: {  	p0 =	sne.s32 s13, s23  }
.Ltmp2:
0x1c3: {  	_ = 	snop;
	(pc) =	sbr.rel @p0 .LBB2_1-.Ltmp2, $4  }
0x1c4: {  	_ = 	snop  }
0x1c5: {  	s31 =	simm.s32 $0x80;
	s0 =	simm.s32 $0xB  }
0x1c6: {  	s3 =	simm.s32 $0xD;
	s8 =	simm.s32 $0xC00;
	[sflag:s9] =	ssyncset.done $0x0  }
0x1c7: {  	[sflag:s9] =	ssyncadd.s32 $0xFFFFD800;
	s19 =	simm.s32 $0x800;
	s9 =	simm.s32 $0x880  }
0x1c8: {  	_ =	sfence.sel $0x180000  }
0x1c9: {  	[bflag:$0x0] =	sbarrier.arrive $0xFFFF  }
0x1ca: {  	_ =	strace $0x9000004D  }
0x1cb: {  	s0 =	stileid.u32;
	[bflag:$0x2] =	sbarrier.arrive $0xFFFF  }
0x1cc: {  	p0 =	sne.s32 s0, $0x0;
	s0 =	rddreg [dreg:$0x2]  }
0x1cd: {  	s0 =	sadd.s32 @!p0 $0x100000, s0  }
0x1ce: {  	[sflag:s0] =	ssyncadd.tile.s32 @!p0 $0x1;
	_ =	shalt  }
.Lfunc_end2:
_tile_overlayer_lowered:
.L_overlay_start_2:
0x1cf: {  	(tag) =	ssettag $0x2  }
0x1d0: {  	s0 =	rddreg [dreg:$0x0];
	s2 =	stileid.u32  }
0x1d1: {  	s1 =	rddreg [dreg:$0x1];
	p0 =	sne.s32 s2, $0x0  }
0x1d2: {  	s3 =	rddreg [dreg:$0x2];
	[bflag:$0x3] =	sbarrier.arrive $0xFFFF;
	s2 =	simm.s32 @!p0 $0x1C0F  }
0x1d3: {  	[timem:s3], [sflag:s2] =	dma.local @!p0 [hbm:s0], s1  }
0x1d4: {  	s0 =	simm.s32 @!p0 $0xF  }
0x1d5: {  	_ =	swait.ge @!p0 [sflag:s0], s1  }
0x1d6: {  	s1 =	ssub.s32 @!p0 $0x0, s1;
	[sflag:s0] =	ssyncset.done @!p0 $0x0  }
0x1d7: {  	[sflag:s0] =	ssyncadd.s32 @!p0 s1  }
0x1d8: {  	[bflag:$0x3] =	sbarrier.arrive $0xFFFF  }
0x1d9: {  	_ =	shalt  }

// kernel: kernel.8.cloned.1.call-start
scs
__scs_entry_jumppad:
0x0: {  	(pc) =	sbr.rel $0x88, $3  }
0x1: {  	(tag) =	ssettag $0x0;
	lr =	simm.s32 $0x1  }
0x2: {  	[smem:$0x3F99] =	sst lr;
	_ =	strace $0xD0000000  }
0x3: {  	_ = 	snop  }
0x4: {  	_ = 	snop  }
0x5: {  	_ = 	snop  }
0x6: {  	_ = 	snop  }
0x7: {  	_ = 	snop  }
__scs_overlays_trampoline_lowered:
0x8: {  	[smem:$0x3FA8] =	sst s0  }
0x9: {  	[smem:$0x3FA9] =	sst s1  }
0xa: {  	[smem:$0x3FAA] =	sst s2  }
0xb: {  	[smem:$0x3FAB] =	sst s3  }
0xc: {  	[smem:$0x3FAC] =	sst s4  }
0xd: {  	[smem:$0x3FAD] =	sst s5  }
0xe: {  	[smem:$0x3FAE] =	sst s6  }
0xf: {  	[smem:$0x3FAF] =	sst s7  }
0x10: {  	[smem:$0x3FB0] =	sst s8  }
0x11: {  	[smem:$0x3FB1] =	sst s9;
	s0 =	simm.s32 @!p0 $0x0  }
0x12: {  	s1 =	sld [smem:$0x3F97];
	s0 =	simm.s32 @p0 $0x1  }
0x13: {  	[smem:$0x3FB2] =	sst s0;
	s0 =	simm.s32 @!p1 $0x0  }
0x14: {  	s2 =	sld [smem:$0x3F96];
	s0 =	simm.s32 @p1 $0x1  }
0x15: {  	[smem:$0x3FB3] =	sst s0;
	s0 =	simm.s32 @!p2 $0x0  }
0x16: {  	s3 =	sld [smem:$0x3FDB];
	s0 =	simm.s32 @p2 $0x1  }
0x17: {  	s4 =	simm.s32 $0x1BF5;
	[smem:$0x3FB5] =	sst s0  }
0x18: {  	s0 =	sld [smem:$0x3F98];
	_ =	swait.ge [sflag:s4], $0x0  }
0x19: {  	s7 =	sld [smem:$0x3F99]  }
0x1a: {  	s8 =	sadd.s32 $0xFFFFE003, lr  }
0x1b: {  	s9 =	sadd.s32 $0xFFFFFEF7, lr;
	s5 =	simm.s32 $0xFFFFFFFF;
	p2 =	slt.u32 s8, $0xFFFFF086  }
0x1c: {  	p1 =	slt.u32 s9, $0xF7A;
	s5 =	simm.s32 @!p2 $0x0  }
0x1d: {  	s5 =	simm.s32 @p1 $0x1;
	p0 =	seq.s32 s7, s2  }
0x1e: {  	s7 =	smul.u32 @!p0 $0xF7A, s2;
	p2 =	seq.s32 @!p0 s5, $0x0  }
0x1f: {  	s9 =	smul.u32 $0xF7A, s1;
	s8 =	simm.s32 @!p0 $0x1BF5;
	p2 =	por !p2, p0  }
0x20: {  	[sflag:s8] =	ssyncset.s32 @!p0 $0xFFFFF086;
	s6 =	sadd.s32 @!p0 s3, s7;
	s7 =	simm.s32 @!p0 $0x108  }
0x21: {  	s3 =	sadd.s32 s3, s9;
	s6 =	sadd.s32 @!p0 $0x88, s6;
	s7 =	simm.s32 @p2 $0x1082  }
0x22: {  	[simem:s7], [sflag:s8] =	dma.local @!p0 [hbm:s6], $0xF7A  }
0x23: {  	s9 =	sor.u32 $0xD0000000, s2;
	s6 =	simm.s32 $0x108;
	_ =	swait.ge @!p0 [sflag:s8], $0x0  }
0x24: {  	s3 =	sadd.s32 $0x88, s3;
	s6 =	simm.s32 @!p1 $0x1082;
	[sflag:s4] =	ssyncset.s32 $0xFFFFF086  }
0x25: {  	[simem:s6], [sflag:s4] =	dma.local [hbm:s3], $0xF7A  }
0x26: {  	[smem:$0x3F99] =	sst s1;
	(tag) =	ssettag s2;
	_ =	strace s9  }
0x27: {  	s1 =	sld [smem:$0x3FA9]  }
0x28: {  	s2 =	sld [smem:$0x3FAA]  }
0x29: {  	s4 =	sld [smem:$0x3FAC]  }
0x2a: {  	p0 =	seq.s32 s5, $0x0;
	s5 =	sld [smem:$0x3FAD]  }
0x2b: {  	s6 =	sld [smem:$0x3FAE]  }
0x2c: {  	s7 =	sld [smem:$0x3FAF]  }
0x2d: {  	s3 =	simm.s32 $0x108;
	s8 =	sld [smem:$0x3FB0]  }
0x2e: {  	s3 =	simm.s32 @!p0 $0x1082;
	s9 =	sld [smem:$0x3FB1]  }
0x2f: {  	lr =	sadd.s32 s0, s3;
	s0 =	sld [smem:$0x3FA8]  }
0x30: {  	s3 =	sld [smem:$0x3FAB]  }
0x31: {  	[smem:$0x3FB4] =	sst s10  }
0x32: {  	s10 =	sld [smem:$0x3FB2];
	_ =	sdelay $0x3  }
0x33: {  	p0 =	seq.s32 s10, $0x1;
	s10 =	sld [smem:$0x3FB4];
	_ =	sdelay $0x3  }
0x34: {  	[smem:$0x3FB4] =	sst s10  }
0x35: {  	s10 =	sld [smem:$0x3FB3];
	_ =	sdelay $0x3  }
0x36: {  	p1 =	seq.s32 s10, $0x1;
	s10 =	sld [smem:$0x3FB4];
	_ =	sdelay $0x3  }
0x37: {  	[smem:$0x3FB4] =	sst s10  }
0x38: {  	s10 =	sld [smem:$0x3FB5]  }
0x39: {  	_ = 	snop;
	(pc) =	sbr.ind lr, $3  }
0x3a: {  	_ = 	snop  }
0x3b: {  	_ = 	snop  }
0x3c: {  	p2 =	seq.s32 s10, $0x1;
	s10 =	sld [smem:$0x3FB4]  }
0x3d: {  	_ =	shalt  }
0x3e: {  	_ =	shalt  }
0x3f: {  	_ =	shalt  }
0x40: {  	_ =	shalt  }
0x41: {  	_ =	shalt  }
0x42: {  	_ =	shalt  }
0x43: {  	_ =	shalt  }
0x44: {  	_ =	shalt  }
0x45: {  	_ =	shalt  }
0x46: {  	_ =	shalt  }
0x47: {  	_ =	shalt  }
0x48: {  	_ =	shalt  }
0x49: {  	_ =	shalt  }
0x4a: {  	_ =	shalt  }
0x4b: {  	_ =	shalt  }
0x4c: {  	_ =	shalt  }
0x4d: {  	_ =	shalt  }
0x4e: {  	_ =	shalt  }
0x4f: {  	_ =	shalt  }
0x50: {  	_ =	shalt  }
0x51: {  	_ =	shalt  }
0x52: {  	_ =	shalt  }
0x53: {  	_ =	shalt  }
0x54: {  	_ =	shalt  }
0x55: {  	_ =	shalt  }
0x56: {  	_ =	shalt  }
0x57: {  	_ =	shalt  }
0x58: {  	_ =	shalt  }
0x59: {  	_ =	shalt  }
0x5a: {  	_ =	shalt  }
0x5b: {  	_ =	shalt  }
0x5c: {  	_ =	shalt  }
0x5d: {  	_ =	shalt  }
0x5e: {  	_ =	shalt  }
0x5f: {  	_ =	shalt  }
0x60: {  	_ =	shalt  }
0x61: {  	_ =	shalt  }
0x62: {  	_ =	shalt  }
0x63: {  	_ =	shalt  }
0x64: {  	_ =	shalt  }
0x65: {  	_ =	shalt  }
0x66: {  	_ =	shalt  }
0x67: {  	_ =	shalt  }
0x68: {  	_ =	shalt  }
0x69: {  	_ =	shalt  }
0x6a: {  	_ =	shalt  }
0x6b: {  	_ =	shalt  }
0x6c: {  	_ =	shalt  }
0x6d: {  	_ =	shalt  }
0x6e: {  	_ =	shalt  }
0x6f: {  	_ =	shalt  }
0x70: {  	_ =	shalt  }
0x71: {  	_ =	shalt  }
0x72: {  	_ =	shalt  }
0x73: {  	_ =	shalt  }
0x74: {  	_ =	shalt  }
0x75: {  	_ =	shalt  }
0x76: {  	_ =	shalt  }
0x77: {  	_ =	shalt  }
0x78: {  	_ =	shalt  }
0x79: {  	_ =	shalt  }
0x7a: {  	_ =	shalt  }
0x7b: {  	_ =	shalt  }
0x7c: {  	_ =	shalt  }
0x7d: {  	_ =	shalt  }
0x7e: {  	_ =	shalt  }
0x7f: {  	_ =	shalt  }
0x80: {  	_ =	shalt  }
0x81: {  	_ =	shalt  }
0x82: {  	_ =	shalt  }
0x83: {  	_ =	shalt  }
0x84: {  	_ =	shalt  }
0x85: {  	_ =	shalt  }
0x86: {  	_ =	shalt  }
0x87: {  	_ =	shalt  }
.Lfunc_end0:
.L_simem_size_0:
called_computation_lowered:
.L_overlay_start_0:
0x88: {  	s2 =	sld [smem:$0x3FD9]  }
0x89: {  	s3 =	sld [smem:$0x3FFE];
	_ =	sdelay $0x1  }
0x8a: {  	s1 =	srdreg.scid  }
0x8b: {  	s0 =	sand.u32 $0x1, s1  }
0x8c: {  	s16 =	sshll.u32 s0, $0xA;
	s2 =	sadd.s32 s3, s2  }
0x8d: {  	s2 =	sadd.s32 s2, s16  }
0x8e: {  	[smem:$0x3FC0] =	sst s2  }
0x8f: {  	_ = 	snop  }
0x90: {  	(tm) =	ssettm $0x1  }
0x91: {  	s17 =	sld [smem:$0x3FFB];
	_ =	sdelay $0x3  }
0x92: {  	_ =	strace s17  }
0x93: {  	s2 =	sld [smem:$0x3FFC];
	_ =	sdelay $0x3  }
0x94: {  	_ =	strace s2  }
0x95: {  	s2 =	sld [smem:$0x3FFD];
	_ =	sdelay $0x3  }
0x96: {  	_ =	strace s2  }
0x97: {  	_ =	strace $0x8FFFFFFF  }
0x98: {  	s18 =	sld [smem:$0x3FDB];
	_ =	sdelay $0x1  }
0x99: {  	s19 =	simm.s32 $_scs_section_size  }
0x9a: {  	s4 =	simm.s32 $_size__tile_overlayer_lowered;
	s5 =	simm.s32 $_tile_overlayer_lowered  }
0x9b: {  	s22 =	simm.s32 $0x1BFF;
	s21 =	sshll.u32 s5, $0x1;
	s2 =	sadd.s32 s19, s18  }
0x9c: {  	s6 =	simm.s32 $0x0;
	s20 =	sshll.u32 s4, $0x1;
	s4 =	sadd.s32 s21, s2  }
0x9d: {  	[timem:s6], [sflag:s22] =	dma.local [hbm:s4], s20  }
0x9e: {  	_ =	swait.ge [sflag:s22], s20  }
0x9f: {  	s3 =	ssub.s32 $0x0, s20;
	[sflag:s22] =	ssyncset.done $0x0  }
0xa0: {  	[sflag:s22] =	ssyncadd.s32 s3;
	_ =	sdelay $0x1  }
0xa1: {  	s23 =	simm.s32 $0x1B8B  }
0xa2: {  	_ =	swait.ge [sflag:s23], $0x1  }
0xa3: {  	[sflag:s23] =	ssyncset.done $0x0  }
0xa4: {  	s25 =	simm.s32 $0x1B8E;
	s24 =	sld [smem:$0x3FFE];
	[sflag:s23] =	ssyncadd.s32 $0xFFFFFFFF  }
0xa5: {  	s26 =	simm.s32 $execute0_lowered;
	[smem:$0x3FD2] =	sst s25  }
0xa6: {  	s4 =	sshll.u32 s26, $0x1;
	_ =	strace $0x80000046;
	[dreg:$0x1] =	wrdreg $0xFFFFFFFF  }
0xa7: {  	s28 =	simm.s32 $_size_execute0_lowered;
	s2 =	sadd.s32 s2, s4;
	[dreg:$0x0] =	wrdreg $0x0  }
0xa8: {  	s4 =	sshll.u32 s28, $0x1;
	[dreg:$0x2] =	wrdreg s2  }
0xa9: {  	[dreg:$0x3] =	wrdreg s4  }
0xaa: {  	[dreg:$0x4] =	wrdreg $0xC0  }
0xab: {  	_ =	task [dreg:s6], $0x5FFFF  }
0xac: {  	[dreg:$0x1] =	wrdreg $0xFFFFFFFF  }
0xad: {  	[dreg:$0x0] =	wrdreg $0x60  }
0xae: {  	[dreg:$0x2] =	wrdreg s24  }
0xaf: {  	[dreg:$0x3] =	wrdreg $0x9  }
0xb0: {  	_ =	task.clear_ibuf [dreg:s6], $0x4FFFF;
	_ =	strace $0x90000046  }
0xb1: {  	s29 =	simm.s32 $0x9;
	_ =	strace $0x80000048  }
0xb2: {  	_ =	swait.ge [sflag:s29], $0x1  }
0xb3: {  	[sflag:s29] =	ssyncadd.s32 $0xFFFFFFFF  }
0xb4: {  	_ =	strace $0x90000048  }
0xb5: {  	_ =	sfence  }
0xb6: {  	s30 =	sld [smem:$0x0];
	_ =	sdelay $0x2  }
0xb7: {  	s31 =	sshll.u32 s1, $0xD;
	s1 =	sshrl.u32 s1, $0x2  }
0xb8: {  	s3 =	sand.u32 $0x4000, s31;
	s1 =	sadd.s32 s1, s30  }
0xb9: {  	s0 =	sor.u32 s3, s0;
	s1 =	sshll.u32 s1, $0x11  }
0xba: {  	s0 =	sor.u32 s1, s0  }
0xbb: {  	s0 =	sadd.s32 $0x8F2B, s0  }
0xbc: {  	[sflag:s0] =	ssyncadd.remote.s32 $0x1  }
0xbd: {  	_ =	sfence.sel $0xFFFF  }
0xbe: {  	[dreg:$0x0] =	wrdreg $0xFFFFFFFF;
	(pc) =	sbr.abs _section_cstart, $3  }
0xbf: {  	[dreg:$0x1] =	wrdreg $0xFFFFFFFF  }
0xc0: {  	_ =	task.clear_ibuf [dreg:s6], $0x2FFFF;
	_ =	strace $0x9FFFFFFF  }
0xc1: {  	(tm) =	ssettm $0x7FFFFFFF  }
tec
execute0_lowered:
.L_overlay_start_1:
0x0: {  	(tag) =	ssettag $0x1  }
0x1: {  	s3 =	rddreg [dreg:$0x0]  }
0x2: {  	s0 =	rddreg [dreg:$0x1];
	s2 =	simm.s32 $0x0;
	s4 =	srdreg.scid  }
0x3: {  	s1 =	stileid.u32;
	s9 =	simm.s32 $0x2780;
	s4 =	sand.u32 $0x1, s4  }
0x4: {  	s5 =	sshrl.u32 s1, $0x2;
	s6 =	sshll.u32 s1, $0x8;
	[smem:$0x7FF] =	sst s2  }
0x5: {  	s7 =	sshll.u32 s4, $0x7;
	s6 =	sand.u32 $0x300, s6;
	s8 =	smul.u32 $0x13C00, s5  }
0x6: {  	s5 =	smul.u32 $0x14000, s5;
	s4 =	ssub.s32 $0x2, s4;
	s6 =	sor.u32 s7, s6  }
0x7: {  	_ =	strace $0x80000047;
	s31 =	sshrl.u32 s4, $0x1;
	s7 =	sor.u32 s8, s6  }
0x8: {  	s5 =	sor.u32 s5, s6;
	s6 =	simm.s32 $0x80;
	s7 =	sshrl.u32 s7, $0x3  }
0x9: {  	s8 =	simm.s32 $0x1;
	s5 =	sshrl.u32 s5, $0x3;
	s30 =	sadd.s32 s7, s3  }
0xa: {  	s5 =	sadd.s32 s5, s3;
	s7 =	ssub.s32 s4, s31;
	s3 =	sadd.s32 $0x2600, s30  }
0xb: {  	v0 =	vimm.f32 $0.0e+00;
	v1 =	vimm.f32 $1.000000000e+00;
	s4 =	sadd.s32 $0xC400, s5;
	s5 =	smax.u32 s7, $0x1;
	s7 =	simm.s32 $0x400  }
.LBB2_1:
0xc: {  	s11 =	simm.s32 $0x100;
	s10 =	simm.s32 $0x0  }
.LBB2_2:
0xd: {  	p0 =	sne.s32 s11, $0x9F00;
	[tilespmem:s10+$0x27B0] =	vst v0;
	s12 =	smov.u32 s11;
	s11 =	sadd.s32 $0x100, s11  }
.Ltmp0:
0xe: {  	[tilespmem:s10+$0x27A0] =	vst v0;
	(pc) =	sbr.rel @p0 .LBB2_2-.Ltmp0, $3  }
0xf: {  	[tilespmem:s10+$0x2780] =	vst v0  }
0x10: {  	[tilespmem:s10+$0x2790] =	vst v0;
	_ =	sdelay $0x1  }
0x11: {  	s10 =	sshra.s32 s12, $0x2  }
0x12: {  	[tilespmem:s10+$0x27B0] =	vst v0  }
0x13: {  	[tilespmem:s10+$0x27A0] =	vst v0  }
0x14: {  	[tilespmem:s10+$0x2780] =	vst v0  }
0x15: {  	[tilespmem:s10+$0x2790] =	vst v0;
	s31 =	simm.s32 $0x0  }
0x16: {  	[tilespmem:s31], [sflag:$0x1] =	stream.strided.gather [hbm4b:s3+s6], $0x2780, s7, s6, $0x38;
	[tilespmem:$0x4F80] =	vst v63  }
0x17: {  	_ =	swait.ge [sflag:s8], $0x2780  }
0x18: {  	[sflag:s8] =	ssyncset.done $0x0  }
0x19: {  	s11 =	simm.s32 $0x0;
	s10 =	simm.s32 $0x80;
	[sflag:s8] =	ssyncadd.s32 $0xFFFFD880  }
.LBB2_4:
0x1a: {  	p0 =	sne.s32 s10, $0x9B80;
	v2 =	vld [tilespmem:s11+$0x0];
	_ =	sdelay $0x7  }
0x1b: {  	[tilespmem:v2+s9+$0x0] =	vst.idx.add.f32.msk $0xffff, v1  }
0x1c: {  	v2 =	vld [tilespmem:s11+$0x10];
	_ =	sdelay $0x3  }
.Ltmp1:
0x1d: {  	(pc) =	sbr.rel @p0 .LBB2_4-.Ltmp1, $2  }
0x1e: {  	_ =	sdelay $0x2  }
0x1f: {  	s11 =	sshra.s32 s10, $0x2;
	s10 =	sadd.s32 $0x80, s10;
	[tilespmem:v2+s9+$0x0] =	vst.idx.add.f32.msk $0xffff, v1  }
0x20: {  	v2 =	vld [tilespmem:s11+$0x0];
	_ =	sdelay $0x7  }
0x21: {  	[tilespmem:v2+s9+$0x0] =	vst.idx.add.f32.msk $0xffff, v1  }
0x22: {  	v2 =	vld [tilespmem:s11+$0x10];
	_ =	sdelay $0x7  }
0x23: {  	[tilespmem:v2+s9+$0x0] =	vst.idx.add.f32.msk $0xffff, v1  }
0x24: {  	v2 =	vld [tilespmem:$0x2700];
	_ =	sdelay $0x5  }
0x25: {  	s2 =	sadd.s32 $0x1, s2  }
0x26: {  	p0 =	sne.s32 s2, s5  }
.Ltmp2:
0x27: {  	[tilespmem:v2+s9+$0x0] =	vst.idx.add.f32.msk $0xffff, v1;
	(pc) =	sbr.rel @p0 .LBB2_1-.Ltmp2, $4  }
0x28: {  	[hbm4b:s4+s6] =	stream.strided.scatter [tilespmem:s9], [sflag:$0x1], $0x2800, s7, s6, $0x38;
	[tilespmem:$0x4F80] =	vst v63  }
0x29: {  	_ =	swait.ge [sflag:s8], $0x2800  }
0x2a: {  	[sflag:s8] =	ssyncset.done $0x0  }
0x2b: {  	[sflag:s8] =	ssyncadd.s32 $0xFFFFD800  }
0x2c: {  	_ =	sfence.sel $0x180000  }
0x2d: {  	[bflag:$0x0] =	sbarrier.arrive $0xFFFF  }
0x2e: {  	p0 =	sne.s32 s1, $0x0;
	_ =	strace $0x90000047  }
0x2f: {  	s0 =	sadd.s32 @!p0 $0x100000, s0;
	[bflag:$0x2] =	sbarrier.arrive $0xFFFF  }
0x30: {  	[sflag:s0] =	ssyncadd.tile.s32 @!p0 $0x1;
	_ =	shalt  }
.Lfunc_end2:
_tile_overlayer_lowered:
.L_overlay_start_2:
0x31: {  	(tag) =	ssettag $0x2  }
0x32: {  	s0 =	rddreg [dreg:$0x0];
	s2 =	stileid.u32  }
0x33: {  	s1 =	rddreg [dreg:$0x1];
	p0 =	sne.s32 s2, $0x0  }
0x34: {  	s3 =	rddreg [dreg:$0x2];
	[bflag:$0x3] =	sbarrier.arrive $0xFFFF;
	s2 =	simm.s32 @!p0 $0x1C01  }
0x35: {  	[timem:s3], [sflag:s2] =	dma.local @!p0 [hbm:s0], s1  }
0x36: {  	s0 =	simm.s32 @!p0 $0x1  }
0x37: {  	_ =	swait.ge @!p0 [sflag:s0], s1  }
0x38: {  	s1 =	ssub.s32 @!p0 $0x0, s1;
	[sflag:s0] =	ssyncset.done @!p0 $0x0  }
0x39: {  	[sflag:s0] =	ssyncadd.s32 @!p0 s1  }
0x3a: {  	[bflag:$0x3] =	sbarrier.arrive $0xFFFF  }
0x3b: {  	_ =	shalt  }

</sc_bundles>
